<compile_context>
chip_gen: v7x
topology: tpu7x:2x2x1
jax: 0.10.2.dev20260603
libtpu: 0.0.44.dev20260713+nightly
codegen_flags: <defaults>
</compile_context>

<pallas_src>
import functools

import jax
import jax.numpy as jnp
from jax import lax
from jax.experimental import pallas as pl
from jax.experimental.pallas import tpu as pltpu
from jax.experimental.pallas import tpu_sc as plsc

H = 512
W = 512
LANES = 16
ROWS_PER_BLOCK = 64
BLOCK = ROWS_PER_BLOCK * W
NC = 2
NS = 16
NW = NC * NS


def _ceil_i32(v):
    t = v.astype(jnp.int32)
    return t + jnp.where(v > t.astype(jnp.float32),
                         jnp.int32(1), jnp.int32(0))


def _span_dmas(src_ref, out_ref, s, e, sem, do_start):
    n = e - s
    big = n >= ROWS_PER_BLOCK
    k_chunk = jnp.where(big, (n + ROWS_PER_BLOCK - 1) // ROWS_PER_BLOCK, 0)
    k_row = jnp.where(big, 0, jnp.maximum(n, 0))

    def chunk_body(i, carry):
        start = jnp.minimum(s + i * ROWS_PER_BLOCK, e - ROWS_PER_BLOCK)
        cp = pltpu.make_async_copy(src_ref.at[pl.ds(0, BLOCK)],
                                   out_ref.at[pl.ds(start * W, BLOCK)], sem)
        if do_start:
            cp.start()
        else:
            cp.wait()
        return carry

    def row_body(i, carry):
        cp = pltpu.make_async_copy(src_ref.at[pl.ds(0, W)],
                                   out_ref.at[pl.ds((s + i) * W, W)], sem)
        if do_start:
            cp.start()
        else:
            cp.wait()
        return carry

    lax.fori_loop(0, k_chunk, chunk_body, 0)
    lax.fori_loop(0, k_row, row_body, 0)


def _sc_kernel(motion_hbm, out_hbm, pat0_ref, pat1_ref, zero_ref,
               mvec_ref, sem):
    wid = lax.axis_index("s") * NC + lax.axis_index("c")

    pltpu.sync_copy(motion_hbm, mvec_ref.at[pl.ds(0, 2 * NW * 2)])

    zv = jnp.zeros((LANES,), jnp.float32)

    def zrow(r, carry):
        for c in range(W // LANES):
            zero_ref[pl.ds(r * W + c * LANES, LANES)] = zv
        return carry

    lax.fori_loop(0, ROWS_PER_BLOCK, zrow, 0)

    spans = []
    for t, pat_ref in enumerate((pat0_ref, pat1_ref)):
        b = wid * 2 + t
        mv = mvec_ref[pl.ds(2 * b, LANES)]
        m0 = mv[0]
        m1 = mv[1]
        xs_v = _ceil_i32(jnp.float32(H // 4) + m0)
        xe_v = _ceil_i32(jnp.float32(3 * H // 4) + m0)
        ys_v = _ceil_i32(jnp.float32(W // 4) + m1)
        ye_v = _ceil_i32(jnp.float32(3 * W // 4) + m1)
        lo = jnp.clip(ys_v, 0, H)
        hi = jnp.clip(ye_v + 1, lo, H)

        def prow(r, carry):
            for c in range(W // LANES):
                ix = lax.broadcasted_iota(jnp.int32, (LANES,), 0) + c * LANES
                val = jnp.where((ix >= xs_v) & (ix <= xe_v),
                                jnp.float32(1.0), jnp.float32(0.0))
                pat_ref[pl.ds(r * W + c * LANES, LANES)] = val
            return carry

        lax.fori_loop(0, ROWS_PER_BLOCK, prow, 0)

        base = b * H
        spans += [(zero_ref, base, base + lo),
                  (pat_ref, base + lo, base + hi),
                  (zero_ref, base + hi, base + H)]
        for ref, s0, s1 in spans[-3:]:
            _span_dmas(ref, out_hbm, s0, s1, sem, do_start=True)

    for ref, s0, s1 in spans:
        _span_dmas(ref, out_hbm, s0, s1, sem, do_start=False)


def kernel(motion):
    B = motion.shape[0]
    run = functools.partial(
        pl.kernel,
        mesh=plsc.VectorSubcoreMesh(core_axis_name="c", subcore_axis_name="s"),
        out_type=jax.ShapeDtypeStruct((B * H * W,), jnp.float32),
        scratch_types=[
            pltpu.VMEM((BLOCK,), jnp.float32),
            pltpu.VMEM((BLOCK,), jnp.float32),
            pltpu.VMEM((BLOCK,), jnp.float32),
            pltpu.VMEM((2 * NW * 2 + LANES,), jnp.float32),
            pltpu.SemaphoreType.DMA,
        ],
    )(_sc_kernel)
    out = run(motion.reshape(2 * B))
    return out.reshape(B, H, W, 1)

# --- scband reference (transcript-rebuilt; emitter-appended) ---
"""Pipeline reference for scband-kf-mask-82325933130032 (READ-ONLY COPY).

The authoritative reference and input builder live on the scoring server;
editing this copy changes nothing except your own understanding.
"""

import jax, jax.numpy as jnp
import numpy as np

H = 512
W = 512
S = 1


def setup_inputs(seed: int = 0) -> dict:
    key = jax.random.key(seed)
    # motion offsets in pixels; scaled so the window stays mostly in-bounds
    motion = jax.random.normal(key, (64, 2), dtype=jnp.float32) * 4.0
    return {"motion": motion}


def reference(motion):
    B = motion.shape[0]
    # h_start/h_end computed from H but compared against x_range (width axis),
    # faithfully mirroring the original torch code.
    h_start = jnp.ceil(H // 4 + motion[:, 0:1]).astype(jnp.int32)[..., None]  # [B,1,1]
    h_end = jnp.ceil(3 * H // 4 + motion[:, 0:1]).astype(jnp.int32)[..., None]
    w_start = jnp.ceil(W // 4 + motion[:, 1:]).astype(jnp.int32)[..., None]
    w_end = jnp.ceil(3 * W // 4 + motion[:, 1:]).astype(jnp.int32)[..., None]
    x_range = jnp.broadcast_to(jnp.arange(W, dtype=jnp.int32).reshape(1, 1, W), (B, H, W))
    y_range = jnp.broadcast_to(jnp.arange(H, dtype=jnp.int32).reshape(1, H, 1), (B, H, W))
    mask_x = (x_range >= h_start) & (x_range <= h_end)
    mask_y = (y_range >= w_start) & (y_range <= w_end)
    mask = (mask_x & mask_y)[..., None]  # [B,H,W,1]
    # original: self.mask (zeros) with masked positions overwritten to 1
    base = jnp.zeros((B, H, W, 1), dtype=jnp.float32)
    out = jnp.where(mask, jnp.float32(1.0), base)
    return out

if __name__ == "__main__":
    import jax
    _d = setup_inputs()
    print(jax.jit(kernel)(*tuple(_d.values())))

</pallas_src>

<mosaic_0001>
#map = affine_map<(d0, d1) -> (0)>
module attributes {stable_mosaic.version = 14 : i64} {
  func.func @_sc_kernel(%arg0: i32, %arg1: i32, %arg2: memref<128xf32, #tpu.memory_space<hbm>>, %arg3: memref<16777216xf32, #tpu.memory_space<hbm>>, %arg4: memref<32768xf32, #tpu.memory_space<vmem>>, %arg5: memref<32768xf32, #tpu.memory_space<vmem>>, %arg6: memref<32768xf32, #tpu.memory_space<vmem>>, %arg7: memref<144xf32, #tpu.memory_space<vmem>>, %arg8: memref<!tpu.dma_semaphore, #tpu.memory_space<semaphore_mem>>) attributes {dimension_semantics = [#tpu.dimension_semantics<core_parallel>, #tpu.dimension_semantics<subcore_parallel>], iteration_bounds = array<i64: 2, 16>, scalar_prefetch = 0 : i64, scratch_operands = 5 : i64, tpu.core_type = #tpu.core_type<sc_vector_subcore>, window_params = [{transform_indices = #map}, {transform_indices = #map}]} {
    %mul3A = arith.constant 2 : i32
    %mul3A_0 = arith.muli %arg1, %mul3A : i32
    %add3A = arith.addi %mul3A_0, %arg0 : i32
    "tpu.region"() ({
      %run_scoped3A = tpu.sem_alloc : memref<!tpu.dma_semaphore, #tpu.memory_space<semaphore_mem>>
      %dma_start3A = arith.constant 0 : i32
      %dma_start3A_818 = tpu.memref_slice %arg7[%dma_start3A] : memref<144xf32, #tpu.memory_space<vmem>> -> memref<128xf32, #tpu.memory_space<vmem>>
      %dma_start3A_819 = arith.constant 0 : i32
      %dma_start3A_820 = tpu.memref_slice %arg7[%dma_start3A_819] : memref<144xf32, #tpu.memory_space<vmem>> -> memref<128xf32, #tpu.memory_space<vmem>>
      tpu.enqueue_dma source(%arg2 : memref<128xf32, #tpu.memory_space<hbm>>) target(%dma_start3A_820 : memref<128xf32, #tpu.memory_space<vmem>>) target_semaphore(%run_scoped3A : memref<!tpu.dma_semaphore, #tpu.memory_space<semaphore_mem>>)
      %dma_wait3A = arith.constant 0 : i32
      %dma_wait3A_821 = tpu.memref_slice %arg7[%dma_wait3A] : memref<144xf32, #tpu.memory_space<vmem>> -> memref<128xf32, #tpu.memory_space<vmem>>
      %dma_wait3A_822 = arith.constant 0 : i32
      %dma_wait3A_823 = tpu.memref_slice %arg7[%dma_wait3A_822] : memref<144xf32, #tpu.memory_space<vmem>> -> memref<128xf32, #tpu.memory_space<vmem>>
      tpu.wait_dma2 semaphore(%run_scoped3A : memref<!tpu.dma_semaphore, #tpu.memory_space<semaphore_mem>>) src(%arg2 : memref<128xf32, #tpu.memory_space<hbm>>) dst(%dma_wait3A_823 : memref<128xf32, #tpu.memory_space<vmem>>)
      tpu.yield
    }) : () -> ()
    %broadcast_in_dim3A = arith.constant 0.000000e+00 : f32
    %broadcast_in_dim3A_1 = vector.broadcast %broadcast_in_dim3A : f32 to vector<16xf32>
    %scan3A = arith.constant 0 : i32
    %scan3A_2 = arith.constant 0 : i32
    %scan3A_3 = arith.constant 64 : i32
    %scan3A_4 = arith.addi %scan3A_2, %scan3A_3 : i32
    %scan3A_5 = arith.constant 1 : i32
    scf.for %scan3A_818 = %scan3A_2 to %scan3A_4 step %scan3A_5  : i32 {
      %mul3A_819 = arith.constant 512 : i32
      %mul3A_820 = arith.muli %scan3A_818, %mul3A_819 : i32
      %add3A_821 = arith.constant 0 : i32
      %add3A_822 = arith.addi %mul3A_820, %add3A_821 : i32
      %swap3A = arith.index_cast %add3A_822 : i32 to index
      %swap3A_823 = tpu.vector_load %arg6[%swap3A] {strides = array<i32>} : memref<32768xf32, #tpu.memory_space<vmem>>, vector<16xf32>,
      %swap3A_824 = vector.shape_cast %swap3A_823 : vector<16xf32> to vector<16xf32>
      %swap3A_825 = vector.shape_cast %broadcast_in_dim3A_1 : vector<16xf32> to vector<16xf32>
      tpu.vector_store %arg6[%swap3A], %swap3A_825 {strides = array<i32>} : memref<32768xf32, #tpu.memory_space<vmem>>, vector<16xf32>,
      %mul3A_826 = arith.constant 512 : i32
      %mul3A_827 = arith.muli %scan3A_818, %mul3A_826 : i32
      %add3A_828 = arith.constant 16 : i32
      %add3A_829 = arith.addi %mul3A_827, %add3A_828 : i32
      %swap3A_830 = arith.index_cast %add3A_829 : i32 to index
      %swap3A_831 = tpu.vector_load %arg6[%swap3A_830] {strides = array<i32>} : memref<32768xf32, #tpu.memory_space<vmem>>, vector<16xf32>,
      %swap3A_832 = vector.shape_cast %swap3A_831 : vector<16xf32> to vector<16xf32>
      %swap3A_833 = vector.shape_cast %broadcast_in_dim3A_1 : vector<16xf32> to vector<16xf32>
      tpu.vector_store %arg6[%swap3A_830], %swap3A_833 {strides = array<i32>} : memref<32768xf32, #tpu.memory_space<vmem>>, vector<16xf32>,
      %mul3A_834 = arith.constant 512 : i32
      %mul3A_835 = arith.muli %scan3A_818, %mul3A_834 : i32
      %add3A_836 = arith.constant 32 : i32
      %add3A_837 = arith.addi %mul3A_835, %add3A_836 : i32
      %swap3A_838 = arith.index_cast %add3A_837 : i32 to index
      %swap3A_839 = tpu.vector_load %arg6[%swap3A_838] {strides = array<i32>} : memref<32768xf32, #tpu.memory_space<vmem>>, vector<16xf32>,
      %swap3A_840 = vector.shape_cast %swap3A_839 : vector<16xf32> to vector<16xf32>
      %swap3A_841 = vector.shape_cast %broadcast_in_dim3A_1 : vector<16xf32> to vector<16xf32>
      tpu.vector_store %arg6[%swap3A_838], %swap3A_841 {strides = array<i32>} : memref<32768xf32, #tpu.memory_space<vmem>>, vector<16xf32>,
      %mul3A_842 = arith.constant 512 : i32
      %mul3A_843 = arith.muli %scan3A_818, %mul3A_842 : i32
      %add3A_844 = arith.constant 48 : i32
      %add3A_845 = arith.addi %mul3A_843, %add3A_844 : i32
      %swap3A_846 = arith.index_cast %add3A_845 : i32 to index
      %swap3A_847 = tpu.vector_load %arg6[%swap3A_846] {strides = array<i32>} : memref<32768xf32, #tpu.memory_space<vmem>>, vector<16xf32>,
      %swap3A_848 = vector.shape_cast %swap3A_847 : vector<16xf32> to vector<16xf32>
      %swap3A_849 = vector.shape_cast %broadcast_in_dim3A_1 : vector<16xf32> to vector<16xf32>
      tpu.vector_store %arg6[%swap3A_846], %swap3A_849 {strides = array<i32>} : memref<32768xf32, #tpu.memory_space<vmem>>, vector<16xf32>,
      %mul3A_850 = arith.constant 512 : i32
      %mul3A_851 = arith.muli %scan3A_818, %mul3A_850 : i32
      %add3A_852 = arith.constant 64 : i32
      %add3A_853 = arith.addi %mul3A_851, %add3A_852 : i32
      %swap3A_854 = arith.index_cast %add3A_853 : i32 to index
      %swap3A_855 = tpu.vector_load %arg6[%swap3A_854] {strides = array<i32>} : memref<32768xf32, #tpu.memory_space<vmem>>, vector<16xf32>,
      %swap3A_856 = vector.shape_cast %swap3A_855 : vector<16xf32> to vector<16xf32>
      %swap3A_857 = vector.shape_cast %broadcast_in_dim3A_1 : vector<16xf32> to vector<16xf32>
      tpu.vector_store %arg6[%swap3A_854], %swap3A_857 {strides = array<i32>} : memref<32768xf32, #tpu.memory_space<vmem>>, vector<16xf32>,
      %mul3A_858 = arith.constant 512 : i32
      %mul3A_859 = arith.muli %scan3A_818, %mul3A_858 : i32
      %add3A_860 = arith.constant 80 : i32
      %add3A_861 = arith.addi %mul3A_859, %add3A_860 : i32
      %swap3A_862 = arith.index_cast %add3A_861 : i32 to index
      %swap3A_863 = tpu.vector_load %arg6[%swap3A_862] {strides = array<i32>} : memref<32768xf32, #tpu.memory_space<vmem>>, vector<16xf32>,
      %swap3A_864 = vector.shape_cast %swap3A_863 : vector<16xf32> to vector<16xf32>
      %swap3A_865 = vector.shape_cast %broadcast_in_dim3A_1 : vector<16xf32> to vector<16xf32>
      tpu.vector_store %arg6[%swap3A_862], %swap3A_865 {strides = array<i32>} : memref<32768xf32, #tpu.memory_space<vmem>>, vector<16xf32>,
      %mul3A_866 = arith.constant 512 : i32
      %mul3A_867 = arith.muli %scan3A_818, %mul3A_866 : i32
      %add3A_868 = arith.constant 96 : i32
      %add3A_869 = arith.addi %mul3A_867, %add3A_868 : i32
      %swap3A_870 = arith.index_cast %add3A_869 : i32 to index
      %swap3A_871 = tpu.vector_load %arg6[%swap3A_870] {strides = array<i32>} : memref<32768xf32, #tpu.memory_space<vmem>>, vector<16xf32>,
      %swap3A_872 = vector.shape_cast %swap3A_871 : vector<16xf32> to vector<16xf32>
      %swap3A_873 = vector.shape_cast %broadcast_in_dim3A_1 : vector<16xf32> to vector<16xf32>
      tpu.vector_store %arg6[%swap3A_870], %swap3A_873 {strides = array<i32>} : memref<32768xf32, #tpu.memory_space<vmem>>, vector<16xf32>,
      %mul3A_874 = arith.constant 512 : i32
      %mul3A_875 = arith.muli %scan3A_818, %mul3A_874 : i32
      %add3A_876 = arith.constant 112 : i32
      %add3A_877 = arith.addi %mul3A_875, %add3A_876 : i32
      %swap3A_878 = arith.index_cast %add3A_877 : i32 to index
      %swap3A_879 = tpu.vector_load %arg6[%swap3A_878] {strides = array<i32>} : memref<32768xf32, #tpu.memory_space<vmem>>, vector<16xf32>,
      %swap3A_880 = vector.shape_cast %swap3A_879 : vector<16xf32> to vector<16xf32>
      %swap3A_881 = vector.shape_cast %broadcast_in_dim3A_1 : vector<16xf32> to vector<16xf32>
      tpu.vector_store %arg6[%swap3A_878], %swap3A_881 {strides = array<i32>} : memref<32768xf32, #tpu.memory_space<vmem>>, vector<16xf32>,
      %mul3A_882 = arith.constant 512 : i32
      %mul3A_883 = arith.muli %scan3A_818, %mul3A_882 : i32
      %add3A_884 = arith.constant 128 : i32
      %add3A_885 = arith.addi %mul3A_883, %add3A_884 : i32
      %swap3A_886 = arith.index_cast %add3A_885 : i32 to index
      %swap3A_887 = tpu.vector_load %arg6[%swap3A_886] {strides = array<i32>} : memref<32768xf32, #tpu.memory_space<vmem>>, vector<16xf32>,
      %swap3A_888 = vector.shape_cast %swap3A_887 : vector<16xf32> to vector<16xf32>
      %swap3A_889 = vector.shape_cast %broadcast_in_dim3A_1 : vector<16xf32> to vector<16xf32>
      tpu.vector_store %arg6[%swap3A_886], %swap3A_889 {strides = array<i32>} : memref<32768xf32, #tpu.memory_space<vmem>>, vector<16xf32>,
      %mul3A_890 = arith.constant 512 : i32
      %mul3A_891 = arith.muli %scan3A_818, %mul3A_890 : i32
      %add3A_892 = arith.constant 144 : i32
      %add3A_893 = arith.addi %mul3A_891, %add3A_892 : i32
      %swap3A_894 = arith.index_cast %add3A_893 : i32 to index
      %swap3A_895 = tpu.vector_load %arg6[%swap3A_894] {strides = array<i32>} : memref<32768xf32, #tpu.memory_space<vmem>>, vector<16xf32>,
      %swap3A_896 = vector.shape_cast %swap3A_895 : vector<16xf32> to vector<16xf32>
      %swap3A_897 = vector.shape_cast %broadcast_in_dim3A_1 : vector<16xf32> to vector<16xf32>
      tpu.vector_store %arg6[%swap3A_894], %swap3A_897 {strides = array<i32>} : memref<32768xf32, #tpu.memory_space<vmem>>, vector<16xf32>,
      %mul3A_898 = arith.constant 512 : i32
      %mul3A_899 = arith.muli %scan3A_818, %mul3A_898 : i32
      %add3A_900 = arith.constant 160 : i32
      %add3A_901 = arith.addi %mul3A_899, %add3A_900 : i32
      %swap3A_902 = arith.index_cast %add3A_901 : i32 to index
      %swap3A_903 = tpu.vector_load %arg6[%swap3A_902] {strides = array<i32>} : memref<32768xf32, #tpu.memory_space<vmem>>, vector<16xf32>,
      %swap3A_904 = vector.shape_cast %swap3A_903 : vector<16xf32> to vector<16xf32>
      %swap3A_905 = vector.shape_cast %broadcast_in_dim3A_1 : vector<16xf32> to vector<16xf32>
      tpu.vector_store %arg6[%swap3A_902], %swap3A_905 {strides = array<i32>} : memref<32768xf32, #tpu.memory_space<vmem>>, vector<16xf32>,
      %mul3A_906 = arith.constant 512 : i32
      %mul3A_907 = arith.muli %scan3A_818, %mul3A_906 : i32
      %add3A_908 = arith.constant 176 : i32
      %add3A_909 = arith.addi %mul3A_907, %add3A_908 : i32
      %swap3A_910 = arith.index_cast %add3A_909 : i32 to index
      %swap3A_911 = tpu.vector_load %arg6[%swap3A_910] {strides = array<i32>} : memref<32768xf32, #tpu.memory_space<vmem>>, vector<16xf32>,
      %swap3A_912 = vector.shape_cast %swap3A_911 : vector<16xf32> to vector<16xf32>
      %swap3A_913 = vector.shape_cast %broadcast_in_dim3A_1 : vector<16xf32> to vector<16xf32>
      tpu.vector_store %arg6[%swap3A_910], %swap3A_913 {strides = array<i32>} : memref<32768xf32, #tpu.memory_space<vmem>>, vector<16xf32>,
      %mul3A_914 = arith.constant 512 : i32
      %mul3A_915 = arith.muli %scan3A_818, %mul3A_914 : i32
      %add3A_916 = arith.constant 192 : i32
      %add3A_917 = arith.addi %mul3A_915, %add3A_916 : i32
      %swap3A_918 = arith.index_cast %add3A_917 : i32 to index
      %swap3A_919 = tpu.vector_load %arg6[%swap3A_918] {strides = array<i32>} : memref<32768xf32, #tpu.memory_space<vmem>>, vector<16xf32>,
      %swap3A_920 = vector.shape_cast %swap3A_919 : vector<16xf32> to vector<16xf32>
      %swap3A_921 = vector.shape_cast %broadcast_in_dim3A_1 : vector<16xf32> to vector<16xf32>
      tpu.vector_store %arg6[%swap3A_918], %swap3A_921 {strides = array<i32>} : memref<32768xf32, #tpu.memory_space<vmem>>, vector<16xf32>,
      %mul3A_922 = arith.constant 512 : i32
      %mul3A_923 = arith.muli %scan3A_818, %mul3A_922 : i32
      %add3A_924 = arith.constant 208 : i32
      %add3A_925 = arith.addi %mul3A_923, %add3A_924 : i32
      %swap3A_926 = arith.index_cast %add3A_925 : i32 to index
      %swap3A_927 = tpu.vector_load %arg6[%swap3A_926] {strides = array<i32>} : memref<32768xf32, #tpu.memory_space<vmem>>, vector<16xf32>,
      %swap3A_928 = vector.shape_cast %swap3A_927 : vector<16xf32> to vector<16xf32>
      %swap3A_929 = vector.shape_cast %broadcast_in_dim3A_1 : vector<16xf32> to vector<16xf32>
      tpu.vector_store %arg6[%swap3A_926], %swap3A_929 {strides = array<i32>} : memref<32768xf32, #tpu.memory_space<vmem>>, vector<16xf32>,
      %mul3A_930 = arith.constant 512 : i32
      %mul3A_931 = arith.muli %scan3A_818, %mul3A_930 : i32
      %add3A_932 = arith.constant 224 : i32
      %add3A_933 = arith.addi %mul3A_931, %add3A_932 : i32
      %swap3A_934 = arith.index_cast %add3A_933 : i32 to index
      %swap3A_935 = tpu.vector_load %arg6[%swap3A_934] {strides = array<i32>} : memref<32768xf32, #tpu.memory_space<vmem>>, vector<16xf32>,
      %swap3A_936 = vector.shape_cast %swap3A_935 : vector<16xf32> to vector<16xf32>
      %swap3A_937 = vector.shape_cast %broadcast_in_dim3A_1 : vector<16xf32> to vector<16xf32>
      tpu.vector_store %arg6[%swap3A_934], %swap3A_937 {strides = array<i32>} : memref<32768xf32, #tpu.memory_space<vmem>>, vector<16xf32>,
      %mul3A_938 = arith.constant 512 : i32
      %mul3A_939 = arith.muli %scan3A_818, %mul3A_938 : i32
      %add3A_940 = arith.constant 240 : i32
      %add3A_941 = arith.addi %mul3A_939, %add3A_940 : i32
      %swap3A_942 = arith.index_cast %add3A_941 : i32 to index
      %swap3A_943 = tpu.vector_load %arg6[%swap3A_942] {strides = array<i32>} : memref<32768xf32, #tpu.memory_space<vmem>>, vector<16xf32>,
      %swap3A_944 = vector.shape_cast %swap3A_943 : vector<16xf32> to vector<16xf32>
      %swap3A_945 = vector.shape_cast %broadcast_in_dim3A_1 : vector<16xf32> to vector<16xf32>
      tpu.vector_store %arg6[%swap3A_942], %swap3A_945 {strides = array<i32>} : memref<32768xf32, #tpu.memory_space<vmem>>, vector<16xf32>,
      %mul3A_946 = arith.constant 512 : i32
      %mul3A_947 = arith.muli %scan3A_818, %mul3A_946 : i32
      %add3A_948 = arith.constant 256 : i32
      %add3A_949 = arith.addi %mul3A_947, %add3A_948 : i32
      %swap3A_950 = arith.index_cast %add3A_949 : i32 to index
      %swap3A_951 = tpu.vector_load %arg6[%swap3A_950] {strides = array<i32>} : memref<32768xf32, #tpu.memory_space<vmem>>, vector<16xf32>,
      %swap3A_952 = vector.shape_cast %swap3A_951 : vector<16xf32> to vector<16xf32>
      %swap3A_953 = vector.shape_cast %broadcast_in_dim3A_1 : vector<16xf32> to vector<16xf32>
      tpu.vector_store %arg6[%swap3A_950], %swap3A_953 {strides = array<i32>} : memref<32768xf32, #tpu.memory_space<vmem>>, vector<16xf32>,
      %mul3A_954 = arith.constant 512 : i32
      %mul3A_955 = arith.muli %scan3A_818, %mul3A_954 : i32
      %add3A_956 = arith.constant 272 : i32
      %add3A_957 = arith.addi %mul3A_955, %add3A_956 : i32
      %swap3A_958 = arith.index_cast %add3A_957 : i32 to index
      %swap3A_959 = tpu.vector_load %arg6[%swap3A_958] {strides = array<i32>} : memref<32768xf32, #tpu.memory_space<vmem>>, vector<16xf32>,
      %swap3A_960 = vector.shape_cast %swap3A_959 : vector<16xf32> to vector<16xf32>
      %swap3A_961 = vector.shape_cast %broadcast_in_dim3A_1 : vector<16xf32> to vector<16xf32>
      tpu.vector_store %arg6[%swap3A_958], %swap3A_961 {strides = array<i32>} : memref<32768xf32, #tpu.memory_space<vmem>>, vector<16xf32>,
      %mul3A_962 = arith.constant 512 : i32
      %mul3A_963 = arith.muli %scan3A_818, %mul3A_962 : i32
      %add3A_964 = arith.constant 288 : i32
      %add3A_965 = arith.addi %mul3A_963, %add3A_964 : i32
      %swap3A_966 = arith.index_cast %add3A_965 : i32 to index
      %swap3A_967 = tpu.vector_load %arg6[%swap3A_966] {strides = array<i32>} : memref<32768xf32, #tpu.memory_space<vmem>>, vector<16xf32>,
      %swap3A_968 = vector.shape_cast %swap3A_967 : vector<16xf32> to vector<16xf32>
      %swap3A_969 = vector.shape_cast %broadcast_in_dim3A_1 : vector<16xf32> to vector<16xf32>
      tpu.vector_store %arg6[%swap3A_966], %swap3A_969 {strides = array<i32>} : memref<32768xf32, #tpu.memory_space<vmem>>, vector<16xf32>,
      %mul3A_970 = arith.constant 512 : i32
      %mul3A_971 = arith.muli %scan3A_818, %mul3A_970 : i32
      %add3A_972 = arith.constant 304 : i32
      %add3A_973 = arith.addi %mul3A_971, %add3A_972 : i32
      %swap3A_974 = arith.index_cast %add3A_973 : i32 to index
      %swap3A_975 = tpu.vector_load %arg6[%swap3A_974] {strides = array<i32>} : memref<32768xf32, #tpu.memory_space<vmem>>, vector<16xf32>,
      %swap3A_976 = vector.shape_cast %swap3A_975 : vector<16xf32> to vector<16xf32>
      %swap3A_977 = vector.shape_cast %broadcast_in_dim3A_1 : vector<16xf32> to vector<16xf32>
      tpu.vector_store %arg6[%swap3A_974], %swap3A_977 {strides = array<i32>} : memref<32768xf32, #tpu.memory_space<vmem>>, vector<16xf32>,
      %mul3A_978 = arith.constant 512 : i32
      %mul3A_979 = arith.muli %scan3A_818, %mul3A_978 : i32
      %add3A_980 = arith.constant 320 : i32
      %add3A_981 = arith.addi %mul3A_979, %add3A_980 : i32
      %swap3A_982 = arith.index_cast %add3A_981 : i32 to index
      %swap3A_983 = tpu.vector_load %arg6[%swap3A_982] {strides = array<i32>} : memref<32768xf32, #tpu.memory_space<vmem>>, vector<16xf32>,
      %swap3A_984 = vector.shape_cast %swap3A_983 : vector<16xf32> to vector<16xf32>
      %swap3A_985 = vector.shape_cast %broadcast_in_dim3A_1 : vector<16xf32> to vector<16xf32>
      tpu.vector_store %arg6[%swap3A_982], %swap3A_985 {strides = array<i32>} : memref<32768xf32, #tpu.memory_space<vmem>>, vector<16xf32>,
      %mul3A_986 = arith.constant 512 : i32
      %mul3A_987 = arith.muli %scan3A_818, %mul3A_986 : i32
      %add3A_988 = arith.constant 336 : i32
      %add3A_989 = arith.addi %mul3A_987, %add3A_988 : i32
      %swap3A_990 = arith.index_cast %add3A_989 : i32 to index
      %swap3A_991 = tpu.vector_load %arg6[%swap3A_990] {strides = array<i32>} : memref<32768xf32, #tpu.memory_space<vmem>>, vector<16xf32>,
      %swap3A_992 = vector.shape_cast %swap3A_991 : vector<16xf32> to vector<16xf32>
      %swap3A_993 = vector.shape_cast %broadcast_in_dim3A_1 : vector<16xf32> to vector<16xf32>
      tpu.vector_store %arg6[%swap3A_990], %swap3A_993 {strides = array<i32>} : memref<32768xf32, #tpu.memory_space<vmem>>, vector<16xf32>,
      %mul3A_994 = arith.constant 512 : i32
      %mul3A_995 = arith.muli %scan3A_818, %mul3A_994 : i32
      %add3A_996 = arith.constant 352 : i32
      %add3A_997 = arith.addi %mul3A_995, %add3A_996 : i32
      %swap3A_998 = arith.index_cast %add3A_997 : i32 to index
      %swap3A_999 = tpu.vector_load %arg6[%swap3A_998] {strides = array<i32>} : memref<32768xf32, #tpu.memory_space<vmem>>, vector<16xf32>,
      %swap3A_1000 = vector.shape_cast %swap3A_999 : vector<16xf32> to vector<16xf32>
      %swap3A_1001 = vector.shape_cast %broadcast_in_dim3A_1 : vector<16xf32> to vector<16xf32>
      tpu.vector_store %arg6[%swap3A_998], %swap3A_1001 {strides = array<i32>} : memref<32768xf32, #tpu.memory_space<vmem>>, vector<16xf32>,
      %mul3A_1002 = arith.constant 512 : i32
      %mul3A_1003 = arith.muli %scan3A_818, %mul3A_1002 : i32
      %add3A_1004 = arith.constant 368 : i32
      %add3A_1005 = arith.addi %mul3A_1003, %add3A_1004 : i32
      %swap3A_1006 = arith.index_cast %add3A_1005 : i32 to index
      %swap3A_1007 = tpu.vector_load %arg6[%swap3A_1006] {strides = array<i32>} : memref<32768xf32, #tpu.memory_space<vmem>>, vector<16xf32>,
      %swap3A_1008 = vector.shape_cast %swap3A_1007 : vector<16xf32> to vector<16xf32>
      %swap3A_1009 = vector.shape_cast %broadcast_in_dim3A_1 : vector<16xf32> to vector<16xf32>
      tpu.vector_store %arg6[%swap3A_1006], %swap3A_1009 {strides = array<i32>} : memref<32768xf32, #tpu.memory_space<vmem>>, vector<16xf32>,
      %mul3A_1010 = arith.constant 512 : i32
      %mul3A_1011 = arith.muli %scan3A_818, %mul3A_1010 : i32
      %add3A_1012 = arith.constant 384 : i32
      %add3A_1013 = arith.addi %mul3A_1011, %add3A_1012 : i32
      %swap3A_1014 = arith.index_cast %add3A_1013 : i32 to index
      %swap3A_1015 = tpu.vector_load %arg6[%swap3A_1014] {strides = array<i32>} : memref<32768xf32, #tpu.memory_space<vmem>>, vector<16xf32>,
      %swap3A_1016 = vector.shape_cast %swap3A_1015 : vector<16xf32> to vector<16xf32>
      %swap3A_1017 = vector.shape_cast %broadcast_in_dim3A_1 : vector<16xf32> to vector<16xf32>
      tpu.vector_store %arg6[%swap3A_1014], %swap3A_1017 {strides = array<i32>} : memref<32768xf32, #tpu.memory_space<vmem>>, vector<16xf32>,
      %mul3A_1018 = arith.constant 512 : i32
      %mul3A_1019 = arith.muli %scan3A_818, %mul3A_1018 : i32
      %add3A_1020 = arith.constant 400 : i32
      %add3A_1021 = arith.addi %mul3A_1019, %add3A_1020 : i32
      %swap3A_1022 = arith.index_cast %add3A_1021 : i32 to index
      %swap3A_1023 = tpu.vector_load %arg6[%swap3A_1022] {strides = array<i32>} : memref<32768xf32, #tpu.memory_space<vmem>>, vector<16xf32>,
      %swap3A_1024 = vector.shape_cast %swap3A_1023 : vector<16xf32> to vector<16xf32>
      %swap3A_1025 = vector.shape_cast %broadcast_in_dim3A_1 : vector<16xf32> to vector<16xf32>
      tpu.vector_store %arg6[%swap3A_1022], %swap3A_1025 {strides = array<i32>} : memref<32768xf32, #tpu.memory_space<vmem>>, vector<16xf32>,
      %mul3A_1026 = arith.constant 512 : i32
      %mul3A_1027 = arith.muli %scan3A_818, %mul3A_1026 : i32
      %add3A_1028 = arith.constant 416 : i32
      %add3A_1029 = arith.addi %mul3A_1027, %add3A_1028 : i32
      %swap3A_1030 = arith.index_cast %add3A_1029 : i32 to index
      %swap3A_1031 = tpu.vector_load %arg6[%swap3A_1030] {strides = array<i32>} : memref<32768xf32, #tpu.memory_space<vmem>>, vector<16xf32>,
      %swap3A_1032 = vector.shape_cast %swap3A_1031 : vector<16xf32> to vector<16xf32>
      %swap3A_1033 = vector.shape_cast %broadcast_in_dim3A_1 : vector<16xf32> to vector<16xf32>
      tpu.vector_store %arg6[%swap3A_1030], %swap3A_1033 {strides = array<i32>} : memref<32768xf32, #tpu.memory_space<vmem>>, vector<16xf32>,
      %mul3A_1034 = arith.constant 512 : i32
      %mul3A_1035 = arith.muli %scan3A_818, %mul3A_1034 : i32
      %add3A_1036 = arith.constant 432 : i32
      %add3A_1037 = arith.addi %mul3A_1035, %add3A_1036 : i32
      %swap3A_1038 = arith.index_cast %add3A_1037 : i32 to index
      %swap3A_1039 = tpu.vector_load %arg6[%swap3A_1038] {strides = array<i32>} : memref<32768xf32, #tpu.memory_space<vmem>>, vector<16xf32>,
      %swap3A_1040 = vector.shape_cast %swap3A_1039 : vector<16xf32> to vector<16xf32>
      %swap3A_1041 = vector.shape_cast %broadcast_in_dim3A_1 : vector<16xf32> to vector<16xf32>
      tpu.vector_store %arg6[%swap3A_1038], %swap3A_1041 {strides = array<i32>} : memref<32768xf32, #tpu.memory_space<vmem>>, vector<16xf32>,
      %mul3A_1042 = arith.constant 512 : i32
      %mul3A_1043 = arith.muli %scan3A_818, %mul3A_1042 : i32
      %add3A_1044 = arith.constant 448 : i32
      %add3A_1045 = arith.addi %mul3A_1043, %add3A_1044 : i32
      %swap3A_1046 = arith.index_cast %add3A_1045 : i32 to index
      %swap3A_1047 = tpu.vector_load %arg6[%swap3A_1046] {strides = array<i32>} : memref<32768xf32, #tpu.memory_space<vmem>>, vector<16xf32>,
      %swap3A_1048 = vector.shape_cast %swap3A_1047 : vector<16xf32> to vector<16xf32>
      %swap3A_1049 = vector.shape_cast %broadcast_in_dim3A_1 : vector<16xf32> to vector<16xf32>
      tpu.vector_store %arg6[%swap3A_1046], %swap3A_1049 {strides = array<i32>} : memref<32768xf32, #tpu.memory_space<vmem>>, vector<16xf32>,
      %mul3A_1050 = arith.constant 512 : i32
      %mul3A_1051 = arith.muli %scan3A_818, %mul3A_1050 : i32
      %add3A_1052 = arith.constant 464 : i32
      %add3A_1053 = arith.addi %mul3A_1051, %add3A_1052 : i32
      %swap3A_1054 = arith.index_cast %add3A_1053 : i32 to index
      %swap3A_1055 = tpu.vector_load %arg6[%swap3A_1054] {strides = array<i32>} : memref<32768xf32, #tpu.memory_space<vmem>>, vector<16xf32>,
      %swap3A_1056 = vector.shape_cast %swap3A_1055 : vector<16xf32> to vector<16xf32>
      %swap3A_1057 = vector.shape_cast %broadcast_in_dim3A_1 : vector<16xf32> to vector<16xf32>
      tpu.vector_store %arg6[%swap3A_1054], %swap3A_1057 {strides = array<i32>} : memref<32768xf32, #tpu.memory_space<vmem>>, vector<16xf32>,
      %mul3A_1058 = arith.constant 512 : i32
      %mul3A_1059 = arith.muli %scan3A_818, %mul3A_1058 : i32
      %add3A_1060 = arith.constant 480 : i32
      %add3A_1061 = arith.addi %mul3A_1059, %add3A_1060 : i32
      %swap3A_1062 = arith.index_cast %add3A_1061 : i32 to index
      %swap3A_1063 = tpu.vector_load %arg6[%swap3A_1062] {strides = array<i32>} : memref<32768xf32, #tpu.memory_space<vmem>>, vector<16xf32>,
      %swap3A_1064 = vector.shape_cast %swap3A_1063 : vector<16xf32> to vector<16xf32>
      %swap3A_1065 = vector.shape_cast %broadcast_in_dim3A_1 : vector<16xf32> to vector<16xf32>
      tpu.vector_store %arg6[%swap3A_1062], %swap3A_1065 {strides = array<i32>} : memref<32768xf32, #tpu.memory_space<vmem>>, vector<16xf32>,
      %mul3A_1066 = arith.constant 512 : i32
      %mul3A_1067 = arith.muli %scan3A_818, %mul3A_1066 : i32
      %add3A_1068 = arith.constant 496 : i32
      %add3A_1069 = arith.addi %mul3A_1067, %add3A_1068 : i32
      %swap3A_1070 = arith.index_cast %add3A_1069 : i32 to index
      %swap3A_1071 = tpu.vector_load %arg6[%swap3A_1070] {strides = array<i32>} : memref<32768xf32, #tpu.memory_space<vmem>>, vector<16xf32>,
      %swap3A_1072 = vector.shape_cast %swap3A_1071 : vector<16xf32> to vector<16xf32>
      %swap3A_1073 = vector.shape_cast %broadcast_in_dim3A_1 : vector<16xf32> to vector<16xf32>
      tpu.vector_store %arg6[%swap3A_1070], %swap3A_1073 {strides = array<i32>} : memref<32768xf32, #tpu.memory_space<vmem>>, vector<16xf32>,
    }
    %scan3A_6 = arith.constant 64 : i32
    %mul3A_7 = arith.constant 2 : i32
    %mul3A_8 = arith.muli %add3A, %mul3A_7 : i32
    %add3A_9 = arith.constant 0 : i32
    %add3A_10 = arith.addi %mul3A_8, %add3A_9 : i32
    %mul3A_11 = arith.constant 2 : i32
    %mul3A_12 = arith.muli %mul3A_11, %add3A_10 : i32
    %get3A = arith.index_cast %mul3A_12 : i32 to index
    %get3A_13 = tpu.vector_load %arg7[%get3A] {strides = array<i32>} : memref<144xf32, #tpu.memory_space<vmem>>, vector<16xf32>,
    %get3A_14 = vector.shape_cast %get3A_13 : vector<16xf32> to vector<16xf32>
    %slice3A = vector.extract_strided_slice %get3A_14 {offsets = [0], sizes = [1], strides = [1]} : vector<16xf32> to vector<1xf32>
    %squeeze3A = vector.extract %slice3A[0] : f32 from vector<1xf32>
    %slice3A_15 = vector.extract_strided_slice %get3A_14 {offsets = [1], sizes = [1], strides = [1]} : vector<16xf32> to vector<1xf32>
    %squeeze3A_16 = vector.extract %slice3A_15[0] : f32 from vector<1xf32>
    %add3A_17 = arith.constant 1.280000e+02 : f32
    %add3A_18 = arith.addf %add3A_17, %squeeze3A : f32
    %convert_element_type3A = arith.fptosi %add3A_18 : f32 to i32
    %convert_element_type3A_19 = arith.sitofp %convert_element_type3A : i32 to f32
    %gt3A = arith.cmpf ogt, %add3A_18, %convert_element_type3A_19 : f32
    %jit3A = arith.constant 1 : i32
    %jit3A_20 = arith.constant 0 : i32
    %select_n3A = arith.select %gt3A, %jit3A, %jit3A_20 : i32
    %add3A_21 = arith.addi %convert_element_type3A, %select_n3A : i32
    %add3A_22 = arith.constant 3.840000e+02 : f32
    %add3A_23 = arith.addf %add3A_22, %squeeze3A : f32
    %convert_element_type3A_24 = arith.fptosi %add3A_23 : f32 to i32
    %convert_element_type3A_25 = arith.sitofp %convert_element_type3A_24 : i32 to f32
    %gt3A_26 = arith.cmpf ogt, %add3A_23, %convert_element_type3A_25 : f32
    %jit3A_27 = arith.constant 1 : i32
    %jit3A_28 = arith.constant 0 : i32
    %select_n3A_29 = arith.select %gt3A_26, %jit3A_27, %jit3A_28 : i32
    %add3A_30 = arith.addi %convert_element_type3A_24, %select_n3A_29 : i32
    %add3A_31 = arith.constant 1.280000e+02 : f32
    %add3A_32 = arith.addf %add3A_31, %squeeze3A_16 : f32
    %convert_element_type3A_33 = arith.fptosi %add3A_32 : f32 to i32
    %convert_element_type3A_34 = arith.sitofp %convert_element_type3A_33 : i32 to f32
    %gt3A_35 = arith.cmpf ogt, %add3A_32, %convert_element_type3A_34 : f32
    %jit3A_36 = arith.constant 1 : i32
    %jit3A_37 = arith.constant 0 : i32
    %select_n3A_38 = arith.select %gt3A_35, %jit3A_36, %jit3A_37 : i32
    %add3A_39 = arith.addi %convert_element_type3A_33, %select_n3A_38 : i32
    %add3A_40 = arith.constant 3.840000e+02 : f32
    %add3A_41 = arith.addf %add3A_40, %squeeze3A_16 : f32
    %convert_element_type3A_42 = arith.fptosi %add3A_41 : f32 to i32
    %convert_element_type3A_43 = arith.sitofp %convert_element_type3A_42 : i32 to f32
    %gt3A_44 = arith.cmpf ogt, %add3A_41, %convert_element_type3A_43 : f32
    %jit3A_45 = arith.constant 1 : i32
    %jit3A_46 = arith.constant 0 : i32
    %select_n3A_47 = arith.select %gt3A_44, %jit3A_45, %jit3A_46 : i32
    %add3A_48 = arith.addi %convert_element_type3A_42, %select_n3A_47 : i32
    %jit3A_49 = arith.constant 0 : i32
    %jit3A_50 = arith.constant 512 : i32
    %max3A = arith.maxsi %jit3A_49, %add3A_39 : i32
    %min3A = arith.minsi %jit3A_50, %max3A : i32
    %add3A_51 = arith.constant 1 : i32
    %add3A_52 = arith.addi %add3A_48, %add3A_51 : i32
    %jit3A_53 = arith.constant 512 : i32
    %max3A_54 = arith.maxsi %min3A, %add3A_52 : i32
    %min3A_55 = arith.minsi %jit3A_53, %max3A_54 : i32
    %scan3A_56 = arith.constant 0 : i32
    %scan3A_57 = arith.constant 0 : i32
    %scan3A_58 = arith.constant 64 : i32
    %scan3A_59 = arith.addi %scan3A_57, %scan3A_58 : i32
    %scan3A_60 = arith.constant 1 : i32
    scf.for %scan3A_818 = %scan3A_57 to %scan3A_59 step %scan3A_60  : i32 {
      %iota3A = tpu.iota {dimensions = array<i32: 0>} : vector<16xi32>
      %add3A_819 = arith.constant 0 : i32
      %add3A_820 = vector.broadcast %add3A_819 : i32 to vector<16xi32>
      %add3A_821 = arith.addi %iota3A, %add3A_820 : vector<16xi32>
      %ge3A_822 = vector.broadcast %add3A_21 : i32 to vector<16xi32>
      %ge3A_823 = arith.cmpi sge, %add3A_821, %ge3A_822 : vector<16xi32>
      %le3A = vector.broadcast %add3A_30 : i32 to vector<16xi32>
      %le3A_824 = arith.cmpi sle, %add3A_821, %le3A : vector<16xi32>
      %and3A_825 = arith.andi %ge3A_823, %le3A_824 : vector<16xi1>
      %jit3A_826 = arith.constant 1.000000e+00 : f32
      %jit3A_827 = arith.constant 0.000000e+00 : f32
      %broadcast_in_dim3A_828 = vector.broadcast %jit3A_826 : f32 to vector<16xf32>
      %broadcast_in_dim3A_829 = vector.broadcast %jit3A_827 : f32 to vector<16xf32>
      %select_n3A_830 = arith.select %and3A_825, %broadcast_in_dim3A_828, %broadcast_in_dim3A_829 : vector<16xi1>, vector<16xf32>
      %mul3A_831 = arith.constant 512 : i32
      %mul3A_832 = arith.muli %scan3A_818, %mul3A_831 : i32
      %add3A_833 = arith.constant 0 : i32
      %add3A_834 = arith.addi %mul3A_832, %add3A_833 : i32
      %swap3A = arith.index_cast %add3A_834 : i32 to index
      %swap3A_835 = tpu.vector_load %arg4[%swap3A] {strides = array<i32>} : memref<32768xf32, #tpu.memory_space<vmem>>, vector<16xf32>,
      %swap3A_836 = vector.shape_cast %swap3A_835 : vector<16xf32> to vector<16xf32>
      %swap3A_837 = vector.shape_cast %select_n3A_830 : vector<16xf32> to vector<16xf32>
      tpu.vector_store %arg4[%swap3A], %swap3A_837 {strides = array<i32>} : memref<32768xf32, #tpu.memory_space<vmem>>, vector<16xf32>,
      %iota3A_838 = tpu.iota {dimensions = array<i32: 0>} : vector<16xi32>
      %add3A_839 = arith.constant 16 : i32
      %add3A_840 = vector.broadcast %add3A_839 : i32 to vector<16xi32>
      %add3A_841 = arith.addi %iota3A_838, %add3A_840 : vector<16xi32>
      %ge3A_842 = vector.broadcast %add3A_21 : i32 to vector<16xi32>
      %ge3A_843 = arith.cmpi sge, %add3A_841, %ge3A_842 : vector<16xi32>
      %le3A_844 = vector.broadcast %add3A_30 : i32 to vector<16xi32>
      %le3A_845 = arith.cmpi sle, %add3A_841, %le3A_844 : vector<16xi32>
      %and3A_846 = arith.andi %ge3A_843, %le3A_845 : vector<16xi1>
      %jit3A_847 = arith.constant 1.000000e+00 : f32
      %jit3A_848 = arith.constant 0.000000e+00 : f32
      %broadcast_in_dim3A_849 = vector.broadcast %jit3A_847 : f32 to vector<16xf32>
      %broadcast_in_dim3A_850 = vector.broadcast %jit3A_848 : f32 to vector<16xf32>
      %select_n3A_851 = arith.select %and3A_846, %broadcast_in_dim3A_849, %broadcast_in_dim3A_850 : vector<16xi1>, vector<16xf32>
      %mul3A_852 = arith.constant 512 : i32
      %mul3A_853 = arith.muli %scan3A_818, %mul3A_852 : i32
      %add3A_854 = arith.constant 16 : i32
      %add3A_855 = arith.addi %mul3A_853, %add3A_854 : i32
      %swap3A_856 = arith.index_cast %add3A_855 : i32 to index
      %swap3A_857 = tpu.vector_load %arg4[%swap3A_856] {strides = array<i32>} : memref<32768xf32, #tpu.memory_space<vmem>>, vector<16xf32>,
      %swap3A_858 = vector.shape_cast %swap3A_857 : vector<16xf32> to vector<16xf32>
      %swap3A_859 = vector.shape_cast %select_n3A_851 : vector<16xf32> to vector<16xf32>
      tpu.vector_store %arg4[%swap3A_856], %swap3A_859 {strides = array<i32>} : memref<32768xf32, #tpu.memory_space<vmem>>, vector<16xf32>,
      %iota3A_860 = tpu.iota {dimensions = array<i32: 0>} : vector<16xi32>
      %add3A_861 = arith.constant 32 : i32
      %add3A_862 = vector.broadcast %add3A_861 : i32 to vector<16xi32>
      %add3A_863 = arith.addi %iota3A_860, %add3A_862 : vector<16xi32>
      %ge3A_864 = vector.broadcast %add3A_21 : i32 to vector<16xi32>
      %ge3A_865 = arith.cmpi sge, %add3A_863, %ge3A_864 : vector<16xi32>
      %le3A_866 = vector.broadcast %add3A_30 : i32 to vector<16xi32>
      %le3A_867 = arith.cmpi sle, %add3A_863, %le3A_866 : vector<16xi32>
      %and3A_868 = arith.andi %ge3A_865, %le3A_867 : vector<16xi1>
      %jit3A_869 = arith.constant 1.000000e+00 : f32
      %jit3A_870 = arith.constant 0.000000e+00 : f32
      %broadcast_in_dim3A_871 = vector.broadcast %jit3A_869 : f32 to vector<16xf32>
      %broadcast_in_dim3A_872 = vector.broadcast %jit3A_870 : f32 to vector<16xf32>
      %select_n3A_873 = arith.select %and3A_868, %broadcast_in_dim3A_871, %broadcast_in_dim3A_872 : vector<16xi1>, vector<16xf32>
      %mul3A_874 = arith.constant 512 : i32
      %mul3A_875 = arith.muli %scan3A_818, %mul3A_874 : i32
      %add3A_876 = arith.constant 32 : i32
      %add3A_877 = arith.addi %mul3A_875, %add3A_876 : i32
      %swap3A_878 = arith.index_cast %add3A_877 : i32 to index
      %swap3A_879 = tpu.vector_load %arg4[%swap3A_878] {strides = array<i32>} : memref<32768xf32, #tpu.memory_space<vmem>>, vector<16xf32>,
      %swap3A_880 = vector.shape_cast %swap3A_879 : vector<16xf32> to vector<16xf32>
      %swap3A_881 = vector.shape_cast %select_n3A_873 : vector<16xf32> to vector<16xf32>
      tpu.vector_store %arg4[%swap3A_878], %swap3A_881 {strides = array<i32>} : memref<32768xf32, #tpu.memory_space<vmem>>, vector<16xf32>,
      %iota3A_882 = tpu.iota {dimensions = array<i32: 0>} : vector<16xi32>
      %add3A_883 = arith.constant 48 : i32
      %add3A_884 = vector.broadcast %add3A_883 : i32 to vector<16xi32>
      %add3A_885 = arith.addi %iota3A_882, %add3A_884 : vector<16xi32>
      %ge3A_886 = vector.broadcast %add3A_21 : i32 to vector<16xi32>
      %ge3A_887 = arith.cmpi sge, %add3A_885, %ge3A_886 : vector<16xi32>
      %le3A_888 = vector.broadcast %add3A_30 : i32 to vector<16xi32>
      %le3A_889 = arith.cmpi sle, %add3A_885, %le3A_888 : vector<16xi32>
      %and3A_890 = arith.andi %ge3A_887, %le3A_889 : vector<16xi1>
      %jit3A_891 = arith.constant 1.000000e+00 : f32
      %jit3A_892 = arith.constant 0.000000e+00 : f32
      %broadcast_in_dim3A_893 = vector.broadcast %jit3A_891 : f32 to vector<16xf32>
      %broadcast_in_dim3A_894 = vector.broadcast %jit3A_892 : f32 to vector<16xf32>
      %select_n3A_895 = arith.select %and3A_890, %broadcast_in_dim3A_893, %broadcast_in_dim3A_894 : vector<16xi1>, vector<16xf32>
      %mul3A_896 = arith.constant 512 : i32
      %mul3A_897 = arith.muli %scan3A_818, %mul3A_896 : i32
      %add3A_898 = arith.constant 48 : i32
      %add3A_899 = arith.addi %mul3A_897, %add3A_898 : i32
      %swap3A_900 = arith.index_cast %add3A_899 : i32 to index
      %swap3A_901 = tpu.vector_load %arg4[%swap3A_900] {strides = array<i32>} : memref<32768xf32, #tpu.memory_space<vmem>>, vector<16xf32>,
      %swap3A_902 = vector.shape_cast %swap3A_901 : vector<16xf32> to vector<16xf32>
      %swap3A_903 = vector.shape_cast %select_n3A_895 : vector<16xf32> to vector<16xf32>
      tpu.vector_store %arg4[%swap3A_900], %swap3A_903 {strides = array<i32>} : memref<32768xf32, #tpu.memory_space<vmem>>, vector<16xf32>,
      %iota3A_904 = tpu.iota {dimensions = array<i32: 0>} : vector<16xi32>
      %add3A_905 = arith.constant 64 : i32
      %add3A_906 = vector.broadcast %add3A_905 : i32 to vector<16xi32>
      %add3A_907 = arith.addi %iota3A_904, %add3A_906 : vector<16xi32>
      %ge3A_908 = vector.broadcast %add3A_21 : i32 to vector<16xi32>
      %ge3A_909 = arith.cmpi sge, %add3A_907, %ge3A_908 : vector<16xi32>
      %le3A_910 = vector.broadcast %add3A_30 : i32 to vector<16xi32>
      %le3A_911 = arith.cmpi sle, %add3A_907, %le3A_910 : vector<16xi32>
      %and3A_912 = arith.andi %ge3A_909, %le3A_911 : vector<16xi1>
      %jit3A_913 = arith.constant 1.000000e+00 : f32
      %jit3A_914 = arith.constant 0.000000e+00 : f32
      %broadcast_in_dim3A_915 = vector.broadcast %jit3A_913 : f32 to vector<16xf32>
      %broadcast_in_dim3A_916 = vector.broadcast %jit3A_914 : f32 to vector<16xf32>
      %select_n3A_917 = arith.select %and3A_912, %broadcast_in_dim3A_915, %broadcast_in_dim3A_916 : vector<16xi1>, vector<16xf32>
      %mul3A_918 = arith.constant 512 : i32
      %mul3A_919 = arith.muli %scan3A_818, %mul3A_918 : i32
      %add3A_920 = arith.constant 64 : i32
      %add3A_921 = arith.addi %mul3A_919, %add3A_920 : i32
      %swap3A_922 = arith.index_cast %add3A_921 : i32 to index
      %swap3A_923 = tpu.vector_load %arg4[%swap3A_922] {strides = array<i32>} : memref<32768xf32, #tpu.memory_space<vmem>>, vector<16xf32>,
      %swap3A_924 = vector.shape_cast %swap3A_923 : vector<16xf32> to vector<16xf32>
      %swap3A_925 = vector.shape_cast %select_n3A_917 : vector<16xf32> to vector<16xf32>
      tpu.vector_store %arg4[%swap3A_922], %swap3A_925 {strides = array<i32>} : memref<32768xf32, #tpu.memory_space<vmem>>, vector<16xf32>,
      %iota3A_926 = tpu.iota {dimensions = array<i32: 0>} : vector<16xi32>
      %add3A_927 = arith.constant 80 : i32
      %add3A_928 = vector.broadcast %add3A_927 : i32 to vector<16xi32>
      %add3A_929 = arith.addi %iota3A_926, %add3A_928 : vector<16xi32>
      %ge3A_930 = vector.broadcast %add3A_21 : i32 to vector<16xi32>
      %ge3A_931 = arith.cmpi sge, %add3A_929, %ge3A_930 : vector<16xi32>
      %le3A_932 = vector.broadcast %add3A_30 : i32 to vector<16xi32>
      %le3A_933 = arith.cmpi sle, %add3A_929, %le3A_932 : vector<16xi32>
      %and3A_934 = arith.andi %ge3A_931, %le3A_933 : vector<16xi1>
      %jit3A_935 = arith.constant 1.000000e+00 : f32
      %jit3A_936 = arith.constant 0.000000e+00 : f32
      %broadcast_in_dim3A_937 = vector.broadcast %jit3A_935 : f32 to vector<16xf32>
      %broadcast_in_dim3A_938 = vector.broadcast %jit3A_936 : f32 to vector<16xf32>
      %select_n3A_939 = arith.select %and3A_934, %broadcast_in_dim3A_937, %broadcast_in_dim3A_938 : vector<16xi1>, vector<16xf32>
      %mul3A_940 = arith.constant 512 : i32
      %mul3A_941 = arith.muli %scan3A_818, %mul3A_940 : i32
      %add3A_942 = arith.constant 80 : i32
      %add3A_943 = arith.addi %mul3A_941, %add3A_942 : i32
      %swap3A_944 = arith.index_cast %add3A_943 : i32 to index
      %swap3A_945 = tpu.vector_load %arg4[%swap3A_944] {strides = array<i32>} : memref<32768xf32, #tpu.memory_space<vmem>>, vector<16xf32>,
      %swap3A_946 = vector.shape_cast %swap3A_945 : vector<16xf32> to vector<16xf32>
      %swap3A_947 = vector.shape_cast %select_n3A_939 : vector<16xf32> to vector<16xf32>
      tpu.vector_store %arg4[%swap3A_944], %swap3A_947 {strides = array<i32>} : memref<32768xf32, #tpu.memory_space<vmem>>, vector<16xf32>,
      %iota3A_948 = tpu.iota {dimensions = array<i32: 0>} : vector<16xi32>
      %add3A_949 = arith.constant 96 : i32
      %add3A_950 = vector.broadcast %add3A_949 : i32 to vector<16xi32>
      %add3A_951 = arith.addi %iota3A_948, %add3A_950 : vector<16xi32>
      %ge3A_952 = vector.broadcast %add3A_21 : i32 to vector<16xi32>
      %ge3A_953 = arith.cmpi sge, %add3A_951, %ge3A_952 : vector<16xi32>
      %le3A_954 = vector.broadcast %add3A_30 : i32 to vector<16xi32>
      %le3A_955 = arith.cmpi sle, %add3A_951, %le3A_954 : vector<16xi32>
      %and3A_956 = arith.andi %ge3A_953, %le3A_955 : vector<16xi1>
      %jit3A_957 = arith.constant 1.000000e+00 : f32
      %jit3A_958 = arith.constant 0.000000e+00 : f32
      %broadcast_in_dim3A_959 = vector.broadcast %jit3A_957 : f32 to vector<16xf32>
      %broadcast_in_dim3A_960 = vector.broadcast %jit3A_958 : f32 to vector<16xf32>
      %select_n3A_961 = arith.select %and3A_956, %broadcast_in_dim3A_959, %broadcast_in_dim3A_960 : vector<16xi1>, vector<16xf32>
      %mul3A_962 = arith.constant 512 : i32
      %mul3A_963 = arith.muli %scan3A_818, %mul3A_962 : i32
      %add3A_964 = arith.constant 96 : i32
      %add3A_965 = arith.addi %mul3A_963, %add3A_964 : i32
      %swap3A_966 = arith.index_cast %add3A_965 : i32 to index
      %swap3A_967 = tpu.vector_load %arg4[%swap3A_966] {strides = array<i32>} : memref<32768xf32, #tpu.memory_space<vmem>>, vector<16xf32>,
      %swap3A_968 = vector.shape_cast %swap3A_967 : vector<16xf32> to vector<16xf32>
      %swap3A_969 = vector.shape_cast %select_n3A_961 : vector<16xf32> to vector<16xf32>
      tpu.vector_store %arg4[%swap3A_966], %swap3A_969 {strides = array<i32>} : memref<32768xf32, #tpu.memory_space<vmem>>, vector<16xf32>,
      %iota3A_970 = tpu.iota {dimensions = array<i32: 0>} : vector<16xi32>
      %add3A_971 = arith.constant 112 : i32
      %add3A_972 = vector.broadcast %add3A_971 : i32 to vector<16xi32>
      %add3A_973 = arith.addi %iota3A_970, %add3A_972 : vector<16xi32>
      %ge3A_974 = vector.broadcast %add3A_21 : i32 to vector<16xi32>
      %ge3A_975 = arith.cmpi sge, %add3A_973, %ge3A_974 : vector<16xi32>
      %le3A_976 = vector.broadcast %add3A_30 : i32 to vector<16xi32>
      %le3A_977 = arith.cmpi sle, %add3A_973, %le3A_976 : vector<16xi32>
      %and3A_978 = arith.andi %ge3A_975, %le3A_977 : vector<16xi1>
      %jit3A_979 = arith.constant 1.000000e+00 : f32
      %jit3A_980 = arith.constant 0.000000e+00 : f32
      %broadcast_in_dim3A_981 = vector.broadcast %jit3A_979 : f32 to vector<16xf32>
      %broadcast_in_dim3A_982 = vector.broadcast %jit3A_980 : f32 to vector<16xf32>
      %select_n3A_983 = arith.select %and3A_978, %broadcast_in_dim3A_981, %broadcast_in_dim3A_982 : vector<16xi1>, vector<16xf32>
      %mul3A_984 = arith.constant 512 : i32
      %mul3A_985 = arith.muli %scan3A_818, %mul3A_984 : i32
      %add3A_986 = arith.constant 112 : i32
      %add3A_987 = arith.addi %mul3A_985, %add3A_986 : i32
      %swap3A_988 = arith.index_cast %add3A_987 : i32 to index
      %swap3A_989 = tpu.vector_load %arg4[%swap3A_988] {strides = array<i32>} : memref<32768xf32, #tpu.memory_space<vmem>>, vector<16xf32>,
      %swap3A_990 = vector.shape_cast %swap3A_989 : vector<16xf32> to vector<16xf32>
      %swap3A_991 = vector.shape_cast %select_n3A_983 : vector<16xf32> to vector<16xf32>
      tpu.vector_store %arg4[%swap3A_988], %swap3A_991 {strides = array<i32>} : memref<32768xf32, #tpu.memory_space<vmem>>, vector<16xf32>,
      %iota3A_992 = tpu.iota {dimensions = array<i32: 0>} : vector<16xi32>
      %add3A_993 = arith.constant 128 : i32
      %add3A_994 = vector.broadcast %add3A_993 : i32 to vector<16xi32>
      %add3A_995 = arith.addi %iota3A_992, %add3A_994 : vector<16xi32>
      %ge3A_996 = vector.broadcast %add3A_21 : i32 to vector<16xi32>
      %ge3A_997 = arith.cmpi sge, %add3A_995, %ge3A_996 : vector<16xi32>
      %le3A_998 = vector.broadcast %add3A_30 : i32 to vector<16xi32>
      %le3A_999 = arith.cmpi sle, %add3A_995, %le3A_998 : vector<16xi32>
      %and3A_1000 = arith.andi %ge3A_997, %le3A_999 : vector<16xi1>
      %jit3A_1001 = arith.constant 1.000000e+00 : f32
      %jit3A_1002 = arith.constant 0.000000e+00 : f32
      %broadcast_in_dim3A_1003 = vector.broadcast %jit3A_1001 : f32 to vector<16xf32>
      %broadcast_in_dim3A_1004 = vector.broadcast %jit3A_1002 : f32 to vector<16xf32>
      %select_n3A_1005 = arith.select %and3A_1000, %broadcast_in_dim3A_1003, %broadcast_in_dim3A_1004 : vector<16xi1>, vector<16xf32>
      %mul3A_1006 = arith.constant 512 : i32
      %mul3A_1007 = arith.muli %scan3A_818, %mul3A_1006 : i32
      %add3A_1008 = arith.constant 128 : i32
      %add3A_1009 = arith.addi %mul3A_1007, %add3A_1008 : i32
      %swap3A_1010 = arith.index_cast %add3A_1009 : i32 to index
      %swap3A_1011 = tpu.vector_load %arg4[%swap3A_1010] {strides = array<i32>} : memref<32768xf32, #tpu.memory_space<vmem>>, vector<16xf32>,
      %swap3A_1012 = vector.shape_cast %swap3A_1011 : vector<16xf32> to vector<16xf32>
      %swap3A_1013 = vector.shape_cast %select_n3A_1005 : vector<16xf32> to vector<16xf32>
      tpu.vector_store %arg4[%swap3A_1010], %swap3A_1013 {strides = array<i32>} : memref<32768xf32, #tpu.memory_space<vmem>>, vector<16xf32>,
      %iota3A_1014 = tpu.iota {dimensions = array<i32: 0>} : vector<16xi32>
      %add3A_1015 = arith.constant 144 : i32
      %add3A_1016 = vector.broadcast %add3A_1015 : i32 to vector<16xi32>
      %add3A_1017 = arith.addi %iota3A_1014, %add3A_1016 : vector<16xi32>
      %ge3A_1018 = vector.broadcast %add3A_21 : i32 to vector<16xi32>
      %ge3A_1019 = arith.cmpi sge, %add3A_1017, %ge3A_1018 : vector<16xi32>
      %le3A_1020 = vector.broadcast %add3A_30 : i32 to vector<16xi32>
      %le3A_1021 = arith.cmpi sle, %add3A_1017, %le3A_1020 : vector<16xi32>
      %and3A_1022 = arith.andi %ge3A_1019, %le3A_1021 : vector<16xi1>
      %jit3A_1023 = arith.constant 1.000000e+00 : f32
      %jit3A_1024 = arith.constant 0.000000e+00 : f32
      %broadcast_in_dim3A_1025 = vector.broadcast %jit3A_1023 : f32 to vector<16xf32>
      %broadcast_in_dim3A_1026 = vector.broadcast %jit3A_1024 : f32 to vector<16xf32>
      %select_n3A_1027 = arith.select %and3A_1022, %broadcast_in_dim3A_1025, %broadcast_in_dim3A_1026 : vector<16xi1>, vector<16xf32>
      %mul3A_1028 = arith.constant 512 : i32
      %mul3A_1029 = arith.muli %scan3A_818, %mul3A_1028 : i32
      %add3A_1030 = arith.constant 144 : i32
      %add3A_1031 = arith.addi %mul3A_1029, %add3A_1030 : i32
      %swap3A_1032 = arith.index_cast %add3A_1031 : i32 to index
      %swap3A_1033 = tpu.vector_load %arg4[%swap3A_1032] {strides = array<i32>} : memref<32768xf32, #tpu.memory_space<vmem>>, vector<16xf32>,
      %swap3A_1034 = vector.shape_cast %swap3A_1033 : vector<16xf32> to vector<16xf32>
      %swap3A_1035 = vector.shape_cast %select_n3A_1027 : vector<16xf32> to vector<16xf32>
      tpu.vector_store %arg4[%swap3A_1032], %swap3A_1035 {strides = array<i32>} : memref<32768xf32, #tpu.memory_space<vmem>>, vector<16xf32>,
      %iota3A_1036 = tpu.iota {dimensions = array<i32: 0>} : vector<16xi32>
      %add3A_1037 = arith.constant 160 : i32
      %add3A_1038 = vector.broadcast %add3A_1037 : i32 to vector<16xi32>
      %add3A_1039 = arith.addi %iota3A_1036, %add3A_1038 : vector<16xi32>
      %ge3A_1040 = vector.broadcast %add3A_21 : i32 to vector<16xi32>
      %ge3A_1041 = arith.cmpi sge, %add3A_1039, %ge3A_1040 : vector<16xi32>
      %le3A_1042 = vector.broadcast %add3A_30 : i32 to vector<16xi32>
      %le3A_1043 = arith.cmpi sle, %add3A_1039, %le3A_1042 : vector<16xi32>
      %and3A_1044 = arith.andi %ge3A_1041, %le3A_1043 : vector<16xi1>
      %jit3A_1045 = arith.constant 1.000000e+00 : f32
      %jit3A_1046 = arith.constant 0.000000e+00 : f32
      %broadcast_in_dim3A_1047 = vector.broadcast %jit3A_1045 : f32 to vector<16xf32>
      %broadcast_in_dim3A_1048 = vector.broadcast %jit3A_1046 : f32 to vector<16xf32>
      %select_n3A_1049 = arith.select %and3A_1044, %broadcast_in_dim3A_1047, %broadcast_in_dim3A_1048 : vector<16xi1>, vector<16xf32>
      %mul3A_1050 = arith.constant 512 : i32
      %mul3A_1051 = arith.muli %scan3A_818, %mul3A_1050 : i32
      %add3A_1052 = arith.constant 160 : i32
      %add3A_1053 = arith.addi %mul3A_1051, %add3A_1052 : i32
      %swap3A_1054 = arith.index_cast %add3A_1053 : i32 to index
      %swap3A_1055 = tpu.vector_load %arg4[%swap3A_1054] {strides = array<i32>} : memref<32768xf32, #tpu.memory_space<vmem>>, vector<16xf32>,
      %swap3A_1056 = vector.shape_cast %swap3A_1055 : vector<16xf32> to vector<16xf32>
      %swap3A_1057 = vector.shape_cast %select_n3A_1049 : vector<16xf32> to vector<16xf32>
      tpu.vector_store %arg4[%swap3A_1054], %swap3A_1057 {strides = array<i32>} : memref<32768xf32, #tpu.memory_space<vmem>>, vector<16xf32>,
      %iota3A_1058 = tpu.iota {dimensions = array<i32: 0>} : vector<16xi32>
      %add3A_1059 = arith.constant 176 : i32
      %add3A_1060 = vector.broadcast %add3A_1059 : i32 to vector<16xi32>
      %add3A_1061 = arith.addi %iota3A_1058, %add3A_1060 : vector<16xi32>
      %ge3A_1062 = vector.broadcast %add3A_21 : i32 to vector<16xi32>
      %ge3A_1063 = arith.cmpi sge, %add3A_1061, %ge3A_1062 : vector<16xi32>
      %le3A_1064 = vector.broadcast %add3A_30 : i32 to vector<16xi32>
      %le3A_1065 = arith.cmpi sle, %add3A_1061, %le3A_1064 : vector<16xi32>
      %and3A_1066 = arith.andi %ge3A_1063, %le3A_1065 : vector<16xi1>
      %jit3A_1067 = arith.constant 1.000000e+00 : f32
      %jit3A_1068 = arith.constant 0.000000e+00 : f32
      %broadcast_in_dim3A_1069 = vector.broadcast %jit3A_1067 : f32 to vector<16xf32>
      %broadcast_in_dim3A_1070 = vector.broadcast %jit3A_1068 : f32 to vector<16xf32>
      %select_n3A_1071 = arith.select %and3A_1066, %broadcast_in_dim3A_1069, %broadcast_in_dim3A_1070 : vector<16xi1>, vector<16xf32>
      %mul3A_1072 = arith.constant 512 : i32
      %mul3A_1073 = arith.muli %scan3A_818, %mul3A_1072 : i32
      %add3A_1074 = arith.constant 176 : i32
      %add3A_1075 = arith.addi %mul3A_1073, %add3A_1074 : i32
      %swap3A_1076 = arith.index_cast %add3A_1075 : i32 to index
      %swap3A_1077 = tpu.vector_load %arg4[%swap3A_1076] {strides = array<i32>} : memref<32768xf32, #tpu.memory_space<vmem>>, vector<16xf32>,
      %swap3A_1078 = vector.shape_cast %swap3A_1077 : vector<16xf32> to vector<16xf32>
      %swap3A_1079 = vector.shape_cast %select_n3A_1071 : vector<16xf32> to vector<16xf32>
      tpu.vector_store %arg4[%swap3A_1076], %swap3A_1079 {strides = array<i32>} : memref<32768xf32, #tpu.memory_space<vmem>>, vector<16xf32>,
      %iota3A_1080 = tpu.iota {dimensions = array<i32: 0>} : vector<16xi32>
      %add3A_1081 = arith.constant 192 : i32
      %add3A_1082 = vector.broadcast %add3A_1081 : i32 to vector<16xi32>
      %add3A_1083 = arith.addi %iota3A_1080, %add3A_1082 : vector<16xi32>
      %ge3A_1084 = vector.broadcast %add3A_21 : i32 to vector<16xi32>
      %ge3A_1085 = arith.cmpi sge, %add3A_1083, %ge3A_1084 : vector<16xi32>
      %le3A_1086 = vector.broadcast %add3A_30 : i32 to vector<16xi32>
      %le3A_1087 = arith.cmpi sle, %add3A_1083, %le3A_1086 : vector<16xi32>
      %and3A_1088 = arith.andi %ge3A_1085, %le3A_1087 : vector<16xi1>
      %jit3A_1089 = arith.constant 1.000000e+00 : f32
      %jit3A_1090 = arith.constant 0.000000e+00 : f32
      %broadcast_in_dim3A_1091 = vector.broadcast %jit3A_1089 : f32 to vector<16xf32>
      %broadcast_in_dim3A_1092 = vector.broadcast %jit3A_1090 : f32 to vector<16xf32>
      %select_n3A_1093 = arith.select %and3A_1088, %broadcast_in_dim3A_1091, %broadcast_in_dim3A_1092 : vector<16xi1>, vector<16xf32>
      %mul3A_1094 = arith.constant 512 : i32
      %mul3A_1095 = arith.muli %scan3A_818, %mul3A_1094 : i32
      %add3A_1096 = arith.constant 192 : i32
      %add3A_1097 = arith.addi %mul3A_1095, %add3A_1096 : i32
      %swap3A_1098 = arith.index_cast %add3A_1097 : i32 to index
      %swap3A_1099 = tpu.vector_load %arg4[%swap3A_1098] {strides = array<i32>} : memref<32768xf32, #tpu.memory_space<vmem>>, vector<16xf32>,
      %swap3A_1100 = vector.shape_cast %swap3A_1099 : vector<16xf32> to vector<16xf32>
      %swap3A_1101 = vector.shape_cast %select_n3A_1093 : vector<16xf32> to vector<16xf32>
      tpu.vector_store %arg4[%swap3A_1098], %swap3A_1101 {strides = array<i32>} : memref<32768xf32, #tpu.memory_space<vmem>>, vector<16xf32>,
      %iota3A_1102 = tpu.iota {dimensions = array<i32: 0>} : vector<16xi32>
      %add3A_1103 = arith.constant 208 : i32
      %add3A_1104 = vector.broadcast %add3A_1103 : i32 to vector<16xi32>
      %add3A_1105 = arith.addi %iota3A_1102, %add3A_1104 : vector<16xi32>
      %ge3A_1106 = vector.broadcast %add3A_21 : i32 to vector<16xi32>
      %ge3A_1107 = arith.cmpi sge, %add3A_1105, %ge3A_1106 : vector<16xi32>
      %le3A_1108 = vector.broadcast %add3A_30 : i32 to vector<16xi32>
      %le3A_1109 = arith.cmpi sle, %add3A_1105, %le3A_1108 : vector<16xi32>
      %and3A_1110 = arith.andi %ge3A_1107, %le3A_1109 : vector<16xi1>
      %jit3A_1111 = arith.constant 1.000000e+00 : f32
      %jit3A_1112 = arith.constant 0.000000e+00 : f32
      %broadcast_in_dim3A_1113 = vector.broadcast %jit3A_1111 : f32 to vector<16xf32>
      %broadcast_in_dim3A_1114 = vector.broadcast %jit3A_1112 : f32 to vector<16xf32>
      %select_n3A_1115 = arith.select %and3A_1110, %broadcast_in_dim3A_1113, %broadcast_in_dim3A_1114 : vector<16xi1>, vector<16xf32>
      %mul3A_1116 = arith.constant 512 : i32
      %mul3A_1117 = arith.muli %scan3A_818, %mul3A_1116 : i32
      %add3A_1118 = arith.constant 208 : i32
      %add3A_1119 = arith.addi %mul3A_1117, %add3A_1118 : i32
      %swap3A_1120 = arith.index_cast %add3A_1119 : i32 to index
      %swap3A_1121 = tpu.vector_load %arg4[%swap3A_1120] {strides = array<i32>} : memref<32768xf32, #tpu.memory_space<vmem>>, vector<16xf32>,
      %swap3A_1122 = vector.shape_cast %swap3A_1121 : vector<16xf32> to vector<16xf32>
      %swap3A_1123 = vector.shape_cast %select_n3A_1115 : vector<16xf32> to vector<16xf32>
      tpu.vector_store %arg4[%swap3A_1120], %swap3A_1123 {strides = array<i32>} : memref<32768xf32, #tpu.memory_space<vmem>>, vector<16xf32>,
      %iota3A_1124 = tpu.iota {dimensions = array<i32: 0>} : vector<16xi32>
      %add3A_1125 = arith.constant 224 : i32
      %add3A_1126 = vector.broadcast %add3A_1125 : i32 to vector<16xi32>
      %add3A_1127 = arith.addi %iota3A_1124, %add3A_1126 : vector<16xi32>
      %ge3A_1128 = vector.broadcast %add3A_21 : i32 to vector<16xi32>
      %ge3A_1129 = arith.cmpi sge, %add3A_1127, %ge3A_1128 : vector<16xi32>
      %le3A_1130 = vector.broadcast %add3A_30 : i32 to vector<16xi32>
      %le3A_1131 = arith.cmpi sle, %add3A_1127, %le3A_1130 : vector<16xi32>
      %and3A_1132 = arith.andi %ge3A_1129, %le3A_1131 : vector<16xi1>
      %jit3A_1133 = arith.constant 1.000000e+00 : f32
      %jit3A_1134 = arith.constant 0.000000e+00 : f32
      %broadcast_in_dim3A_1135 = vector.broadcast %jit3A_1133 : f32 to vector<16xf32>
      %broadcast_in_dim3A_1136 = vector.broadcast %jit3A_1134 : f32 to vector<16xf32>
      %select_n3A_1137 = arith.select %and3A_1132, %broadcast_in_dim3A_1135, %broadcast_in_dim3A_1136 : vector<16xi1>, vector<16xf32>
      %mul3A_1138 = arith.constant 512 : i32
      %mul3A_1139 = arith.muli %scan3A_818, %mul3A_1138 : i32
      %add3A_1140 = arith.constant 224 : i32
      %add3A_1141 = arith.addi %mul3A_1139, %add3A_1140 : i32
      %swap3A_1142 = arith.index_cast %add3A_1141 : i32 to index
      %swap3A_1143 = tpu.vector_load %arg4[%swap3A_1142] {strides = array<i32>} : memref<32768xf32, #tpu.memory_space<vmem>>, vector<16xf32>,
      %swap3A_1144 = vector.shape_cast %swap3A_1143 : vector<16xf32> to vector<16xf32>
      %swap3A_1145 = vector.shape_cast %select_n3A_1137 : vector<16xf32> to vector<16xf32>
      tpu.vector_store %arg4[%swap3A_1142], %swap3A_1145 {strides = array<i32>} : memref<32768xf32, #tpu.memory_space<vmem>>, vector<16xf32>,
      %iota3A_1146 = tpu.iota {dimensions = array<i32: 0>} : vector<16xi32>
      %add3A_1147 = arith.constant 240 : i32
      %add3A_1148 = vector.broadcast %add3A_1147 : i32 to vector<16xi32>
      %add3A_1149 = arith.addi %iota3A_1146, %add3A_1148 : vector<16xi32>
      %ge3A_1150 = vector.broadcast %add3A_21 : i32 to vector<16xi32>
      %ge3A_1151 = arith.cmpi sge, %add3A_1149, %ge3A_1150 : vector<16xi32>
      %le3A_1152 = vector.broadcast %add3A_30 : i32 to vector<16xi32>
      %le3A_1153 = arith.cmpi sle, %add3A_1149, %le3A_1152 : vector<16xi32>
      %and3A_1154 = arith.andi %ge3A_1151, %le3A_1153 : vector<16xi1>
      %jit3A_1155 = arith.constant 1.000000e+00 : f32
      %jit3A_1156 = arith.constant 0.000000e+00 : f32
      %broadcast_in_dim3A_1157 = vector.broadcast %jit3A_1155 : f32 to vector<16xf32>
      %broadcast_in_dim3A_1158 = vector.broadcast %jit3A_1156 : f32 to vector<16xf32>
      %select_n3A_1159 = arith.select %and3A_1154, %broadcast_in_dim3A_1157, %broadcast_in_dim3A_1158 : vector<16xi1>, vector<16xf32>
      %mul3A_1160 = arith.constant 512 : i32
      %mul3A_1161 = arith.muli %scan3A_818, %mul3A_1160 : i32
      %add3A_1162 = arith.constant 240 : i32
      %add3A_1163 = arith.addi %mul3A_1161, %add3A_1162 : i32
      %swap3A_1164 = arith.index_cast %add3A_1163 : i32 to index
      %swap3A_1165 = tpu.vector_load %arg4[%swap3A_1164] {strides = array<i32>} : memref<32768xf32, #tpu.memory_space<vmem>>, vector<16xf32>,
      %swap3A_1166 = vector.shape_cast %swap3A_1165 : vector<16xf32> to vector<16xf32>
      %swap3A_1167 = vector.shape_cast %select_n3A_1159 : vector<16xf32> to vector<16xf32>
      tpu.vector_store %arg4[%swap3A_1164], %swap3A_1167 {strides = array<i32>} : memref<32768xf32, #tpu.memory_space<vmem>>, vector<16xf32>,
      %iota3A_1168 = tpu.iota {dimensions = array<i32: 0>} : vector<16xi32>
      %add3A_1169 = arith.constant 256 : i32
      %add3A_1170 = vector.broadcast %add3A_1169 : i32 to vector<16xi32>
      %add3A_1171 = arith.addi %iota3A_1168, %add3A_1170 : vector<16xi32>
      %ge3A_1172 = vector.broadcast %add3A_21 : i32 to vector<16xi32>
      %ge3A_1173 = arith.cmpi sge, %add3A_1171, %ge3A_1172 : vector<16xi32>
      %le3A_1174 = vector.broadcast %add3A_30 : i32 to vector<16xi32>
      %le3A_1175 = arith.cmpi sle, %add3A_1171, %le3A_1174 : vector<16xi32>
      %and3A_1176 = arith.andi %ge3A_1173, %le3A_1175 : vector<16xi1>
      %jit3A_1177 = arith.constant 1.000000e+00 : f32
      %jit3A_1178 = arith.constant 0.000000e+00 : f32
      %broadcast_in_dim3A_1179 = vector.broadcast %jit3A_1177 : f32 to vector<16xf32>
      %broadcast_in_dim3A_1180 = vector.broadcast %jit3A_1178 : f32 to vector<16xf32>
      %select_n3A_1181 = arith.select %and3A_1176, %broadcast_in_dim3A_1179, %broadcast_in_dim3A_1180 : vector<16xi1>, vector<16xf32>
      %mul3A_1182 = arith.constant 512 : i32
      %mul3A_1183 = arith.muli %scan3A_818, %mul3A_1182 : i32
      %add3A_1184 = arith.constant 256 : i32
      %add3A_1185 = arith.addi %mul3A_1183, %add3A_1184 : i32
      %swap3A_1186 = arith.index_cast %add3A_1185 : i32 to index
      %swap3A_1187 = tpu.vector_load %arg4[%swap3A_1186] {strides = array<i32>} : memref<32768xf32, #tpu.memory_space<vmem>>, vector<16xf32>,
      %swap3A_1188 = vector.shape_cast %swap3A_1187 : vector<16xf32> to vector<16xf32>
      %swap3A_1189 = vector.shape_cast %select_n3A_1181 : vector<16xf32> to vector<16xf32>
      tpu.vector_store %arg4[%swap3A_1186], %swap3A_1189 {strides = array<i32>} : memref<32768xf32, #tpu.memory_space<vmem>>, vector<16xf32>,
      %iota3A_1190 = tpu.iota {dimensions = array<i32: 0>} : vector<16xi32>
      %add3A_1191 = arith.constant 272 : i32
      %add3A_1192 = vector.broadcast %add3A_1191 : i32 to vector<16xi32>
      %add3A_1193 = arith.addi %iota3A_1190, %add3A_1192 : vector<16xi32>
      %ge3A_1194 = vector.broadcast %add3A_21 : i32 to vector<16xi32>
      %ge3A_1195 = arith.cmpi sge, %add3A_1193, %ge3A_1194 : vector<16xi32>
      %le3A_1196 = vector.broadcast %add3A_30 : i32 to vector<16xi32>
      %le3A_1197 = arith.cmpi sle, %add3A_1193, %le3A_1196 : vector<16xi32>
      %and3A_1198 = arith.andi %ge3A_1195, %le3A_1197 : vector<16xi1>
      %jit3A_1199 = arith.constant 1.000000e+00 : f32
      %jit3A_1200 = arith.constant 0.000000e+00 : f32
      %broadcast_in_dim3A_1201 = vector.broadcast %jit3A_1199 : f32 to vector<16xf32>
      %broadcast_in_dim3A_1202 = vector.broadcast %jit3A_1200 : f32 to vector<16xf32>
      %select_n3A_1203 = arith.select %and3A_1198, %broadcast_in_dim3A_1201, %broadcast_in_dim3A_1202 : vector<16xi1>, vector<16xf32>
      %mul3A_1204 = arith.constant 512 : i32
      %mul3A_1205 = arith.muli %scan3A_818, %mul3A_1204 : i32
      %add3A_1206 = arith.constant 272 : i32
      %add3A_1207 = arith.addi %mul3A_1205, %add3A_1206 : i32
      %swap3A_1208 = arith.index_cast %add3A_1207 : i32 to index
      %swap3A_1209 = tpu.vector_load %arg4[%swap3A_1208] {strides = array<i32>} : memref<32768xf32, #tpu.memory_space<vmem>>, vector<16xf32>,
      %swap3A_1210 = vector.shape_cast %swap3A_1209 : vector<16xf32> to vector<16xf32>
      %swap3A_1211 = vector.shape_cast %select_n3A_1203 : vector<16xf32> to vector<16xf32>
      tpu.vector_store %arg4[%swap3A_1208], %swap3A_1211 {strides = array<i32>} : memref<32768xf32, #tpu.memory_space<vmem>>, vector<16xf32>,
      %iota3A_1212 = tpu.iota {dimensions = array<i32: 0>} : vector<16xi32>
      %add3A_1213 = arith.constant 288 : i32
      %add3A_1214 = vector.broadcast %add3A_1213 : i32 to vector<16xi32>
      %add3A_1215 = arith.addi %iota3A_1212, %add3A_1214 : vector<16xi32>
      %ge3A_1216 = vector.broadcast %add3A_21 : i32 to vector<16xi32>
      %ge3A_1217 = arith.cmpi sge, %add3A_1215, %ge3A_1216 : vector<16xi32>
      %le3A_1218 = vector.broadcast %add3A_30 : i32 to vector<16xi32>
      %le3A_1219 = arith.cmpi sle, %add3A_1215, %le3A_1218 : vector<16xi32>
      %and3A_1220 = arith.andi %ge3A_1217, %le3A_1219 : vector<16xi1>
      %jit3A_1221 = arith.constant 1.000000e+00 : f32
      %jit3A_1222 = arith.constant 0.000000e+00 : f32
      %broadcast_in_dim3A_1223 = vector.broadcast %jit3A_1221 : f32 to vector<16xf32>
      %broadcast_in_dim3A_1224 = vector.broadcast %jit3A_1222 : f32 to vector<16xf32>
      %select_n3A_1225 = arith.select %and3A_1220, %broadcast_in_dim3A_1223, %broadcast_in_dim3A_1224 : vector<16xi1>, vector<16xf32>
      %mul3A_1226 = arith.constant 512 : i32
      %mul3A_1227 = arith.muli %scan3A_818, %mul3A_1226 : i32
      %add3A_1228 = arith.constant 288 : i32
      %add3A_1229 = arith.addi %mul3A_1227, %add3A_1228 : i32
      %swap3A_1230 = arith.index_cast %add3A_1229 : i32 to index
      %swap3A_1231 = tpu.vector_load %arg4[%swap3A_1230] {strides = array<i32>} : memref<32768xf32, #tpu.memory_space<vmem>>, vector<16xf32>,
      %swap3A_1232 = vector.shape_cast %swap3A_1231 : vector<16xf32> to vector<16xf32>
      %swap3A_1233 = vector.shape_cast %select_n3A_1225 : vector<16xf32> to vector<16xf32>
      tpu.vector_store %arg4[%swap3A_1230], %swap3A_1233 {strides = array<i32>} : memref<32768xf32, #tpu.memory_space<vmem>>, vector<16xf32>,
      %iota3A_1234 = tpu.iota {dimensions = array<i32: 0>} : vector<16xi32>
      %add3A_1235 = arith.constant 304 : i32
      %add3A_1236 = vector.broadcast %add3A_1235 : i32 to vector<16xi32>
      %add3A_1237 = arith.addi %iota3A_1234, %add3A_1236 : vector<16xi32>
      %ge3A_1238 = vector.broadcast %add3A_21 : i32 to vector<16xi32>
      %ge3A_1239 = arith.cmpi sge, %add3A_1237, %ge3A_1238 : vector<16xi32>
      %le3A_1240 = vector.broadcast %add3A_30 : i32 to vector<16xi32>
      %le3A_1241 = arith.cmpi sle, %add3A_1237, %le3A_1240 : vector<16xi32>
      %and3A_1242 = arith.andi %ge3A_1239, %le3A_1241 : vector<16xi1>
      %jit3A_1243 = arith.constant 1.000000e+00 : f32
      %jit3A_1244 = arith.constant 0.000000e+00 : f32
      %broadcast_in_dim3A_1245 = vector.broadcast %jit3A_1243 : f32 to vector<16xf32>
      %broadcast_in_dim3A_1246 = vector.broadcast %jit3A_1244 : f32 to vector<16xf32>
      %select_n3A_1247 = arith.select %and3A_1242, %broadcast_in_dim3A_1245, %broadcast_in_dim3A_1246 : vector<16xi1>, vector<16xf32>
      %mul3A_1248 = arith.constant 512 : i32
      %mul3A_1249 = arith.muli %scan3A_818, %mul3A_1248 : i32
      %add3A_1250 = arith.constant 304 : i32
      %add3A_1251 = arith.addi %mul3A_1249, %add3A_1250 : i32
      %swap3A_1252 = arith.index_cast %add3A_1251 : i32 to index
      %swap3A_1253 = tpu.vector_load %arg4[%swap3A_1252] {strides = array<i32>} : memref<32768xf32, #tpu.memory_space<vmem>>, vector<16xf32>,
      %swap3A_1254 = vector.shape_cast %swap3A_1253 : vector<16xf32> to vector<16xf32>
      %swap3A_1255 = vector.shape_cast %select_n3A_1247 : vector<16xf32> to vector<16xf32>
      tpu.vector_store %arg4[%swap3A_1252], %swap3A_1255 {strides = array<i32>} : memref<32768xf32, #tpu.memory_space<vmem>>, vector<16xf32>,
      %iota3A_1256 = tpu.iota {dimensions = array<i32: 0>} : vector<16xi32>
      %add3A_1257 = arith.constant 320 : i32
      %add3A_1258 = vector.broadcast %add3A_1257 : i32 to vector<16xi32>
      %add3A_1259 = arith.addi %iota3A_1256, %add3A_1258 : vector<16xi32>
      %ge3A_1260 = vector.broadcast %add3A_21 : i32 to vector<16xi32>
      %ge3A_1261 = arith.cmpi sge, %add3A_1259, %ge3A_1260 : vector<16xi32>
      %le3A_1262 = vector.broadcast %add3A_30 : i32 to vector<16xi32>
      %le3A_1263 = arith.cmpi sle, %add3A_1259, %le3A_1262 : vector<16xi32>
      %and3A_1264 = arith.andi %ge3A_1261, %le3A_1263 : vector<16xi1>
      %jit3A_1265 = arith.constant 1.000000e+00 : f32
      %jit3A_1266 = arith.constant 0.000000e+00 : f32
      %broadcast_in_dim3A_1267 = vector.broadcast %jit3A_1265 : f32 to vector<16xf32>
      %broadcast_in_dim3A_1268 = vector.broadcast %jit3A_1266 : f32 to vector<16xf32>
      %select_n3A_1269 = arith.select %and3A_1264, %broadcast_in_dim3A_1267, %broadcast_in_dim3A_1268 : vector<16xi1>, vector<16xf32>
      %mul3A_1270 = arith.constant 512 : i32
      %mul3A_1271 = arith.muli %scan3A_818, %mul3A_1270 : i32
      %add3A_1272 = arith.constant 320 : i32
      %add3A_1273 = arith.addi %mul3A_1271, %add3A_1272 : i32
      %swap3A_1274 = arith.index_cast %add3A_1273 : i32 to index
      %swap3A_1275 = tpu.vector_load %arg4[%swap3A_1274] {strides = array<i32>} : memref<32768xf32, #tpu.memory_space<vmem>>, vector<16xf32>,
      %swap3A_1276 = vector.shape_cast %swap3A_1275 : vector<16xf32> to vector<16xf32>
      %swap3A_1277 = vector.shape_cast %select_n3A_1269 : vector<16xf32> to vector<16xf32>
      tpu.vector_store %arg4[%swap3A_1274], %swap3A_1277 {strides = array<i32>} : memref<32768xf32, #tpu.memory_space<vmem>>, vector<16xf32>,
      %iota3A_1278 = tpu.iota {dimensions = array<i32: 0>} : vector<16xi32>
      %add3A_1279 = arith.constant 336 : i32
      %add3A_1280 = vector.broadcast %add3A_1279 : i32 to vector<16xi32>
      %add3A_1281 = arith.addi %iota3A_1278, %add3A_1280 : vector<16xi32>
      %ge3A_1282 = vector.broadcast %add3A_21 : i32 to vector<16xi32>
      %ge3A_1283 = arith.cmpi sge, %add3A_1281, %ge3A_1282 : vector<16xi32>
      %le3A_1284 = vector.broadcast %add3A_30 : i32 to vector<16xi32>
      %le3A_1285 = arith.cmpi sle, %add3A_1281, %le3A_1284 : vector<16xi32>
      %and3A_1286 = arith.andi %ge3A_1283, %le3A_1285 : vector<16xi1>
      %jit3A_1287 = arith.constant 1.000000e+00 : f32
      %jit3A_1288 = arith.constant 0.000000e+00 : f32
      %broadcast_in_dim3A_1289 = vector.broadcast %jit3A_1287 : f32 to vector<16xf32>
      %broadcast_in_dim3A_1290 = vector.broadcast %jit3A_1288 : f32 to vector<16xf32>
      %select_n3A_1291 = arith.select %and3A_1286, %broadcast_in_dim3A_1289, %broadcast_in_dim3A_1290 : vector<16xi1>, vector<16xf32>
      %mul3A_1292 = arith.constant 512 : i32
      %mul3A_1293 = arith.muli %scan3A_818, %mul3A_1292 : i32
      %add3A_1294 = arith.constant 336 : i32
      %add3A_1295 = arith.addi %mul3A_1293, %add3A_1294 : i32
      %swap3A_1296 = arith.index_cast %add3A_1295 : i32 to index
      %swap3A_1297 = tpu.vector_load %arg4[%swap3A_1296] {strides = array<i32>} : memref<32768xf32, #tpu.memory_space<vmem>>, vector<16xf32>,
      %swap3A_1298 = vector.shape_cast %swap3A_1297 : vector<16xf32> to vector<16xf32>
      %swap3A_1299 = vector.shape_cast %select_n3A_1291 : vector<16xf32> to vector<16xf32>
      tpu.vector_store %arg4[%swap3A_1296], %swap3A_1299 {strides = array<i32>} : memref<32768xf32, #tpu.memory_space<vmem>>, vector<16xf32>,
      %iota3A_1300 = tpu.iota {dimensions = array<i32: 0>} : vector<16xi32>
      %add3A_1301 = arith.constant 352 : i32
      %add3A_1302 = vector.broadcast %add3A_1301 : i32 to vector<16xi32>
      %add3A_1303 = arith.addi %iota3A_1300, %add3A_1302 : vector<16xi32>
      %ge3A_1304 = vector.broadcast %add3A_21 : i32 to vector<16xi32>
      %ge3A_1305 = arith.cmpi sge, %add3A_1303, %ge3A_1304 : vector<16xi32>
      %le3A_1306 = vector.broadcast %add3A_30 : i32 to vector<16xi32>
      %le3A_1307 = arith.cmpi sle, %add3A_1303, %le3A_1306 : vector<16xi32>
      %and3A_1308 = arith.andi %ge3A_1305, %le3A_1307 : vector<16xi1>
      %jit3A_1309 = arith.constant 1.000000e+00 : f32
      %jit3A_1310 = arith.constant 0.000000e+00 : f32
      %broadcast_in_dim3A_1311 = vector.broadcast %jit3A_1309 : f32 to vector<16xf32>
      %broadcast_in_dim3A_1312 = vector.broadcast %jit3A_1310 : f32 to vector<16xf32>
      %select_n3A_1313 = arith.select %and3A_1308, %broadcast_in_dim3A_1311, %broadcast_in_dim3A_1312 : vector<16xi1>, vector<16xf32>
      %mul3A_1314 = arith.constant 512 : i32
      %mul3A_1315 = arith.muli %scan3A_818, %mul3A_1314 : i32
      %add3A_1316 = arith.constant 352 : i32
      %add3A_1317 = arith.addi %mul3A_1315, %add3A_1316 : i32
      %swap3A_1318 = arith.index_cast %add3A_1317 : i32 to index
      %swap3A_1319 = tpu.vector_load %arg4[%swap3A_1318] {strides = array<i32>} : memref<32768xf32, #tpu.memory_space<vmem>>, vector<16xf32>,
      %swap3A_1320 = vector.shape_cast %swap3A_1319 : vector<16xf32> to vector<16xf32>
      %swap3A_1321 = vector.shape_cast %select_n3A_1313 : vector<16xf32> to vector<16xf32>
      tpu.vector_store %arg4[%swap3A_1318], %swap3A_1321 {strides = array<i32>} : memref<32768xf32, #tpu.memory_space<vmem>>, vector<16xf32>,
      %iota3A_1322 = tpu.iota {dimensions = array<i32: 0>} : vector<16xi32>
      %add3A_1323 = arith.constant 368 : i32
      %add3A_1324 = vector.broadcast %add3A_1323 : i32 to vector<16xi32>
      %add3A_1325 = arith.addi %iota3A_1322, %add3A_1324 : vector<16xi32>
      %ge3A_1326 = vector.broadcast %add3A_21 : i32 to vector<16xi32>
      %ge3A_1327 = arith.cmpi sge, %add3A_1325, %ge3A_1326 : vector<16xi32>
      %le3A_1328 = vector.broadcast %add3A_30 : i32 to vector<16xi32>
      %le3A_1329 = arith.cmpi sle, %add3A_1325, %le3A_1328 : vector<16xi32>
      %and3A_1330 = arith.andi %ge3A_1327, %le3A_1329 : vector<16xi1>
      %jit3A_1331 = arith.constant 1.000000e+00 : f32
      %jit3A_1332 = arith.constant 0.000000e+00 : f32
      %broadcast_in_dim3A_1333 = vector.broadcast %jit3A_1331 : f32 to vector<16xf32>
      %broadcast_in_dim3A_1334 = vector.broadcast %jit3A_1332 : f32 to vector<16xf32>
      %select_n3A_1335 = arith.select %and3A_1330, %broadcast_in_dim3A_1333, %broadcast_in_dim3A_1334 : vector<16xi1>, vector<16xf32>
      %mul3A_1336 = arith.constant 512 : i32
      %mul3A_1337 = arith.muli %scan3A_818, %mul3A_1336 : i32
      %add3A_1338 = arith.constant 368 : i32
      %add3A_1339 = arith.addi %mul3A_1337, %add3A_1338 : i32
      %swap3A_1340 = arith.index_cast %add3A_1339 : i32 to index
      %swap3A_1341 = tpu.vector_load %arg4[%swap3A_1340] {strides = array<i32>} : memref<32768xf32, #tpu.memory_space<vmem>>, vector<16xf32>,
      %swap3A_1342 = vector.shape_cast %swap3A_1341 : vector<16xf32> to vector<16xf32>
      %swap3A_1343 = vector.shape_cast %select_n3A_1335 : vector<16xf32> to vector<16xf32>
      tpu.vector_store %arg4[%swap3A_1340], %swap3A_1343 {strides = array<i32>} : memref<32768xf32, #tpu.memory_space<vmem>>, vector<16xf32>,
      %iota3A_1344 = tpu.iota {dimensions = array<i32: 0>} : vector<16xi32>
      %add3A_1345 = arith.constant 384 : i32
      %add3A_1346 = vector.broadcast %add3A_1345 : i32 to vector<16xi32>
      %add3A_1347 = arith.addi %iota3A_1344, %add3A_1346 : vector<16xi32>
      %ge3A_1348 = vector.broadcast %add3A_21 : i32 to vector<16xi32>
      %ge3A_1349 = arith.cmpi sge, %add3A_1347, %ge3A_1348 : vector<16xi32>
      %le3A_1350 = vector.broadcast %add3A_30 : i32 to vector<16xi32>
      %le3A_1351 = arith.cmpi sle, %add3A_1347, %le3A_1350 : vector<16xi32>
      %and3A_1352 = arith.andi %ge3A_1349, %le3A_1351 : vector<16xi1>
      %jit3A_1353 = arith.constant 1.000000e+00 : f32
      %jit3A_1354 = arith.constant 0.000000e+00 : f32
      %broadcast_in_dim3A_1355 = vector.broadcast %jit3A_1353 : f32 to vector<16xf32>
      %broadcast_in_dim3A_1356 = vector.broadcast %jit3A_1354 : f32 to vector<16xf32>
      %select_n3A_1357 = arith.select %and3A_1352, %broadcast_in_dim3A_1355, %broadcast_in_dim3A_1356 : vector<16xi1>, vector<16xf32>
      %mul3A_1358 = arith.constant 512 : i32
      %mul3A_1359 = arith.muli %scan3A_818, %mul3A_1358 : i32
      %add3A_1360 = arith.constant 384 : i32
      %add3A_1361 = arith.addi %mul3A_1359, %add3A_1360 : i32
      %swap3A_1362 = arith.index_cast %add3A_1361 : i32 to index
      %swap3A_1363 = tpu.vector_load %arg4[%swap3A_1362] {strides = array<i32>} : memref<32768xf32, #tpu.memory_space<vmem>>, vector<16xf32>,
      %swap3A_1364 = vector.shape_cast %swap3A_1363 : vector<16xf32> to vector<16xf32>
      %swap3A_1365 = vector.shape_cast %select_n3A_1357 : vector<16xf32> to vector<16xf32>
      tpu.vector_store %arg4[%swap3A_1362], %swap3A_1365 {strides = array<i32>} : memref<32768xf32, #tpu.memory_space<vmem>>, vector<16xf32>,
      %iota3A_1366 = tpu.iota {dimensions = array<i32: 0>} : vector<16xi32>
      %add3A_1367 = arith.constant 400 : i32
      %add3A_1368 = vector.broadcast %add3A_1367 : i32 to vector<16xi32>
      %add3A_1369 = arith.addi %iota3A_1366, %add3A_1368 : vector<16xi32>
      %ge3A_1370 = vector.broadcast %add3A_21 : i32 to vector<16xi32>
      %ge3A_1371 = arith.cmpi sge, %add3A_1369, %ge3A_1370 : vector<16xi32>
      %le3A_1372 = vector.broadcast %add3A_30 : i32 to vector<16xi32>
      %le3A_1373 = arith.cmpi sle, %add3A_1369, %le3A_1372 : vector<16xi32>
      %and3A_1374 = arith.andi %ge3A_1371, %le3A_1373 : vector<16xi1>
      %jit3A_1375 = arith.constant 1.000000e+00 : f32
      %jit3A_1376 = arith.constant 0.000000e+00 : f32
      %broadcast_in_dim3A_1377 = vector.broadcast %jit3A_1375 : f32 to vector<16xf32>
      %broadcast_in_dim3A_1378 = vector.broadcast %jit3A_1376 : f32 to vector<16xf32>
      %select_n3A_1379 = arith.select %and3A_1374, %broadcast_in_dim3A_1377, %broadcast_in_dim3A_1378 : vector<16xi1>, vector<16xf32>
      %mul3A_1380 = arith.constant 512 : i32
      %mul3A_1381 = arith.muli %scan3A_818, %mul3A_1380 : i32
      %add3A_1382 = arith.constant 400 : i32
      %add3A_1383 = arith.addi %mul3A_1381, %add3A_1382 : i32
      %swap3A_1384 = arith.index_cast %add3A_1383 : i32 to index
      %swap3A_1385 = tpu.vector_load %arg4[%swap3A_1384] {strides = array<i32>} : memref<32768xf32, #tpu.memory_space<vmem>>, vector<16xf32>,
      %swap3A_1386 = vector.shape_cast %swap3A_1385 : vector<16xf32> to vector<16xf32>
      %swap3A_1387 = vector.shape_cast %select_n3A_1379 : vector<16xf32> to vector<16xf32>
      tpu.vector_store %arg4[%swap3A_1384], %swap3A_1387 {strides = array<i32>} : memref<32768xf32, #tpu.memory_space<vmem>>, vector<16xf32>,
      %iota3A_1388 = tpu.iota {dimensions = array<i32: 0>} : vector<16xi32>
      %add3A_1389 = arith.constant 416 : i32
      %add3A_1390 = vector.broadcast %add3A_1389 : i32 to vector<16xi32>
      %add3A_1391 = arith.addi %iota3A_1388, %add3A_1390 : vector<16xi32>
      %ge3A_1392 = vector.broadcast %add3A_21 : i32 to vector<16xi32>
      %ge3A_1393 = arith.cmpi sge, %add3A_1391, %ge3A_1392 : vector<16xi32>
      %le3A_1394 = vector.broadcast %add3A_30 : i32 to vector<16xi32>
      %le3A_1395 = arith.cmpi sle, %add3A_1391, %le3A_1394 : vector<16xi32>
      %and3A_1396 = arith.andi %ge3A_1393, %le3A_1395 : vector<16xi1>
      %jit3A_1397 = arith.constant 1.000000e+00 : f32
      %jit3A_1398 = arith.constant 0.000000e+00 : f32
      %broadcast_in_dim3A_1399 = vector.broadcast %jit3A_1397 : f32 to vector<16xf32>
      %broadcast_in_dim3A_1400 = vector.broadcast %jit3A_1398 : f32 to vector<16xf32>
      %select_n3A_1401 = arith.select %and3A_1396, %broadcast_in_dim3A_1399, %broadcast_in_dim3A_1400 : vector<16xi1>, vector<16xf32>
      %mul3A_1402 = arith.constant 512 : i32
      %mul3A_1403 = arith.muli %scan3A_818, %mul3A_1402 : i32
      %add3A_1404 = arith.constant 416 : i32
      %add3A_1405 = arith.addi %mul3A_1403, %add3A_1404 : i32
      %swap3A_1406 = arith.index_cast %add3A_1405 : i32 to index
      %swap3A_1407 = tpu.vector_load %arg4[%swap3A_1406] {strides = array<i32>} : memref<32768xf32, #tpu.memory_space<vmem>>, vector<16xf32>,
      %swap3A_1408 = vector.shape_cast %swap3A_1407 : vector<16xf32> to vector<16xf32>
      %swap3A_1409 = vector.shape_cast %select_n3A_1401 : vector<16xf32> to vector<16xf32>
      tpu.vector_store %arg4[%swap3A_1406], %swap3A_1409 {strides = array<i32>} : memref<32768xf32, #tpu.memory_space<vmem>>, vector<16xf32>,
      %iota3A_1410 = tpu.iota {dimensions = array<i32: 0>} : vector<16xi32>
      %add3A_1411 = arith.constant 432 : i32
      %add3A_1412 = vector.broadcast %add3A_1411 : i32 to vector<16xi32>
      %add3A_1413 = arith.addi %iota3A_1410, %add3A_1412 : vector<16xi32>
      %ge3A_1414 = vector.broadcast %add3A_21 : i32 to vector<16xi32>
      %ge3A_1415 = arith.cmpi sge, %add3A_1413, %ge3A_1414 : vector<16xi32>
      %le3A_1416 = vector.broadcast %add3A_30 : i32 to vector<16xi32>
      %le3A_1417 = arith.cmpi sle, %add3A_1413, %le3A_1416 : vector<16xi32>
      %and3A_1418 = arith.andi %ge3A_1415, %le3A_1417 : vector<16xi1>
      %jit3A_1419 = arith.constant 1.000000e+00 : f32
      %jit3A_1420 = arith.constant 0.000000e+00 : f32
      %broadcast_in_dim3A_1421 = vector.broadcast %jit3A_1419 : f32 to vector<16xf32>
      %broadcast_in_dim3A_1422 = vector.broadcast %jit3A_1420 : f32 to vector<16xf32>
      %select_n3A_1423 = arith.select %and3A_1418, %broadcast_in_dim3A_1421, %broadcast_in_dim3A_1422 : vector<16xi1>, vector<16xf32>
      %mul3A_1424 = arith.constant 512 : i32
      %mul3A_1425 = arith.muli %scan3A_818, %mul3A_1424 : i32
      %add3A_1426 = arith.constant 432 : i32
      %add3A_1427 = arith.addi %mul3A_1425, %add3A_1426 : i32
      %swap3A_1428 = arith.index_cast %add3A_1427 : i32 to index
      %swap3A_1429 = tpu.vector_load %arg4[%swap3A_1428] {strides = array<i32>} : memref<32768xf32, #tpu.memory_space<vmem>>, vector<16xf32>,
      %swap3A_1430 = vector.shape_cast %swap3A_1429 : vector<16xf32> to vector<16xf32>
      %swap3A_1431 = vector.shape_cast %select_n3A_1423 : vector<16xf32> to vector<16xf32>
      tpu.vector_store %arg4[%swap3A_1428], %swap3A_1431 {strides = array<i32>} : memref<32768xf32, #tpu.memory_space<vmem>>, vector<16xf32>,
      %iota3A_1432 = tpu.iota {dimensions = array<i32: 0>} : vector<16xi32>
      %add3A_1433 = arith.constant 448 : i32
      %add3A_1434 = vector.broadcast %add3A_1433 : i32 to vector<16xi32>
      %add3A_1435 = arith.addi %iota3A_1432, %add3A_1434 : vector<16xi32>
      %ge3A_1436 = vector.broadcast %add3A_21 : i32 to vector<16xi32>
      %ge3A_1437 = arith.cmpi sge, %add3A_1435, %ge3A_1436 : vector<16xi32>
      %le3A_1438 = vector.broadcast %add3A_30 : i32 to vector<16xi32>
      %le3A_1439 = arith.cmpi sle, %add3A_1435, %le3A_1438 : vector<16xi32>
      %and3A_1440 = arith.andi %ge3A_1437, %le3A_1439 : vector<16xi1>
      %jit3A_1441 = arith.constant 1.000000e+00 : f32
      %jit3A_1442 = arith.constant 0.000000e+00 : f32
      %broadcast_in_dim3A_1443 = vector.broadcast %jit3A_1441 : f32 to vector<16xf32>
      %broadcast_in_dim3A_1444 = vector.broadcast %jit3A_1442 : f32 to vector<16xf32>
      %select_n3A_1445 = arith.select %and3A_1440, %broadcast_in_dim3A_1443, %broadcast_in_dim3A_1444 : vector<16xi1>, vector<16xf32>
      %mul3A_1446 = arith.constant 512 : i32
      %mul3A_1447 = arith.muli %scan3A_818, %mul3A_1446 : i32
      %add3A_1448 = arith.constant 448 : i32
      %add3A_1449 = arith.addi %mul3A_1447, %add3A_1448 : i32
      %swap3A_1450 = arith.index_cast %add3A_1449 : i32 to index
      %swap3A_1451 = tpu.vector_load %arg4[%swap3A_1450] {strides = array<i32>} : memref<32768xf32, #tpu.memory_space<vmem>>, vector<16xf32>,
      %swap3A_1452 = vector.shape_cast %swap3A_1451 : vector<16xf32> to vector<16xf32>
      %swap3A_1453 = vector.shape_cast %select_n3A_1445 : vector<16xf32> to vector<16xf32>
      tpu.vector_store %arg4[%swap3A_1450], %swap3A_1453 {strides = array<i32>} : memref<32768xf32, #tpu.memory_space<vmem>>, vector<16xf32>,
      %iota3A_1454 = tpu.iota {dimensions = array<i32: 0>} : vector<16xi32>
      %add3A_1455 = arith.constant 464 : i32
      %add3A_1456 = vector.broadcast %add3A_1455 : i32 to vector<16xi32>
      %add3A_1457 = arith.addi %iota3A_1454, %add3A_1456 : vector<16xi32>
      %ge3A_1458 = vector.broadcast %add3A_21 : i32 to vector<16xi32>
      %ge3A_1459 = arith.cmpi sge, %add3A_1457, %ge3A_1458 : vector<16xi32>
      %le3A_1460 = vector.broadcast %add3A_30 : i32 to vector<16xi32>
      %le3A_1461 = arith.cmpi sle, %add3A_1457, %le3A_1460 : vector<16xi32>
      %and3A_1462 = arith.andi %ge3A_1459, %le3A_1461 : vector<16xi1>
      %jit3A_1463 = arith.constant 1.000000e+00 : f32
      %jit3A_1464 = arith.constant 0.000000e+00 : f32
      %broadcast_in_dim3A_1465 = vector.broadcast %jit3A_1463 : f32 to vector<16xf32>
      %broadcast_in_dim3A_1466 = vector.broadcast %jit3A_1464 : f32 to vector<16xf32>
      %select_n3A_1467 = arith.select %and3A_1462, %broadcast_in_dim3A_1465, %broadcast_in_dim3A_1466 : vector<16xi1>, vector<16xf32>
      %mul3A_1468 = arith.constant 512 : i32
      %mul3A_1469 = arith.muli %scan3A_818, %mul3A_1468 : i32
      %add3A_1470 = arith.constant 464 : i32
      %add3A_1471 = arith.addi %mul3A_1469, %add3A_1470 : i32
      %swap3A_1472 = arith.index_cast %add3A_1471 : i32 to index
      %swap3A_1473 = tpu.vector_load %arg4[%swap3A_1472] {strides = array<i32>} : memref<32768xf32, #tpu.memory_space<vmem>>, vector<16xf32>,
      %swap3A_1474 = vector.shape_cast %swap3A_1473 : vector<16xf32> to vector<16xf32>
      %swap3A_1475 = vector.shape_cast %select_n3A_1467 : vector<16xf32> to vector<16xf32>
      tpu.vector_store %arg4[%swap3A_1472], %swap3A_1475 {strides = array<i32>} : memref<32768xf32, #tpu.memory_space<vmem>>, vector<16xf32>,
      %iota3A_1476 = tpu.iota {dimensions = array<i32: 0>} : vector<16xi32>
      %add3A_1477 = arith.constant 480 : i32
      %add3A_1478 = vector.broadcast %add3A_1477 : i32 to vector<16xi32>
      %add3A_1479 = arith.addi %iota3A_1476, %add3A_1478 : vector<16xi32>
      %ge3A_1480 = vector.broadcast %add3A_21 : i32 to vector<16xi32>
      %ge3A_1481 = arith.cmpi sge, %add3A_1479, %ge3A_1480 : vector<16xi32>
      %le3A_1482 = vector.broadcast %add3A_30 : i32 to vector<16xi32>
      %le3A_1483 = arith.cmpi sle, %add3A_1479, %le3A_1482 : vector<16xi32>
      %and3A_1484 = arith.andi %ge3A_1481, %le3A_1483 : vector<16xi1>
      %jit3A_1485 = arith.constant 1.000000e+00 : f32
      %jit3A_1486 = arith.constant 0.000000e+00 : f32
      %broadcast_in_dim3A_1487 = vector.broadcast %jit3A_1485 : f32 to vector<16xf32>
      %broadcast_in_dim3A_1488 = vector.broadcast %jit3A_1486 : f32 to vector<16xf32>
      %select_n3A_1489 = arith.select %and3A_1484, %broadcast_in_dim3A_1487, %broadcast_in_dim3A_1488 : vector<16xi1>, vector<16xf32>
      %mul3A_1490 = arith.constant 512 : i32
      %mul3A_1491 = arith.muli %scan3A_818, %mul3A_1490 : i32
      %add3A_1492 = arith.constant 480 : i32
      %add3A_1493 = arith.addi %mul3A_1491, %add3A_1492 : i32
      %swap3A_1494 = arith.index_cast %add3A_1493 : i32 to index
      %swap3A_1495 = tpu.vector_load %arg4[%swap3A_1494] {strides = array<i32>} : memref<32768xf32, #tpu.memory_space<vmem>>, vector<16xf32>,
      %swap3A_1496 = vector.shape_cast %swap3A_1495 : vector<16xf32> to vector<16xf32>
      %swap3A_1497 = vector.shape_cast %select_n3A_1489 : vector<16xf32> to vector<16xf32>
      tpu.vector_store %arg4[%swap3A_1494], %swap3A_1497 {strides = array<i32>} : memref<32768xf32, #tpu.memory_space<vmem>>, vector<16xf32>,
      %iota3A_1498 = tpu.iota {dimensions = array<i32: 0>} : vector<16xi32>
      %add3A_1499 = arith.constant 496 : i32
      %add3A_1500 = vector.broadcast %add3A_1499 : i32 to vector<16xi32>
      %add3A_1501 = arith.addi %iota3A_1498, %add3A_1500 : vector<16xi32>
      %ge3A_1502 = vector.broadcast %add3A_21 : i32 to vector<16xi32>
      %ge3A_1503 = arith.cmpi sge, %add3A_1501, %ge3A_1502 : vector<16xi32>
      %le3A_1504 = vector.broadcast %add3A_30 : i32 to vector<16xi32>
      %le3A_1505 = arith.cmpi sle, %add3A_1501, %le3A_1504 : vector<16xi32>
      %and3A_1506 = arith.andi %ge3A_1503, %le3A_1505 : vector<16xi1>
      %jit3A_1507 = arith.constant 1.000000e+00 : f32
      %jit3A_1508 = arith.constant 0.000000e+00 : f32
      %broadcast_in_dim3A_1509 = vector.broadcast %jit3A_1507 : f32 to vector<16xf32>
      %broadcast_in_dim3A_1510 = vector.broadcast %jit3A_1508 : f32 to vector<16xf32>
      %select_n3A_1511 = arith.select %and3A_1506, %broadcast_in_dim3A_1509, %broadcast_in_dim3A_1510 : vector<16xi1>, vector<16xf32>
      %mul3A_1512 = arith.constant 512 : i32
      %mul3A_1513 = arith.muli %scan3A_818, %mul3A_1512 : i32
      %add3A_1514 = arith.constant 496 : i32
      %add3A_1515 = arith.addi %mul3A_1513, %add3A_1514 : i32
      %swap3A_1516 = arith.index_cast %add3A_1515 : i32 to index
      %swap3A_1517 = tpu.vector_load %arg4[%swap3A_1516] {strides = array<i32>} : memref<32768xf32, #tpu.memory_space<vmem>>, vector<16xf32>,
      %swap3A_1518 = vector.shape_cast %swap3A_1517 : vector<16xf32> to vector<16xf32>
      %swap3A_1519 = vector.shape_cast %select_n3A_1511 : vector<16xf32> to vector<16xf32>
      tpu.vector_store %arg4[%swap3A_1516], %swap3A_1519 {strides = array<i32>} : memref<32768xf32, #tpu.memory_space<vmem>>, vector<16xf32>,
    }
    %scan3A_61 = arith.constant 64 : i32
    %mul3A_62 = arith.constant 512 : i32
    %mul3A_63 = arith.muli %add3A_10, %mul3A_62 : i32
    %add3A_64 = arith.addi %mul3A_63, %min3A : i32
    %add3A_65 = arith.addi %mul3A_63, %min3A : i32
    %add3A_66 = arith.addi %mul3A_63, %min3A_55 : i32
    %add3A_67 = arith.addi %mul3A_63, %min3A_55 : i32
    %add3A_68 = arith.constant 512 : i32
    %add3A_69 = arith.addi %mul3A_63, %add3A_68 : i32
    %sub3A = arith.subi %add3A_64, %mul3A_63 : i32
    %ge3A = arith.constant 64 : i32
    %ge3A_70 = arith.cmpi sge, %sub3A, %ge3A : i32
    %add3A_71 = arith.constant 64 : i32
    %add3A_72 = arith.addi %sub3A, %add3A_71 : i32
    %sub3A_73 = arith.constant 1 : i32
    %sub3A_74 = arith.subi %add3A_72, %sub3A_73 : i32
    %jit3A_75 = arith.constant 64 : i32
    %div3A = arith.divsi %sub3A_74, %jit3A_75 : i32
    %sign3A = arith.constant 0 : i32
    %sign3A_76 = arith.cmpi sgt, %sub3A_74, %sign3A : i32
    %sign3A_77 = arith.extui %sign3A_76 : i1 to i32
    %sign3A_78 = arith.constant 0 : i32
    %sign3A_79 = arith.cmpi slt, %sub3A_74, %sign3A_78 : i32
    %sign3A_80 = arith.extui %sign3A_79 : i1 to i32
    %sign3A_81 = arith.subi %sign3A_77, %sign3A_80 : i32
    %sign3A_82 = arith.constant 0 : i32
    %sign3A_83 = arith.cmpi sgt, %jit3A_75, %sign3A_82 : i32
    %sign3A_84 = arith.extui %sign3A_83 : i1 to i32
    %sign3A_85 = arith.constant 0 : i32
    %sign3A_86 = arith.cmpi slt, %jit3A_75, %sign3A_85 : i32
    %sign3A_87 = arith.extui %sign3A_86 : i1 to i32
    %sign3A_88 = arith.subi %sign3A_84, %sign3A_87 : i32
    %ne3A = arith.cmpi ne, %sign3A_81, %sign3A_88 : i32
    %rem3A = arith.remsi %sub3A_74, %jit3A_75 : i32
    %ne3A_89 = arith.constant 0 : i32
    %ne3A_90 = arith.cmpi ne, %rem3A, %ne3A_89 : i32
    %and3A = arith.andi %ne3A, %ne3A_90 : i1
    %sub3A_91 = arith.constant 1 : i32
    %sub3A_92 = arith.subi %div3A, %sub3A_91 : i32
    %select_n3A_93 = arith.select %and3A, %sub3A_92, %div3A : i32
    %jit3A_94 = arith.constant 0 : i32
    %select_n3A_95 = arith.select %ge3A_70, %select_n3A_93, %jit3A_94 : i32
    %max3A_96 = arith.constant 0 : i32
    %max3A_97 = arith.maxsi %sub3A, %max3A_96 : i32
    %jit3A_98 = arith.constant 0 : i32
    %select_n3A_99 = arith.select %ge3A_70, %jit3A_98, %max3A_97 : i32
    %while3A = arith.constant 0 : i32
    %while3A_100 = arith.constant 0 : i32
    %while3A_101 = arith.subi %select_n3A_95, %while3A_100 : i32
    %while3A_102 = arith.addi %while3A_100, %while3A_101 : i32
    %while3A_103 = arith.constant 1 : i32
    %while3A_104 = arith.divsi %while3A_101, %while3A_103 : i32
    %while3A_105 = arith.muli %while3A_104, %while3A_103 : i32
    %while3A_106 = arith.addi %while3A_100, %while3A_105 : i32
    %while3A_107 = arith.constant 1 : i32
    scf.for %while3A_818 = %while3A_100 to %while3A_106 step %while3A_107  : i32 {
      %mul3A_819 = arith.constant 64 : i32
      %mul3A_820 = arith.muli %while3A_818, %mul3A_819 : i32
      %add3A_821 = arith.addi %mul3A_63, %mul3A_820 : i32
      %sub3A_822 = arith.constant 64 : i32
      %sub3A_823 = arith.subi %add3A_64, %sub3A_822 : i32
      %min3A_824 = arith.minsi %add3A_821, %sub3A_823 : i32
      %mul3A_825 = arith.constant 512 : i32
      %mul3A_826 = arith.muli %min3A_824, %mul3A_825 : i32
      %dma_start3A = arith.constant 0 : i32
      %dma_start3A_827 = tpu.memref_slice %arg6[%dma_start3A] : memref<32768xf32, #tpu.memory_space<vmem>> -> memref<32768xf32, #tpu.memory_space<vmem>>
      %dma_start3A_828 = tpu.memref_slice %arg3[%mul3A_826] : memref<16777216xf32, #tpu.memory_space<hbm>> -> memref<32768xf32, #tpu.memory_space<hbm>>
      %dma_start3A_829 = tpu.memref_slice %arg3[%mul3A_826] : memref<16777216xf32, #tpu.memory_space<hbm>> -> memref<32768xf32, #tpu.memory_space<hbm>>
      %dma_start3A_830 = arith.constant 0 : i32
      %dma_start3A_831 = tpu.memref_slice %arg6[%dma_start3A_830] : memref<32768xf32, #tpu.memory_space<vmem>> -> memref<32768xf32, #tpu.memory_space<vmem>>
      tpu.enqueue_dma source(%dma_start3A_831 : memref<32768xf32, #tpu.memory_space<vmem>>) target(%dma_start3A_829 : memref<32768xf32, #tpu.memory_space<hbm>>) target_semaphore(%arg8 : memref<!tpu.dma_semaphore, #tpu.memory_space<semaphore_mem>>)
    }
    %while3A_108 = arith.constant 1 : i32
    scf.for %while3A_818 = %while3A_106 to %while3A_102 step %while3A_108  : i32 {
      %mul3A_819 = arith.constant 64 : i32
      %mul3A_820 = arith.muli %while3A_818, %mul3A_819 : i32
      %add3A_821 = arith.addi %mul3A_63, %mul3A_820 : i32
      %sub3A_822 = arith.constant 64 : i32
      %sub3A_823 = arith.subi %add3A_64, %sub3A_822 : i32
      %min3A_824 = arith.minsi %add3A_821, %sub3A_823 : i32
      %mul3A_825 = arith.constant 512 : i32
      %mul3A_826 = arith.muli %min3A_824, %mul3A_825 : i32
      %dma_start3A = arith.constant 0 : i32
      %dma_start3A_827 = tpu.memref_slice %arg6[%dma_start3A] : memref<32768xf32, #tpu.memory_space<vmem>> -> memref<32768xf32, #tpu.memory_space<vmem>>
      %dma_start3A_828 = tpu.memref_slice %arg3[%mul3A_826] : memref<16777216xf32, #tpu.memory_space<hbm>> -> memref<32768xf32, #tpu.memory_space<hbm>>
      %dma_start3A_829 = tpu.memref_slice %arg3[%mul3A_826] : memref<16777216xf32, #tpu.memory_space<hbm>> -> memref<32768xf32, #tpu.memory_space<hbm>>
      %dma_start3A_830 = arith.constant 0 : i32
      %dma_start3A_831 = tpu.memref_slice %arg6[%dma_start3A_830] : memref<32768xf32, #tpu.memory_space<vmem>> -> memref<32768xf32, #tpu.memory_space<vmem>>
      tpu.enqueue_dma source(%dma_start3A_831 : memref<32768xf32, #tpu.memory_space<vmem>>) target(%dma_start3A_829 : memref<32768xf32, #tpu.memory_space<hbm>>) target_semaphore(%arg8 : memref<!tpu.dma_semaphore, #tpu.memory_space<semaphore_mem>>)
    }
    %while3A_109 = arith.constant 0 : i32
    %while3A_110 = arith.constant 0 : i32
    %while3A_111 = arith.subi %select_n3A_99, %while3A_110 : i32
    %while3A_112 = arith.addi %while3A_110, %while3A_111 : i32
    %while3A_113 = arith.constant 1 : i32
    %while3A_114 = arith.divsi %while3A_111, %while3A_113 : i32
    %while3A_115 = arith.muli %while3A_114, %while3A_113 : i32
    %while3A_116 = arith.addi %while3A_110, %while3A_115 : i32
    %while3A_117 = arith.constant 1 : i32
    scf.for %while3A_818 = %while3A_110 to %while3A_116 step %while3A_117  : i32 {
      %add3A_819 = arith.addi %mul3A_63, %while3A_818 : i32
      %mul3A_820 = arith.constant 512 : i32
      %mul3A_821 = arith.muli %add3A_819, %mul3A_820 : i32
      %dma_start3A = arith.constant 0 : i32
      %dma_start3A_822 = tpu.memref_slice %arg6[%dma_start3A] : memref<32768xf32, #tpu.memory_space<vmem>> -> memref<512xf32, #tpu.memory_space<vmem>>
      %dma_start3A_823 = tpu.memref_slice %arg3[%mul3A_821] : memref<16777216xf32, #tpu.memory_space<hbm>> -> memref<512xf32, #tpu.memory_space<hbm>>
      %dma_start3A_824 = tpu.memref_slice %arg3[%mul3A_821] : memref<16777216xf32, #tpu.memory_space<hbm>> -> memref<512xf32, #tpu.memory_space<hbm>>
      %dma_start3A_825 = arith.constant 0 : i32
      %dma_start3A_826 = tpu.memref_slice %arg6[%dma_start3A_825] : memref<32768xf32, #tpu.memory_space<vmem>> -> memref<512xf32, #tpu.memory_space<vmem>>
      tpu.enqueue_dma source(%dma_start3A_826 : memref<512xf32, #tpu.memory_space<vmem>>) target(%dma_start3A_824 : memref<512xf32, #tpu.memory_space<hbm>>) target_semaphore(%arg8 : memref<!tpu.dma_semaphore, #tpu.memory_space<semaphore_mem>>)
    }
    %while3A_118 = arith.constant 1 : i32
    scf.for %while3A_818 = %while3A_116 to %while3A_112 step %while3A_118  : i32 {
      %add3A_819 = arith.addi %mul3A_63, %while3A_818 : i32
      %mul3A_820 = arith.constant 512 : i32
      %mul3A_821 = arith.muli %add3A_819, %mul3A_820 : i32
      %dma_start3A = arith.constant 0 : i32
      %dma_start3A_822 = tpu.memref_slice %arg6[%dma_start3A] : memref<32768xf32, #tpu.memory_space<vmem>> -> memref<512xf32, #tpu.memory_space<vmem>>
      %dma_start3A_823 = tpu.memref_slice %arg3[%mul3A_821] : memref<16777216xf32, #tpu.memory_space<hbm>> -> memref<512xf32, #tpu.memory_space<hbm>>
      %dma_start3A_824 = tpu.memref_slice %arg3[%mul3A_821] : memref<16777216xf32, #tpu.memory_space<hbm>> -> memref<512xf32, #tpu.memory_space<hbm>>
      %dma_start3A_825 = arith.constant 0 : i32
      %dma_start3A_826 = tpu.memref_slice %arg6[%dma_start3A_825] : memref<32768xf32, #tpu.memory_space<vmem>> -> memref<512xf32, #tpu.memory_space<vmem>>
      tpu.enqueue_dma source(%dma_start3A_826 : memref<512xf32, #tpu.memory_space<vmem>>) target(%dma_start3A_824 : memref<512xf32, #tpu.memory_space<hbm>>) target_semaphore(%arg8 : memref<!tpu.dma_semaphore, #tpu.memory_space<semaphore_mem>>)
    }
    %sub3A_119 = arith.subi %add3A_66, %add3A_65 : i32
    %ge3A_120 = arith.constant 64 : i32
    %ge3A_121 = arith.cmpi sge, %sub3A_119, %ge3A_120 : i32
    %add3A_122 = arith.constant 64 : i32
    %add3A_123 = arith.addi %sub3A_119, %add3A_122 : i32
    %sub3A_124 = arith.constant 1 : i32
    %sub3A_125 = arith.subi %add3A_123, %sub3A_124 : i32
    %jit3A_126 = arith.constant 64 : i32
    %div3A_127 = arith.divsi %sub3A_125, %jit3A_126 : i32
    %sign3A_128 = arith.constant 0 : i32
    %sign3A_129 = arith.cmpi sgt, %sub3A_125, %sign3A_128 : i32
    %sign3A_130 = arith.extui %sign3A_129 : i1 to i32
    %sign3A_131 = arith.constant 0 : i32
    %sign3A_132 = arith.cmpi slt, %sub3A_125, %sign3A_131 : i32
    %sign3A_133 = arith.extui %sign3A_132 : i1 to i32
    %sign3A_134 = arith.subi %sign3A_130, %sign3A_133 : i32
    %sign3A_135 = arith.constant 0 : i32
    %sign3A_136 = arith.cmpi sgt, %jit3A_126, %sign3A_135 : i32
    %sign3A_137 = arith.extui %sign3A_136 : i1 to i32
    %sign3A_138 = arith.constant 0 : i32
    %sign3A_139 = arith.cmpi slt, %jit3A_126, %sign3A_138 : i32
    %sign3A_140 = arith.extui %sign3A_139 : i1 to i32
    %sign3A_141 = arith.subi %sign3A_137, %sign3A_140 : i32
    %ne3A_142 = arith.cmpi ne, %sign3A_134, %sign3A_141 : i32
    %rem3A_143 = arith.remsi %sub3A_125, %jit3A_126 : i32
    %ne3A_144 = arith.constant 0 : i32
    %ne3A_145 = arith.cmpi ne, %rem3A_143, %ne3A_144 : i32
    %and3A_146 = arith.andi %ne3A_142, %ne3A_145 : i1
    %sub3A_147 = arith.constant 1 : i32
    %sub3A_148 = arith.subi %div3A_127, %sub3A_147 : i32
    %select_n3A_149 = arith.select %and3A_146, %sub3A_148, %div3A_127 : i32
    %jit3A_150 = arith.constant 0 : i32
    %select_n3A_151 = arith.select %ge3A_121, %select_n3A_149, %jit3A_150 : i32
    %max3A_152 = arith.constant 0 : i32
    %max3A_153 = arith.maxsi %sub3A_119, %max3A_152 : i32
    %jit3A_154 = arith.constant 0 : i32
    %select_n3A_155 = arith.select %ge3A_121, %jit3A_154, %max3A_153 : i32
    %while3A_156 = arith.constant 0 : i32
    %while3A_157 = arith.constant 0 : i32
    %while3A_158 = arith.subi %select_n3A_151, %while3A_157 : i32
    %while3A_159 = arith.addi %while3A_157, %while3A_158 : i32
    %while3A_160 = arith.constant 1 : i32
    %while3A_161 = arith.divsi %while3A_158, %while3A_160 : i32
    %while3A_162 = arith.muli %while3A_161, %while3A_160 : i32
    %while3A_163 = arith.addi %while3A_157, %while3A_162 : i32
    %while3A_164 = arith.constant 1 : i32
    scf.for %while3A_818 = %while3A_157 to %while3A_163 step %while3A_164  : i32 {
      %mul3A_819 = arith.constant 64 : i32
      %mul3A_820 = arith.muli %while3A_818, %mul3A_819 : i32
      %add3A_821 = arith.addi %add3A_65, %mul3A_820 : i32
      %sub3A_822 = arith.constant 64 : i32
      %sub3A_823 = arith.subi %add3A_66, %sub3A_822 : i32
      %min3A_824 = arith.minsi %add3A_821, %sub3A_823 : i32
      %mul3A_825 = arith.constant 512 : i32
      %mul3A_826 = arith.muli %min3A_824, %mul3A_825 : i32
      %dma_start3A = arith.constant 0 : i32
      %dma_start3A_827 = tpu.memref_slice %arg4[%dma_start3A] : memref<32768xf32, #tpu.memory_space<vmem>> -> memref<32768xf32, #tpu.memory_space<vmem>>
      %dma_start3A_828 = tpu.memref_slice %arg3[%mul3A_826] : memref<16777216xf32, #tpu.memory_space<hbm>> -> memref<32768xf32, #tpu.memory_space<hbm>>
      %dma_start3A_829 = tpu.memref_slice %arg3[%mul3A_826] : memref<16777216xf32, #tpu.memory_space<hbm>> -> memref<32768xf32, #tpu.memory_space<hbm>>
      %dma_start3A_830 = arith.constant 0 : i32
      %dma_start3A_831 = tpu.memref_slice %arg4[%dma_start3A_830] : memref<32768xf32, #tpu.memory_space<vmem>> -> memref<32768xf32, #tpu.memory_space<vmem>>
      tpu.enqueue_dma source(%dma_start3A_831 : memref<32768xf32, #tpu.memory_space<vmem>>) target(%dma_start3A_829 : memref<32768xf32, #tpu.memory_space<hbm>>) target_semaphore(%arg8 : memref<!tpu.dma_semaphore, #tpu.memory_space<semaphore_mem>>)
    }
    %while3A_165 = arith.constant 1 : i32
    scf.for %while3A_818 = %while3A_163 to %while3A_159 step %while3A_165  : i32 {
      %mul3A_819 = arith.constant 64 : i32
      %mul3A_820 = arith.muli %while3A_818, %mul3A_819 : i32
      %add3A_821 = arith.addi %add3A_65, %mul3A_820 : i32
      %sub3A_822 = arith.constant 64 : i32
      %sub3A_823 = arith.subi %add3A_66, %sub3A_822 : i32
      %min3A_824 = arith.minsi %add3A_821, %sub3A_823 : i32
      %mul3A_825 = arith.constant 512 : i32
      %mul3A_826 = arith.muli %min3A_824, %mul3A_825 : i32
      %dma_start3A = arith.constant 0 : i32
      %dma_start3A_827 = tpu.memref_slice %arg4[%dma_start3A] : memref<32768xf32, #tpu.memory_space<vmem>> -> memref<32768xf32, #tpu.memory_space<vmem>>
      %dma_start3A_828 = tpu.memref_slice %arg3[%mul3A_826] : memref<16777216xf32, #tpu.memory_space<hbm>> -> memref<32768xf32, #tpu.memory_space<hbm>>
      %dma_start3A_829 = tpu.memref_slice %arg3[%mul3A_826] : memref<16777216xf32, #tpu.memory_space<hbm>> -> memref<32768xf32, #tpu.memory_space<hbm>>
      %dma_start3A_830 = arith.constant 0 : i32
      %dma_start3A_831 = tpu.memref_slice %arg4[%dma_start3A_830] : memref<32768xf32, #tpu.memory_space<vmem>> -> memref<32768xf32, #tpu.memory_space<vmem>>
      tpu.enqueue_dma source(%dma_start3A_831 : memref<32768xf32, #tpu.memory_space<vmem>>) target(%dma_start3A_829 : memref<32768xf32, #tpu.memory_space<hbm>>) target_semaphore(%arg8 : memref<!tpu.dma_semaphore, #tpu.memory_space<semaphore_mem>>)
    }
    %while3A_166 = arith.constant 0 : i32
    %while3A_167 = arith.constant 0 : i32
    %while3A_168 = arith.subi %select_n3A_155, %while3A_167 : i32
    %while3A_169 = arith.addi %while3A_167, %while3A_168 : i32
    %while3A_170 = arith.constant 1 : i32
    %while3A_171 = arith.divsi %while3A_168, %while3A_170 : i32
    %while3A_172 = arith.muli %while3A_171, %while3A_170 : i32
    %while3A_173 = arith.addi %while3A_167, %while3A_172 : i32
    %while3A_174 = arith.constant 1 : i32
    scf.for %while3A_818 = %while3A_167 to %while3A_173 step %while3A_174  : i32 {
      %add3A_819 = arith.addi %add3A_65, %while3A_818 : i32
      %mul3A_820 = arith.constant 512 : i32
      %mul3A_821 = arith.muli %add3A_819, %mul3A_820 : i32
      %dma_start3A = arith.constant 0 : i32
      %dma_start3A_822 = tpu.memref_slice %arg4[%dma_start3A] : memref<32768xf32, #tpu.memory_space<vmem>> -> memref<512xf32, #tpu.memory_space<vmem>>
      %dma_start3A_823 = tpu.memref_slice %arg3[%mul3A_821] : memref<16777216xf32, #tpu.memory_space<hbm>> -> memref<512xf32, #tpu.memory_space<hbm>>
      %dma_start3A_824 = tpu.memref_slice %arg3[%mul3A_821] : memref<16777216xf32, #tpu.memory_space<hbm>> -> memref<512xf32, #tpu.memory_space<hbm>>
      %dma_start3A_825 = arith.constant 0 : i32
      %dma_start3A_826 = tpu.memref_slice %arg4[%dma_start3A_825] : memref<32768xf32, #tpu.memory_space<vmem>> -> memref<512xf32, #tpu.memory_space<vmem>>
      tpu.enqueue_dma source(%dma_start3A_826 : memref<512xf32, #tpu.memory_space<vmem>>) target(%dma_start3A_824 : memref<512xf32, #tpu.memory_space<hbm>>) target_semaphore(%arg8 : memref<!tpu.dma_semaphore, #tpu.memory_space<semaphore_mem>>)
    }
    %while3A_175 = arith.constant 1 : i32
    scf.for %while3A_818 = %while3A_173 to %while3A_169 step %while3A_175  : i32 {
      %add3A_819 = arith.addi %add3A_65, %while3A_818 : i32
      %mul3A_820 = arith.constant 512 : i32
      %mul3A_821 = arith.muli %add3A_819, %mul3A_820 : i32
      %dma_start3A = arith.constant 0 : i32
      %dma_start3A_822 = tpu.memref_slice %arg4[%dma_start3A] : memref<32768xf32, #tpu.memory_space<vmem>> -> memref<512xf32, #tpu.memory_space<vmem>>
      %dma_start3A_823 = tpu.memref_slice %arg3[%mul3A_821] : memref<16777216xf32, #tpu.memory_space<hbm>> -> memref<512xf32, #tpu.memory_space<hbm>>
      %dma_start3A_824 = tpu.memref_slice %arg3[%mul3A_821] : memref<16777216xf32, #tpu.memory_space<hbm>> -> memref<512xf32, #tpu.memory_space<hbm>>
      %dma_start3A_825 = arith.constant 0 : i32
      %dma_start3A_826 = tpu.memref_slice %arg4[%dma_start3A_825] : memref<32768xf32, #tpu.memory_space<vmem>> -> memref<512xf32, #tpu.memory_space<vmem>>
      tpu.enqueue_dma source(%dma_start3A_826 : memref<512xf32, #tpu.memory_space<vmem>>) target(%dma_start3A_824 : memref<512xf32, #tpu.memory_space<hbm>>) target_semaphore(%arg8 : memref<!tpu.dma_semaphore, #tpu.memory_space<semaphore_mem>>)
    }
    %sub3A_176 = arith.subi %add3A_69, %add3A_67 : i32
    %ge3A_177 = arith.constant 64 : i32
    %ge3A_178 = arith.cmpi sge, %sub3A_176, %ge3A_177 : i32
    %add3A_179 = arith.constant 64 : i32
    %add3A_180 = arith.addi %sub3A_176, %add3A_179 : i32
    %sub3A_181 = arith.constant 1 : i32
    %sub3A_182 = arith.subi %add3A_180, %sub3A_181 : i32
    %jit3A_183 = arith.constant 64 : i32
    %div3A_184 = arith.divsi %sub3A_182, %jit3A_183 : i32
    %sign3A_185 = arith.constant 0 : i32
    %sign3A_186 = arith.cmpi sgt, %sub3A_182, %sign3A_185 : i32
    %sign3A_187 = arith.extui %sign3A_186 : i1 to i32
    %sign3A_188 = arith.constant 0 : i32
    %sign3A_189 = arith.cmpi slt, %sub3A_182, %sign3A_188 : i32
    %sign3A_190 = arith.extui %sign3A_189 : i1 to i32
    %sign3A_191 = arith.subi %sign3A_187, %sign3A_190 : i32
    %sign3A_192 = arith.constant 0 : i32
    %sign3A_193 = arith.cmpi sgt, %jit3A_183, %sign3A_192 : i32
    %sign3A_194 = arith.extui %sign3A_193 : i1 to i32
    %sign3A_195 = arith.constant 0 : i32
    %sign3A_196 = arith.cmpi slt, %jit3A_183, %sign3A_195 : i32
    %sign3A_197 = arith.extui %sign3A_196 : i1 to i32
    %sign3A_198 = arith.subi %sign3A_194, %sign3A_197 : i32
    %ne3A_199 = arith.cmpi ne, %sign3A_191, %sign3A_198 : i32
    %rem3A_200 = arith.remsi %sub3A_182, %jit3A_183 : i32
    %ne3A_201 = arith.constant 0 : i32
    %ne3A_202 = arith.cmpi ne, %rem3A_200, %ne3A_201 : i32
    %and3A_203 = arith.andi %ne3A_199, %ne3A_202 : i1
    %sub3A_204 = arith.constant 1 : i32
    %sub3A_205 = arith.subi %div3A_184, %sub3A_204 : i32
    %select_n3A_206 = arith.select %and3A_203, %sub3A_205, %div3A_184 : i32
    %jit3A_207 = arith.constant 0 : i32
    %select_n3A_208 = arith.select %ge3A_178, %select_n3A_206, %jit3A_207 : i32
    %max3A_209 = arith.constant 0 : i32
    %max3A_210 = arith.maxsi %sub3A_176, %max3A_209 : i32
    %jit3A_211 = arith.constant 0 : i32
    %select_n3A_212 = arith.select %ge3A_178, %jit3A_211, %max3A_210 : i32
    %while3A_213 = arith.constant 0 : i32
    %while3A_214 = arith.constant 0 : i32
    %while3A_215 = arith.subi %select_n3A_208, %while3A_214 : i32
    %while3A_216 = arith.addi %while3A_214, %while3A_215 : i32
    %while3A_217 = arith.constant 1 : i32
    %while3A_218 = arith.divsi %while3A_215, %while3A_217 : i32
    %while3A_219 = arith.muli %while3A_218, %while3A_217 : i32
    %while3A_220 = arith.addi %while3A_214, %while3A_219 : i32
    %while3A_221 = arith.constant 1 : i32
    scf.for %while3A_818 = %while3A_214 to %while3A_220 step %while3A_221  : i32 {
      %mul3A_819 = arith.constant 64 : i32
      %mul3A_820 = arith.muli %while3A_818, %mul3A_819 : i32
      %add3A_821 = arith.addi %add3A_67, %mul3A_820 : i32
      %sub3A_822 = arith.constant 64 : i32
      %sub3A_823 = arith.subi %add3A_69, %sub3A_822 : i32
      %min3A_824 = arith.minsi %add3A_821, %sub3A_823 : i32
      %mul3A_825 = arith.constant 512 : i32
      %mul3A_826 = arith.muli %min3A_824, %mul3A_825 : i32
      %dma_start3A = arith.constant 0 : i32
      %dma_start3A_827 = tpu.memref_slice %arg6[%dma_start3A] : memref<32768xf32, #tpu.memory_space<vmem>> -> memref<32768xf32, #tpu.memory_space<vmem>>
      %dma_start3A_828 = tpu.memref_slice %arg3[%mul3A_826] : memref<16777216xf32, #tpu.memory_space<hbm>> -> memref<32768xf32, #tpu.memory_space<hbm>>
      %dma_start3A_829 = tpu.memref_slice %arg3[%mul3A_826] : memref<16777216xf32, #tpu.memory_space<hbm>> -> memref<32768xf32, #tpu.memory_space<hbm>>
      %dma_start3A_830 = arith.constant 0 : i32
      %dma_start3A_831 = tpu.memref_slice %arg6[%dma_start3A_830] : memref<32768xf32, #tpu.memory_space<vmem>> -> memref<32768xf32, #tpu.memory_space<vmem>>
      tpu.enqueue_dma source(%dma_start3A_831 : memref<32768xf32, #tpu.memory_space<vmem>>) target(%dma_start3A_829 : memref<32768xf32, #tpu.memory_space<hbm>>) target_semaphore(%arg8 : memref<!tpu.dma_semaphore, #tpu.memory_space<semaphore_mem>>)
    }
    %while3A_222 = arith.constant 1 : i32
    scf.for %while3A_818 = %while3A_220 to %while3A_216 step %while3A_222  : i32 {
      %mul3A_819 = arith.constant 64 : i32
      %mul3A_820 = arith.muli %while3A_818, %mul3A_819 : i32
      %add3A_821 = arith.addi %add3A_67, %mul3A_820 : i32
      %sub3A_822 = arith.constant 64 : i32
      %sub3A_823 = arith.subi %add3A_69, %sub3A_822 : i32
      %min3A_824 = arith.minsi %add3A_821, %sub3A_823 : i32
      %mul3A_825 = arith.constant 512 : i32
      %mul3A_826 = arith.muli %min3A_824, %mul3A_825 : i32
      %dma_start3A = arith.constant 0 : i32
      %dma_start3A_827 = tpu.memref_slice %arg6[%dma_start3A] : memref<32768xf32, #tpu.memory_space<vmem>> -> memref<32768xf32, #tpu.memory_space<vmem>>
      %dma_start3A_828 = tpu.memref_slice %arg3[%mul3A_826] : memref<16777216xf32, #tpu.memory_space<hbm>> -> memref<32768xf32, #tpu.memory_space<hbm>>
      %dma_start3A_829 = tpu.memref_slice %arg3[%mul3A_826] : memref<16777216xf32, #tpu.memory_space<hbm>> -> memref<32768xf32, #tpu.memory_space<hbm>>
      %dma_start3A_830 = arith.constant 0 : i32
      %dma_start3A_831 = tpu.memref_slice %arg6[%dma_start3A_830] : memref<32768xf32, #tpu.memory_space<vmem>> -> memref<32768xf32, #tpu.memory_space<vmem>>
      tpu.enqueue_dma source(%dma_start3A_831 : memref<32768xf32, #tpu.memory_space<vmem>>) target(%dma_start3A_829 : memref<32768xf32, #tpu.memory_space<hbm>>) target_semaphore(%arg8 : memref<!tpu.dma_semaphore, #tpu.memory_space<semaphore_mem>>)
    }
    %while3A_223 = arith.constant 0 : i32
    %while3A_224 = arith.constant 0 : i32
    %while3A_225 = arith.subi %select_n3A_212, %while3A_224 : i32
    %while3A_226 = arith.addi %while3A_224, %while3A_225 : i32
    %while3A_227 = arith.constant 1 : i32
    %while3A_228 = arith.divsi %while3A_225, %while3A_227 : i32
    %while3A_229 = arith.muli %while3A_228, %while3A_227 : i32
    %while3A_230 = arith.addi %while3A_224, %while3A_229 : i32
    %while3A_231 = arith.constant 1 : i32
    scf.for %while3A_818 = %while3A_224 to %while3A_230 step %while3A_231  : i32 {
      %add3A_819 = arith.addi %add3A_67, %while3A_818 : i32
      %mul3A_820 = arith.constant 512 : i32
      %mul3A_821 = arith.muli %add3A_819, %mul3A_820 : i32
      %dma_start3A = arith.constant 0 : i32
      %dma_start3A_822 = tpu.memref_slice %arg6[%dma_start3A] : memref<32768xf32, #tpu.memory_space<vmem>> -> memref<512xf32, #tpu.memory_space<vmem>>
      %dma_start3A_823 = tpu.memref_slice %arg3[%mul3A_821] : memref<16777216xf32, #tpu.memory_space<hbm>> -> memref<512xf32, #tpu.memory_space<hbm>>
      %dma_start3A_824 = tpu.memref_slice %arg3[%mul3A_821] : memref<16777216xf32, #tpu.memory_space<hbm>> -> memref<512xf32, #tpu.memory_space<hbm>>
      %dma_start3A_825 = arith.constant 0 : i32
      %dma_start3A_826 = tpu.memref_slice %arg6[%dma_start3A_825] : memref<32768xf32, #tpu.memory_space<vmem>> -> memref<512xf32, #tpu.memory_space<vmem>>
      tpu.enqueue_dma source(%dma_start3A_826 : memref<512xf32, #tpu.memory_space<vmem>>) target(%dma_start3A_824 : memref<512xf32, #tpu.memory_space<hbm>>) target_semaphore(%arg8 : memref<!tpu.dma_semaphore, #tpu.memory_space<semaphore_mem>>)
    }
    %while3A_232 = arith.constant 1 : i32
    scf.for %while3A_818 = %while3A_230 to %while3A_226 step %while3A_232  : i32 {
      %add3A_819 = arith.addi %add3A_67, %while3A_818 : i32
      %mul3A_820 = arith.constant 512 : i32
      %mul3A_821 = arith.muli %add3A_819, %mul3A_820 : i32
      %dma_start3A = arith.constant 0 : i32
      %dma_start3A_822 = tpu.memref_slice %arg6[%dma_start3A] : memref<32768xf32, #tpu.memory_space<vmem>> -> memref<512xf32, #tpu.memory_space<vmem>>
      %dma_start3A_823 = tpu.memref_slice %arg3[%mul3A_821] : memref<16777216xf32, #tpu.memory_space<hbm>> -> memref<512xf32, #tpu.memory_space<hbm>>
      %dma_start3A_824 = tpu.memref_slice %arg3[%mul3A_821] : memref<16777216xf32, #tpu.memory_space<hbm>> -> memref<512xf32, #tpu.memory_space<hbm>>
      %dma_start3A_825 = arith.constant 0 : i32
      %dma_start3A_826 = tpu.memref_slice %arg6[%dma_start3A_825] : memref<32768xf32, #tpu.memory_space<vmem>> -> memref<512xf32, #tpu.memory_space<vmem>>
      tpu.enqueue_dma source(%dma_start3A_826 : memref<512xf32, #tpu.memory_space<vmem>>) target(%dma_start3A_824 : memref<512xf32, #tpu.memory_space<hbm>>) target_semaphore(%arg8 : memref<!tpu.dma_semaphore, #tpu.memory_space<semaphore_mem>>)
    }
    %mul3A_233 = arith.constant 2 : i32
    %mul3A_234 = arith.muli %add3A, %mul3A_233 : i32
    %add3A_235 = arith.constant 1 : i32
    %add3A_236 = arith.addi %mul3A_234, %add3A_235 : i32
    %mul3A_237 = arith.constant 2 : i32
    %mul3A_238 = arith.muli %mul3A_237, %add3A_236 : i32
    %get3A_239 = arith.index_cast %mul3A_238 : i32 to index
    %get3A_240 = tpu.vector_load %arg7[%get3A_239] {strides = array<i32>} : memref<144xf32, #tpu.memory_space<vmem>>, vector<16xf32>,
    %get3A_241 = vector.shape_cast %get3A_240 : vector<16xf32> to vector<16xf32>
    %slice3A_242 = vector.extract_strided_slice %get3A_241 {offsets = [0], sizes = [1], strides = [1]} : vector<16xf32> to vector<1xf32>
    %squeeze3A_243 = vector.extract %slice3A_242[0] : f32 from vector<1xf32>
    %slice3A_244 = vector.extract_strided_slice %get3A_241 {offsets = [1], sizes = [1], strides = [1]} : vector<16xf32> to vector<1xf32>
    %squeeze3A_245 = vector.extract %slice3A_244[0] : f32 from vector<1xf32>
    %add3A_246 = arith.constant 1.280000e+02 : f32
    %add3A_247 = arith.addf %add3A_246, %squeeze3A_243 : f32
    %convert_element_type3A_248 = arith.fptosi %add3A_247 : f32 to i32
    %convert_element_type3A_249 = arith.sitofp %convert_element_type3A_248 : i32 to f32
    %gt3A_250 = arith.cmpf ogt, %add3A_247, %convert_element_type3A_249 : f32
    %jit3A_251 = arith.constant 1 : i32
    %jit3A_252 = arith.constant 0 : i32
    %select_n3A_253 = arith.select %gt3A_250, %jit3A_251, %jit3A_252 : i32
    %add3A_254 = arith.addi %convert_element_type3A_248, %select_n3A_253 : i32
    %add3A_255 = arith.constant 3.840000e+02 : f32
    %add3A_256 = arith.addf %add3A_255, %squeeze3A_243 : f32
    %convert_element_type3A_257 = arith.fptosi %add3A_256 : f32 to i32
    %convert_element_type3A_258 = arith.sitofp %convert_element_type3A_257 : i32 to f32
    %gt3A_259 = arith.cmpf ogt, %add3A_256, %convert_element_type3A_258 : f32
    %jit3A_260 = arith.constant 1 : i32
    %jit3A_261 = arith.constant 0 : i32
    %select_n3A_262 = arith.select %gt3A_259, %jit3A_260, %jit3A_261 : i32
    %add3A_263 = arith.addi %convert_element_type3A_257, %select_n3A_262 : i32
    %add3A_264 = arith.constant 1.280000e+02 : f32
    %add3A_265 = arith.addf %add3A_264, %squeeze3A_245 : f32
    %convert_element_type3A_266 = arith.fptosi %add3A_265 : f32 to i32
    %convert_element_type3A_267 = arith.sitofp %convert_element_type3A_266 : i32 to f32
    %gt3A_268 = arith.cmpf ogt, %add3A_265, %convert_element_type3A_267 : f32
    %jit3A_269 = arith.constant 1 : i32
    %jit3A_270 = arith.constant 0 : i32
    %select_n3A_271 = arith.select %gt3A_268, %jit3A_269, %jit3A_270 : i32
    %add3A_272 = arith.addi %convert_element_type3A_266, %select_n3A_271 : i32
    %add3A_273 = arith.constant 3.840000e+02 : f32
    %add3A_274 = arith.addf %add3A_273, %squeeze3A_245 : f32
    %convert_element_type3A_275 = arith.fptosi %add3A_274 : f32 to i32
    %convert_element_type3A_276 = arith.sitofp %convert_element_type3A_275 : i32 to f32
    %gt3A_277 = arith.cmpf ogt, %add3A_274, %convert_element_type3A_276 : f32
    %jit3A_278 = arith.constant 1 : i32
    %jit3A_279 = arith.constant 0 : i32
    %select_n3A_280 = arith.select %gt3A_277, %jit3A_278, %jit3A_279 : i32
    %add3A_281 = arith.addi %convert_element_type3A_275, %select_n3A_280 : i32
    %jit3A_282 = arith.constant 0 : i32
    %jit3A_283 = arith.constant 512 : i32
    %max3A_284 = arith.maxsi %jit3A_282, %add3A_272 : i32
    %min3A_285 = arith.minsi %jit3A_283, %max3A_284 : i32
    %add3A_286 = arith.constant 1 : i32
    %add3A_287 = arith.addi %add3A_281, %add3A_286 : i32
    %jit3A_288 = arith.constant 512 : i32
    %max3A_289 = arith.maxsi %min3A_285, %add3A_287 : i32
    %min3A_290 = arith.minsi %jit3A_288, %max3A_289 : i32
    %scan3A_291 = arith.constant 0 : i32
    %scan3A_292 = arith.constant 0 : i32
    %scan3A_293 = arith.constant 64 : i32
    %scan3A_294 = arith.addi %scan3A_292, %scan3A_293 : i32
    %scan3A_295 = arith.constant 1 : i32
    scf.for %scan3A_818 = %scan3A_292 to %scan3A_294 step %scan3A_295  : i32 {
      %iota3A = tpu.iota {dimensions = array<i32: 0>} : vector<16xi32>
      %add3A_819 = arith.constant 0 : i32
      %add3A_820 = vector.broadcast %add3A_819 : i32 to vector<16xi32>
      %add3A_821 = arith.addi %iota3A, %add3A_820 : vector<16xi32>
      %ge3A_822 = vector.broadcast %add3A_254 : i32 to vector<16xi32>
      %ge3A_823 = arith.cmpi sge, %add3A_821, %ge3A_822 : vector<16xi32>
      %le3A = vector.broadcast %add3A_263 : i32 to vector<16xi32>
      %le3A_824 = arith.cmpi sle, %add3A_821, %le3A : vector<16xi32>
      %and3A_825 = arith.andi %ge3A_823, %le3A_824 : vector<16xi1>
      %jit3A_826 = arith.constant 1.000000e+00 : f32
      %jit3A_827 = arith.constant 0.000000e+00 : f32
      %broadcast_in_dim3A_828 = vector.broadcast %jit3A_826 : f32 to vector<16xf32>
      %broadcast_in_dim3A_829 = vector.broadcast %jit3A_827 : f32 to vector<16xf32>
      %select_n3A_830 = arith.select %and3A_825, %broadcast_in_dim3A_828, %broadcast_in_dim3A_829 : vector<16xi1>, vector<16xf32>
      %mul3A_831 = arith.constant 512 : i32
      %mul3A_832 = arith.muli %scan3A_818, %mul3A_831 : i32
      %add3A_833 = arith.constant 0 : i32
      %add3A_834 = arith.addi %mul3A_832, %add3A_833 : i32
      %swap3A = arith.index_cast %add3A_834 : i32 to index
      %swap3A_835 = tpu.vector_load %arg5[%swap3A] {strides = array<i32>} : memref<32768xf32, #tpu.memory_space<vmem>>, vector<16xf32>,
      %swap3A_836 = vector.shape_cast %swap3A_835 : vector<16xf32> to vector<16xf32>
      %swap3A_837 = vector.shape_cast %select_n3A_830 : vector<16xf32> to vector<16xf32>
      tpu.vector_store %arg5[%swap3A], %swap3A_837 {strides = array<i32>} : memref<32768xf32, #tpu.memory_space<vmem>>, vector<16xf32>,
      %iota3A_838 = tpu.iota {dimensions = array<i32: 0>} : vector<16xi32>
      %add3A_839 = arith.constant 16 : i32
      %add3A_840 = vector.broadcast %add3A_839 : i32 to vector<16xi32>
      %add3A_841 = arith.addi %iota3A_838, %add3A_840 : vector<16xi32>
      %ge3A_842 = vector.broadcast %add3A_254 : i32 to vector<16xi32>
      %ge3A_843 = arith.cmpi sge, %add3A_841, %ge3A_842 : vector<16xi32>
      %le3A_844 = vector.broadcast %add3A_263 : i32 to vector<16xi32>
      %le3A_845 = arith.cmpi sle, %add3A_841, %le3A_844 : vector<16xi32>
      %and3A_846 = arith.andi %ge3A_843, %le3A_845 : vector<16xi1>
      %jit3A_847 = arith.constant 1.000000e+00 : f32
      %jit3A_848 = arith.constant 0.000000e+00 : f32
      %broadcast_in_dim3A_849 = vector.broadcast %jit3A_847 : f32 to vector<16xf32>
      %broadcast_in_dim3A_850 = vector.broadcast %jit3A_848 : f32 to vector<16xf32>
      %select_n3A_851 = arith.select %and3A_846, %broadcast_in_dim3A_849, %broadcast_in_dim3A_850 : vector<16xi1>, vector<16xf32>
      %mul3A_852 = arith.constant 512 : i32
      %mul3A_853 = arith.muli %scan3A_818, %mul3A_852 : i32
      %add3A_854 = arith.constant 16 : i32
      %add3A_855 = arith.addi %mul3A_853, %add3A_854 : i32
      %swap3A_856 = arith.index_cast %add3A_855 : i32 to index
      %swap3A_857 = tpu.vector_load %arg5[%swap3A_856] {strides = array<i32>} : memref<32768xf32, #tpu.memory_space<vmem>>, vector<16xf32>,
      %swap3A_858 = vector.shape_cast %swap3A_857 : vector<16xf32> to vector<16xf32>
      %swap3A_859 = vector.shape_cast %select_n3A_851 : vector<16xf32> to vector<16xf32>
      tpu.vector_store %arg5[%swap3A_856], %swap3A_859 {strides = array<i32>} : memref<32768xf32, #tpu.memory_space<vmem>>, vector<16xf32>,
      %iota3A_860 = tpu.iota {dimensions = array<i32: 0>} : vector<16xi32>
      %add3A_861 = arith.constant 32 : i32
      %add3A_862 = vector.broadcast %add3A_861 : i32 to vector<16xi32>
      %add3A_863 = arith.addi %iota3A_860, %add3A_862 : vector<16xi32>
      %ge3A_864 = vector.broadcast %add3A_254 : i32 to vector<16xi32>
      %ge3A_865 = arith.cmpi sge, %add3A_863, %ge3A_864 : vector<16xi32>
      %le3A_866 = vector.broadcast %add3A_263 : i32 to vector<16xi32>
      %le3A_867 = arith.cmpi sle, %add3A_863, %le3A_866 : vector<16xi32>
      %and3A_868 = arith.andi %ge3A_865, %le3A_867 : vector<16xi1>
      %jit3A_869 = arith.constant 1.000000e+00 : f32
      %jit3A_870 = arith.constant 0.000000e+00 : f32
      %broadcast_in_dim3A_871 = vector.broadcast %jit3A_869 : f32 to vector<16xf32>
      %broadcast_in_dim3A_872 = vector.broadcast %jit3A_870 : f32 to vector<16xf32>
      %select_n3A_873 = arith.select %and3A_868, %broadcast_in_dim3A_871, %broadcast_in_dim3A_872 : vector<16xi1>, vector<16xf32>
      %mul3A_874 = arith.constant 512 : i32
      %mul3A_875 = arith.muli %scan3A_818, %mul3A_874 : i32
      %add3A_876 = arith.constant 32 : i32
      %add3A_877 = arith.addi %mul3A_875, %add3A_876 : i32
      %swap3A_878 = arith.index_cast %add3A_877 : i32 to index
      %swap3A_879 = tpu.vector_load %arg5[%swap3A_878] {strides = array<i32>} : memref<32768xf32, #tpu.memory_space<vmem>>, vector<16xf32>,
      %swap3A_880 = vector.shape_cast %swap3A_879 : vector<16xf32> to vector<16xf32>
      %swap3A_881 = vector.shape_cast %select_n3A_873 : vector<16xf32> to vector<16xf32>
      tpu.vector_store %arg5[%swap3A_878], %swap3A_881 {strides = array<i32>} : memref<32768xf32, #tpu.memory_space<vmem>>, vector<16xf32>,
      %iota3A_882 = tpu.iota {dimensions = array<i32: 0>} : vector<16xi32>
      %add3A_883 = arith.constant 48 : i32
      %add3A_884 = vector.broadcast %add3A_883 : i32 to vector<16xi32>
      %add3A_885 = arith.addi %iota3A_882, %add3A_884 : vector<16xi32>
      %ge3A_886 = vector.broadcast %add3A_254 : i32 to vector<16xi32>
      %ge3A_887 = arith.cmpi sge, %add3A_885, %ge3A_886 : vector<16xi32>
      %le3A_888 = vector.broadcast %add3A_263 : i32 to vector<16xi32>
      %le3A_889 = arith.cmpi sle, %add3A_885, %le3A_888 : vector<16xi32>
      %and3A_890 = arith.andi %ge3A_887, %le3A_889 : vector<16xi1>
      %jit3A_891 = arith.constant 1.000000e+00 : f32
      %jit3A_892 = arith.constant 0.000000e+00 : f32
      %broadcast_in_dim3A_893 = vector.broadcast %jit3A_891 : f32 to vector<16xf32>
      %broadcast_in_dim3A_894 = vector.broadcast %jit3A_892 : f32 to vector<16xf32>
      %select_n3A_895 = arith.select %and3A_890, %broadcast_in_dim3A_893, %broadcast_in_dim3A_894 : vector<16xi1>, vector<16xf32>
      %mul3A_896 = arith.constant 512 : i32
      %mul3A_897 = arith.muli %scan3A_818, %mul3A_896 : i32
      %add3A_898 = arith.constant 48 : i32
      %add3A_899 = arith.addi %mul3A_897, %add3A_898 : i32
      %swap3A_900 = arith.index_cast %add3A_899 : i32 to index
      %swap3A_901 = tpu.vector_load %arg5[%swap3A_900] {strides = array<i32>} : memref<32768xf32, #tpu.memory_space<vmem>>, vector<16xf32>,
      %swap3A_902 = vector.shape_cast %swap3A_901 : vector<16xf32> to vector<16xf32>
      %swap3A_903 = vector.shape_cast %select_n3A_895 : vector<16xf32> to vector<16xf32>
      tpu.vector_store %arg5[%swap3A_900], %swap3A_903 {strides = array<i32>} : memref<32768xf32, #tpu.memory_space<vmem>>, vector<16xf32>,
      %iota3A_904 = tpu.iota {dimensions = array<i32: 0>} : vector<16xi32>
      %add3A_905 = arith.constant 64 : i32
      %add3A_906 = vector.broadcast %add3A_905 : i32 to vector<16xi32>
      %add3A_907 = arith.addi %iota3A_904, %add3A_906 : vector<16xi32>
      %ge3A_908 = vector.broadcast %add3A_254 : i32 to vector<16xi32>
      %ge3A_909 = arith.cmpi sge, %add3A_907, %ge3A_908 : vector<16xi32>
      %le3A_910 = vector.broadcast %add3A_263 : i32 to vector<16xi32>
      %le3A_911 = arith.cmpi sle, %add3A_907, %le3A_910 : vector<16xi32>
      %and3A_912 = arith.andi %ge3A_909, %le3A_911 : vector<16xi1>
      %jit3A_913 = arith.constant 1.000000e+00 : f32
      %jit3A_914 = arith.constant 0.000000e+00 : f32
      %broadcast_in_dim3A_915 = vector.broadcast %jit3A_913 : f32 to vector<16xf32>
      %broadcast_in_dim3A_916 = vector.broadcast %jit3A_914 : f32 to vector<16xf32>
      %select_n3A_917 = arith.select %and3A_912, %broadcast_in_dim3A_915, %broadcast_in_dim3A_916 : vector<16xi1>, vector<16xf32>
      %mul3A_918 = arith.constant 512 : i32
      %mul3A_919 = arith.muli %scan3A_818, %mul3A_918 : i32
      %add3A_920 = arith.constant 64 : i32
      %add3A_921 = arith.addi %mul3A_919, %add3A_920 : i32
      %swap3A_922 = arith.index_cast %add3A_921 : i32 to index
      %swap3A_923 = tpu.vector_load %arg5[%swap3A_922] {strides = array<i32>} : memref<32768xf32, #tpu.memory_space<vmem>>, vector<16xf32>,
      %swap3A_924 = vector.shape_cast %swap3A_923 : vector<16xf32> to vector<16xf32>
      %swap3A_925 = vector.shape_cast %select_n3A_917 : vector<16xf32> to vector<16xf32>
      tpu.vector_store %arg5[%swap3A_922], %swap3A_925 {strides = array<i32>} : memref<32768xf32, #tpu.memory_space<vmem>>, vector<16xf32>,
      %iota3A_926 = tpu.iota {dimensions = array<i32: 0>} : vector<16xi32>
      %add3A_927 = arith.constant 80 : i32
      %add3A_928 = vector.broadcast %add3A_927 : i32 to vector<16xi32>
      %add3A_929 = arith.addi %iota3A_926, %add3A_928 : vector<16xi32>
      %ge3A_930 = vector.broadcast %add3A_254 : i32 to vector<16xi32>
      %ge3A_931 = arith.cmpi sge, %add3A_929, %ge3A_930 : vector<16xi32>
      %le3A_932 = vector.broadcast %add3A_263 : i32 to vector<16xi32>
      %le3A_933 = arith.cmpi sle, %add3A_929, %le3A_932 : vector<16xi32>
      %and3A_934 = arith.andi %ge3A_931, %le3A_933 : vector<16xi1>
      %jit3A_935 = arith.constant 1.000000e+00 : f32
      %jit3A_936 = arith.constant 0.000000e+00 : f32
      %broadcast_in_dim3A_937 = vector.broadcast %jit3A_935 : f32 to vector<16xf32>
      %broadcast_in_dim3A_938 = vector.broadcast %jit3A_936 : f32 to vector<16xf32>
      %select_n3A_939 = arith.select %and3A_934, %broadcast_in_dim3A_937, %broadcast_in_dim3A_938 : vector<16xi1>, vector<16xf32>
      %mul3A_940 = arith.constant 512 : i32
      %mul3A_941 = arith.muli %scan3A_818, %mul3A_940 : i32
      %add3A_942 = arith.constant 80 : i32
      %add3A_943 = arith.addi %mul3A_941, %add3A_942 : i32
      %swap3A_944 = arith.index_cast %add3A_943 : i32 to index
      %swap3A_945 = tpu.vector_load %arg5[%swap3A_944] {strides = array<i32>} : memref<32768xf32, #tpu.memory_space<vmem>>, vector<16xf32>,
      %swap3A_946 = vector.shape_cast %swap3A_945 : vector<16xf32> to vector<16xf32>
      %swap3A_947 = vector.shape_cast %select_n3A_939 : vector<16xf32> to vector<16xf32>
      tpu.vector_store %arg5[%swap3A_944], %swap3A_947 {strides = array<i32>} : memref<32768xf32, #tpu.memory_space<vmem>>, vector<16xf32>,
      %iota3A_948 = tpu.iota {dimensions = array<i32: 0>} : vector<16xi32>
      %add3A_949 = arith.constant 96 : i32
      %add3A_950 = vector.broadcast %add3A_949 : i32 to vector<16xi32>
      %add3A_951 = arith.addi %iota3A_948, %add3A_950 : vector<16xi32>
      %ge3A_952 = vector.broadcast %add3A_254 : i32 to vector<16xi32>
      %ge3A_953 = arith.cmpi sge, %add3A_951, %ge3A_952 : vector<16xi32>
      %le3A_954 = vector.broadcast %add3A_263 : i32 to vector<16xi32>
      %le3A_955 = arith.cmpi sle, %add3A_951, %le3A_954 : vector<16xi32>
      %and3A_956 = arith.andi %ge3A_953, %le3A_955 : vector<16xi1>
      %jit3A_957 = arith.constant 1.000000e+00 : f32
      %jit3A_958 = arith.constant 0.000000e+00 : f32
      %broadcast_in_dim3A_959 = vector.broadcast %jit3A_957 : f32 to vector<16xf32>
      %broadcast_in_dim3A_960 = vector.broadcast %jit3A_958 : f32 to vector<16xf32>
      %select_n3A_961 = arith.select %and3A_956, %broadcast_in_dim3A_959, %broadcast_in_dim3A_960 : vector<16xi1>, vector<16xf32>
      %mul3A_962 = arith.constant 512 : i32
      %mul3A_963 = arith.muli %scan3A_818, %mul3A_962 : i32
      %add3A_964 = arith.constant 96 : i32
      %add3A_965 = arith.addi %mul3A_963, %add3A_964 : i32
      %swap3A_966 = arith.index_cast %add3A_965 : i32 to index
      %swap3A_967 = tpu.vector_load %arg5[%swap3A_966] {strides = array<i32>} : memref<32768xf32, #tpu.memory_space<vmem>>, vector<16xf32>,
      %swap3A_968 = vector.shape_cast %swap3A_967 : vector<16xf32> to vector<16xf32>
      %swap3A_969 = vector.shape_cast %select_n3A_961 : vector<16xf32> to vector<16xf32>
      tpu.vector_store %arg5[%swap3A_966], %swap3A_969 {strides = array<i32>} : memref<32768xf32, #tpu.memory_space<vmem>>, vector<16xf32>,
      %iota3A_970 = tpu.iota {dimensions = array<i32: 0>} : vector<16xi32>
      %add3A_971 = arith.constant 112 : i32
      %add3A_972 = vector.broadcast %add3A_971 : i32 to vector<16xi32>
      %add3A_973 = arith.addi %iota3A_970, %add3A_972 : vector<16xi32>
      %ge3A_974 = vector.broadcast %add3A_254 : i32 to vector<16xi32>
      %ge3A_975 = arith.cmpi sge, %add3A_973, %ge3A_974 : vector<16xi32>
      %le3A_976 = vector.broadcast %add3A_263 : i32 to vector<16xi32>
      %le3A_977 = arith.cmpi sle, %add3A_973, %le3A_976 : vector<16xi32>
      %and3A_978 = arith.andi %ge3A_975, %le3A_977 : vector<16xi1>
      %jit3A_979 = arith.constant 1.000000e+00 : f32
      %jit3A_980 = arith.constant 0.000000e+00 : f32
      %broadcast_in_dim3A_981 = vector.broadcast %jit3A_979 : f32 to vector<16xf32>
      %broadcast_in_dim3A_982 = vector.broadcast %jit3A_980 : f32 to vector<16xf32>
      %select_n3A_983 = arith.select %and3A_978, %broadcast_in_dim3A_981, %broadcast_in_dim3A_982 : vector<16xi1>, vector<16xf32>
      %mul3A_984 = arith.constant 512 : i32
      %mul3A_985 = arith.muli %scan3A_818, %mul3A_984 : i32
      %add3A_986 = arith.constant 112 : i32
      %add3A_987 = arith.addi %mul3A_985, %add3A_986 : i32
      %swap3A_988 = arith.index_cast %add3A_987 : i32 to index
      %swap3A_989 = tpu.vector_load %arg5[%swap3A_988] {strides = array<i32>} : memref<32768xf32, #tpu.memory_space<vmem>>, vector<16xf32>,
      %swap3A_990 = vector.shape_cast %swap3A_989 : vector<16xf32> to vector<16xf32>
      %swap3A_991 = vector.shape_cast %select_n3A_983 : vector<16xf32> to vector<16xf32>
      tpu.vector_store %arg5[%swap3A_988], %swap3A_991 {strides = array<i32>} : memref<32768xf32, #tpu.memory_space<vmem>>, vector<16xf32>,
      %iota3A_992 = tpu.iota {dimensions = array<i32: 0>} : vector<16xi32>
      %add3A_993 = arith.constant 128 : i32
      %add3A_994 = vector.broadcast %add3A_993 : i32 to vector<16xi32>
      %add3A_995 = arith.addi %iota3A_992, %add3A_994 : vector<16xi32>
      %ge3A_996 = vector.broadcast %add3A_254 : i32 to vector<16xi32>
      %ge3A_997 = arith.cmpi sge, %add3A_995, %ge3A_996 : vector<16xi32>
      %le3A_998 = vector.broadcast %add3A_263 : i32 to vector<16xi32>
      %le3A_999 = arith.cmpi sle, %add3A_995, %le3A_998 : vector<16xi32>
      %and3A_1000 = arith.andi %ge3A_997, %le3A_999 : vector<16xi1>
      %jit3A_1001 = arith.constant 1.000000e+00 : f32
      %jit3A_1002 = arith.constant 0.000000e+00 : f32
      %broadcast_in_dim3A_1003 = vector.broadcast %jit3A_1001 : f32 to vector<16xf32>
      %broadcast_in_dim3A_1004 = vector.broadcast %jit3A_1002 : f32 to vector<16xf32>
      %select_n3A_1005 = arith.select %and3A_1000, %broadcast_in_dim3A_1003, %broadcast_in_dim3A_1004 : vector<16xi1>, vector<16xf32>
      %mul3A_1006 = arith.constant 512 : i32
      %mul3A_1007 = arith.muli %scan3A_818, %mul3A_1006 : i32
      %add3A_1008 = arith.constant 128 : i32
      %add3A_1009 = arith.addi %mul3A_1007, %add3A_1008 : i32
      %swap3A_1010 = arith.index_cast %add3A_1009 : i32 to index
      %swap3A_1011 = tpu.vector_load %arg5[%swap3A_1010] {strides = array<i32>} : memref<32768xf32, #tpu.memory_space<vmem>>, vector<16xf32>,
      %swap3A_1012 = vector.shape_cast %swap3A_1011 : vector<16xf32> to vector<16xf32>
      %swap3A_1013 = vector.shape_cast %select_n3A_1005 : vector<16xf32> to vector<16xf32>
      tpu.vector_store %arg5[%swap3A_1010], %swap3A_1013 {strides = array<i32>} : memref<32768xf32, #tpu.memory_space<vmem>>, vector<16xf32>,
      %iota3A_1014 = tpu.iota {dimensions = array<i32: 0>} : vector<16xi32>
      %add3A_1015 = arith.constant 144 : i32
      %add3A_1016 = vector.broadcast %add3A_1015 : i32 to vector<16xi32>
      %add3A_1017 = arith.addi %iota3A_1014, %add3A_1016 : vector<16xi32>
      %ge3A_1018 = vector.broadcast %add3A_254 : i32 to vector<16xi32>
      %ge3A_1019 = arith.cmpi sge, %add3A_1017, %ge3A_1018 : vector<16xi32>
      %le3A_1020 = vector.broadcast %add3A_263 : i32 to vector<16xi32>
      %le3A_1021 = arith.cmpi sle, %add3A_1017, %le3A_1020 : vector<16xi32>
      %and3A_1022 = arith.andi %ge3A_1019, %le3A_1021 : vector<16xi1>
      %jit3A_1023 = arith.constant 1.000000e+00 : f32
      %jit3A_1024 = arith.constant 0.000000e+00 : f32
      %broadcast_in_dim3A_1025 = vector.broadcast %jit3A_1023 : f32 to vector<16xf32>
      %broadcast_in_dim3A_1026 = vector.broadcast %jit3A_1024 : f32 to vector<16xf32>
      %select_n3A_1027 = arith.select %and3A_1022, %broadcast_in_dim3A_1025, %broadcast_in_dim3A_1026 : vector<16xi1>, vector<16xf32>
      %mul3A_1028 = arith.constant 512 : i32
      %mul3A_1029 = arith.muli %scan3A_818, %mul3A_1028 : i32
      %add3A_1030 = arith.constant 144 : i32
      %add3A_1031 = arith.addi %mul3A_1029, %add3A_1030 : i32
      %swap3A_1032 = arith.index_cast %add3A_1031 : i32 to index
      %swap3A_1033 = tpu.vector_load %arg5[%swap3A_1032] {strides = array<i32>} : memref<32768xf32, #tpu.memory_space<vmem>>, vector<16xf32>,
      %swap3A_1034 = vector.shape_cast %swap3A_1033 : vector<16xf32> to vector<16xf32>
      %swap3A_1035 = vector.shape_cast %select_n3A_1027 : vector<16xf32> to vector<16xf32>
      tpu.vector_store %arg5[%swap3A_1032], %swap3A_1035 {strides = array<i32>} : memref<32768xf32, #tpu.memory_space<vmem>>, vector<16xf32>,
      %iota3A_1036 = tpu.iota {dimensions = array<i32: 0>} : vector<16xi32>
      %add3A_1037 = arith.constant 160 : i32
      %add3A_1038 = vector.broadcast %add3A_1037 : i32 to vector<16xi32>
      %add3A_1039 = arith.addi %iota3A_1036, %add3A_1038 : vector<16xi32>
      %ge3A_1040 = vector.broadcast %add3A_254 : i32 to vector<16xi32>
      %ge3A_1041 = arith.cmpi sge, %add3A_1039, %ge3A_1040 : vector<16xi32>
      %le3A_1042 = vector.broadcast %add3A_263 : i32 to vector<16xi32>
      %le3A_1043 = arith.cmpi sle, %add3A_1039, %le3A_1042 : vector<16xi32>
      %and3A_1044 = arith.andi %ge3A_1041, %le3A_1043 : vector<16xi1>
      %jit3A_1045 = arith.constant 1.000000e+00 : f32
      %jit3A_1046 = arith.constant 0.000000e+00 : f32
      %broadcast_in_dim3A_1047 = vector.broadcast %jit3A_1045 : f32 to vector<16xf32>
      %broadcast_in_dim3A_1048 = vector.broadcast %jit3A_1046 : f32 to vector<16xf32>
      %select_n3A_1049 = arith.select %and3A_1044, %broadcast_in_dim3A_1047, %broadcast_in_dim3A_1048 : vector<16xi1>, vector<16xf32>
      %mul3A_1050 = arith.constant 512 : i32
      %mul3A_1051 = arith.muli %scan3A_818, %mul3A_1050 : i32
      %add3A_1052 = arith.constant 160 : i32
      %add3A_1053 = arith.addi %mul3A_1051, %add3A_1052 : i32
      %swap3A_1054 = arith.index_cast %add3A_1053 : i32 to index
      %swap3A_1055 = tpu.vector_load %arg5[%swap3A_1054] {strides = array<i32>} : memref<32768xf32, #tpu.memory_space<vmem>>, vector<16xf32>,
      %swap3A_1056 = vector.shape_cast %swap3A_1055 : vector<16xf32> to vector<16xf32>
      %swap3A_1057 = vector.shape_cast %select_n3A_1049 : vector<16xf32> to vector<16xf32>
      tpu.vector_store %arg5[%swap3A_1054], %swap3A_1057 {strides = array<i32>} : memref<32768xf32, #tpu.memory_space<vmem>>, vector<16xf32>,
      %iota3A_1058 = tpu.iota {dimensions = array<i32: 0>} : vector<16xi32>
      %add3A_1059 = arith.constant 176 : i32
      %add3A_1060 = vector.broadcast %add3A_1059 : i32 to vector<16xi32>
      %add3A_1061 = arith.addi %iota3A_1058, %add3A_1060 : vector<16xi32>
      %ge3A_1062 = vector.broadcast %add3A_254 : i32 to vector<16xi32>
      %ge3A_1063 = arith.cmpi sge, %add3A_1061, %ge3A_1062 : vector<16xi32>
      %le3A_1064 = vector.broadcast %add3A_263 : i32 to vector<16xi32>
      %le3A_1065 = arith.cmpi sle, %add3A_1061, %le3A_1064 : vector<16xi32>
      %and3A_1066 = arith.andi %ge3A_1063, %le3A_1065 : vector<16xi1>
      %jit3A_1067 = arith.constant 1.000000e+00 : f32
      %jit3A_1068 = arith.constant 0.000000e+00 : f32
      %broadcast_in_dim3A_1069 = vector.broadcast %jit3A_1067 : f32 to vector<16xf32>
      %broadcast_in_dim3A_1070 = vector.broadcast %jit3A_1068 : f32 to vector<16xf32>
      %select_n3A_1071 = arith.select %and3A_1066, %broadcast_in_dim3A_1069, %broadcast_in_dim3A_1070 : vector<16xi1>, vector<16xf32>
      %mul3A_1072 = arith.constant 512 : i32
      %mul3A_1073 = arith.muli %scan3A_818, %mul3A_1072 : i32
      %add3A_1074 = arith.constant 176 : i32
      %add3A_1075 = arith.addi %mul3A_1073, %add3A_1074 : i32
      %swap3A_1076 = arith.index_cast %add3A_1075 : i32 to index
      %swap3A_1077 = tpu.vector_load %arg5[%swap3A_1076] {strides = array<i32>} : memref<32768xf32, #tpu.memory_space<vmem>>, vector<16xf32>,
      %swap3A_1078 = vector.shape_cast %swap3A_1077 : vector<16xf32> to vector<16xf32>
      %swap3A_1079 = vector.shape_cast %select_n3A_1071 : vector<16xf32> to vector<16xf32>
      tpu.vector_store %arg5[%swap3A_1076], %swap3A_1079 {strides = array<i32>} : memref<32768xf32, #tpu.memory_space<vmem>>, vector<16xf32>,
      %iota3A_1080 = tpu.iota {dimensions = array<i32: 0>} : vector<16xi32>
      %add3A_1081 = arith.constant 192 : i32
      %add3A_1082 = vector.broadcast %add3A_1081 : i32 to vector<16xi32>
      %add3A_1083 = arith.addi %iota3A_1080, %add3A_1082 : vector<16xi32>
      %ge3A_1084 = vector.broadcast %add3A_254 : i32 to vector<16xi32>
      %ge3A_1085 = arith.cmpi sge, %add3A_1083, %ge3A_1084 : vector<16xi32>
      %le3A_1086 = vector.broadcast %add3A_263 : i32 to vector<16xi32>
      %le3A_1087 = arith.cmpi sle, %add3A_1083, %le3A_1086 : vector<16xi32>
      %and3A_1088 = arith.andi %ge3A_1085, %le3A_1087 : vector<16xi1>
      %jit3A_1089 = arith.constant 1.000000e+00 : f32
      %jit3A_1090 = arith.constant 0.000000e+00 : f32
      %broadcast_in_dim3A_1091 = vector.broadcast %jit3A_1089 : f32 to vector<16xf32>
      %broadcast_in_dim3A_1092 = vector.broadcast %jit3A_1090 : f32 to vector<16xf32>
      %select_n3A_1093 = arith.select %and3A_1088, %broadcast_in_dim3A_1091, %broadcast_in_dim3A_1092 : vector<16xi1>, vector<16xf32>
      %mul3A_1094 = arith.constant 512 : i32
      %mul3A_1095 = arith.muli %scan3A_818, %mul3A_1094 : i32
      %add3A_1096 = arith.constant 192 : i32
      %add3A_1097 = arith.addi %mul3A_1095, %add3A_1096 : i32
      %swap3A_1098 = arith.index_cast %add3A_1097 : i32 to index
      %swap3A_1099 = tpu.vector_load %arg5[%swap3A_1098] {strides = array<i32>} : memref<32768xf32, #tpu.memory_space<vmem>>, vector<16xf32>,
      %swap3A_1100 = vector.shape_cast %swap3A_1099 : vector<16xf32> to vector<16xf32>
      %swap3A_1101 = vector.shape_cast %select_n3A_1093 : vector<16xf32> to vector<16xf32>
      tpu.vector_store %arg5[%swap3A_1098], %swap3A_1101 {strides = array<i32>} : memref<32768xf32, #tpu.memory_space<vmem>>, vector<16xf32>,
      %iota3A_1102 = tpu.iota {dimensions = array<i32: 0>} : vector<16xi32>
      %add3A_1103 = arith.constant 208 : i32
      %add3A_1104 = vector.broadcast %add3A_1103 : i32 to vector<16xi32>
      %add3A_1105 = arith.addi %iota3A_1102, %add3A_1104 : vector<16xi32>
      %ge3A_1106 = vector.broadcast %add3A_254 : i32 to vector<16xi32>
      %ge3A_1107 = arith.cmpi sge, %add3A_1105, %ge3A_1106 : vector<16xi32>
      %le3A_1108 = vector.broadcast %add3A_263 : i32 to vector<16xi32>
      %le3A_1109 = arith.cmpi sle, %add3A_1105, %le3A_1108 : vector<16xi32>
      %and3A_1110 = arith.andi %ge3A_1107, %le3A_1109 : vector<16xi1>
      %jit3A_1111 = arith.constant 1.000000e+00 : f32
      %jit3A_1112 = arith.constant 0.000000e+00 : f32
      %broadcast_in_dim3A_1113 = vector.broadcast %jit3A_1111 : f32 to vector<16xf32>
      %broadcast_in_dim3A_1114 = vector.broadcast %jit3A_1112 : f32 to vector<16xf32>
      %select_n3A_1115 = arith.select %and3A_1110, %broadcast_in_dim3A_1113, %broadcast_in_dim3A_1114 : vector<16xi1>, vector<16xf32>
      %mul3A_1116 = arith.constant 512 : i32
      %mul3A_1117 = arith.muli %scan3A_818, %mul3A_1116 : i32
      %add3A_1118 = arith.constant 208 : i32
      %add3A_1119 = arith.addi %mul3A_1117, %add3A_1118 : i32
      %swap3A_1120 = arith.index_cast %add3A_1119 : i32 to index
      %swap3A_1121 = tpu.vector_load %arg5[%swap3A_1120] {strides = array<i32>} : memref<32768xf32, #tpu.memory_space<vmem>>, vector<16xf32>,
      %swap3A_1122 = vector.shape_cast %swap3A_1121 : vector<16xf32> to vector<16xf32>
      %swap3A_1123 = vector.shape_cast %select_n3A_1115 : vector<16xf32> to vector<16xf32>
      tpu.vector_store %arg5[%swap3A_1120], %swap3A_1123 {strides = array<i32>} : memref<32768xf32, #tpu.memory_space<vmem>>, vector<16xf32>,
      %iota3A_1124 = tpu.iota {dimensions = array<i32: 0>} : vector<16xi32>
      %add3A_1125 = arith.constant 224 : i32
      %add3A_1126 = vector.broadcast %add3A_1125 : i32 to vector<16xi32>
      %add3A_1127 = arith.addi %iota3A_1124, %add3A_1126 : vector<16xi32>
      %ge3A_1128 = vector.broadcast %add3A_254 : i32 to vector<16xi32>
      %ge3A_1129 = arith.cmpi sge, %add3A_1127, %ge3A_1128 : vector<16xi32>
      %le3A_1130 = vector.broadcast %add3A_263 : i32 to vector<16xi32>
      %le3A_1131 = arith.cmpi sle, %add3A_1127, %le3A_1130 : vector<16xi32>
      %and3A_1132 = arith.andi %ge3A_1129, %le3A_1131 : vector<16xi1>
      %jit3A_1133 = arith.constant 1.000000e+00 : f32
      %jit3A_1134 = arith.constant 0.000000e+00 : f32
      %broadcast_in_dim3A_1135 = vector.broadcast %jit3A_1133 : f32 to vector<16xf32>
      %broadcast_in_dim3A_1136 = vector.broadcast %jit3A_1134 : f32 to vector<16xf32>
      %select_n3A_1137 = arith.select %and3A_1132, %broadcast_in_dim3A_1135, %broadcast_in_dim3A_1136 : vector<16xi1>, vector<16xf32>
      %mul3A_1138 = arith.constant 512 : i32
      %mul3A_1139 = arith.muli %scan3A_818, %mul3A_1138 : i32
      %add3A_1140 = arith.constant 224 : i32
      %add3A_1141 = arith.addi %mul3A_1139, %add3A_1140 : i32
      %swap3A_1142 = arith.index_cast %add3A_1141 : i32 to index
      %swap3A_1143 = tpu.vector_load %arg5[%swap3A_1142] {strides = array<i32>} : memref<32768xf32, #tpu.memory_space<vmem>>, vector<16xf32>,
      %swap3A_1144 = vector.shape_cast %swap3A_1143 : vector<16xf32> to vector<16xf32>
      %swap3A_1145 = vector.shape_cast %select_n3A_1137 : vector<16xf32> to vector<16xf32>
      tpu.vector_store %arg5[%swap3A_1142], %swap3A_1145 {strides = array<i32>} : memref<32768xf32, #tpu.memory_space<vmem>>, vector<16xf32>,
      %iota3A_1146 = tpu.iota {dimensions = array<i32: 0>} : vector<16xi32>
      %add3A_1147 = arith.constant 240 : i32
      %add3A_1148 = vector.broadcast %add3A_1147 : i32 to vector<16xi32>
      %add3A_1149 = arith.addi %iota3A_1146, %add3A_1148 : vector<16xi32>
      %ge3A_1150 = vector.broadcast %add3A_254 : i32 to vector<16xi32>
      %ge3A_1151 = arith.cmpi sge, %add3A_1149, %ge3A_1150 : vector<16xi32>
      %le3A_1152 = vector.broadcast %add3A_263 : i32 to vector<16xi32>
      %le3A_1153 = arith.cmpi sle, %add3A_1149, %le3A_1152 : vector<16xi32>
      %and3A_1154 = arith.andi %ge3A_1151, %le3A_1153 : vector<16xi1>
      %jit3A_1155 = arith.constant 1.000000e+00 : f32
      %jit3A_1156 = arith.constant 0.000000e+00 : f32
      %broadcast_in_dim3A_1157 = vector.broadcast %jit3A_1155 : f32 to vector<16xf32>
      %broadcast_in_dim3A_1158 = vector.broadcast %jit3A_1156 : f32 to vector<16xf32>
      %select_n3A_1159 = arith.select %and3A_1154, %broadcast_in_dim3A_1157, %broadcast_in_dim3A_1158 : vector<16xi1>, vector<16xf32>
      %mul3A_1160 = arith.constant 512 : i32
      %mul3A_1161 = arith.muli %scan3A_818, %mul3A_1160 : i32
      %add3A_1162 = arith.constant 240 : i32
      %add3A_1163 = arith.addi %mul3A_1161, %add3A_1162 : i32
      %swap3A_1164 = arith.index_cast %add3A_1163 : i32 to index
      %swap3A_1165 = tpu.vector_load %arg5[%swap3A_1164] {strides = array<i32>} : memref<32768xf32, #tpu.memory_space<vmem>>, vector<16xf32>,
      %swap3A_1166 = vector.shape_cast %swap3A_1165 : vector<16xf32> to vector<16xf32>
      %swap3A_1167 = vector.shape_cast %select_n3A_1159 : vector<16xf32> to vector<16xf32>
      tpu.vector_store %arg5[%swap3A_1164], %swap3A_1167 {strides = array<i32>} : memref<32768xf32, #tpu.memory_space<vmem>>, vector<16xf32>,
      %iota3A_1168 = tpu.iota {dimensions = array<i32: 0>} : vector<16xi32>
      %add3A_1169 = arith.constant 256 : i32
      %add3A_1170 = vector.broadcast %add3A_1169 : i32 to vector<16xi32>
      %add3A_1171 = arith.addi %iota3A_1168, %add3A_1170 : vector<16xi32>
      %ge3A_1172 = vector.broadcast %add3A_254 : i32 to vector<16xi32>
      %ge3A_1173 = arith.cmpi sge, %add3A_1171, %ge3A_1172 : vector<16xi32>
      %le3A_1174 = vector.broadcast %add3A_263 : i32 to vector<16xi32>
      %le3A_1175 = arith.cmpi sle, %add3A_1171, %le3A_1174 : vector<16xi32>
      %and3A_1176 = arith.andi %ge3A_1173, %le3A_1175 : vector<16xi1>
      %jit3A_1177 = arith.constant 1.000000e+00 : f32
      %jit3A_1178 = arith.constant 0.000000e+00 : f32
      %broadcast_in_dim3A_1179 = vector.broadcast %jit3A_1177 : f32 to vector<16xf32>
      %broadcast_in_dim3A_1180 = vector.broadcast %jit3A_1178 : f32 to vector<16xf32>
      %select_n3A_1181 = arith.select %and3A_1176, %broadcast_in_dim3A_1179, %broadcast_in_dim3A_1180 : vector<16xi1>, vector<16xf32>
      %mul3A_1182 = arith.constant 512 : i32
      %mul3A_1183 = arith.muli %scan3A_818, %mul3A_1182 : i32
      %add3A_1184 = arith.constant 256 : i32
      %add3A_1185 = arith.addi %mul3A_1183, %add3A_1184 : i32
      %swap3A_1186 = arith.index_cast %add3A_1185 : i32 to index
      %swap3A_1187 = tpu.vector_load %arg5[%swap3A_1186] {strides = array<i32>} : memref<32768xf32, #tpu.memory_space<vmem>>, vector<16xf32>,
      %swap3A_1188 = vector.shape_cast %swap3A_1187 : vector<16xf32> to vector<16xf32>
      %swap3A_1189 = vector.shape_cast %select_n3A_1181 : vector<16xf32> to vector<16xf32>
      tpu.vector_store %arg5[%swap3A_1186], %swap3A_1189 {strides = array<i32>} : memref<32768xf32, #tpu.memory_space<vmem>>, vector<16xf32>,
      %iota3A_1190 = tpu.iota {dimensions = array<i32: 0>} : vector<16xi32>
      %add3A_1191 = arith.constant 272 : i32
      %add3A_1192 = vector.broadcast %add3A_1191 : i32 to vector<16xi32>
      %add3A_1193 = arith.addi %iota3A_1190, %add3A_1192 : vector<16xi32>
      %ge3A_1194 = vector.broadcast %add3A_254 : i32 to vector<16xi32>
      %ge3A_1195 = arith.cmpi sge, %add3A_1193, %ge3A_1194 : vector<16xi32>
      %le3A_1196 = vector.broadcast %add3A_263 : i32 to vector<16xi32>
      %le3A_1197 = arith.cmpi sle, %add3A_1193, %le3A_1196 : vector<16xi32>
      %and3A_1198 = arith.andi %ge3A_1195, %le3A_1197 : vector<16xi1>
      %jit3A_1199 = arith.constant 1.000000e+00 : f32
      %jit3A_1200 = arith.constant 0.000000e+00 : f32
      %broadcast_in_dim3A_1201 = vector.broadcast %jit3A_1199 : f32 to vector<16xf32>
      %broadcast_in_dim3A_1202 = vector.broadcast %jit3A_1200 : f32 to vector<16xf32>
      %select_n3A_1203 = arith.select %and3A_1198, %broadcast_in_dim3A_1201, %broadcast_in_dim3A_1202 : vector<16xi1>, vector<16xf32>
      %mul3A_1204 = arith.constant 512 : i32
      %mul3A_1205 = arith.muli %scan3A_818, %mul3A_1204 : i32
      %add3A_1206 = arith.constant 272 : i32
      %add3A_1207 = arith.addi %mul3A_1205, %add3A_1206 : i32
      %swap3A_1208 = arith.index_cast %add3A_1207 : i32 to index
      %swap3A_1209 = tpu.vector_load %arg5[%swap3A_1208] {strides = array<i32>} : memref<32768xf32, #tpu.memory_space<vmem>>, vector<16xf32>,
      %swap3A_1210 = vector.shape_cast %swap3A_1209 : vector<16xf32> to vector<16xf32>
      %swap3A_1211 = vector.shape_cast %select_n3A_1203 : vector<16xf32> to vector<16xf32>
      tpu.vector_store %arg5[%swap3A_1208], %swap3A_1211 {strides = array<i32>} : memref<32768xf32, #tpu.memory_space<vmem>>, vector<16xf32>,
      %iota3A_1212 = tpu.iota {dimensions = array<i32: 0>} : vector<16xi32>
      %add3A_1213 = arith.constant 288 : i32
      %add3A_1214 = vector.broadcast %add3A_1213 : i32 to vector<16xi32>
      %add3A_1215 = arith.addi %iota3A_1212, %add3A_1214 : vector<16xi32>
      %ge3A_1216 = vector.broadcast %add3A_254 : i32 to vector<16xi32>
      %ge3A_1217 = arith.cmpi sge, %add3A_1215, %ge3A_1216 : vector<16xi32>
      %le3A_1218 = vector.broadcast %add3A_263 : i32 to vector<16xi32>
      %le3A_1219 = arith.cmpi sle, %add3A_1215, %le3A_1218 : vector<16xi32>
      %and3A_1220 = arith.andi %ge3A_1217, %le3A_1219 : vector<16xi1>
      %jit3A_1221 = arith.constant 1.000000e+00 : f32
      %jit3A_1222 = arith.constant 0.000000e+00 : f32
      %broadcast_in_dim3A_1223 = vector.broadcast %jit3A_1221 : f32 to vector<16xf32>
      %broadcast_in_dim3A_1224 = vector.broadcast %jit3A_1222 : f32 to vector<16xf32>
      %select_n3A_1225 = arith.select %and3A_1220, %broadcast_in_dim3A_1223, %broadcast_in_dim3A_1224 : vector<16xi1>, vector<16xf32>
      %mul3A_1226 = arith.constant 512 : i32
      %mul3A_1227 = arith.muli %scan3A_818, %mul3A_1226 : i32
      %add3A_1228 = arith.constant 288 : i32
      %add3A_1229 = arith.addi %mul3A_1227, %add3A_1228 : i32
      %swap3A_1230 = arith.index_cast %add3A_1229 : i32 to index
      %swap3A_1231 = tpu.vector_load %arg5[%swap3A_1230] {strides = array<i32>} : memref<32768xf32, #tpu.memory_space<vmem>>, vector<16xf32>,
      %swap3A_1232 = vector.shape_cast %swap3A_1231 : vector<16xf32> to vector<16xf32>
      %swap3A_1233 = vector.shape_cast %select_n3A_1225 : vector<16xf32> to vector<16xf32>
      tpu.vector_store %arg5[%swap3A_1230], %swap3A_1233 {strides = array<i32>} : memref<32768xf32, #tpu.memory_space<vmem>>, vector<16xf32>,
      %iota3A_1234 = tpu.iota {dimensions = array<i32: 0>} : vector<16xi32>
      %add3A_1235 = arith.constant 304 : i32
      %add3A_1236 = vector.broadcast %add3A_1235 : i32 to vector<16xi32>
      %add3A_1237 = arith.addi %iota3A_1234, %add3A_1236 : vector<16xi32>
      %ge3A_1238 = vector.broadcast %add3A_254 : i32 to vector<16xi32>
      %ge3A_1239 = arith.cmpi sge, %add3A_1237, %ge3A_1238 : vector<16xi32>
      %le3A_1240 = vector.broadcast %add3A_263 : i32 to vector<16xi32>
      %le3A_1241 = arith.cmpi sle, %add3A_1237, %le3A_1240 : vector<16xi32>
      %and3A_1242 = arith.andi %ge3A_1239, %le3A_1241 : vector<16xi1>
      %jit3A_1243 = arith.constant 1.000000e+00 : f32
      %jit3A_1244 = arith.constant 0.000000e+00 : f32
      %broadcast_in_dim3A_1245 = vector.broadcast %jit3A_1243 : f32 to vector<16xf32>
      %broadcast_in_dim3A_1246 = vector.broadcast %jit3A_1244 : f32 to vector<16xf32>
      %select_n3A_1247 = arith.select %and3A_1242, %broadcast_in_dim3A_1245, %broadcast_in_dim3A_1246 : vector<16xi1>, vector<16xf32>
      %mul3A_1248 = arith.constant 512 : i32
      %mul3A_1249 = arith.muli %scan3A_818, %mul3A_1248 : i32
      %add3A_1250 = arith.constant 304 : i32
      %add3A_1251 = arith.addi %mul3A_1249, %add3A_1250 : i32
      %swap3A_1252 = arith.index_cast %add3A_1251 : i32 to index
      %swap3A_1253 = tpu.vector_load %arg5[%swap3A_1252] {strides = array<i32>} : memref<32768xf32, #tpu.memory_space<vmem>>, vector<16xf32>,
      %swap3A_1254 = vector.shape_cast %swap3A_1253 : vector<16xf32> to vector<16xf32>
      %swap3A_1255 = vector.shape_cast %select_n3A_1247 : vector<16xf32> to vector<16xf32>
      tpu.vector_store %arg5[%swap3A_1252], %swap3A_1255 {strides = array<i32>} : memref<32768xf32, #tpu.memory_space<vmem>>, vector<16xf32>,
      %iota3A_1256 = tpu.iota {dimensions = array<i32: 0>} : vector<16xi32>
      %add3A_1257 = arith.constant 320 : i32
      %add3A_1258 = vector.broadcast %add3A_1257 : i32 to vector<16xi32>
      %add3A_1259 = arith.addi %iota3A_1256, %add3A_1258 : vector<16xi32>
      %ge3A_1260 = vector.broadcast %add3A_254 : i32 to vector<16xi32>
      %ge3A_1261 = arith.cmpi sge, %add3A_1259, %ge3A_1260 : vector<16xi32>
      %le3A_1262 = vector.broadcast %add3A_263 : i32 to vector<16xi32>
      %le3A_1263 = arith.cmpi sle, %add3A_1259, %le3A_1262 : vector<16xi32>
      %and3A_1264 = arith.andi %ge3A_1261, %le3A_1263 : vector<16xi1>
      %jit3A_1265 = arith.constant 1.000000e+00 : f32
      %jit3A_1266 = arith.constant 0.000000e+00 : f32
      %broadcast_in_dim3A_1267 = vector.broadcast %jit3A_1265 : f32 to vector<16xf32>
      %broadcast_in_dim3A_1268 = vector.broadcast %jit3A_1266 : f32 to vector<16xf32>
      %select_n3A_1269 = arith.select %and3A_1264, %broadcast_in_dim3A_1267, %broadcast_in_dim3A_1268 : vector<16xi1>, vector<16xf32>
      %mul3A_1270 = arith.constant 512 : i32
      %mul3A_1271 = arith.muli %scan3A_818, %mul3A_1270 : i32
      %add3A_1272 = arith.constant 320 : i32
      %add3A_1273 = arith.addi %mul3A_1271, %add3A_1272 : i32
      %swap3A_1274 = arith.index_cast %add3A_1273 : i32 to index
      %swap3A_1275 = tpu.vector_load %arg5[%swap3A_1274] {strides = array<i32>} : memref<32768xf32, #tpu.memory_space<vmem>>, vector<16xf32>,
      %swap3A_1276 = vector.shape_cast %swap3A_1275 : vector<16xf32> to vector<16xf32>
      %swap3A_1277 = vector.shape_cast %select_n3A_1269 : vector<16xf32> to vector<16xf32>
      tpu.vector_store %arg5[%swap3A_1274], %swap3A_1277 {strides = array<i32>} : memref<32768xf32, #tpu.memory_space<vmem>>, vector<16xf32>,
      %iota3A_1278 = tpu.iota {dimensions = array<i32: 0>} : vector<16xi32>
      %add3A_1279 = arith.constant 336 : i32
      %add3A_1280 = vector.broadcast %add3A_1279 : i32 to vector<16xi32>
      %add3A_1281 = arith.addi %iota3A_1278, %add3A_1280 : vector<16xi32>
      %ge3A_1282 = vector.broadcast %add3A_254 : i32 to vector<16xi32>
      %ge3A_1283 = arith.cmpi sge, %add3A_1281, %ge3A_1282 : vector<16xi32>
      %le3A_1284 = vector.broadcast %add3A_263 : i32 to vector<16xi32>
      %le3A_1285 = arith.cmpi sle, %add3A_1281, %le3A_1284 : vector<16xi32>
      %and3A_1286 = arith.andi %ge3A_1283, %le3A_1285 : vector<16xi1>
      %jit3A_1287 = arith.constant 1.000000e+00 : f32
      %jit3A_1288 = arith.constant 0.000000e+00 : f32
      %broadcast_in_dim3A_1289 = vector.broadcast %jit3A_1287 : f32 to vector<16xf32>
      %broadcast_in_dim3A_1290 = vector.broadcast %jit3A_1288 : f32 to vector<16xf32>
      %select_n3A_1291 = arith.select %and3A_1286, %broadcast_in_dim3A_1289, %broadcast_in_dim3A_1290 : vector<16xi1>, vector<16xf32>
      %mul3A_1292 = arith.constant 512 : i32
      %mul3A_1293 = arith.muli %scan3A_818, %mul3A_1292 : i32
      %add3A_1294 = arith.constant 336 : i32
      %add3A_1295 = arith.addi %mul3A_1293, %add3A_1294 : i32
      %swap3A_1296 = arith.index_cast %add3A_1295 : i32 to index
      %swap3A_1297 = tpu.vector_load %arg5[%swap3A_1296] {strides = array<i32>} : memref<32768xf32, #tpu.memory_space<vmem>>, vector<16xf32>,
      %swap3A_1298 = vector.shape_cast %swap3A_1297 : vector<16xf32> to vector<16xf32>
      %swap3A_1299 = vector.shape_cast %select_n3A_1291 : vector<16xf32> to vector<16xf32>
      tpu.vector_store %arg5[%swap3A_1296], %swap3A_1299 {strides = array<i32>} : memref<32768xf32, #tpu.memory_space<vmem>>, vector<16xf32>,
      %iota3A_1300 = tpu.iota {dimensions = array<i32: 0>} : vector<16xi32>
      %add3A_1301 = arith.constant 352 : i32
      %add3A_1302 = vector.broadcast %add3A_1301 : i32 to vector<16xi32>
      %add3A_1303 = arith.addi %iota3A_1300, %add3A_1302 : vector<16xi32>
      %ge3A_1304 = vector.broadcast %add3A_254 : i32 to vector<16xi32>
      %ge3A_1305 = arith.cmpi sge, %add3A_1303, %ge3A_1304 : vector<16xi32>
      %le3A_1306 = vector.broadcast %add3A_263 : i32 to vector<16xi32>
      %le3A_1307 = arith.cmpi sle, %add3A_1303, %le3A_1306 : vector<16xi32>
      %and3A_1308 = arith.andi %ge3A_1305, %le3A_1307 : vector<16xi1>
      %jit3A_1309 = arith.constant 1.000000e+00 : f32
      %jit3A_1310 = arith.constant 0.000000e+00 : f32
      %broadcast_in_dim3A_1311 = vector.broadcast %jit3A_1309 : f32 to vector<16xf32>
      %broadcast_in_dim3A_1312 = vector.broadcast %jit3A_1310 : f32 to vector<16xf32>
      %select_n3A_1313 = arith.select %and3A_1308, %broadcast_in_dim3A_1311, %broadcast_in_dim3A_1312 : vector<16xi1>, vector<16xf32>
      %mul3A_1314 = arith.constant 512 : i32
      %mul3A_1315 = arith.muli %scan3A_818, %mul3A_1314 : i32
      %add3A_1316 = arith.constant 352 : i32
      %add3A_1317 = arith.addi %mul3A_1315, %add3A_1316 : i32
      %swap3A_1318 = arith.index_cast %add3A_1317 : i32 to index
      %swap3A_1319 = tpu.vector_load %arg5[%swap3A_1318] {strides = array<i32>} : memref<32768xf32, #tpu.memory_space<vmem>>, vector<16xf32>,
      %swap3A_1320 = vector.shape_cast %swap3A_1319 : vector<16xf32> to vector<16xf32>
      %swap3A_1321 = vector.shape_cast %select_n3A_1313 : vector<16xf32> to vector<16xf32>
      tpu.vector_store %arg5[%swap3A_1318], %swap3A_1321 {strides = array<i32>} : memref<32768xf32, #tpu.memory_space<vmem>>, vector<16xf32>,
      %iota3A_1322 = tpu.iota {dimensions = array<i32: 0>} : vector<16xi32>
      %add3A_1323 = arith.constant 368 : i32
      %add3A_1324 = vector.broadcast %add3A_1323 : i32 to vector<16xi32>
      %add3A_1325 = arith.addi %iota3A_1322, %add3A_1324 : vector<16xi32>
      %ge3A_1326 = vector.broadcast %add3A_254 : i32 to vector<16xi32>
      %ge3A_1327 = arith.cmpi sge, %add3A_1325, %ge3A_1326 : vector<16xi32>
      %le3A_1328 = vector.broadcast %add3A_263 : i32 to vector<16xi32>
      %le3A_1329 = arith.cmpi sle, %add3A_1325, %le3A_1328 : vector<16xi32>
      %and3A_1330 = arith.andi %ge3A_1327, %le3A_1329 : vector<16xi1>
      %jit3A_1331 = arith.constant 1.000000e+00 : f32
      %jit3A_1332 = arith.constant 0.000000e+00 : f32
      %broadcast_in_dim3A_1333 = vector.broadcast %jit3A_1331 : f32 to vector<16xf32>
      %broadcast_in_dim3A_1334 = vector.broadcast %jit3A_1332 : f32 to vector<16xf32>
      %select_n3A_1335 = arith.select %and3A_1330, %broadcast_in_dim3A_1333, %broadcast_in_dim3A_1334 : vector<16xi1>, vector<16xf32>
      %mul3A_1336 = arith.constant 512 : i32
      %mul3A_1337 = arith.muli %scan3A_818, %mul3A_1336 : i32
      %add3A_1338 = arith.constant 368 : i32
      %add3A_1339 = arith.addi %mul3A_1337, %add3A_1338 : i32
      %swap3A_1340 = arith.index_cast %add3A_1339 : i32 to index
      %swap3A_1341 = tpu.vector_load %arg5[%swap3A_1340] {strides = array<i32>} : memref<32768xf32, #tpu.memory_space<vmem>>, vector<16xf32>,
      %swap3A_1342 = vector.shape_cast %swap3A_1341 : vector<16xf32> to vector<16xf32>
      %swap3A_1343 = vector.shape_cast %select_n3A_1335 : vector<16xf32> to vector<16xf32>
      tpu.vector_store %arg5[%swap3A_1340], %swap3A_1343 {strides = array<i32>} : memref<32768xf32, #tpu.memory_space<vmem>>, vector<16xf32>,
      %iota3A_1344 = tpu.iota {dimensions = array<i32: 0>} : vector<16xi32>
      %add3A_1345 = arith.constant 384 : i32
      %add3A_1346 = vector.broadcast %add3A_1345 : i32 to vector<16xi32>
      %add3A_1347 = arith.addi %iota3A_1344, %add3A_1346 : vector<16xi32>
      %ge3A_1348 = vector.broadcast %add3A_254 : i32 to vector<16xi32>
      %ge3A_1349 = arith.cmpi sge, %add3A_1347, %ge3A_1348 : vector<16xi32>
      %le3A_1350 = vector.broadcast %add3A_263 : i32 to vector<16xi32>
      %le3A_1351 = arith.cmpi sle, %add3A_1347, %le3A_1350 : vector<16xi32>
      %and3A_1352 = arith.andi %ge3A_1349, %le3A_1351 : vector<16xi1>
      %jit3A_1353 = arith.constant 1.000000e+00 : f32
      %jit3A_1354 = arith.constant 0.000000e+00 : f32
      %broadcast_in_dim3A_1355 = vector.broadcast %jit3A_1353 : f32 to vector<16xf32>
      %broadcast_in_dim3A_1356 = vector.broadcast %jit3A_1354 : f32 to vector<16xf32>
      %select_n3A_1357 = arith.select %and3A_1352, %broadcast_in_dim3A_1355, %broadcast_in_dim3A_1356 : vector<16xi1>, vector<16xf32>
      %mul3A_1358 = arith.constant 512 : i32
      %mul3A_1359 = arith.muli %scan3A_818, %mul3A_1358 : i32
      %add3A_1360 = arith.constant 384 : i32
      %add3A_1361 = arith.addi %mul3A_1359, %add3A_1360 : i32
      %swap3A_1362 = arith.index_cast %add3A_1361 : i32 to index
      %swap3A_1363 = tpu.vector_load %arg5[%swap3A_1362] {strides = array<i32>} : memref<32768xf32, #tpu.memory_space<vmem>>, vector<16xf32>,
      %swap3A_1364 = vector.shape_cast %swap3A_1363 : vector<16xf32> to vector<16xf32>
      %swap3A_1365 = vector.shape_cast %select_n3A_1357 : vector<16xf32> to vector<16xf32>
      tpu.vector_store %arg5[%swap3A_1362], %swap3A_1365 {strides = array<i32>} : memref<32768xf32, #tpu.memory_space<vmem>>, vector<16xf32>,
      %iota3A_1366 = tpu.iota {dimensions = array<i32: 0>} : vector<16xi32>
      %add3A_1367 = arith.constant 400 : i32
      %add3A_1368 = vector.broadcast %add3A_1367 : i32 to vector<16xi32>
      %add3A_1369 = arith.addi %iota3A_1366, %add3A_1368 : vector<16xi32>
      %ge3A_1370 = vector.broadcast %add3A_254 : i32 to vector<16xi32>
      %ge3A_1371 = arith.cmpi sge, %add3A_1369, %ge3A_1370 : vector<16xi32>
      %le3A_1372 = vector.broadcast %add3A_263 : i32 to vector<16xi32>
      %le3A_1373 = arith.cmpi sle, %add3A_1369, %le3A_1372 : vector<16xi32>
      %and3A_1374 = arith.andi %ge3A_1371, %le3A_1373 : vector<16xi1>
      %jit3A_1375 = arith.constant 1.000000e+00 : f32
      %jit3A_1376 = arith.constant 0.000000e+00 : f32
      %broadcast_in_dim3A_1377 = vector.broadcast %jit3A_1375 : f32 to vector<16xf32>
      %broadcast_in_dim3A_1378 = vector.broadcast %jit3A_1376 : f32 to vector<16xf32>
      %select_n3A_1379 = arith.select %and3A_1374, %broadcast_in_dim3A_1377, %broadcast_in_dim3A_1378 : vector<16xi1>, vector<16xf32>
      %mul3A_1380 = arith.constant 512 : i32
      %mul3A_1381 = arith.muli %scan3A_818, %mul3A_1380 : i32
      %add3A_1382 = arith.constant 400 : i32
      %add3A_1383 = arith.addi %mul3A_1381, %add3A_1382 : i32
      %swap3A_1384 = arith.index_cast %add3A_1383 : i32 to index
      %swap3A_1385 = tpu.vector_load %arg5[%swap3A_1384] {strides = array<i32>} : memref<32768xf32, #tpu.memory_space<vmem>>, vector<16xf32>,
      %swap3A_1386 = vector.shape_cast %swap3A_1385 : vector<16xf32> to vector<16xf32>
      %swap3A_1387 = vector.shape_cast %select_n3A_1379 : vector<16xf32> to vector<16xf32>
      tpu.vector_store %arg5[%swap3A_1384], %swap3A_1387 {strides = array<i32>} : memref<32768xf32, #tpu.memory_space<vmem>>, vector<16xf32>,
      %iota3A_1388 = tpu.iota {dimensions = array<i32: 0>} : vector<16xi32>
      %add3A_1389 = arith.constant 416 : i32
      %add3A_1390 = vector.broadcast %add3A_1389 : i32 to vector<16xi32>
      %add3A_1391 = arith.addi %iota3A_1388, %add3A_1390 : vector<16xi32>
      %ge3A_1392 = vector.broadcast %add3A_254 : i32 to vector<16xi32>
      %ge3A_1393 = arith.cmpi sge, %add3A_1391, %ge3A_1392 : vector<16xi32>
      %le3A_1394 = vector.broadcast %add3A_263 : i32 to vector<16xi32>
      %le3A_1395 = arith.cmpi sle, %add3A_1391, %le3A_1394 : vector<16xi32>
      %and3A_1396 = arith.andi %ge3A_1393, %le3A_1395 : vector<16xi1>
      %jit3A_1397 = arith.constant 1.000000e+00 : f32
      %jit3A_1398 = arith.constant 0.000000e+00 : f32
      %broadcast_in_dim3A_1399 = vector.broadcast %jit3A_1397 : f32 to vector<16xf32>
      %broadcast_in_dim3A_1400 = vector.broadcast %jit3A_1398 : f32 to vector<16xf32>
      %select_n3A_1401 = arith.select %and3A_1396, %broadcast_in_dim3A_1399, %broadcast_in_dim3A_1400 : vector<16xi1>, vector<16xf32>
      %mul3A_1402 = arith.constant 512 : i32
      %mul3A_1403 = arith.muli %scan3A_818, %mul3A_1402 : i32
      %add3A_1404 = arith.constant 416 : i32
      %add3A_1405 = arith.addi %mul3A_1403, %add3A_1404 : i32
      %swap3A_1406 = arith.index_cast %add3A_1405 : i32 to index
      %swap3A_1407 = tpu.vector_load %arg5[%swap3A_1406] {strides = array<i32>} : memref<32768xf32, #tpu.memory_space<vmem>>, vector<16xf32>,
      %swap3A_1408 = vector.shape_cast %swap3A_1407 : vector<16xf32> to vector<16xf32>
      %swap3A_1409 = vector.shape_cast %select_n3A_1401 : vector<16xf32> to vector<16xf32>
      tpu.vector_store %arg5[%swap3A_1406], %swap3A_1409 {strides = array<i32>} : memref<32768xf32, #tpu.memory_space<vmem>>, vector<16xf32>,
      %iota3A_1410 = tpu.iota {dimensions = array<i32: 0>} : vector<16xi32>
      %add3A_1411 = arith.constant 432 : i32
      %add3A_1412 = vector.broadcast %add3A_1411 : i32 to vector<16xi32>
      %add3A_1413 = arith.addi %iota3A_1410, %add3A_1412 : vector<16xi32>
      %ge3A_1414 = vector.broadcast %add3A_254 : i32 to vector<16xi32>
      %ge3A_1415 = arith.cmpi sge, %add3A_1413, %ge3A_1414 : vector<16xi32>
      %le3A_1416 = vector.broadcast %add3A_263 : i32 to vector<16xi32>
      %le3A_1417 = arith.cmpi sle, %add3A_1413, %le3A_1416 : vector<16xi32>
      %and3A_1418 = arith.andi %ge3A_1415, %le3A_1417 : vector<16xi1>
      %jit3A_1419 = arith.constant 1.000000e+00 : f32
      %jit3A_1420 = arith.constant 0.000000e+00 : f32
      %broadcast_in_dim3A_1421 = vector.broadcast %jit3A_1419 : f32 to vector<16xf32>
      %broadcast_in_dim3A_1422 = vector.broadcast %jit3A_1420 : f32 to vector<16xf32>
      %select_n3A_1423 = arith.select %and3A_1418, %broadcast_in_dim3A_1421, %broadcast_in_dim3A_1422 : vector<16xi1>, vector<16xf32>
      %mul3A_1424 = arith.constant 512 : i32
      %mul3A_1425 = arith.muli %scan3A_818, %mul3A_1424 : i32
      %add3A_1426 = arith.constant 432 : i32
      %add3A_1427 = arith.addi %mul3A_1425, %add3A_1426 : i32
      %swap3A_1428 = arith.index_cast %add3A_1427 : i32 to index
      %swap3A_1429 = tpu.vector_load %arg5[%swap3A_1428] {strides = array<i32>} : memref<32768xf32, #tpu.memory_space<vmem>>, vector<16xf32>,
      %swap3A_1430 = vector.shape_cast %swap3A_1429 : vector<16xf32> to vector<16xf32>
      %swap3A_1431 = vector.shape_cast %select_n3A_1423 : vector<16xf32> to vector<16xf32>
      tpu.vector_store %arg5[%swap3A_1428], %swap3A_1431 {strides = array<i32>} : memref<32768xf32, #tpu.memory_space<vmem>>, vector<16xf32>,
      %iota3A_1432 = tpu.iota {dimensions = array<i32: 0>} : vector<16xi32>
      %add3A_1433 = arith.constant 448 : i32
      %add3A_1434 = vector.broadcast %add3A_1433 : i32 to vector<16xi32>
      %add3A_1435 = arith.addi %iota3A_1432, %add3A_1434 : vector<16xi32>
      %ge3A_1436 = vector.broadcast %add3A_254 : i32 to vector<16xi32>
      %ge3A_1437 = arith.cmpi sge, %add3A_1435, %ge3A_1436 : vector<16xi32>
      %le3A_1438 = vector.broadcast %add3A_263 : i32 to vector<16xi32>
      %le3A_1439 = arith.cmpi sle, %add3A_1435, %le3A_1438 : vector<16xi32>
      %and3A_1440 = arith.andi %ge3A_1437, %le3A_1439 : vector<16xi1>
      %jit3A_1441 = arith.constant 1.000000e+00 : f32
      %jit3A_1442 = arith.constant 0.000000e+00 : f32
      %broadcast_in_dim3A_1443 = vector.broadcast %jit3A_1441 : f32 to vector<16xf32>
      %broadcast_in_dim3A_1444 = vector.broadcast %jit3A_1442 : f32 to vector<16xf32>
      %select_n3A_1445 = arith.select %and3A_1440, %broadcast_in_dim3A_1443, %broadcast_in_dim3A_1444 : vector<16xi1>, vector<16xf32>
      %mul3A_1446 = arith.constant 512 : i32
      %mul3A_1447 = arith.muli %scan3A_818, %mul3A_1446 : i32
      %add3A_1448 = arith.constant 448 : i32
      %add3A_1449 = arith.addi %mul3A_1447, %add3A_1448 : i32
      %swap3A_1450 = arith.index_cast %add3A_1449 : i32 to index
      %swap3A_1451 = tpu.vector_load %arg5[%swap3A_1450] {strides = array<i32>} : memref<32768xf32, #tpu.memory_space<vmem>>, vector<16xf32>,
      %swap3A_1452 = vector.shape_cast %swap3A_1451 : vector<16xf32> to vector<16xf32>
      %swap3A_1453 = vector.shape_cast %select_n3A_1445 : vector<16xf32> to vector<16xf32>
      tpu.vector_store %arg5[%swap3A_1450], %swap3A_1453 {strides = array<i32>} : memref<32768xf32, #tpu.memory_space<vmem>>, vector<16xf32>,
      %iota3A_1454 = tpu.iota {dimensions = array<i32: 0>} : vector<16xi32>
      %add3A_1455 = arith.constant 464 : i32
      %add3A_1456 = vector.broadcast %add3A_1455 : i32 to vector<16xi32>
      %add3A_1457 = arith.addi %iota3A_1454, %add3A_1456 : vector<16xi32>
      %ge3A_1458 = vector.broadcast %add3A_254 : i32 to vector<16xi32>
      %ge3A_1459 = arith.cmpi sge, %add3A_1457, %ge3A_1458 : vector<16xi32>
      %le3A_1460 = vector.broadcast %add3A_263 : i32 to vector<16xi32>
      %le3A_1461 = arith.cmpi sle, %add3A_1457, %le3A_1460 : vector<16xi32>
      %and3A_1462 = arith.andi %ge3A_1459, %le3A_1461 : vector<16xi1>
      %jit3A_1463 = arith.constant 1.000000e+00 : f32
      %jit3A_1464 = arith.constant 0.000000e+00 : f32
      %broadcast_in_dim3A_1465 = vector.broadcast %jit3A_1463 : f32 to vector<16xf32>
      %broadcast_in_dim3A_1466 = vector.broadcast %jit3A_1464 : f32 to vector<16xf32>
      %select_n3A_1467 = arith.select %and3A_1462, %broadcast_in_dim3A_1465, %broadcast_in_dim3A_1466 : vector<16xi1>, vector<16xf32>
      %mul3A_1468 = arith.constant 512 : i32
      %mul3A_1469 = arith.muli %scan3A_818, %mul3A_1468 : i32
      %add3A_1470 = arith.constant 464 : i32
      %add3A_1471 = arith.addi %mul3A_1469, %add3A_1470 : i32
      %swap3A_1472 = arith.index_cast %add3A_1471 : i32 to index
      %swap3A_1473 = tpu.vector_load %arg5[%swap3A_1472] {strides = array<i32>} : memref<32768xf32, #tpu.memory_space<vmem>>, vector<16xf32>,
      %swap3A_1474 = vector.shape_cast %swap3A_1473 : vector<16xf32> to vector<16xf32>
      %swap3A_1475 = vector.shape_cast %select_n3A_1467 : vector<16xf32> to vector<16xf32>
      tpu.vector_store %arg5[%swap3A_1472], %swap3A_1475 {strides = array<i32>} : memref<32768xf32, #tpu.memory_space<vmem>>, vector<16xf32>,
      %iota3A_1476 = tpu.iota {dimensions = array<i32: 0>} : vector<16xi32>
      %add3A_1477 = arith.constant 480 : i32
      %add3A_1478 = vector.broadcast %add3A_1477 : i32 to vector<16xi32>
      %add3A_1479 = arith.addi %iota3A_1476, %add3A_1478 : vector<16xi32>
      %ge3A_1480 = vector.broadcast %add3A_254 : i32 to vector<16xi32>
      %ge3A_1481 = arith.cmpi sge, %add3A_1479, %ge3A_1480 : vector<16xi32>
      %le3A_1482 = vector.broadcast %add3A_263 : i32 to vector<16xi32>
      %le3A_1483 = arith.cmpi sle, %add3A_1479, %le3A_1482 : vector<16xi32>
      %and3A_1484 = arith.andi %ge3A_1481, %le3A_1483 : vector<16xi1>
      %jit3A_1485 = arith.constant 1.000000e+00 : f32
      %jit3A_1486 = arith.constant 0.000000e+00 : f32
      %broadcast_in_dim3A_1487 = vector.broadcast %jit3A_1485 : f32 to vector<16xf32>
      %broadcast_in_dim3A_1488 = vector.broadcast %jit3A_1486 : f32 to vector<16xf32>
      %select_n3A_1489 = arith.select %and3A_1484, %broadcast_in_dim3A_1487, %broadcast_in_dim3A_1488 : vector<16xi1>, vector<16xf32>
      %mul3A_1490 = arith.constant 512 : i32
      %mul3A_1491 = arith.muli %scan3A_818, %mul3A_1490 : i32
      %add3A_1492 = arith.constant 480 : i32
      %add3A_1493 = arith.addi %mul3A_1491, %add3A_1492 : i32
      %swap3A_1494 = arith.index_cast %add3A_1493 : i32 to index
      %swap3A_1495 = tpu.vector_load %arg5[%swap3A_1494] {strides = array<i32>} : memref<32768xf32, #tpu.memory_space<vmem>>, vector<16xf32>,
      %swap3A_1496 = vector.shape_cast %swap3A_1495 : vector<16xf32> to vector<16xf32>
      %swap3A_1497 = vector.shape_cast %select_n3A_1489 : vector<16xf32> to vector<16xf32>
      tpu.vector_store %arg5[%swap3A_1494], %swap3A_1497 {strides = array<i32>} : memref<32768xf32, #tpu.memory_space<vmem>>, vector<16xf32>,
      %iota3A_1498 = tpu.iota {dimensions = array<i32: 0>} : vector<16xi32>
      %add3A_1499 = arith.constant 496 : i32
      %add3A_1500 = vector.broadcast %add3A_1499 : i32 to vector<16xi32>
      %add3A_1501 = arith.addi %iota3A_1498, %add3A_1500 : vector<16xi32>
      %ge3A_1502 = vector.broadcast %add3A_254 : i32 to vector<16xi32>
      %ge3A_1503 = arith.cmpi sge, %add3A_1501, %ge3A_1502 : vector<16xi32>
      %le3A_1504 = vector.broadcast %add3A_263 : i32 to vector<16xi32>
      %le3A_1505 = arith.cmpi sle, %add3A_1501, %le3A_1504 : vector<16xi32>
      %and3A_1506 = arith.andi %ge3A_1503, %le3A_1505 : vector<16xi1>
      %jit3A_1507 = arith.constant 1.000000e+00 : f32
      %jit3A_1508 = arith.constant 0.000000e+00 : f32
      %broadcast_in_dim3A_1509 = vector.broadcast %jit3A_1507 : f32 to vector<16xf32>
      %broadcast_in_dim3A_1510 = vector.broadcast %jit3A_1508 : f32 to vector<16xf32>
      %select_n3A_1511 = arith.select %and3A_1506, %broadcast_in_dim3A_1509, %broadcast_in_dim3A_1510 : vector<16xi1>, vector<16xf32>
      %mul3A_1512 = arith.constant 512 : i32
      %mul3A_1513 = arith.muli %scan3A_818, %mul3A_1512 : i32
      %add3A_1514 = arith.constant 496 : i32
      %add3A_1515 = arith.addi %mul3A_1513, %add3A_1514 : i32
      %swap3A_1516 = arith.index_cast %add3A_1515 : i32 to index
      %swap3A_1517 = tpu.vector_load %arg5[%swap3A_1516] {strides = array<i32>} : memref<32768xf32, #tpu.memory_space<vmem>>, vector<16xf32>,
      %swap3A_1518 = vector.shape_cast %swap3A_1517 : vector<16xf32> to vector<16xf32>
      %swap3A_1519 = vector.shape_cast %select_n3A_1511 : vector<16xf32> to vector<16xf32>
      tpu.vector_store %arg5[%swap3A_1516], %swap3A_1519 {strides = array<i32>} : memref<32768xf32, #tpu.memory_space<vmem>>, vector<16xf32>,
    }
    %scan3A_296 = arith.constant 64 : i32
    %mul3A_297 = arith.constant 512 : i32
    %mul3A_298 = arith.muli %add3A_236, %mul3A_297 : i32
    %add3A_299 = arith.addi %mul3A_298, %min3A_285 : i32
    %add3A_300 = arith.addi %mul3A_298, %min3A_285 : i32
    %add3A_301 = arith.addi %mul3A_298, %min3A_290 : i32
    %add3A_302 = arith.addi %mul3A_298, %min3A_290 : i32
    %add3A_303 = arith.constant 512 : i32
    %add3A_304 = arith.addi %mul3A_298, %add3A_303 : i32
    %sub3A_305 = arith.subi %add3A_299, %mul3A_298 : i32
    %ge3A_306 = arith.constant 64 : i32
    %ge3A_307 = arith.cmpi sge, %sub3A_305, %ge3A_306 : i32
    %add3A_308 = arith.constant 64 : i32
    %add3A_309 = arith.addi %sub3A_305, %add3A_308 : i32
    %sub3A_310 = arith.constant 1 : i32
    %sub3A_311 = arith.subi %add3A_309, %sub3A_310 : i32
    %jit3A_312 = arith.constant 64 : i32
    %div3A_313 = arith.divsi %sub3A_311, %jit3A_312 : i32
    %sign3A_314 = arith.constant 0 : i32
    %sign3A_315 = arith.cmpi sgt, %sub3A_311, %sign3A_314 : i32
    %sign3A_316 = arith.extui %sign3A_315 : i1 to i32
    %sign3A_317 = arith.constant 0 : i32
    %sign3A_318 = arith.cmpi slt, %sub3A_311, %sign3A_317 : i32
    %sign3A_319 = arith.extui %sign3A_318 : i1 to i32
    %sign3A_320 = arith.subi %sign3A_316, %sign3A_319 : i32
    %sign3A_321 = arith.constant 0 : i32
    %sign3A_322 = arith.cmpi sgt, %jit3A_312, %sign3A_321 : i32
    %sign3A_323 = arith.extui %sign3A_322 : i1 to i32
    %sign3A_324 = arith.constant 0 : i32
    %sign3A_325 = arith.cmpi slt, %jit3A_312, %sign3A_324 : i32
    %sign3A_326 = arith.extui %sign3A_325 : i1 to i32
    %sign3A_327 = arith.subi %sign3A_323, %sign3A_326 : i32
    %ne3A_328 = arith.cmpi ne, %sign3A_320, %sign3A_327 : i32
    %rem3A_329 = arith.remsi %sub3A_311, %jit3A_312 : i32
    %ne3A_330 = arith.constant 0 : i32
    %ne3A_331 = arith.cmpi ne, %rem3A_329, %ne3A_330 : i32
    %and3A_332 = arith.andi %ne3A_328, %ne3A_331 : i1
    %sub3A_333 = arith.constant 1 : i32
    %sub3A_334 = arith.subi %div3A_313, %sub3A_333 : i32
    %select_n3A_335 = arith.select %and3A_332, %sub3A_334, %div3A_313 : i32
    %jit3A_336 = arith.constant 0 : i32
    %select_n3A_337 = arith.select %ge3A_307, %select_n3A_335, %jit3A_336 : i32
    %max3A_338 = arith.constant 0 : i32
    %max3A_339 = arith.maxsi %sub3A_305, %max3A_338 : i32
    %jit3A_340 = arith.constant 0 : i32
    %select_n3A_341 = arith.select %ge3A_307, %jit3A_340, %max3A_339 : i32
    %while3A_342 = arith.constant 0 : i32
    %while3A_343 = arith.constant 0 : i32
    %while3A_344 = arith.subi %select_n3A_337, %while3A_343 : i32
    %while3A_345 = arith.addi %while3A_343, %while3A_344 : i32
    %while3A_346 = arith.constant 1 : i32
    %while3A_347 = arith.divsi %while3A_344, %while3A_346 : i32
    %while3A_348 = arith.muli %while3A_347, %while3A_346 : i32
    %while3A_349 = arith.addi %while3A_343, %while3A_348 : i32
    %while3A_350 = arith.constant 1 : i32
    scf.for %while3A_818 = %while3A_343 to %while3A_349 step %while3A_350  : i32 {
      %mul3A_819 = arith.constant 64 : i32
      %mul3A_820 = arith.muli %while3A_818, %mul3A_819 : i32
      %add3A_821 = arith.addi %mul3A_298, %mul3A_820 : i32
      %sub3A_822 = arith.constant 64 : i32
      %sub3A_823 = arith.subi %add3A_299, %sub3A_822 : i32
      %min3A_824 = arith.minsi %add3A_821, %sub3A_823 : i32
      %mul3A_825 = arith.constant 512 : i32
      %mul3A_826 = arith.muli %min3A_824, %mul3A_825 : i32
      %dma_start3A = arith.constant 0 : i32
      %dma_start3A_827 = tpu.memref_slice %arg6[%dma_start3A] : memref<32768xf32, #tpu.memory_space<vmem>> -> memref<32768xf32, #tpu.memory_space<vmem>>
      %dma_start3A_828 = tpu.memref_slice %arg3[%mul3A_826] : memref<16777216xf32, #tpu.memory_space<hbm>> -> memref<32768xf32, #tpu.memory_space<hbm>>
      %dma_start3A_829 = tpu.memref_slice %arg3[%mul3A_826] : memref<16777216xf32, #tpu.memory_space<hbm>> -> memref<32768xf32, #tpu.memory_space<hbm>>
      %dma_start3A_830 = arith.constant 0 : i32
      %dma_start3A_831 = tpu.memref_slice %arg6[%dma_start3A_830] : memref<32768xf32, #tpu.memory_space<vmem>> -> memref<32768xf32, #tpu.memory_space<vmem>>
      tpu.enqueue_dma source(%dma_start3A_831 : memref<32768xf32, #tpu.memory_space<vmem>>) target(%dma_start3A_829 : memref<32768xf32, #tpu.memory_space<hbm>>) target_semaphore(%arg8 : memref<!tpu.dma_semaphore, #tpu.memory_space<semaphore_mem>>)
    }
    %while3A_351 = arith.constant 1 : i32
    scf.for %while3A_818 = %while3A_349 to %while3A_345 step %while3A_351  : i32 {
      %mul3A_819 = arith.constant 64 : i32
      %mul3A_820 = arith.muli %while3A_818, %mul3A_819 : i32
      %add3A_821 = arith.addi %mul3A_298, %mul3A_820 : i32
      %sub3A_822 = arith.constant 64 : i32
      %sub3A_823 = arith.subi %add3A_299, %sub3A_822 : i32
      %min3A_824 = arith.minsi %add3A_821, %sub3A_823 : i32
      %mul3A_825 = arith.constant 512 : i32
      %mul3A_826 = arith.muli %min3A_824, %mul3A_825 : i32
      %dma_start3A = arith.constant 0 : i32
      %dma_start3A_827 = tpu.memref_slice %arg6[%dma_start3A] : memref<32768xf32, #tpu.memory_space<vmem>> -> memref<32768xf32, #tpu.memory_space<vmem>>
      %dma_start3A_828 = tpu.memref_slice %arg3[%mul3A_826] : memref<16777216xf32, #tpu.memory_space<hbm>> -> memref<32768xf32, #tpu.memory_space<hbm>>
      %dma_start3A_829 = tpu.memref_slice %arg3[%mul3A_826] : memref<16777216xf32, #tpu.memory_space<hbm>> -> memref<32768xf32, #tpu.memory_space<hbm>>
      %dma_start3A_830 = arith.constant 0 : i32
      %dma_start3A_831 = tpu.memref_slice %arg6[%dma_start3A_830] : memref<32768xf32, #tpu.memory_space<vmem>> -> memref<32768xf32, #tpu.memory_space<vmem>>
      tpu.enqueue_dma source(%dma_start3A_831 : memref<32768xf32, #tpu.memory_space<vmem>>) target(%dma_start3A_829 : memref<32768xf32, #tpu.memory_space<hbm>>) target_semaphore(%arg8 : memref<!tpu.dma_semaphore, #tpu.memory_space<semaphore_mem>>)
    }
    %while3A_352 = arith.constant 0 : i32
    %while3A_353 = arith.constant 0 : i32
    %while3A_354 = arith.subi %select_n3A_341, %while3A_353 : i32
    %while3A_355 = arith.addi %while3A_353, %while3A_354 : i32
    %while3A_356 = arith.constant 1 : i32
    %while3A_357 = arith.divsi %while3A_354, %while3A_356 : i32
    %while3A_358 = arith.muli %while3A_357, %while3A_356 : i32
    %while3A_359 = arith.addi %while3A_353, %while3A_358 : i32
    %while3A_360 = arith.constant 1 : i32
    scf.for %while3A_818 = %while3A_353 to %while3A_359 step %while3A_360  : i32 {
      %add3A_819 = arith.addi %mul3A_298, %while3A_818 : i32
      %mul3A_820 = arith.constant 512 : i32
      %mul3A_821 = arith.muli %add3A_819, %mul3A_820 : i32
      %dma_start3A = arith.constant 0 : i32
      %dma_start3A_822 = tpu.memref_slice %arg6[%dma_start3A] : memref<32768xf32, #tpu.memory_space<vmem>> -> memref<512xf32, #tpu.memory_space<vmem>>
      %dma_start3A_823 = tpu.memref_slice %arg3[%mul3A_821] : memref<16777216xf32, #tpu.memory_space<hbm>> -> memref<512xf32, #tpu.memory_space<hbm>>
      %dma_start3A_824 = tpu.memref_slice %arg3[%mul3A_821] : memref<16777216xf32, #tpu.memory_space<hbm>> -> memref<512xf32, #tpu.memory_space<hbm>>
      %dma_start3A_825 = arith.constant 0 : i32
      %dma_start3A_826 = tpu.memref_slice %arg6[%dma_start3A_825] : memref<32768xf32, #tpu.memory_space<vmem>> -> memref<512xf32, #tpu.memory_space<vmem>>
      tpu.enqueue_dma source(%dma_start3A_826 : memref<512xf32, #tpu.memory_space<vmem>>) target(%dma_start3A_824 : memref<512xf32, #tpu.memory_space<hbm>>) target_semaphore(%arg8 : memref<!tpu.dma_semaphore, #tpu.memory_space<semaphore_mem>>)
    }
    %while3A_361 = arith.constant 1 : i32
    scf.for %while3A_818 = %while3A_359 to %while3A_355 step %while3A_361  : i32 {
      %add3A_819 = arith.addi %mul3A_298, %while3A_818 : i32
      %mul3A_820 = arith.constant 512 : i32
      %mul3A_821 = arith.muli %add3A_819, %mul3A_820 : i32
      %dma_start3A = arith.constant 0 : i32
      %dma_start3A_822 = tpu.memref_slice %arg6[%dma_start3A] : memref<32768xf32, #tpu.memory_space<vmem>> -> memref<512xf32, #tpu.memory_space<vmem>>
      %dma_start3A_823 = tpu.memref_slice %arg3[%mul3A_821] : memref<16777216xf32, #tpu.memory_space<hbm>> -> memref<512xf32, #tpu.memory_space<hbm>>
      %dma_start3A_824 = tpu.memref_slice %arg3[%mul3A_821] : memref<16777216xf32, #tpu.memory_space<hbm>> -> memref<512xf32, #tpu.memory_space<hbm>>
      %dma_start3A_825 = arith.constant 0 : i32
      %dma_start3A_826 = tpu.memref_slice %arg6[%dma_start3A_825] : memref<32768xf32, #tpu.memory_space<vmem>> -> memref<512xf32, #tpu.memory_space<vmem>>
      tpu.enqueue_dma source(%dma_start3A_826 : memref<512xf32, #tpu.memory_space<vmem>>) target(%dma_start3A_824 : memref<512xf32, #tpu.memory_space<hbm>>) target_semaphore(%arg8 : memref<!tpu.dma_semaphore, #tpu.memory_space<semaphore_mem>>)
    }
    %sub3A_362 = arith.subi %add3A_301, %add3A_300 : i32
    %ge3A_363 = arith.constant 64 : i32
    %ge3A_364 = arith.cmpi sge, %sub3A_362, %ge3A_363 : i32
    %add3A_365 = arith.constant 64 : i32
    %add3A_366 = arith.addi %sub3A_362, %add3A_365 : i32
    %sub3A_367 = arith.constant 1 : i32
    %sub3A_368 = arith.subi %add3A_366, %sub3A_367 : i32
    %jit3A_369 = arith.constant 64 : i32
    %div3A_370 = arith.divsi %sub3A_368, %jit3A_369 : i32
    %sign3A_371 = arith.constant 0 : i32
    %sign3A_372 = arith.cmpi sgt, %sub3A_368, %sign3A_371 : i32
    %sign3A_373 = arith.extui %sign3A_372 : i1 to i32
    %sign3A_374 = arith.constant 0 : i32
    %sign3A_375 = arith.cmpi slt, %sub3A_368, %sign3A_374 : i32
    %sign3A_376 = arith.extui %sign3A_375 : i1 to i32
    %sign3A_377 = arith.subi %sign3A_373, %sign3A_376 : i32
    %sign3A_378 = arith.constant 0 : i32
    %sign3A_379 = arith.cmpi sgt, %jit3A_369, %sign3A_378 : i32
    %sign3A_380 = arith.extui %sign3A_379 : i1 to i32
    %sign3A_381 = arith.constant 0 : i32
    %sign3A_382 = arith.cmpi slt, %jit3A_369, %sign3A_381 : i32
    %sign3A_383 = arith.extui %sign3A_382 : i1 to i32
    %sign3A_384 = arith.subi %sign3A_380, %sign3A_383 : i32
    %ne3A_385 = arith.cmpi ne, %sign3A_377, %sign3A_384 : i32
    %rem3A_386 = arith.remsi %sub3A_368, %jit3A_369 : i32
    %ne3A_387 = arith.constant 0 : i32
    %ne3A_388 = arith.cmpi ne, %rem3A_386, %ne3A_387 : i32
    %and3A_389 = arith.andi %ne3A_385, %ne3A_388 : i1
    %sub3A_390 = arith.constant 1 : i32
    %sub3A_391 = arith.subi %div3A_370, %sub3A_390 : i32
    %select_n3A_392 = arith.select %and3A_389, %sub3A_391, %div3A_370 : i32
    %jit3A_393 = arith.constant 0 : i32
    %select_n3A_394 = arith.select %ge3A_364, %select_n3A_392, %jit3A_393 : i32
    %max3A_395 = arith.constant 0 : i32
    %max3A_396 = arith.maxsi %sub3A_362, %max3A_395 : i32
    %jit3A_397 = arith.constant 0 : i32
    %select_n3A_398 = arith.select %ge3A_364, %jit3A_397, %max3A_396 : i32
    %while3A_399 = arith.constant 0 : i32
    %while3A_400 = arith.constant 0 : i32
    %while3A_401 = arith.subi %select_n3A_394, %while3A_400 : i32
    %while3A_402 = arith.addi %while3A_400, %while3A_401 : i32
    %while3A_403 = arith.constant 1 : i32
    %while3A_404 = arith.divsi %while3A_401, %while3A_403 : i32
    %while3A_405 = arith.muli %while3A_404, %while3A_403 : i32
    %while3A_406 = arith.addi %while3A_400, %while3A_405 : i32
    %while3A_407 = arith.constant 1 : i32
    scf.for %while3A_818 = %while3A_400 to %while3A_406 step %while3A_407  : i32 {
      %mul3A_819 = arith.constant 64 : i32
      %mul3A_820 = arith.muli %while3A_818, %mul3A_819 : i32
      %add3A_821 = arith.addi %add3A_300, %mul3A_820 : i32
      %sub3A_822 = arith.constant 64 : i32
      %sub3A_823 = arith.subi %add3A_301, %sub3A_822 : i32
      %min3A_824 = arith.minsi %add3A_821, %sub3A_823 : i32
      %mul3A_825 = arith.constant 512 : i32
      %mul3A_826 = arith.muli %min3A_824, %mul3A_825 : i32
      %dma_start3A = arith.constant 0 : i32
      %dma_start3A_827 = tpu.memref_slice %arg5[%dma_start3A] : memref<32768xf32, #tpu.memory_space<vmem>> -> memref<32768xf32, #tpu.memory_space<vmem>>
      %dma_start3A_828 = tpu.memref_slice %arg3[%mul3A_826] : memref<16777216xf32, #tpu.memory_space<hbm>> -> memref<32768xf32, #tpu.memory_space<hbm>>
      %dma_start3A_829 = tpu.memref_slice %arg3[%mul3A_826] : memref<16777216xf32, #tpu.memory_space<hbm>> -> memref<32768xf32, #tpu.memory_space<hbm>>
      %dma_start3A_830 = arith.constant 0 : i32
      %dma_start3A_831 = tpu.memref_slice %arg5[%dma_start3A_830] : memref<32768xf32, #tpu.memory_space<vmem>> -> memref<32768xf32, #tpu.memory_space<vmem>>
      tpu.enqueue_dma source(%dma_start3A_831 : memref<32768xf32, #tpu.memory_space<vmem>>) target(%dma_start3A_829 : memref<32768xf32, #tpu.memory_space<hbm>>) target_semaphore(%arg8 : memref<!tpu.dma_semaphore, #tpu.memory_space<semaphore_mem>>)
    }
    %while3A_408 = arith.constant 1 : i32
    scf.for %while3A_818 = %while3A_406 to %while3A_402 step %while3A_408  : i32 {
      %mul3A_819 = arith.constant 64 : i32
      %mul3A_820 = arith.muli %while3A_818, %mul3A_819 : i32
      %add3A_821 = arith.addi %add3A_300, %mul3A_820 : i32
      %sub3A_822 = arith.constant 64 : i32
      %sub3A_823 = arith.subi %add3A_301, %sub3A_822 : i32
      %min3A_824 = arith.minsi %add3A_821, %sub3A_823 : i32
      %mul3A_825 = arith.constant 512 : i32
      %mul3A_826 = arith.muli %min3A_824, %mul3A_825 : i32
      %dma_start3A = arith.constant 0 : i32
      %dma_start3A_827 = tpu.memref_slice %arg5[%dma_start3A] : memref<32768xf32, #tpu.memory_space<vmem>> -> memref<32768xf32, #tpu.memory_space<vmem>>
      %dma_start3A_828 = tpu.memref_slice %arg3[%mul3A_826] : memref<16777216xf32, #tpu.memory_space<hbm>> -> memref<32768xf32, #tpu.memory_space<hbm>>
      %dma_start3A_829 = tpu.memref_slice %arg3[%mul3A_826] : memref<16777216xf32, #tpu.memory_space<hbm>> -> memref<32768xf32, #tpu.memory_space<hbm>>
      %dma_start3A_830 = arith.constant 0 : i32
      %dma_start3A_831 = tpu.memref_slice %arg5[%dma_start3A_830] : memref<32768xf32, #tpu.memory_space<vmem>> -> memref<32768xf32, #tpu.memory_space<vmem>>
      tpu.enqueue_dma source(%dma_start3A_831 : memref<32768xf32, #tpu.memory_space<vmem>>) target(%dma_start3A_829 : memref<32768xf32, #tpu.memory_space<hbm>>) target_semaphore(%arg8 : memref<!tpu.dma_semaphore, #tpu.memory_space<semaphore_mem>>)
    }
    %while3A_409 = arith.constant 0 : i32
    %while3A_410 = arith.constant 0 : i32
    %while3A_411 = arith.subi %select_n3A_398, %while3A_410 : i32
    %while3A_412 = arith.addi %while3A_410, %while3A_411 : i32
    %while3A_413 = arith.constant 1 : i32
    %while3A_414 = arith.divsi %while3A_411, %while3A_413 : i32
    %while3A_415 = arith.muli %while3A_414, %while3A_413 : i32
    %while3A_416 = arith.addi %while3A_410, %while3A_415 : i32
    %while3A_417 = arith.constant 1 : i32
    scf.for %while3A_818 = %while3A_410 to %while3A_416 step %while3A_417  : i32 {
      %add3A_819 = arith.addi %add3A_300, %while3A_818 : i32
      %mul3A_820 = arith.constant 512 : i32
      %mul3A_821 = arith.muli %add3A_819, %mul3A_820 : i32
      %dma_start3A = arith.constant 0 : i32
      %dma_start3A_822 = tpu.memref_slice %arg5[%dma_start3A] : memref<32768xf32, #tpu.memory_space<vmem>> -> memref<512xf32, #tpu.memory_space<vmem>>
      %dma_start3A_823 = tpu.memref_slice %arg3[%mul3A_821] : memref<16777216xf32, #tpu.memory_space<hbm>> -> memref<512xf32, #tpu.memory_space<hbm>>
      %dma_start3A_824 = tpu.memref_slice %arg3[%mul3A_821] : memref<16777216xf32, #tpu.memory_space<hbm>> -> memref<512xf32, #tpu.memory_space<hbm>>
      %dma_start3A_825 = arith.constant 0 : i32
      %dma_start3A_826 = tpu.memref_slice %arg5[%dma_start3A_825] : memref<32768xf32, #tpu.memory_space<vmem>> -> memref<512xf32, #tpu.memory_space<vmem>>
      tpu.enqueue_dma source(%dma_start3A_826 : memref<512xf32, #tpu.memory_space<vmem>>) target(%dma_start3A_824 : memref<512xf32, #tpu.memory_space<hbm>>) target_semaphore(%arg8 : memref<!tpu.dma_semaphore, #tpu.memory_space<semaphore_mem>>)
    }
    %while3A_418 = arith.constant 1 : i32
    scf.for %while3A_818 = %while3A_416 to %while3A_412 step %while3A_418  : i32 {
      %add3A_819 = arith.addi %add3A_300, %while3A_818 : i32
      %mul3A_820 = arith.constant 512 : i32
      %mul3A_821 = arith.muli %add3A_819, %mul3A_820 : i32
      %dma_start3A = arith.constant 0 : i32
      %dma_start3A_822 = tpu.memref_slice %arg5[%dma_start3A] : memref<32768xf32, #tpu.memory_space<vmem>> -> memref<512xf32, #tpu.memory_space<vmem>>
      %dma_start3A_823 = tpu.memref_slice %arg3[%mul3A_821] : memref<16777216xf32, #tpu.memory_space<hbm>> -> memref<512xf32, #tpu.memory_space<hbm>>
      %dma_start3A_824 = tpu.memref_slice %arg3[%mul3A_821] : memref<16777216xf32, #tpu.memory_space<hbm>> -> memref<512xf32, #tpu.memory_space<hbm>>
      %dma_start3A_825 = arith.constant 0 : i32
      %dma_start3A_826 = tpu.memref_slice %arg5[%dma_start3A_825] : memref<32768xf32, #tpu.memory_space<vmem>> -> memref<512xf32, #tpu.memory_space<vmem>>
      tpu.enqueue_dma source(%dma_start3A_826 : memref<512xf32, #tpu.memory_space<vmem>>) target(%dma_start3A_824 : memref<512xf32, #tpu.memory_space<hbm>>) target_semaphore(%arg8 : memref<!tpu.dma_semaphore, #tpu.memory_space<semaphore_mem>>)
    }
    %sub3A_419 = arith.subi %add3A_304, %add3A_302 : i32
    %ge3A_420 = arith.constant 64 : i32
    %ge3A_421 = arith.cmpi sge, %sub3A_419, %ge3A_420 : i32
    %add3A_422 = arith.constant 64 : i32
    %add3A_423 = arith.addi %sub3A_419, %add3A_422 : i32
    %sub3A_424 = arith.constant 1 : i32
    %sub3A_425 = arith.subi %add3A_423, %sub3A_424 : i32
    %jit3A_426 = arith.constant 64 : i32
    %div3A_427 = arith.divsi %sub3A_425, %jit3A_426 : i32
    %sign3A_428 = arith.constant 0 : i32
    %sign3A_429 = arith.cmpi sgt, %sub3A_425, %sign3A_428 : i32
    %sign3A_430 = arith.extui %sign3A_429 : i1 to i32
    %sign3A_431 = arith.constant 0 : i32
    %sign3A_432 = arith.cmpi slt, %sub3A_425, %sign3A_431 : i32
    %sign3A_433 = arith.extui %sign3A_432 : i1 to i32
    %sign3A_434 = arith.subi %sign3A_430, %sign3A_433 : i32
    %sign3A_435 = arith.constant 0 : i32
    %sign3A_436 = arith.cmpi sgt, %jit3A_426, %sign3A_435 : i32
    %sign3A_437 = arith.extui %sign3A_436 : i1 to i32
    %sign3A_438 = arith.constant 0 : i32
    %sign3A_439 = arith.cmpi slt, %jit3A_426, %sign3A_438 : i32
    %sign3A_440 = arith.extui %sign3A_439 : i1 to i32
    %sign3A_441 = arith.subi %sign3A_437, %sign3A_440 : i32
    %ne3A_442 = arith.cmpi ne, %sign3A_434, %sign3A_441 : i32
    %rem3A_443 = arith.remsi %sub3A_425, %jit3A_426 : i32
    %ne3A_444 = arith.constant 0 : i32
    %ne3A_445 = arith.cmpi ne, %rem3A_443, %ne3A_444 : i32
    %and3A_446 = arith.andi %ne3A_442, %ne3A_445 : i1
    %sub3A_447 = arith.constant 1 : i32
    %sub3A_448 = arith.subi %div3A_427, %sub3A_447 : i32
    %select_n3A_449 = arith.select %and3A_446, %sub3A_448, %div3A_427 : i32
    %jit3A_450 = arith.constant 0 : i32
    %select_n3A_451 = arith.select %ge3A_421, %select_n3A_449, %jit3A_450 : i32
    %max3A_452 = arith.constant 0 : i32
    %max3A_453 = arith.maxsi %sub3A_419, %max3A_452 : i32
    %jit3A_454 = arith.constant 0 : i32
    %select_n3A_455 = arith.select %ge3A_421, %jit3A_454, %max3A_453 : i32
    %while3A_456 = arith.constant 0 : i32
    %while3A_457 = arith.constant 0 : i32
    %while3A_458 = arith.subi %select_n3A_451, %while3A_457 : i32
    %while3A_459 = arith.addi %while3A_457, %while3A_458 : i32
    %while3A_460 = arith.constant 1 : i32
    %while3A_461 = arith.divsi %while3A_458, %while3A_460 : i32
    %while3A_462 = arith.muli %while3A_461, %while3A_460 : i32
    %while3A_463 = arith.addi %while3A_457, %while3A_462 : i32
    %while3A_464 = arith.constant 1 : i32
    scf.for %while3A_818 = %while3A_457 to %while3A_463 step %while3A_464  : i32 {
      %mul3A_819 = arith.constant 64 : i32
      %mul3A_820 = arith.muli %while3A_818, %mul3A_819 : i32
      %add3A_821 = arith.addi %add3A_302, %mul3A_820 : i32
      %sub3A_822 = arith.constant 64 : i32
      %sub3A_823 = arith.subi %add3A_304, %sub3A_822 : i32
      %min3A_824 = arith.minsi %add3A_821, %sub3A_823 : i32
      %mul3A_825 = arith.constant 512 : i32
      %mul3A_826 = arith.muli %min3A_824, %mul3A_825 : i32
      %dma_start3A = arith.constant 0 : i32
      %dma_start3A_827 = tpu.memref_slice %arg6[%dma_start3A] : memref<32768xf32, #tpu.memory_space<vmem>> -> memref<32768xf32, #tpu.memory_space<vmem>>
      %dma_start3A_828 = tpu.memref_slice %arg3[%mul3A_826] : memref<16777216xf32, #tpu.memory_space<hbm>> -> memref<32768xf32, #tpu.memory_space<hbm>>
      %dma_start3A_829 = tpu.memref_slice %arg3[%mul3A_826] : memref<16777216xf32, #tpu.memory_space<hbm>> -> memref<32768xf32, #tpu.memory_space<hbm>>
      %dma_start3A_830 = arith.constant 0 : i32
      %dma_start3A_831 = tpu.memref_slice %arg6[%dma_start3A_830] : memref<32768xf32, #tpu.memory_space<vmem>> -> memref<32768xf32, #tpu.memory_space<vmem>>
      tpu.enqueue_dma source(%dma_start3A_831 : memref<32768xf32, #tpu.memory_space<vmem>>) target(%dma_start3A_829 : memref<32768xf32, #tpu.memory_space<hbm>>) target_semaphore(%arg8 : memref<!tpu.dma_semaphore, #tpu.memory_space<semaphore_mem>>)
    }
    %while3A_465 = arith.constant 1 : i32
    scf.for %while3A_818 = %while3A_463 to %while3A_459 step %while3A_465  : i32 {
      %mul3A_819 = arith.constant 64 : i32
      %mul3A_820 = arith.muli %while3A_818, %mul3A_819 : i32
      %add3A_821 = arith.addi %add3A_302, %mul3A_820 : i32
      %sub3A_822 = arith.constant 64 : i32
      %sub3A_823 = arith.subi %add3A_304, %sub3A_822 : i32
      %min3A_824 = arith.minsi %add3A_821, %sub3A_823 : i32
      %mul3A_825 = arith.constant 512 : i32
      %mul3A_826 = arith.muli %min3A_824, %mul3A_825 : i32
      %dma_start3A = arith.constant 0 : i32
      %dma_start3A_827 = tpu.memref_slice %arg6[%dma_start3A] : memref<32768xf32, #tpu.memory_space<vmem>> -> memref<32768xf32, #tpu.memory_space<vmem>>
      %dma_start3A_828 = tpu.memref_slice %arg3[%mul3A_826] : memref<16777216xf32, #tpu.memory_space<hbm>> -> memref<32768xf32, #tpu.memory_space<hbm>>
      %dma_start3A_829 = tpu.memref_slice %arg3[%mul3A_826] : memref<16777216xf32, #tpu.memory_space<hbm>> -> memref<32768xf32, #tpu.memory_space<hbm>>
      %dma_start3A_830 = arith.constant 0 : i32
      %dma_start3A_831 = tpu.memref_slice %arg6[%dma_start3A_830] : memref<32768xf32, #tpu.memory_space<vmem>> -> memref<32768xf32, #tpu.memory_space<vmem>>
      tpu.enqueue_dma source(%dma_start3A_831 : memref<32768xf32, #tpu.memory_space<vmem>>) target(%dma_start3A_829 : memref<32768xf32, #tpu.memory_space<hbm>>) target_semaphore(%arg8 : memref<!tpu.dma_semaphore, #tpu.memory_space<semaphore_mem>>)
    }
    %while3A_466 = arith.constant 0 : i32
    %while3A_467 = arith.constant 0 : i32
    %while3A_468 = arith.subi %select_n3A_455, %while3A_467 : i32
    %while3A_469 = arith.addi %while3A_467, %while3A_468 : i32
    %while3A_470 = arith.constant 1 : i32
    %while3A_471 = arith.divsi %while3A_468, %while3A_470 : i32
    %while3A_472 = arith.muli %while3A_471, %while3A_470 : i32
    %while3A_473 = arith.addi %while3A_467, %while3A_472 : i32
    %while3A_474 = arith.constant 1 : i32
    scf.for %while3A_818 = %while3A_467 to %while3A_473 step %while3A_474  : i32 {
      %add3A_819 = arith.addi %add3A_302, %while3A_818 : i32
      %mul3A_820 = arith.constant 512 : i32
      %mul3A_821 = arith.muli %add3A_819, %mul3A_820 : i32
      %dma_start3A = arith.constant 0 : i32
      %dma_start3A_822 = tpu.memref_slice %arg6[%dma_start3A] : memref<32768xf32, #tpu.memory_space<vmem>> -> memref<512xf32, #tpu.memory_space<vmem>>
      %dma_start3A_823 = tpu.memref_slice %arg3[%mul3A_821] : memref<16777216xf32, #tpu.memory_space<hbm>> -> memref<512xf32, #tpu.memory_space<hbm>>
      %dma_start3A_824 = tpu.memref_slice %arg3[%mul3A_821] : memref<16777216xf32, #tpu.memory_space<hbm>> -> memref<512xf32, #tpu.memory_space<hbm>>
      %dma_start3A_825 = arith.constant 0 : i32
      %dma_start3A_826 = tpu.memref_slice %arg6[%dma_start3A_825] : memref<32768xf32, #tpu.memory_space<vmem>> -> memref<512xf32, #tpu.memory_space<vmem>>
      tpu.enqueue_dma source(%dma_start3A_826 : memref<512xf32, #tpu.memory_space<vmem>>) target(%dma_start3A_824 : memref<512xf32, #tpu.memory_space<hbm>>) target_semaphore(%arg8 : memref<!tpu.dma_semaphore, #tpu.memory_space<semaphore_mem>>)
    }
    %while3A_475 = arith.constant 1 : i32
    scf.for %while3A_818 = %while3A_473 to %while3A_469 step %while3A_475  : i32 {
      %add3A_819 = arith.addi %add3A_302, %while3A_818 : i32
      %mul3A_820 = arith.constant 512 : i32
      %mul3A_821 = arith.muli %add3A_819, %mul3A_820 : i32
      %dma_start3A = arith.constant 0 : i32
      %dma_start3A_822 = tpu.memref_slice %arg6[%dma_start3A] : memref<32768xf32, #tpu.memory_space<vmem>> -> memref<512xf32, #tpu.memory_space<vmem>>
      %dma_start3A_823 = tpu.memref_slice %arg3[%mul3A_821] : memref<16777216xf32, #tpu.memory_space<hbm>> -> memref<512xf32, #tpu.memory_space<hbm>>
      %dma_start3A_824 = tpu.memref_slice %arg3[%mul3A_821] : memref<16777216xf32, #tpu.memory_space<hbm>> -> memref<512xf32, #tpu.memory_space<hbm>>
      %dma_start3A_825 = arith.constant 0 : i32
      %dma_start3A_826 = tpu.memref_slice %arg6[%dma_start3A_825] : memref<32768xf32, #tpu.memory_space<vmem>> -> memref<512xf32, #tpu.memory_space<vmem>>
      tpu.enqueue_dma source(%dma_start3A_826 : memref<512xf32, #tpu.memory_space<vmem>>) target(%dma_start3A_824 : memref<512xf32, #tpu.memory_space<hbm>>) target_semaphore(%arg8 : memref<!tpu.dma_semaphore, #tpu.memory_space<semaphore_mem>>)
    }
    %sub3A_476 = arith.subi %add3A_64, %mul3A_63 : i32
    %ge3A_477 = arith.constant 64 : i32
    %ge3A_478 = arith.cmpi sge, %sub3A_476, %ge3A_477 : i32
    %add3A_479 = arith.constant 64 : i32
    %add3A_480 = arith.addi %sub3A_476, %add3A_479 : i32
    %sub3A_481 = arith.constant 1 : i32
    %sub3A_482 = arith.subi %add3A_480, %sub3A_481 : i32
    %jit3A_483 = arith.constant 64 : i32
    %div3A_484 = arith.divsi %sub3A_482, %jit3A_483 : i32
    %sign3A_485 = arith.constant 0 : i32
    %sign3A_486 = arith.cmpi sgt, %sub3A_482, %sign3A_485 : i32
    %sign3A_487 = arith.extui %sign3A_486 : i1 to i32
    %sign3A_488 = arith.constant 0 : i32
    %sign3A_489 = arith.cmpi slt, %sub3A_482, %sign3A_488 : i32
    %sign3A_490 = arith.extui %sign3A_489 : i1 to i32
    %sign3A_491 = arith.subi %sign3A_487, %sign3A_490 : i32
    %sign3A_492 = arith.constant 0 : i32
    %sign3A_493 = arith.cmpi sgt, %jit3A_483, %sign3A_492 : i32
    %sign3A_494 = arith.extui %sign3A_493 : i1 to i32
    %sign3A_495 = arith.constant 0 : i32
    %sign3A_496 = arith.cmpi slt, %jit3A_483, %sign3A_495 : i32
    %sign3A_497 = arith.extui %sign3A_496 : i1 to i32
    %sign3A_498 = arith.subi %sign3A_494, %sign3A_497 : i32
    %ne3A_499 = arith.cmpi ne, %sign3A_491, %sign3A_498 : i32
    %rem3A_500 = arith.remsi %sub3A_482, %jit3A_483 : i32
    %ne3A_501 = arith.constant 0 : i32
    %ne3A_502 = arith.cmpi ne, %rem3A_500, %ne3A_501 : i32
    %and3A_503 = arith.andi %ne3A_499, %ne3A_502 : i1
    %sub3A_504 = arith.constant 1 : i32
    %sub3A_505 = arith.subi %div3A_484, %sub3A_504 : i32
    %select_n3A_506 = arith.select %and3A_503, %sub3A_505, %div3A_484 : i32
    %jit3A_507 = arith.constant 0 : i32
    %select_n3A_508 = arith.select %ge3A_478, %select_n3A_506, %jit3A_507 : i32
    %max3A_509 = arith.constant 0 : i32
    %max3A_510 = arith.maxsi %sub3A_476, %max3A_509 : i32
    %jit3A_511 = arith.constant 0 : i32
    %select_n3A_512 = arith.select %ge3A_478, %jit3A_511, %max3A_510 : i32
    %while3A_513 = arith.constant 0 : i32
    %while3A_514 = arith.constant 0 : i32
    %while3A_515 = arith.subi %select_n3A_508, %while3A_514 : i32
    %while3A_516 = arith.addi %while3A_514, %while3A_515 : i32
    %while3A_517 = arith.constant 1 : i32
    %while3A_518 = arith.divsi %while3A_515, %while3A_517 : i32
    %while3A_519 = arith.muli %while3A_518, %while3A_517 : i32
    %while3A_520 = arith.addi %while3A_514, %while3A_519 : i32
    %while3A_521 = arith.constant 1 : i32
    scf.for %while3A_818 = %while3A_514 to %while3A_520 step %while3A_521  : i32 {
      %mul3A_819 = arith.constant 64 : i32
      %mul3A_820 = arith.muli %while3A_818, %mul3A_819 : i32
      %add3A_821 = arith.addi %mul3A_63, %mul3A_820 : i32
      %sub3A_822 = arith.constant 64 : i32
      %sub3A_823 = arith.subi %add3A_64, %sub3A_822 : i32
      %min3A_824 = arith.minsi %add3A_821, %sub3A_823 : i32
      %mul3A_825 = arith.constant 512 : i32
      %mul3A_826 = arith.muli %min3A_824, %mul3A_825 : i32
      %dma_wait3A = arith.constant 0 : i32
      %dma_wait3A_827 = tpu.memref_slice %arg6[%dma_wait3A] : memref<32768xf32, #tpu.memory_space<vmem>> -> memref<32768xf32, #tpu.memory_space<vmem>>
      %dma_wait3A_828 = tpu.memref_slice %arg3[%mul3A_826] : memref<16777216xf32, #tpu.memory_space<hbm>> -> memref<32768xf32, #tpu.memory_space<hbm>>
      %dma_wait3A_829 = tpu.memref_slice %arg3[%mul3A_826] : memref<16777216xf32, #tpu.memory_space<hbm>> -> memref<32768xf32, #tpu.memory_space<hbm>>
      %dma_wait3A_830 = arith.constant 0 : i32
      %dma_wait3A_831 = tpu.memref_slice %arg6[%dma_wait3A_830] : memref<32768xf32, #tpu.memory_space<vmem>> -> memref<32768xf32, #tpu.memory_space<vmem>>
      tpu.wait_dma2 semaphore(%arg8 : memref<!tpu.dma_semaphore, #tpu.memory_space<semaphore_mem>>) src(%dma_wait3A_831 : memref<32768xf32, #tpu.memory_space<vmem>>) dst(%dma_wait3A_829 : memref<32768xf32, #tpu.memory_space<hbm>>)
    }
    %while3A_522 = arith.constant 1 : i32
    scf.for %while3A_818 = %while3A_520 to %while3A_516 step %while3A_522  : i32 {
      %mul3A_819 = arith.constant 64 : i32
      %mul3A_820 = arith.muli %while3A_818, %mul3A_819 : i32
      %add3A_821 = arith.addi %mul3A_63, %mul3A_820 : i32
      %sub3A_822 = arith.constant 64 : i32
      %sub3A_823 = arith.subi %add3A_64, %sub3A_822 : i32
      %min3A_824 = arith.minsi %add3A_821, %sub3A_823 : i32
      %mul3A_825 = arith.constant 512 : i32
      %mul3A_826 = arith.muli %min3A_824, %mul3A_825 : i32
      %dma_wait3A = arith.constant 0 : i32
      %dma_wait3A_827 = tpu.memref_slice %arg6[%dma_wait3A] : memref<32768xf32, #tpu.memory_space<vmem>> -> memref<32768xf32, #tpu.memory_space<vmem>>
      %dma_wait3A_828 = tpu.memref_slice %arg3[%mul3A_826] : memref<16777216xf32, #tpu.memory_space<hbm>> -> memref<32768xf32, #tpu.memory_space<hbm>>
      %dma_wait3A_829 = tpu.memref_slice %arg3[%mul3A_826] : memref<16777216xf32, #tpu.memory_space<hbm>> -> memref<32768xf32, #tpu.memory_space<hbm>>
      %dma_wait3A_830 = arith.constant 0 : i32
      %dma_wait3A_831 = tpu.memref_slice %arg6[%dma_wait3A_830] : memref<32768xf32, #tpu.memory_space<vmem>> -> memref<32768xf32, #tpu.memory_space<vmem>>
      tpu.wait_dma2 semaphore(%arg8 : memref<!tpu.dma_semaphore, #tpu.memory_space<semaphore_mem>>) src(%dma_wait3A_831 : memref<32768xf32, #tpu.memory_space<vmem>>) dst(%dma_wait3A_829 : memref<32768xf32, #tpu.memory_space<hbm>>)
    }
    %while3A_523 = arith.constant 0 : i32
    %while3A_524 = arith.constant 0 : i32
    %while3A_525 = arith.subi %select_n3A_512, %while3A_524 : i32
    %while3A_526 = arith.addi %while3A_524, %while3A_525 : i32
    %while3A_527 = arith.constant 1 : i32
    %while3A_528 = arith.divsi %while3A_525, %while3A_527 : i32
    %while3A_529 = arith.muli %while3A_528, %while3A_527 : i32
    %while3A_530 = arith.addi %while3A_524, %while3A_529 : i32
    %while3A_531 = arith.constant 1 : i32
    scf.for %while3A_818 = %while3A_524 to %while3A_530 step %while3A_531  : i32 {
      %add3A_819 = arith.addi %mul3A_63, %while3A_818 : i32
      %mul3A_820 = arith.constant 512 : i32
      %mul3A_821 = arith.muli %add3A_819, %mul3A_820 : i32
      %dma_wait3A = arith.constant 0 : i32
      %dma_wait3A_822 = tpu.memref_slice %arg6[%dma_wait3A] : memref<32768xf32, #tpu.memory_space<vmem>> -> memref<512xf32, #tpu.memory_space<vmem>>
      %dma_wait3A_823 = tpu.memref_slice %arg3[%mul3A_821] : memref<16777216xf32, #tpu.memory_space<hbm>> -> memref<512xf32, #tpu.memory_space<hbm>>
      %dma_wait3A_824 = tpu.memref_slice %arg3[%mul3A_821] : memref<16777216xf32, #tpu.memory_space<hbm>> -> memref<512xf32, #tpu.memory_space<hbm>>
      %dma_wait3A_825 = arith.constant 0 : i32
      %dma_wait3A_826 = tpu.memref_slice %arg6[%dma_wait3A_825] : memref<32768xf32, #tpu.memory_space<vmem>> -> memref<512xf32, #tpu.memory_space<vmem>>
      tpu.wait_dma2 semaphore(%arg8 : memref<!tpu.dma_semaphore, #tpu.memory_space<semaphore_mem>>) src(%dma_wait3A_826 : memref<512xf32, #tpu.memory_space<vmem>>) dst(%dma_wait3A_824 : memref<512xf32, #tpu.memory_space<hbm>>)
    }
    %while3A_532 = arith.constant 1 : i32
    scf.for %while3A_818 = %while3A_530 to %while3A_526 step %while3A_532  : i32 {
      %add3A_819 = arith.addi %mul3A_63, %while3A_818 : i32
      %mul3A_820 = arith.constant 512 : i32
      %mul3A_821 = arith.muli %add3A_819, %mul3A_820 : i32
      %dma_wait3A = arith.constant 0 : i32
      %dma_wait3A_822 = tpu.memref_slice %arg6[%dma_wait3A] : memref<32768xf32, #tpu.memory_space<vmem>> -> memref<512xf32, #tpu.memory_space<vmem>>
      %dma_wait3A_823 = tpu.memref_slice %arg3[%mul3A_821] : memref<16777216xf32, #tpu.memory_space<hbm>> -> memref<512xf32, #tpu.memory_space<hbm>>
      %dma_wait3A_824 = tpu.memref_slice %arg3[%mul3A_821] : memref<16777216xf32, #tpu.memory_space<hbm>> -> memref<512xf32, #tpu.memory_space<hbm>>
      %dma_wait3A_825 = arith.constant 0 : i32
      %dma_wait3A_826 = tpu.memref_slice %arg6[%dma_wait3A_825] : memref<32768xf32, #tpu.memory_space<vmem>> -> memref<512xf32, #tpu.memory_space<vmem>>
      tpu.wait_dma2 semaphore(%arg8 : memref<!tpu.dma_semaphore, #tpu.memory_space<semaphore_mem>>) src(%dma_wait3A_826 : memref<512xf32, #tpu.memory_space<vmem>>) dst(%dma_wait3A_824 : memref<512xf32, #tpu.memory_space<hbm>>)
    }
    %sub3A_533 = arith.subi %add3A_66, %add3A_65 : i32
    %ge3A_534 = arith.constant 64 : i32
    %ge3A_535 = arith.cmpi sge, %sub3A_533, %ge3A_534 : i32
    %add3A_536 = arith.constant 64 : i32
    %add3A_537 = arith.addi %sub3A_533, %add3A_536 : i32
    %sub3A_538 = arith.constant 1 : i32
    %sub3A_539 = arith.subi %add3A_537, %sub3A_538 : i32
    %jit3A_540 = arith.constant 64 : i32
    %div3A_541 = arith.divsi %sub3A_539, %jit3A_540 : i32
    %sign3A_542 = arith.constant 0 : i32
    %sign3A_543 = arith.cmpi sgt, %sub3A_539, %sign3A_542 : i32
    %sign3A_544 = arith.extui %sign3A_543 : i1 to i32
    %sign3A_545 = arith.constant 0 : i32
    %sign3A_546 = arith.cmpi slt, %sub3A_539, %sign3A_545 : i32
    %sign3A_547 = arith.extui %sign3A_546 : i1 to i32
    %sign3A_548 = arith.subi %sign3A_544, %sign3A_547 : i32
    %sign3A_549 = arith.constant 0 : i32
    %sign3A_550 = arith.cmpi sgt, %jit3A_540, %sign3A_549 : i32
    %sign3A_551 = arith.extui %sign3A_550 : i1 to i32
    %sign3A_552 = arith.constant 0 : i32
    %sign3A_553 = arith.cmpi slt, %jit3A_540, %sign3A_552 : i32
    %sign3A_554 = arith.extui %sign3A_553 : i1 to i32
    %sign3A_555 = arith.subi %sign3A_551, %sign3A_554 : i32
    %ne3A_556 = arith.cmpi ne, %sign3A_548, %sign3A_555 : i32
    %rem3A_557 = arith.remsi %sub3A_539, %jit3A_540 : i32
    %ne3A_558 = arith.constant 0 : i32
    %ne3A_559 = arith.cmpi ne, %rem3A_557, %ne3A_558 : i32
    %and3A_560 = arith.andi %ne3A_556, %ne3A_559 : i1
    %sub3A_561 = arith.constant 1 : i32
    %sub3A_562 = arith.subi %div3A_541, %sub3A_561 : i32
    %select_n3A_563 = arith.select %and3A_560, %sub3A_562, %div3A_541 : i32
    %jit3A_564 = arith.constant 0 : i32
    %select_n3A_565 = arith.select %ge3A_535, %select_n3A_563, %jit3A_564 : i32
    %max3A_566 = arith.constant 0 : i32
    %max3A_567 = arith.maxsi %sub3A_533, %max3A_566 : i32
    %jit3A_568 = arith.constant 0 : i32
    %select_n3A_569 = arith.select %ge3A_535, %jit3A_568, %max3A_567 : i32
    %while3A_570 = arith.constant 0 : i32
    %while3A_571 = arith.constant 0 : i32
    %while3A_572 = arith.subi %select_n3A_565, %while3A_571 : i32
    %while3A_573 = arith.addi %while3A_571, %while3A_572 : i32
    %while3A_574 = arith.constant 1 : i32
    %while3A_575 = arith.divsi %while3A_572, %while3A_574 : i32
    %while3A_576 = arith.muli %while3A_575, %while3A_574 : i32
    %while3A_577 = arith.addi %while3A_571, %while3A_576 : i32
    %while3A_578 = arith.constant 1 : i32
    scf.for %while3A_818 = %while3A_571 to %while3A_577 step %while3A_578  : i32 {
      %mul3A_819 = arith.constant 64 : i32
      %mul3A_820 = arith.muli %while3A_818, %mul3A_819 : i32
      %add3A_821 = arith.addi %add3A_65, %mul3A_820 : i32
      %sub3A_822 = arith.constant 64 : i32
      %sub3A_823 = arith.subi %add3A_66, %sub3A_822 : i32
      %min3A_824 = arith.minsi %add3A_821, %sub3A_823 : i32
      %mul3A_825 = arith.constant 512 : i32
      %mul3A_826 = arith.muli %min3A_824, %mul3A_825 : i32
      %dma_wait3A = arith.constant 0 : i32
      %dma_wait3A_827 = tpu.memref_slice %arg4[%dma_wait3A] : memref<32768xf32, #tpu.memory_space<vmem>> -> memref<32768xf32, #tpu.memory_space<vmem>>
      %dma_wait3A_828 = tpu.memref_slice %arg3[%mul3A_826] : memref<16777216xf32, #tpu.memory_space<hbm>> -> memref<32768xf32, #tpu.memory_space<hbm>>
      %dma_wait3A_829 = tpu.memref_slice %arg3[%mul3A_826] : memref<16777216xf32, #tpu.memory_space<hbm>> -> memref<32768xf32, #tpu.memory_space<hbm>>
      %dma_wait3A_830 = arith.constant 0 : i32
      %dma_wait3A_831 = tpu.memref_slice %arg4[%dma_wait3A_830] : memref<32768xf32, #tpu.memory_space<vmem>> -> memref<32768xf32, #tpu.memory_space<vmem>>
      tpu.wait_dma2 semaphore(%arg8 : memref<!tpu.dma_semaphore, #tpu.memory_space<semaphore_mem>>) src(%dma_wait3A_831 : memref<32768xf32, #tpu.memory_space<vmem>>) dst(%dma_wait3A_829 : memref<32768xf32, #tpu.memory_space<hbm>>)
    }
    %while3A_579 = arith.constant 1 : i32
    scf.for %while3A_818 = %while3A_577 to %while3A_573 step %while3A_579  : i32 {
      %mul3A_819 = arith.constant 64 : i32
      %mul3A_820 = arith.muli %while3A_818, %mul3A_819 : i32
      %add3A_821 = arith.addi %add3A_65, %mul3A_820 : i32
      %sub3A_822 = arith.constant 64 : i32
      %sub3A_823 = arith.subi %add3A_66, %sub3A_822 : i32
      %min3A_824 = arith.minsi %add3A_821, %sub3A_823 : i32
      %mul3A_825 = arith.constant 512 : i32
      %mul3A_826 = arith.muli %min3A_824, %mul3A_825 : i32
      %dma_wait3A = arith.constant 0 : i32
      %dma_wait3A_827 = tpu.memref_slice %arg4[%dma_wait3A] : memref<32768xf32, #tpu.memory_space<vmem>> -> memref<32768xf32, #tpu.memory_space<vmem>>
      %dma_wait3A_828 = tpu.memref_slice %arg3[%mul3A_826] : memref<16777216xf32, #tpu.memory_space<hbm>> -> memref<32768xf32, #tpu.memory_space<hbm>>
      %dma_wait3A_829 = tpu.memref_slice %arg3[%mul3A_826] : memref<16777216xf32, #tpu.memory_space<hbm>> -> memref<32768xf32, #tpu.memory_space<hbm>>
      %dma_wait3A_830 = arith.constant 0 : i32
      %dma_wait3A_831 = tpu.memref_slice %arg4[%dma_wait3A_830] : memref<32768xf32, #tpu.memory_space<vmem>> -> memref<32768xf32, #tpu.memory_space<vmem>>
      tpu.wait_dma2 semaphore(%arg8 : memref<!tpu.dma_semaphore, #tpu.memory_space<semaphore_mem>>) src(%dma_wait3A_831 : memref<32768xf32, #tpu.memory_space<vmem>>) dst(%dma_wait3A_829 : memref<32768xf32, #tpu.memory_space<hbm>>)
    }
    %while3A_580 = arith.constant 0 : i32
    %while3A_581 = arith.constant 0 : i32
    %while3A_582 = arith.subi %select_n3A_569, %while3A_581 : i32
    %while3A_583 = arith.addi %while3A_581, %while3A_582 : i32
    %while3A_584 = arith.constant 1 : i32
    %while3A_585 = arith.divsi %while3A_582, %while3A_584 : i32
    %while3A_586 = arith.muli %while3A_585, %while3A_584 : i32
    %while3A_587 = arith.addi %while3A_581, %while3A_586 : i32
    %while3A_588 = arith.constant 1 : i32
    scf.for %while3A_818 = %while3A_581 to %while3A_587 step %while3A_588  : i32 {
      %add3A_819 = arith.addi %add3A_65, %while3A_818 : i32
      %mul3A_820 = arith.constant 512 : i32
      %mul3A_821 = arith.muli %add3A_819, %mul3A_820 : i32
      %dma_wait3A = arith.constant 0 : i32
      %dma_wait3A_822 = tpu.memref_slice %arg4[%dma_wait3A] : memref<32768xf32, #tpu.memory_space<vmem>> -> memref<512xf32, #tpu.memory_space<vmem>>
      %dma_wait3A_823 = tpu.memref_slice %arg3[%mul3A_821] : memref<16777216xf32, #tpu.memory_space<hbm>> -> memref<512xf32, #tpu.memory_space<hbm>>
      %dma_wait3A_824 = tpu.memref_slice %arg3[%mul3A_821] : memref<16777216xf32, #tpu.memory_space<hbm>> -> memref<512xf32, #tpu.memory_space<hbm>>
      %dma_wait3A_825 = arith.constant 0 : i32
      %dma_wait3A_826 = tpu.memref_slice %arg4[%dma_wait3A_825] : memref<32768xf32, #tpu.memory_space<vmem>> -> memref<512xf32, #tpu.memory_space<vmem>>
      tpu.wait_dma2 semaphore(%arg8 : memref<!tpu.dma_semaphore, #tpu.memory_space<semaphore_mem>>) src(%dma_wait3A_826 : memref<512xf32, #tpu.memory_space<vmem>>) dst(%dma_wait3A_824 : memref<512xf32, #tpu.memory_space<hbm>>)
    }
    %while3A_589 = arith.constant 1 : i32
    scf.for %while3A_818 = %while3A_587 to %while3A_583 step %while3A_589  : i32 {
      %add3A_819 = arith.addi %add3A_65, %while3A_818 : i32
      %mul3A_820 = arith.constant 512 : i32
      %mul3A_821 = arith.muli %add3A_819, %mul3A_820 : i32
      %dma_wait3A = arith.constant 0 : i32
      %dma_wait3A_822 = tpu.memref_slice %arg4[%dma_wait3A] : memref<32768xf32, #tpu.memory_space<vmem>> -> memref<512xf32, #tpu.memory_space<vmem>>
      %dma_wait3A_823 = tpu.memref_slice %arg3[%mul3A_821] : memref<16777216xf32, #tpu.memory_space<hbm>> -> memref<512xf32, #tpu.memory_space<hbm>>
      %dma_wait3A_824 = tpu.memref_slice %arg3[%mul3A_821] : memref<16777216xf32, #tpu.memory_space<hbm>> -> memref<512xf32, #tpu.memory_space<hbm>>
      %dma_wait3A_825 = arith.constant 0 : i32
      %dma_wait3A_826 = tpu.memref_slice %arg4[%dma_wait3A_825] : memref<32768xf32, #tpu.memory_space<vmem>> -> memref<512xf32, #tpu.memory_space<vmem>>
      tpu.wait_dma2 semaphore(%arg8 : memref<!tpu.dma_semaphore, #tpu.memory_space<semaphore_mem>>) src(%dma_wait3A_826 : memref<512xf32, #tpu.memory_space<vmem>>) dst(%dma_wait3A_824 : memref<512xf32, #tpu.memory_space<hbm>>)
    }
    %sub3A_590 = arith.subi %add3A_69, %add3A_67 : i32
    %ge3A_591 = arith.constant 64 : i32
    %ge3A_592 = arith.cmpi sge, %sub3A_590, %ge3A_591 : i32
    %add3A_593 = arith.constant 64 : i32
    %add3A_594 = arith.addi %sub3A_590, %add3A_593 : i32
    %sub3A_595 = arith.constant 1 : i32
    %sub3A_596 = arith.subi %add3A_594, %sub3A_595 : i32
    %jit3A_597 = arith.constant 64 : i32
    %div3A_598 = arith.divsi %sub3A_596, %jit3A_597 : i32
    %sign3A_599 = arith.constant 0 : i32
    %sign3A_600 = arith.cmpi sgt, %sub3A_596, %sign3A_599 : i32
    %sign3A_601 = arith.extui %sign3A_600 : i1 to i32
    %sign3A_602 = arith.constant 0 : i32
    %sign3A_603 = arith.cmpi slt, %sub3A_596, %sign3A_602 : i32
    %sign3A_604 = arith.extui %sign3A_603 : i1 to i32
    %sign3A_605 = arith.subi %sign3A_601, %sign3A_604 : i32
    %sign3A_606 = arith.constant 0 : i32
    %sign3A_607 = arith.cmpi sgt, %jit3A_597, %sign3A_606 : i32
    %sign3A_608 = arith.extui %sign3A_607 : i1 to i32
    %sign3A_609 = arith.constant 0 : i32
    %sign3A_610 = arith.cmpi slt, %jit3A_597, %sign3A_609 : i32
    %sign3A_611 = arith.extui %sign3A_610 : i1 to i32
    %sign3A_612 = arith.subi %sign3A_608, %sign3A_611 : i32
    %ne3A_613 = arith.cmpi ne, %sign3A_605, %sign3A_612 : i32
    %rem3A_614 = arith.remsi %sub3A_596, %jit3A_597 : i32
    %ne3A_615 = arith.constant 0 : i32
    %ne3A_616 = arith.cmpi ne, %rem3A_614, %ne3A_615 : i32
    %and3A_617 = arith.andi %ne3A_613, %ne3A_616 : i1
    %sub3A_618 = arith.constant 1 : i32
    %sub3A_619 = arith.subi %div3A_598, %sub3A_618 : i32
    %select_n3A_620 = arith.select %and3A_617, %sub3A_619, %div3A_598 : i32
    %jit3A_621 = arith.constant 0 : i32
    %select_n3A_622 = arith.select %ge3A_592, %select_n3A_620, %jit3A_621 : i32
    %max3A_623 = arith.constant 0 : i32
    %max3A_624 = arith.maxsi %sub3A_590, %max3A_623 : i32
    %jit3A_625 = arith.constant 0 : i32
    %select_n3A_626 = arith.select %ge3A_592, %jit3A_625, %max3A_624 : i32
    %while3A_627 = arith.constant 0 : i32
    %while3A_628 = arith.constant 0 : i32
    %while3A_629 = arith.subi %select_n3A_622, %while3A_628 : i32
    %while3A_630 = arith.addi %while3A_628, %while3A_629 : i32
    %while3A_631 = arith.constant 1 : i32
    %while3A_632 = arith.divsi %while3A_629, %while3A_631 : i32
    %while3A_633 = arith.muli %while3A_632, %while3A_631 : i32
    %while3A_634 = arith.addi %while3A_628, %while3A_633 : i32
    %while3A_635 = arith.constant 1 : i32
    scf.for %while3A_818 = %while3A_628 to %while3A_634 step %while3A_635  : i32 {
      %mul3A_819 = arith.constant 64 : i32
      %mul3A_820 = arith.muli %while3A_818, %mul3A_819 : i32
      %add3A_821 = arith.addi %add3A_67, %mul3A_820 : i32
      %sub3A_822 = arith.constant 64 : i32
      %sub3A_823 = arith.subi %add3A_69, %sub3A_822 : i32
      %min3A_824 = arith.minsi %add3A_821, %sub3A_823 : i32
      %mul3A_825 = arith.constant 512 : i32
      %mul3A_826 = arith.muli %min3A_824, %mul3A_825 : i32
      %dma_wait3A = arith.constant 0 : i32
      %dma_wait3A_827 = tpu.memref_slice %arg6[%dma_wait3A] : memref<32768xf32, #tpu.memory_space<vmem>> -> memref<32768xf32, #tpu.memory_space<vmem>>
      %dma_wait3A_828 = tpu.memref_slice %arg3[%mul3A_826] : memref<16777216xf32, #tpu.memory_space<hbm>> -> memref<32768xf32, #tpu.memory_space<hbm>>
      %dma_wait3A_829 = tpu.memref_slice %arg3[%mul3A_826] : memref<16777216xf32, #tpu.memory_space<hbm>> -> memref<32768xf32, #tpu.memory_space<hbm>>
      %dma_wait3A_830 = arith.constant 0 : i32
      %dma_wait3A_831 = tpu.memref_slice %arg6[%dma_wait3A_830] : memref<32768xf32, #tpu.memory_space<vmem>> -> memref<32768xf32, #tpu.memory_space<vmem>>
      tpu.wait_dma2 semaphore(%arg8 : memref<!tpu.dma_semaphore, #tpu.memory_space<semaphore_mem>>) src(%dma_wait3A_831 : memref<32768xf32, #tpu.memory_space<vmem>>) dst(%dma_wait3A_829 : memref<32768xf32, #tpu.memory_space<hbm>>)
    }
    %while3A_636 = arith.constant 1 : i32
    scf.for %while3A_818 = %while3A_634 to %while3A_630 step %while3A_636  : i32 {
      %mul3A_819 = arith.constant 64 : i32
      %mul3A_820 = arith.muli %while3A_818, %mul3A_819 : i32
      %add3A_821 = arith.addi %add3A_67, %mul3A_820 : i32
      %sub3A_822 = arith.constant 64 : i32
      %sub3A_823 = arith.subi %add3A_69, %sub3A_822 : i32
      %min3A_824 = arith.minsi %add3A_821, %sub3A_823 : i32
      %mul3A_825 = arith.constant 512 : i32
      %mul3A_826 = arith.muli %min3A_824, %mul3A_825 : i32
      %dma_wait3A = arith.constant 0 : i32
      %dma_wait3A_827 = tpu.memref_slice %arg6[%dma_wait3A] : memref<32768xf32, #tpu.memory_space<vmem>> -> memref<32768xf32, #tpu.memory_space<vmem>>
      %dma_wait3A_828 = tpu.memref_slice %arg3[%mul3A_826] : memref<16777216xf32, #tpu.memory_space<hbm>> -> memref<32768xf32, #tpu.memory_space<hbm>>
      %dma_wait3A_829 = tpu.memref_slice %arg3[%mul3A_826] : memref<16777216xf32, #tpu.memory_space<hbm>> -> memref<32768xf32, #tpu.memory_space<hbm>>
      %dma_wait3A_830 = arith.constant 0 : i32
      %dma_wait3A_831 = tpu.memref_slice %arg6[%dma_wait3A_830] : memref<32768xf32, #tpu.memory_space<vmem>> -> memref<32768xf32, #tpu.memory_space<vmem>>
      tpu.wait_dma2 semaphore(%arg8 : memref<!tpu.dma_semaphore, #tpu.memory_space<semaphore_mem>>) src(%dma_wait3A_831 : memref<32768xf32, #tpu.memory_space<vmem>>) dst(%dma_wait3A_829 : memref<32768xf32, #tpu.memory_space<hbm>>)
    }
    %while3A_637 = arith.constant 0 : i32
    %while3A_638 = arith.constant 0 : i32
    %while3A_639 = arith.subi %select_n3A_626, %while3A_638 : i32
    %while3A_640 = arith.addi %while3A_638, %while3A_639 : i32
    %while3A_641 = arith.constant 1 : i32
    %while3A_642 = arith.divsi %while3A_639, %while3A_641 : i32
    %while3A_643 = arith.muli %while3A_642, %while3A_641 : i32
    %while3A_644 = arith.addi %while3A_638, %while3A_643 : i32
    %while3A_645 = arith.constant 1 : i32
    scf.for %while3A_818 = %while3A_638 to %while3A_644 step %while3A_645  : i32 {
      %add3A_819 = arith.addi %add3A_67, %while3A_818 : i32
      %mul3A_820 = arith.constant 512 : i32
      %mul3A_821 = arith.muli %add3A_819, %mul3A_820 : i32
      %dma_wait3A = arith.constant 0 : i32
      %dma_wait3A_822 = tpu.memref_slice %arg6[%dma_wait3A] : memref<32768xf32, #tpu.memory_space<vmem>> -> memref<512xf32, #tpu.memory_space<vmem>>
      %dma_wait3A_823 = tpu.memref_slice %arg3[%mul3A_821] : memref<16777216xf32, #tpu.memory_space<hbm>> -> memref<512xf32, #tpu.memory_space<hbm>>
      %dma_wait3A_824 = tpu.memref_slice %arg3[%mul3A_821] : memref<16777216xf32, #tpu.memory_space<hbm>> -> memref<512xf32, #tpu.memory_space<hbm>>
      %dma_wait3A_825 = arith.constant 0 : i32
      %dma_wait3A_826 = tpu.memref_slice %arg6[%dma_wait3A_825] : memref<32768xf32, #tpu.memory_space<vmem>> -> memref<512xf32, #tpu.memory_space<vmem>>
      tpu.wait_dma2 semaphore(%arg8 : memref<!tpu.dma_semaphore, #tpu.memory_space<semaphore_mem>>) src(%dma_wait3A_826 : memref<512xf32, #tpu.memory_space<vmem>>) dst(%dma_wait3A_824 : memref<512xf32, #tpu.memory_space<hbm>>)
    }
    %while3A_646 = arith.constant 1 : i32
    scf.for %while3A_818 = %while3A_644 to %while3A_640 step %while3A_646  : i32 {
      %add3A_819 = arith.addi %add3A_67, %while3A_818 : i32
      %mul3A_820 = arith.constant 512 : i32
      %mul3A_821 = arith.muli %add3A_819, %mul3A_820 : i32
      %dma_wait3A = arith.constant 0 : i32
      %dma_wait3A_822 = tpu.memref_slice %arg6[%dma_wait3A] : memref<32768xf32, #tpu.memory_space<vmem>> -> memref<512xf32, #tpu.memory_space<vmem>>
      %dma_wait3A_823 = tpu.memref_slice %arg3[%mul3A_821] : memref<16777216xf32, #tpu.memory_space<hbm>> -> memref<512xf32, #tpu.memory_space<hbm>>
      %dma_wait3A_824 = tpu.memref_slice %arg3[%mul3A_821] : memref<16777216xf32, #tpu.memory_space<hbm>> -> memref<512xf32, #tpu.memory_space<hbm>>
      %dma_wait3A_825 = arith.constant 0 : i32
      %dma_wait3A_826 = tpu.memref_slice %arg6[%dma_wait3A_825] : memref<32768xf32, #tpu.memory_space<vmem>> -> memref<512xf32, #tpu.memory_space<vmem>>
      tpu.wait_dma2 semaphore(%arg8 : memref<!tpu.dma_semaphore, #tpu.memory_space<semaphore_mem>>) src(%dma_wait3A_826 : memref<512xf32, #tpu.memory_space<vmem>>) dst(%dma_wait3A_824 : memref<512xf32, #tpu.memory_space<hbm>>)
    }
    %sub3A_647 = arith.subi %add3A_299, %mul3A_298 : i32
    %ge3A_648 = arith.constant 64 : i32
    %ge3A_649 = arith.cmpi sge, %sub3A_647, %ge3A_648 : i32
    %add3A_650 = arith.constant 64 : i32
    %add3A_651 = arith.addi %sub3A_647, %add3A_650 : i32
    %sub3A_652 = arith.constant 1 : i32
    %sub3A_653 = arith.subi %add3A_651, %sub3A_652 : i32
    %jit3A_654 = arith.constant 64 : i32
    %div3A_655 = arith.divsi %sub3A_653, %jit3A_654 : i32
    %sign3A_656 = arith.constant 0 : i32
    %sign3A_657 = arith.cmpi sgt, %sub3A_653, %sign3A_656 : i32
    %sign3A_658 = arith.extui %sign3A_657 : i1 to i32
    %sign3A_659 = arith.constant 0 : i32
    %sign3A_660 = arith.cmpi slt, %sub3A_653, %sign3A_659 : i32
    %sign3A_661 = arith.extui %sign3A_660 : i1 to i32
    %sign3A_662 = arith.subi %sign3A_658, %sign3A_661 : i32
    %sign3A_663 = arith.constant 0 : i32
    %sign3A_664 = arith.cmpi sgt, %jit3A_654, %sign3A_663 : i32
    %sign3A_665 = arith.extui %sign3A_664 : i1 to i32
    %sign3A_666 = arith.constant 0 : i32
    %sign3A_667 = arith.cmpi slt, %jit3A_654, %sign3A_666 : i32
    %sign3A_668 = arith.extui %sign3A_667 : i1 to i32
    %sign3A_669 = arith.subi %sign3A_665, %sign3A_668 : i32
    %ne3A_670 = arith.cmpi ne, %sign3A_662, %sign3A_669 : i32
    %rem3A_671 = arith.remsi %sub3A_653, %jit3A_654 : i32
    %ne3A_672 = arith.constant 0 : i32
    %ne3A_673 = arith.cmpi ne, %rem3A_671, %ne3A_672 : i32
    %and3A_674 = arith.andi %ne3A_670, %ne3A_673 : i1
    %sub3A_675 = arith.constant 1 : i32
    %sub3A_676 = arith.subi %div3A_655, %sub3A_675 : i32
    %select_n3A_677 = arith.select %and3A_674, %sub3A_676, %div3A_655 : i32
    %jit3A_678 = arith.constant 0 : i32
    %select_n3A_679 = arith.select %ge3A_649, %select_n3A_677, %jit3A_678 : i32
    %max3A_680 = arith.constant 0 : i32
    %max3A_681 = arith.maxsi %sub3A_647, %max3A_680 : i32
    %jit3A_682 = arith.constant 0 : i32
    %select_n3A_683 = arith.select %ge3A_649, %jit3A_682, %max3A_681 : i32
    %while3A_684 = arith.constant 0 : i32
    %while3A_685 = arith.constant 0 : i32
    %while3A_686 = arith.subi %select_n3A_679, %while3A_685 : i32
    %while3A_687 = arith.addi %while3A_685, %while3A_686 : i32
    %while3A_688 = arith.constant 1 : i32
    %while3A_689 = arith.divsi %while3A_686, %while3A_688 : i32
    %while3A_690 = arith.muli %while3A_689, %while3A_688 : i32
    %while3A_691 = arith.addi %while3A_685, %while3A_690 : i32
    %while3A_692 = arith.constant 1 : i32
    scf.for %while3A_818 = %while3A_685 to %while3A_691 step %while3A_692  : i32 {
      %mul3A_819 = arith.constant 64 : i32
      %mul3A_820 = arith.muli %while3A_818, %mul3A_819 : i32
      %add3A_821 = arith.addi %mul3A_298, %mul3A_820 : i32
      %sub3A_822 = arith.constant 64 : i32
      %sub3A_823 = arith.subi %add3A_299, %sub3A_822 : i32
      %min3A_824 = arith.minsi %add3A_821, %sub3A_823 : i32
      %mul3A_825 = arith.constant 512 : i32
      %mul3A_826 = arith.muli %min3A_824, %mul3A_825 : i32
      %dma_wait3A = arith.constant 0 : i32
      %dma_wait3A_827 = tpu.memref_slice %arg6[%dma_wait3A] : memref<32768xf32, #tpu.memory_space<vmem>> -> memref<32768xf32, #tpu.memory_space<vmem>>
      %dma_wait3A_828 = tpu.memref_slice %arg3[%mul3A_826] : memref<16777216xf32, #tpu.memory_space<hbm>> -> memref<32768xf32, #tpu.memory_space<hbm>>
      %dma_wait3A_829 = tpu.memref_slice %arg3[%mul3A_826] : memref<16777216xf32, #tpu.memory_space<hbm>> -> memref<32768xf32, #tpu.memory_space<hbm>>
      %dma_wait3A_830 = arith.constant 0 : i32
      %dma_wait3A_831 = tpu.memref_slice %arg6[%dma_wait3A_830] : memref<32768xf32, #tpu.memory_space<vmem>> -> memref<32768xf32, #tpu.memory_space<vmem>>
      tpu.wait_dma2 semaphore(%arg8 : memref<!tpu.dma_semaphore, #tpu.memory_space<semaphore_mem>>) src(%dma_wait3A_831 : memref<32768xf32, #tpu.memory_space<vmem>>) dst(%dma_wait3A_829 : memref<32768xf32, #tpu.memory_space<hbm>>)
    }
    %while3A_693 = arith.constant 1 : i32
    scf.for %while3A_818 = %while3A_691 to %while3A_687 step %while3A_693  : i32 {
      %mul3A_819 = arith.constant 64 : i32
      %mul3A_820 = arith.muli %while3A_818, %mul3A_819 : i32
      %add3A_821 = arith.addi %mul3A_298, %mul3A_820 : i32
      %sub3A_822 = arith.constant 64 : i32
      %sub3A_823 = arith.subi %add3A_299, %sub3A_822 : i32
      %min3A_824 = arith.minsi %add3A_821, %sub3A_823 : i32
      %mul3A_825 = arith.constant 512 : i32
      %mul3A_826 = arith.muli %min3A_824, %mul3A_825 : i32
      %dma_wait3A = arith.constant 0 : i32
      %dma_wait3A_827 = tpu.memref_slice %arg6[%dma_wait3A] : memref<32768xf32, #tpu.memory_space<vmem>> -> memref<32768xf32, #tpu.memory_space<vmem>>
      %dma_wait3A_828 = tpu.memref_slice %arg3[%mul3A_826] : memref<16777216xf32, #tpu.memory_space<hbm>> -> memref<32768xf32, #tpu.memory_space<hbm>>
      %dma_wait3A_829 = tpu.memref_slice %arg3[%mul3A_826] : memref<16777216xf32, #tpu.memory_space<hbm>> -> memref<32768xf32, #tpu.memory_space<hbm>>
      %dma_wait3A_830 = arith.constant 0 : i32
      %dma_wait3A_831 = tpu.memref_slice %arg6[%dma_wait3A_830] : memref<32768xf32, #tpu.memory_space<vmem>> -> memref<32768xf32, #tpu.memory_space<vmem>>
      tpu.wait_dma2 semaphore(%arg8 : memref<!tpu.dma_semaphore, #tpu.memory_space<semaphore_mem>>) src(%dma_wait3A_831 : memref<32768xf32, #tpu.memory_space<vmem>>) dst(%dma_wait3A_829 : memref<32768xf32, #tpu.memory_space<hbm>>)
    }
    %while3A_694 = arith.constant 0 : i32
    %while3A_695 = arith.constant 0 : i32
    %while3A_696 = arith.subi %select_n3A_683, %while3A_695 : i32
    %while3A_697 = arith.addi %while3A_695, %while3A_696 : i32
    %while3A_698 = arith.constant 1 : i32
    %while3A_699 = arith.divsi %while3A_696, %while3A_698 : i32
    %while3A_700 = arith.muli %while3A_699, %while3A_698 : i32
    %while3A_701 = arith.addi %while3A_695, %while3A_700 : i32
    %while3A_702 = arith.constant 1 : i32
    scf.for %while3A_818 = %while3A_695 to %while3A_701 step %while3A_702  : i32 {
      %add3A_819 = arith.addi %mul3A_298, %while3A_818 : i32
      %mul3A_820 = arith.constant 512 : i32
      %mul3A_821 = arith.muli %add3A_819, %mul3A_820 : i32
      %dma_wait3A = arith.constant 0 : i32
      %dma_wait3A_822 = tpu.memref_slice %arg6[%dma_wait3A] : memref<32768xf32, #tpu.memory_space<vmem>> -> memref<512xf32, #tpu.memory_space<vmem>>
      %dma_wait3A_823 = tpu.memref_slice %arg3[%mul3A_821] : memref<16777216xf32, #tpu.memory_space<hbm>> -> memref<512xf32, #tpu.memory_space<hbm>>
      %dma_wait3A_824 = tpu.memref_slice %arg3[%mul3A_821] : memref<16777216xf32, #tpu.memory_space<hbm>> -> memref<512xf32, #tpu.memory_space<hbm>>
      %dma_wait3A_825 = arith.constant 0 : i32
      %dma_wait3A_826 = tpu.memref_slice %arg6[%dma_wait3A_825] : memref<32768xf32, #tpu.memory_space<vmem>> -> memref<512xf32, #tpu.memory_space<vmem>>
      tpu.wait_dma2 semaphore(%arg8 : memref<!tpu.dma_semaphore, #tpu.memory_space<semaphore_mem>>) src(%dma_wait3A_826 : memref<512xf32, #tpu.memory_space<vmem>>) dst(%dma_wait3A_824 : memref<512xf32, #tpu.memory_space<hbm>>)
    }
    %while3A_703 = arith.constant 1 : i32
    scf.for %while3A_818 = %while3A_701 to %while3A_697 step %while3A_703  : i32 {
      %add3A_819 = arith.addi %mul3A_298, %while3A_818 : i32
      %mul3A_820 = arith.constant 512 : i32
      %mul3A_821 = arith.muli %add3A_819, %mul3A_820 : i32
      %dma_wait3A = arith.constant 0 : i32
      %dma_wait3A_822 = tpu.memref_slice %arg6[%dma_wait3A] : memref<32768xf32, #tpu.memory_space<vmem>> -> memref<512xf32, #tpu.memory_space<vmem>>
      %dma_wait3A_823 = tpu.memref_slice %arg3[%mul3A_821] : memref<16777216xf32, #tpu.memory_space<hbm>> -> memref<512xf32, #tpu.memory_space<hbm>>
      %dma_wait3A_824 = tpu.memref_slice %arg3[%mul3A_821] : memref<16777216xf32, #tpu.memory_space<hbm>> -> memref<512xf32, #tpu.memory_space<hbm>>
      %dma_wait3A_825 = arith.constant 0 : i32
      %dma_wait3A_826 = tpu.memref_slice %arg6[%dma_wait3A_825] : memref<32768xf32, #tpu.memory_space<vmem>> -> memref<512xf32, #tpu.memory_space<vmem>>
      tpu.wait_dma2 semaphore(%arg8 : memref<!tpu.dma_semaphore, #tpu.memory_space<semaphore_mem>>) src(%dma_wait3A_826 : memref<512xf32, #tpu.memory_space<vmem>>) dst(%dma_wait3A_824 : memref<512xf32, #tpu.memory_space<hbm>>)
    }
    %sub3A_704 = arith.subi %add3A_301, %add3A_300 : i32
    %ge3A_705 = arith.constant 64 : i32
    %ge3A_706 = arith.cmpi sge, %sub3A_704, %ge3A_705 : i32
    %add3A_707 = arith.constant 64 : i32
    %add3A_708 = arith.addi %sub3A_704, %add3A_707 : i32
    %sub3A_709 = arith.constant 1 : i32
    %sub3A_710 = arith.subi %add3A_708, %sub3A_709 : i32
    %jit3A_711 = arith.constant 64 : i32
    %div3A_712 = arith.divsi %sub3A_710, %jit3A_711 : i32
    %sign3A_713 = arith.constant 0 : i32
    %sign3A_714 = arith.cmpi sgt, %sub3A_710, %sign3A_713 : i32
    %sign3A_715 = arith.extui %sign3A_714 : i1 to i32
    %sign3A_716 = arith.constant 0 : i32
    %sign3A_717 = arith.cmpi slt, %sub3A_710, %sign3A_716 : i32
    %sign3A_718 = arith.extui %sign3A_717 : i1 to i32
    %sign3A_719 = arith.subi %sign3A_715, %sign3A_718 : i32
    %sign3A_720 = arith.constant 0 : i32
    %sign3A_721 = arith.cmpi sgt, %jit3A_711, %sign3A_720 : i32
    %sign3A_722 = arith.extui %sign3A_721 : i1 to i32
    %sign3A_723 = arith.constant 0 : i32
    %sign3A_724 = arith.cmpi slt, %jit3A_711, %sign3A_723 : i32
    %sign3A_725 = arith.extui %sign3A_724 : i1 to i32
    %sign3A_726 = arith.subi %sign3A_722, %sign3A_725 : i32
    %ne3A_727 = arith.cmpi ne, %sign3A_719, %sign3A_726 : i32
    %rem3A_728 = arith.remsi %sub3A_710, %jit3A_711 : i32
    %ne3A_729 = arith.constant 0 : i32
    %ne3A_730 = arith.cmpi ne, %rem3A_728, %ne3A_729 : i32
    %and3A_731 = arith.andi %ne3A_727, %ne3A_730 : i1
    %sub3A_732 = arith.constant 1 : i32
    %sub3A_733 = arith.subi %div3A_712, %sub3A_732 : i32
    %select_n3A_734 = arith.select %and3A_731, %sub3A_733, %div3A_712 : i32
    %jit3A_735 = arith.constant 0 : i32
    %select_n3A_736 = arith.select %ge3A_706, %select_n3A_734, %jit3A_735 : i32
    %max3A_737 = arith.constant 0 : i32
    %max3A_738 = arith.maxsi %sub3A_704, %max3A_737 : i32
    %jit3A_739 = arith.constant 0 : i32
    %select_n3A_740 = arith.select %ge3A_706, %jit3A_739, %max3A_738 : i32
    %while3A_741 = arith.constant 0 : i32
    %while3A_742 = arith.constant 0 : i32
    %while3A_743 = arith.subi %select_n3A_736, %while3A_742 : i32
    %while3A_744 = arith.addi %while3A_742, %while3A_743 : i32
    %while3A_745 = arith.constant 1 : i32
    %while3A_746 = arith.divsi %while3A_743, %while3A_745 : i32
    %while3A_747 = arith.muli %while3A_746, %while3A_745 : i32
    %while3A_748 = arith.addi %while3A_742, %while3A_747 : i32
    %while3A_749 = arith.constant 1 : i32
    scf.for %while3A_818 = %while3A_742 to %while3A_748 step %while3A_749  : i32 {
      %mul3A_819 = arith.constant 64 : i32
      %mul3A_820 = arith.muli %while3A_818, %mul3A_819 : i32
      %add3A_821 = arith.addi %add3A_300, %mul3A_820 : i32
      %sub3A_822 = arith.constant 64 : i32
      %sub3A_823 = arith.subi %add3A_301, %sub3A_822 : i32
      %min3A_824 = arith.minsi %add3A_821, %sub3A_823 : i32
      %mul3A_825 = arith.constant 512 : i32
      %mul3A_826 = arith.muli %min3A_824, %mul3A_825 : i32
      %dma_wait3A = arith.constant 0 : i32
      %dma_wait3A_827 = tpu.memref_slice %arg5[%dma_wait3A] : memref<32768xf32, #tpu.memory_space<vmem>> -> memref<32768xf32, #tpu.memory_space<vmem>>
      %dma_wait3A_828 = tpu.memref_slice %arg3[%mul3A_826] : memref<16777216xf32, #tpu.memory_space<hbm>> -> memref<32768xf32, #tpu.memory_space<hbm>>
      %dma_wait3A_829 = tpu.memref_slice %arg3[%mul3A_826] : memref<16777216xf32, #tpu.memory_space<hbm>> -> memref<32768xf32, #tpu.memory_space<hbm>>
      %dma_wait3A_830 = arith.constant 0 : i32
      %dma_wait3A_831 = tpu.memref_slice %arg5[%dma_wait3A_830] : memref<32768xf32, #tpu.memory_space<vmem>> -> memref<32768xf32, #tpu.memory_space<vmem>>
      tpu.wait_dma2 semaphore(%arg8 : memref<!tpu.dma_semaphore, #tpu.memory_space<semaphore_mem>>) src(%dma_wait3A_831 : memref<32768xf32, #tpu.memory_space<vmem>>) dst(%dma_wait3A_829 : memref<32768xf32, #tpu.memory_space<hbm>>)
    }
    %while3A_750 = arith.constant 1 : i32
    scf.for %while3A_818 = %while3A_748 to %while3A_744 step %while3A_750  : i32 {
      %mul3A_819 = arith.constant 64 : i32
      %mul3A_820 = arith.muli %while3A_818, %mul3A_819 : i32
      %add3A_821 = arith.addi %add3A_300, %mul3A_820 : i32
      %sub3A_822 = arith.constant 64 : i32
      %sub3A_823 = arith.subi %add3A_301, %sub3A_822 : i32
      %min3A_824 = arith.minsi %add3A_821, %sub3A_823 : i32
      %mul3A_825 = arith.constant 512 : i32
      %mul3A_826 = arith.muli %min3A_824, %mul3A_825 : i32
      %dma_wait3A = arith.constant 0 : i32
      %dma_wait3A_827 = tpu.memref_slice %arg5[%dma_wait3A] : memref<32768xf32, #tpu.memory_space<vmem>> -> memref<32768xf32, #tpu.memory_space<vmem>>
      %dma_wait3A_828 = tpu.memref_slice %arg3[%mul3A_826] : memref<16777216xf32, #tpu.memory_space<hbm>> -> memref<32768xf32, #tpu.memory_space<hbm>>
      %dma_wait3A_829 = tpu.memref_slice %arg3[%mul3A_826] : memref<16777216xf32, #tpu.memory_space<hbm>> -> memref<32768xf32, #tpu.memory_space<hbm>>
      %dma_wait3A_830 = arith.constant 0 : i32
      %dma_wait3A_831 = tpu.memref_slice %arg5[%dma_wait3A_830] : memref<32768xf32, #tpu.memory_space<vmem>> -> memref<32768xf32, #tpu.memory_space<vmem>>
      tpu.wait_dma2 semaphore(%arg8 : memref<!tpu.dma_semaphore, #tpu.memory_space<semaphore_mem>>) src(%dma_wait3A_831 : memref<32768xf32, #tpu.memory_space<vmem>>) dst(%dma_wait3A_829 : memref<32768xf32, #tpu.memory_space<hbm>>)
    }
    %while3A_751 = arith.constant 0 : i32
    %while3A_752 = arith.constant 0 : i32
    %while3A_753 = arith.subi %select_n3A_740, %while3A_752 : i32
    %while3A_754 = arith.addi %while3A_752, %while3A_753 : i32
    %while3A_755 = arith.constant 1 : i32
    %while3A_756 = arith.divsi %while3A_753, %while3A_755 : i32
    %while3A_757 = arith.muli %while3A_756, %while3A_755 : i32
    %while3A_758 = arith.addi %while3A_752, %while3A_757 : i32
    %while3A_759 = arith.constant 1 : i32
    scf.for %while3A_818 = %while3A_752 to %while3A_758 step %while3A_759  : i32 {
      %add3A_819 = arith.addi %add3A_300, %while3A_818 : i32
      %mul3A_820 = arith.constant 512 : i32
      %mul3A_821 = arith.muli %add3A_819, %mul3A_820 : i32
      %dma_wait3A = arith.constant 0 : i32
      %dma_wait3A_822 = tpu.memref_slice %arg5[%dma_wait3A] : memref<32768xf32, #tpu.memory_space<vmem>> -> memref<512xf32, #tpu.memory_space<vmem>>
      %dma_wait3A_823 = tpu.memref_slice %arg3[%mul3A_821] : memref<16777216xf32, #tpu.memory_space<hbm>> -> memref<512xf32, #tpu.memory_space<hbm>>
      %dma_wait3A_824 = tpu.memref_slice %arg3[%mul3A_821] : memref<16777216xf32, #tpu.memory_space<hbm>> -> memref<512xf32, #tpu.memory_space<hbm>>
      %dma_wait3A_825 = arith.constant 0 : i32
      %dma_wait3A_826 = tpu.memref_slice %arg5[%dma_wait3A_825] : memref<32768xf32, #tpu.memory_space<vmem>> -> memref<512xf32, #tpu.memory_space<vmem>>
      tpu.wait_dma2 semaphore(%arg8 : memref<!tpu.dma_semaphore, #tpu.memory_space<semaphore_mem>>) src(%dma_wait3A_826 : memref<512xf32, #tpu.memory_space<vmem>>) dst(%dma_wait3A_824 : memref<512xf32, #tpu.memory_space<hbm>>)
    }
    %while3A_760 = arith.constant 1 : i32
    scf.for %while3A_818 = %while3A_758 to %while3A_754 step %while3A_760  : i32 {
      %add3A_819 = arith.addi %add3A_300, %while3A_818 : i32
      %mul3A_820 = arith.constant 512 : i32
      %mul3A_821 = arith.muli %add3A_819, %mul3A_820 : i32
      %dma_wait3A = arith.constant 0 : i32
      %dma_wait3A_822 = tpu.memref_slice %arg5[%dma_wait3A] : memref<32768xf32, #tpu.memory_space<vmem>> -> memref<512xf32, #tpu.memory_space<vmem>>
      %dma_wait3A_823 = tpu.memref_slice %arg3[%mul3A_821] : memref<16777216xf32, #tpu.memory_space<hbm>> -> memref<512xf32, #tpu.memory_space<hbm>>
      %dma_wait3A_824 = tpu.memref_slice %arg3[%mul3A_821] : memref<16777216xf32, #tpu.memory_space<hbm>> -> memref<512xf32, #tpu.memory_space<hbm>>
      %dma_wait3A_825 = arith.constant 0 : i32
      %dma_wait3A_826 = tpu.memref_slice %arg5[%dma_wait3A_825] : memref<32768xf32, #tpu.memory_space<vmem>> -> memref<512xf32, #tpu.memory_space<vmem>>
      tpu.wait_dma2 semaphore(%arg8 : memref<!tpu.dma_semaphore, #tpu.memory_space<semaphore_mem>>) src(%dma_wait3A_826 : memref<512xf32, #tpu.memory_space<vmem>>) dst(%dma_wait3A_824 : memref<512xf32, #tpu.memory_space<hbm>>)
    }
    %sub3A_761 = arith.subi %add3A_304, %add3A_302 : i32
    %ge3A_762 = arith.constant 64 : i32
    %ge3A_763 = arith.cmpi sge, %sub3A_761, %ge3A_762 : i32
    %add3A_764 = arith.constant 64 : i32
    %add3A_765 = arith.addi %sub3A_761, %add3A_764 : i32
    %sub3A_766 = arith.constant 1 : i32
    %sub3A_767 = arith.subi %add3A_765, %sub3A_766 : i32
    %jit3A_768 = arith.constant 64 : i32
    %div3A_769 = arith.divsi %sub3A_767, %jit3A_768 : i32
    %sign3A_770 = arith.constant 0 : i32
    %sign3A_771 = arith.cmpi sgt, %sub3A_767, %sign3A_770 : i32
    %sign3A_772 = arith.extui %sign3A_771 : i1 to i32
    %sign3A_773 = arith.constant 0 : i32
    %sign3A_774 = arith.cmpi slt, %sub3A_767, %sign3A_773 : i32
    %sign3A_775 = arith.extui %sign3A_774 : i1 to i32
    %sign3A_776 = arith.subi %sign3A_772, %sign3A_775 : i32
    %sign3A_777 = arith.constant 0 : i32
    %sign3A_778 = arith.cmpi sgt, %jit3A_768, %sign3A_777 : i32
    %sign3A_779 = arith.extui %sign3A_778 : i1 to i32
    %sign3A_780 = arith.constant 0 : i32
    %sign3A_781 = arith.cmpi slt, %jit3A_768, %sign3A_780 : i32
    %sign3A_782 = arith.extui %sign3A_781 : i1 to i32
    %sign3A_783 = arith.subi %sign3A_779, %sign3A_782 : i32
    %ne3A_784 = arith.cmpi ne, %sign3A_776, %sign3A_783 : i32
    %rem3A_785 = arith.remsi %sub3A_767, %jit3A_768 : i32
    %ne3A_786 = arith.constant 0 : i32
    %ne3A_787 = arith.cmpi ne, %rem3A_785, %ne3A_786 : i32
    %and3A_788 = arith.andi %ne3A_784, %ne3A_787 : i1
    %sub3A_789 = arith.constant 1 : i32
    %sub3A_790 = arith.subi %div3A_769, %sub3A_789 : i32
    %select_n3A_791 = arith.select %and3A_788, %sub3A_790, %div3A_769 : i32
    %jit3A_792 = arith.constant 0 : i32
    %select_n3A_793 = arith.select %ge3A_763, %select_n3A_791, %jit3A_792 : i32
    %max3A_794 = arith.constant 0 : i32
    %max3A_795 = arith.maxsi %sub3A_761, %max3A_794 : i32
    %jit3A_796 = arith.constant 0 : i32
    %select_n3A_797 = arith.select %ge3A_763, %jit3A_796, %max3A_795 : i32
    %while3A_798 = arith.constant 0 : i32
    %while3A_799 = arith.constant 0 : i32
    %while3A_800 = arith.subi %select_n3A_793, %while3A_799 : i32
    %while3A_801 = arith.addi %while3A_799, %while3A_800 : i32
    %while3A_802 = arith.constant 1 : i32
    %while3A_803 = arith.divsi %while3A_800, %while3A_802 : i32
    %while3A_804 = arith.muli %while3A_803, %while3A_802 : i32
    %while3A_805 = arith.addi %while3A_799, %while3A_804 : i32
    %while3A_806 = arith.constant 1 : i32
    scf.for %while3A_818 = %while3A_799 to %while3A_805 step %while3A_806  : i32 {
      %mul3A_819 = arith.constant 64 : i32
      %mul3A_820 = arith.muli %while3A_818, %mul3A_819 : i32
      %add3A_821 = arith.addi %add3A_302, %mul3A_820 : i32
      %sub3A_822 = arith.constant 64 : i32
      %sub3A_823 = arith.subi %add3A_304, %sub3A_822 : i32
      %min3A_824 = arith.minsi %add3A_821, %sub3A_823 : i32
      %mul3A_825 = arith.constant 512 : i32
      %mul3A_826 = arith.muli %min3A_824, %mul3A_825 : i32
      %dma_wait3A = arith.constant 0 : i32
      %dma_wait3A_827 = tpu.memref_slice %arg6[%dma_wait3A] : memref<32768xf32, #tpu.memory_space<vmem>> -> memref<32768xf32, #tpu.memory_space<vmem>>
      %dma_wait3A_828 = tpu.memref_slice %arg3[%mul3A_826] : memref<16777216xf32, #tpu.memory_space<hbm>> -> memref<32768xf32, #tpu.memory_space<hbm>>
      %dma_wait3A_829 = tpu.memref_slice %arg3[%mul3A_826] : memref<16777216xf32, #tpu.memory_space<hbm>> -> memref<32768xf32, #tpu.memory_space<hbm>>
      %dma_wait3A_830 = arith.constant 0 : i32
      %dma_wait3A_831 = tpu.memref_slice %arg6[%dma_wait3A_830] : memref<32768xf32, #tpu.memory_space<vmem>> -> memref<32768xf32, #tpu.memory_space<vmem>>
      tpu.wait_dma2 semaphore(%arg8 : memref<!tpu.dma_semaphore, #tpu.memory_space<semaphore_mem>>) src(%dma_wait3A_831 : memref<32768xf32, #tpu.memory_space<vmem>>) dst(%dma_wait3A_829 : memref<32768xf32, #tpu.memory_space<hbm>>)
    }
    %while3A_807 = arith.constant 1 : i32
    scf.for %while3A_818 = %while3A_805 to %while3A_801 step %while3A_807  : i32 {
      %mul3A_819 = arith.constant 64 : i32
      %mul3A_820 = arith.muli %while3A_818, %mul3A_819 : i32
      %add3A_821 = arith.addi %add3A_302, %mul3A_820 : i32
      %sub3A_822 = arith.constant 64 : i32
      %sub3A_823 = arith.subi %add3A_304, %sub3A_822 : i32
      %min3A_824 = arith.minsi %add3A_821, %sub3A_823 : i32
      %mul3A_825 = arith.constant 512 : i32
      %mul3A_826 = arith.muli %min3A_824, %mul3A_825 : i32
      %dma_wait3A = arith.constant 0 : i32
      %dma_wait3A_827 = tpu.memref_slice %arg6[%dma_wait3A] : memref<32768xf32, #tpu.memory_space<vmem>> -> memref<32768xf32, #tpu.memory_space<vmem>>
      %dma_wait3A_828 = tpu.memref_slice %arg3[%mul3A_826] : memref<16777216xf32, #tpu.memory_space<hbm>> -> memref<32768xf32, #tpu.memory_space<hbm>>
      %dma_wait3A_829 = tpu.memref_slice %arg3[%mul3A_826] : memref<16777216xf32, #tpu.memory_space<hbm>> -> memref<32768xf32, #tpu.memory_space<hbm>>
      %dma_wait3A_830 = arith.constant 0 : i32
      %dma_wait3A_831 = tpu.memref_slice %arg6[%dma_wait3A_830] : memref<32768xf32, #tpu.memory_space<vmem>> -> memref<32768xf32, #tpu.memory_space<vmem>>
      tpu.wait_dma2 semaphore(%arg8 : memref<!tpu.dma_semaphore, #tpu.memory_space<semaphore_mem>>) src(%dma_wait3A_831 : memref<32768xf32, #tpu.memory_space<vmem>>) dst(%dma_wait3A_829 : memref<32768xf32, #tpu.memory_space<hbm>>)
    }
    %while3A_808 = arith.constant 0 : i32
    %while3A_809 = arith.constant 0 : i32
    %while3A_810 = arith.subi %select_n3A_797, %while3A_809 : i32
    %while3A_811 = arith.addi %while3A_809, %while3A_810 : i32
    %while3A_812 = arith.constant 1 : i32
    %while3A_813 = arith.divsi %while3A_810, %while3A_812 : i32
    %while3A_814 = arith.muli %while3A_813, %while3A_812 : i32
    %while3A_815 = arith.addi %while3A_809, %while3A_814 : i32
    %while3A_816 = arith.constant 1 : i32
    scf.for %while3A_818 = %while3A_809 to %while3A_815 step %while3A_816  : i32 {
      %add3A_819 = arith.addi %add3A_302, %while3A_818 : i32
      %mul3A_820 = arith.constant 512 : i32
      %mul3A_821 = arith.muli %add3A_819, %mul3A_820 : i32
      %dma_wait3A = arith.constant 0 : i32
      %dma_wait3A_822 = tpu.memref_slice %arg6[%dma_wait3A] : memref<32768xf32, #tpu.memory_space<vmem>> -> memref<512xf32, #tpu.memory_space<vmem>>
      %dma_wait3A_823 = tpu.memref_slice %arg3[%mul3A_821] : memref<16777216xf32, #tpu.memory_space<hbm>> -> memref<512xf32, #tpu.memory_space<hbm>>
      %dma_wait3A_824 = tpu.memref_slice %arg3[%mul3A_821] : memref<16777216xf32, #tpu.memory_space<hbm>> -> memref<512xf32, #tpu.memory_space<hbm>>
      %dma_wait3A_825 = arith.constant 0 : i32
      %dma_wait3A_826 = tpu.memref_slice %arg6[%dma_wait3A_825] : memref<32768xf32, #tpu.memory_space<vmem>> -> memref<512xf32, #tpu.memory_space<vmem>>
      tpu.wait_dma2 semaphore(%arg8 : memref<!tpu.dma_semaphore, #tpu.memory_space<semaphore_mem>>) src(%dma_wait3A_826 : memref<512xf32, #tpu.memory_space<vmem>>) dst(%dma_wait3A_824 : memref<512xf32, #tpu.memory_space<hbm>>)
    }
    %while3A_817 = arith.constant 1 : i32
    scf.for %while3A_818 = %while3A_815 to %while3A_811 step %while3A_817  : i32 {
      %add3A_819 = arith.addi %add3A_302, %while3A_818 : i32
      %mul3A_820 = arith.constant 512 : i32
      %mul3A_821 = arith.muli %add3A_819, %mul3A_820 : i32
      %dma_wait3A = arith.constant 0 : i32
      %dma_wait3A_822 = tpu.memref_slice %arg6[%dma_wait3A] : memref<32768xf32, #tpu.memory_space<vmem>> -> memref<512xf32, #tpu.memory_space<vmem>>
      %dma_wait3A_823 = tpu.memref_slice %arg3[%mul3A_821] : memref<16777216xf32, #tpu.memory_space<hbm>> -> memref<512xf32, #tpu.memory_space<hbm>>
      %dma_wait3A_824 = tpu.memref_slice %arg3[%mul3A_821] : memref<16777216xf32, #tpu.memory_space<hbm>> -> memref<512xf32, #tpu.memory_space<hbm>>
      %dma_wait3A_825 = arith.constant 0 : i32
      %dma_wait3A_826 = tpu.memref_slice %arg6[%dma_wait3A_825] : memref<32768xf32, #tpu.memory_space<vmem>> -> memref<512xf32, #tpu.memory_space<vmem>>
      tpu.wait_dma2 semaphore(%arg8 : memref<!tpu.dma_semaphore, #tpu.memory_space<semaphore_mem>>) src(%dma_wait3A_826 : memref<512xf32, #tpu.memory_space<vmem>>) dst(%dma_wait3A_824 : memref<512xf32, #tpu.memory_space<hbm>>)
    }
    return
  }
}

</mosaic_0001>

<sc_bundles>
// kernel: kernel.3.cloned.1.call-start
scs
__scs_entry_jumppad:
0x0: {  	(pc) =	sbr.rel $0x88, $3  }
0x1: {  	(tag) =	ssettag $0x0;
	lr =	simm.s32 $0x1  }
0x2: {  	[smem:$0x3FA0] =	sst lr;
	_ =	strace $0xD0000000  }
0x3: {  	_ = 	snop  }
0x4: {  	_ = 	snop  }
0x5: {  	_ = 	snop  }
0x6: {  	_ = 	snop  }
0x7: {  	_ = 	snop  }
__scs_overlays_trampoline_lowered:
0x8: {  	[smem:$0x3FAF] =	sst s0  }
0x9: {  	[smem:$0x3FB0] =	sst s1  }
0xa: {  	[smem:$0x3FB1] =	sst s2  }
0xb: {  	[smem:$0x3FB2] =	sst s3  }
0xc: {  	[smem:$0x3FB3] =	sst s4  }
0xd: {  	[smem:$0x3FB4] =	sst s5  }
0xe: {  	[smem:$0x3FB5] =	sst s6  }
0xf: {  	[smem:$0x3FB6] =	sst s7  }
0x10: {  	[smem:$0x3FB7] =	sst s8  }
0x11: {  	[smem:$0x3FB8] =	sst s9;
	s0 =	simm.s32 @!p0 $0x0  }
0x12: {  	s1 =	sld [smem:$0x3F9E];
	s0 =	simm.s32 @p0 $0x1  }
0x13: {  	[smem:$0x3FB9] =	sst s0;
	s0 =	simm.s32 @!p1 $0x0  }
0x14: {  	s2 =	sld [smem:$0x3F9D];
	s0 =	simm.s32 @p1 $0x1  }
0x15: {  	[smem:$0x3FBA] =	sst s0;
	s0 =	simm.s32 @!p2 $0x0  }
0x16: {  	s3 =	sld [smem:$0x3FDB];
	s0 =	simm.s32 @p2 $0x1  }
0x17: {  	s4 =	simm.s32 $0x1BF5;
	[smem:$0x3FBC] =	sst s0  }
0x18: {  	s0 =	sld [smem:$0x3F9F];
	_ =	swait.ge [sflag:s4], $0x0  }
0x19: {  	s7 =	sld [smem:$0x3FA0]  }
0x1a: {  	s8 =	sadd.s32 $0xFFFFE003, lr  }
0x1b: {  	s9 =	sadd.s32 $0xFFFFFEF7, lr;
	s5 =	simm.s32 $0xFFFFFFFF;
	p2 =	slt.u32 s8, $0xFFFFF086  }
0x1c: {  	p1 =	slt.u32 s9, $0xF7A;
	s5 =	simm.s32 @!p2 $0x0  }
0x1d: {  	s5 =	simm.s32 @p1 $0x1;
	p0 =	seq.s32 s7, s2  }
0x1e: {  	s7 =	smul.u32 @!p0 $0xF7A, s2;
	p2 =	seq.s32 @!p0 s5, $0x0  }
0x1f: {  	s9 =	smul.u32 $0xF7A, s1;
	s8 =	simm.s32 @!p0 $0x1BF5;
	p2 =	por !p2, p0  }
0x20: {  	[sflag:s8] =	ssyncset.s32 @!p0 $0xFFFFF086;
	s6 =	sadd.s32 @!p0 s3, s7;
	s7 =	simm.s32 @!p0 $0x108  }
0x21: {  	s3 =	sadd.s32 s3, s9;
	s6 =	sadd.s32 @!p0 $0x88, s6;
	s7 =	simm.s32 @p2 $0x1082  }
0x22: {  	[simem:s7], [sflag:s8] =	dma.local @!p0 [hbm:s6], $0xF7A  }
0x23: {  	s9 =	sor.u32 $0xD0000000, s2;
	s6 =	simm.s32 $0x108;
	_ =	swait.ge @!p0 [sflag:s8], $0x0  }
0x24: {  	s3 =	sadd.s32 $0x88, s3;
	s6 =	simm.s32 @!p1 $0x1082;
	[sflag:s4] =	ssyncset.s32 $0xFFFFF086  }
0x25: {  	[simem:s6], [sflag:s4] =	dma.local [hbm:s3], $0xF7A  }
0x26: {  	[smem:$0x3FA0] =	sst s1;
	(tag) =	ssettag s2;
	_ =	strace s9  }
0x27: {  	s1 =	sld [smem:$0x3FB0]  }
0x28: {  	s2 =	sld [smem:$0x3FB1]  }
0x29: {  	s4 =	sld [smem:$0x3FB3]  }
0x2a: {  	p0 =	seq.s32 s5, $0x0;
	s5 =	sld [smem:$0x3FB4]  }
0x2b: {  	s6 =	sld [smem:$0x3FB5]  }
0x2c: {  	s7 =	sld [smem:$0x3FB6]  }
0x2d: {  	s3 =	simm.s32 $0x108;
	s8 =	sld [smem:$0x3FB7]  }
0x2e: {  	s3 =	simm.s32 @!p0 $0x1082;
	s9 =	sld [smem:$0x3FB8]  }
0x2f: {  	lr =	sadd.s32 s0, s3;
	s0 =	sld [smem:$0x3FAF]  }
0x30: {  	s3 =	sld [smem:$0x3FB2]  }
0x31: {  	[smem:$0x3FBB] =	sst s10  }
0x32: {  	s10 =	sld [smem:$0x3FB9];
	_ =	sdelay $0x3  }
0x33: {  	p0 =	seq.s32 s10, $0x1;
	s10 =	sld [smem:$0x3FBB];
	_ =	sdelay $0x3  }
0x34: {  	[smem:$0x3FBB] =	sst s10  }
0x35: {  	s10 =	sld [smem:$0x3FBA];
	_ =	sdelay $0x3  }
0x36: {  	p1 =	seq.s32 s10, $0x1;
	s10 =	sld [smem:$0x3FBB];
	_ =	sdelay $0x3  }
0x37: {  	[smem:$0x3FBB] =	sst s10  }
0x38: {  	s10 =	sld [smem:$0x3FBC]  }
0x39: {  	_ = 	snop;
	(pc) =	sbr.ind lr, $3  }
0x3a: {  	_ = 	snop  }
0x3b: {  	_ = 	snop  }
0x3c: {  	p2 =	seq.s32 s10, $0x1;
	s10 =	sld [smem:$0x3FBB]  }
0x3d: {  	_ =	shalt  }
0x3e: {  	_ =	shalt  }
0x3f: {  	_ =	shalt  }
0x40: {  	_ =	shalt  }
0x41: {  	_ =	shalt  }
0x42: {  	_ =	shalt  }
0x43: {  	_ =	shalt  }
0x44: {  	_ =	shalt  }
0x45: {  	_ =	shalt  }
0x46: {  	_ =	shalt  }
0x47: {  	_ =	shalt  }
0x48: {  	_ =	shalt  }
0x49: {  	_ =	shalt  }
0x4a: {  	_ =	shalt  }
0x4b: {  	_ =	shalt  }
0x4c: {  	_ =	shalt  }
0x4d: {  	_ =	shalt  }
0x4e: {  	_ =	shalt  }
0x4f: {  	_ =	shalt  }
0x50: {  	_ =	shalt  }
0x51: {  	_ =	shalt  }
0x52: {  	_ =	shalt  }
0x53: {  	_ =	shalt  }
0x54: {  	_ =	shalt  }
0x55: {  	_ =	shalt  }
0x56: {  	_ =	shalt  }
0x57: {  	_ =	shalt  }
0x58: {  	_ =	shalt  }
0x59: {  	_ =	shalt  }
0x5a: {  	_ =	shalt  }
0x5b: {  	_ =	shalt  }
0x5c: {  	_ =	shalt  }
0x5d: {  	_ =	shalt  }
0x5e: {  	_ =	shalt  }
0x5f: {  	_ =	shalt  }
0x60: {  	_ =	shalt  }
0x61: {  	_ =	shalt  }
0x62: {  	_ =	shalt  }
0x63: {  	_ =	shalt  }
0x64: {  	_ =	shalt  }
0x65: {  	_ =	shalt  }
0x66: {  	_ =	shalt  }
0x67: {  	_ =	shalt  }
0x68: {  	_ =	shalt  }
0x69: {  	_ =	shalt  }
0x6a: {  	_ =	shalt  }
0x6b: {  	_ =	shalt  }
0x6c: {  	_ =	shalt  }
0x6d: {  	_ =	shalt  }
0x6e: {  	_ =	shalt  }
0x6f: {  	_ =	shalt  }
0x70: {  	_ =	shalt  }
0x71: {  	_ =	shalt  }
0x72: {  	_ =	shalt  }
0x73: {  	_ =	shalt  }
0x74: {  	_ =	shalt  }
0x75: {  	_ =	shalt  }
0x76: {  	_ =	shalt  }
0x77: {  	_ =	shalt  }
0x78: {  	_ =	shalt  }
0x79: {  	_ =	shalt  }
0x7a: {  	_ =	shalt  }
0x7b: {  	_ =	shalt  }
0x7c: {  	_ =	shalt  }
0x7d: {  	_ =	shalt  }
0x7e: {  	_ =	shalt  }
0x7f: {  	_ =	shalt  }
0x80: {  	_ =	shalt  }
0x81: {  	_ =	shalt  }
0x82: {  	_ =	shalt  }
0x83: {  	_ =	shalt  }
0x84: {  	_ =	shalt  }
0x85: {  	_ =	shalt  }
0x86: {  	_ =	shalt  }
0x87: {  	_ =	shalt  }
.Lfunc_end0:
.L_simem_size_0:
called_computation_lowered:
.L_overlay_start_0:
0x88: {  	s2 =	sld [smem:$0x3FD9]  }
0x89: {  	s3 =	sld [smem:$0x3FFE];
	_ =	sdelay $0x1  }
0x8a: {  	s1 =	srdreg.scid  }
0x8b: {  	s0 =	sand.u32 $0x1, s1  }
0x8c: {  	s17 =	sshll.u32 s0, $0xA;
	s2 =	sadd.s32 s3, s2  }
0x8d: {  	s2 =	sadd.s32 s2, s17  }
0x8e: {  	[smem:$0x3FC7] =	sst s2  }
0x8f: {  	_ = 	snop  }
0x90: {  	s2 =	sld [smem:$0x3FD0];
	(tm) =	ssettm $0x1  }
0x91: {  	s18 =	sld [smem:$0x3FFB];
	_ =	sdelay $0x3  }
0x92: {  	_ =	strace s18  }
0x93: {  	s3 =	sld [smem:$0x3FFC];
	_ =	sdelay $0x3  }
0x94: {  	_ =	strace s3  }
0x95: {  	s3 =	sld [smem:$0x3FFD];
	_ =	sdelay $0x3  }
0x96: {  	_ =	strace s3  }
0x97: {  	_ =	strace $0x8FFFFFFF  }
0x98: {  	s19 =	sld [smem:$0x3FDB];
	_ =	sdelay $0x1  }
0x99: {  	s4 =	simm.s32 $_scs_section_size  }
0x9a: {  	s5 =	simm.s32 $_size__tile_overlayer_lowered;
	s6 =	simm.s32 $_tile_overlayer_lowered  }
0x9b: {  	s22 =	simm.s32 $0x1BFF;
	s21 =	sshll.u32 s6, $0x1;
	s3 =	sadd.s32 s4, s19  }
0x9c: {  	s7 =	simm.s32 $0x0;
	s20 =	sshll.u32 s5, $0x1;
	s5 =	sadd.s32 s21, s3  }
0x9d: {  	[timem:s7], [sflag:s22] =	dma.local [hbm:s5], s20  }
0x9e: {  	_ =	swait.ge [sflag:s22], s20  }
0x9f: {  	s4 =	ssub.s32 $0x0, s20;
	[sflag:s22] =	ssyncset.done $0x0  }
0xa0: {  	[sflag:s22] =	ssyncadd.s32 s4;
	_ =	sdelay $0x1  }
0xa1: {  	s23 =	simm.s32 $0x1B8B  }
0xa2: {  	_ =	swait.ge [sflag:s23], $0x1  }
0xa3: {  	[sflag:s23] =	ssyncset.done $0x0  }
0xa4: {  	s25 =	simm.s32 $0x1B8E;
	s24 =	sld [smem:$0x3FFE];
	[sflag:s23] =	ssyncadd.s32 $0xFFFFFFFF  }
0xa5: {  	s26 =	simm.s32 $execute0_lowered;
	[smem:$0x3FD2] =	sst s25  }
0xa6: {  	s5 =	sshll.u32 s26, $0x1;
	_ =	strace $0x80000046;
	[dreg:$0x1] =	wrdreg $0xFFFFFFFF  }
0xa7: {  	s28 =	simm.s32 $_size_execute0_lowered;
	s3 =	sadd.s32 s3, s5;
	[dreg:$0x0] =	wrdreg $0x0  }
0xa8: {  	s5 =	sshll.u32 s28, $0x1;
	[dreg:$0x2] =	wrdreg s3  }
0xa9: {  	[dreg:$0x3] =	wrdreg s5  }
0xaa: {  	[dreg:$0x4] =	wrdreg $0xC0  }
0xab: {  	_ =	task [dreg:s7], $0x5FFFF  }
0xac: {  	[dreg:$0x1] =	wrdreg $0xFFFFFFFF  }
0xad: {  	[dreg:$0x0] =	wrdreg $0x60  }
0xae: {  	[dreg:$0x2] =	wrdreg s24  }
0xaf: {  	[dreg:$0x3] =	wrdreg s2  }
0xb0: {  	[dreg:$0x4] =	wrdreg $0x9  }
0xb1: {  	_ =	task.clear_ibuf [dreg:s7], $0x5FFFF;
	_ =	strace $0x90000046  }
0xb2: {  	s29 =	simm.s32 $0x9;
	_ =	strace $0x80000048  }
0xb3: {  	_ =	swait.ge [sflag:s29], $0x1  }
0xb4: {  	[sflag:s29] =	ssyncadd.s32 $0xFFFFFFFF  }
0xb5: {  	_ =	strace $0x90000048  }
0xb6: {  	_ =	sfence  }
0xb7: {  	s30 =	sld [smem:$0x0];
	_ =	sdelay $0x2  }
0xb8: {  	s31 =	sshll.u32 s1, $0xD;
	s1 =	sshrl.u32 s1, $0x2  }
0xb9: {  	s3 =	sand.u32 $0x4000, s31;
	s1 =	sadd.s32 s1, s30  }
0xba: {  	s0 =	sor.u32 s3, s0;
	s1 =	sshll.u32 s1, $0x11  }
0xbb: {  	s0 =	sor.u32 s1, s0  }
0xbc: {  	s0 =	sadd.s32 $0x8F2B, s0  }
0xbd: {  	[sflag:s0] =	ssyncadd.remote.s32 $0x1  }
0xbe: {  	_ =	sfence.sel $0xFFFF  }
0xbf: {  	[dreg:$0x0] =	wrdreg $0xFFFFFFFF;
	(pc) =	sbr.abs _section_cstart, $3  }
0xc0: {  	[dreg:$0x1] =	wrdreg $0xFFFFFFFF  }
0xc1: {  	_ =	task.clear_ibuf [dreg:s7], $0x2FFFF;
	_ =	strace $0x9FFFFFFF  }
0xc2: {  	(tm) =	ssettm $0x7FFFFFFF  }
0xc3: {  	_ =	shalt  }
tec
execute0_lowered:
.L_overlay_start_1:
0x0: {  	(tag) =	ssettag $0x1  }
0x1: {  	v0 =	vlaneseq.u32  }
0x2: {  	v2 =	vadd.s32 $0x11, v0  }
0x3: {  	[tilespmem:$0x1FDE0] =	vst v2;
	v2 =	vadd.s32 $0xF, v0  }
0x4: {  	[tilespmem:$0x1FDF0] =	vst v2;
	v2 =	vadd.s32 $0x21, v0  }
0x5: {  	[tilespmem:$0x1FE00] =	vst v2;
	v2 =	vadd.s32 $0x1F, v0  }
0x6: {  	[tilespmem:$0x1FE10] =	vst v2;
	v2 =	vadd.s32 $0x31, v0  }
0x7: {  	[tilespmem:$0x1FE20] =	vst v2;
	v2 =	vadd.s32 $0x2F, v0  }
0x8: {  	[tilespmem:$0x1FE30] =	vst v2;
	v2 =	vadd.s32 $0x41, v0  }
0x9: {  	[tilespmem:$0x1FE40] =	vst v2;
	v2 =	vadd.s32 $0x3F, v0  }
0xa: {  	[tilespmem:$0x1FE50] =	vst v2;
	v2 =	vadd.s32 $0x51, v0  }
0xb: {  	[tilespmem:$0x1FE60] =	vst v2;
	v2 =	vadd.s32 $0x4F, v0  }
0xc: {  	[tilespmem:$0x1FE70] =	vst v2;
	v2 =	vadd.s32 $0x61, v0  }
0xd: {  	[tilespmem:$0x1FE80] =	vst v2;
	v2 =	vadd.s32 $0x5F, v0  }
0xe: {  	[tilespmem:$0x1FE90] =	vst v2;
	v2 =	vadd.s32 $0x71, v0  }
0xf: {  	[tilespmem:$0x1FEA0] =	vst v2;
	v2 =	vadd.s32 $0x6F, v0  }
0x10: {  	[tilespmem:$0x1FEB0] =	vst v2;
	v2 =	vadd.s32 $0x81, v0  }
0x11: {  	[tilespmem:$0x1FEC0] =	vst v2;
	v2 =	vadd.s32 $0x7F, v0  }
0x12: {  	[tilespmem:$0x1FED0] =	vst v2;
	v2 =	vadd.s32 $0x91, v0  }
0x13: {  	[tilespmem:$0x1FEE0] =	vst v2;
	v2 =	vadd.s32 $0x8F, v0  }
0x14: {  	[tilespmem:$0x1FEF0] =	vst v2;
	v2 =	vadd.s32 $0xA1, v0  }
0x15: {  	s0 =	rddreg [dreg:$0x0];
	[tilespmem:$0x1FF00] =	vst v2;
	v2 =	vadd.s32 $0x9F, v0  }
0x16: {  	s1 =	rddreg [dreg:$0x1];
	s3 =	srdreg.scid;
	s2 =	simm.s32 $0x0;
	[tilespmem:$0x1FF10] =	vst v2;
	v2 =	vadd.s32 $0xB1, v0  }
0x17: {  	v1 =	vimm.f32 $0.0e+00;
	s11 =	stileid.u32;
	s15 =	simm.s32 $0x2;
	s17 =	simm.s32 $0x1;
	v34 =	vadd.s32 $0x1, v0;
	[tilespmem:$0x1FF20] =	vst v2;
	v2 =	vadd.s32 $0xAF, v0  }
0x18: {  	s19 =	simm.s32 $0x8000;
	s20 =	simm.s32 $0x10000;
	s21 =	simm.s32 $0x0;
	v38 =	vadd.s32 $0x121, v0;
	v39 =	vadd.s32 $0x11F, v0;
	[tilespmem:$0x1FF30] =	vst v2;
	v2 =	vadd.s32 $0xC1, v0  }
0x19: {  	s3 =	sand.u32 $0x1, s3;
	[smem:$0x7FF] =	sst s2;
	s0 =	sadd.s32 $0x400, s0;
	v40 =	vadd.s32 $0x131, v0;
	v41 =	vadd.s32 $0x12F, v0;
	[tilespmem:$0x1FF40] =	vst v2;
	v2 =	vadd.s32 $0xBF, v0  }
0x1a: {  	s6 =	sshll.u32 s11, $0x1;
	v42 =	vadd.s32 $0x141, v0;
	s26 =	sshll.u32 s11, $0xB;
	v43 =	vadd.s32 $0x13F, v0;
	s28 =	sshll.u32 s11, $0x11;
	[tilespmem:$0x1FF50] =	vst v2;
	v2 =	vadd.s32 $0xD1, v0  }
0x1b: {  	v44 =	vadd.s32 $0x151, v0;
	v45 =	vadd.s32 $0x14F, v0;
	s4 =	ssub.s32 $0x2, s3;
	s24 =	sor.u32 s3, s6;
	s10 =	sshll.u32 s3, $0xA;
	[tilespmem:$0x1FF60] =	vst v2;
	v2 =	vadd.s32 $0xCF, v0  }
0x1c: {  	v46 =	vadd.s32 $0x161, v0;
	v47 =	vadd.s32 $0x15F, v0;
	s3 =	sshll.u32 s3, $0x10;
	s5 =	sshrl.u32 s4, $0x1;
	s25 =	sshll.u32 s24, $0x4;
	[tilespmem:$0x1FF70] =	vst v2;
	v2 =	vadd.s32 $0xE1, v0  }
0x1d: {  	v48 =	vadd.s32 $0x171, v0;
	v49 =	vadd.s32 $0x16F, v0;
	s6 =	sshll.u32 s24, $0xA;
	s10 =	sor.u32 s10, s26;
	s23 =	ssub.s32 s4, s5;
	[tilespmem:$0x1FF80] =	vst v2;
	v2 =	vadd.s32 $0xDF, v0  }
0x1e: {  	v35 =	vadd.s32 $0xFFFFFFFF, v0;
	v50 =	vadd.s32 $0x181, v0;
	s4 =	sshllo.u32 s24, $0x1;
	s12 =	sor.u32 $0x200, s10;
	_ =	strace $0x80000047;
	[tilespmem:$0x1FF90] =	vst v2;
	v2 =	vadd.s32 $0xF1, v0  }
0x1f: {  	v51 =	vadd.s32 $0x17F, v0;
	v52 =	vadd.s32 $0x191, v0;
	s30 =	sshrl.u32 s25, $0x2;
	s9 =	sshll.u32 s4, $0x3;
	s7 =	sshll.u32 s4, $0x9;
	[tilespmem:$0x1FFA0] =	vst v2;
	v2 =	vadd.s32 $0xEF, v0  }
.Ltmp0:
0x20: {  	v53 =	vadd.s32 $0x18F, v0;
	v54 =	vadd.s32 $0x1A1, v0;
	s4 =	sshll.u32 s10, $0x6;
	[dreg:$0x3] =	wrdreg s0;
	[tilespmem:$0x1FFB0] =	vst v2;
	v2 =	vadd.s32 $0x101, v0;
	(pc) =	sbr.rel .LBB2_1-.Ltmp0, $4  }
0x21: {  	v55 =	vadd.s32 $0x19F, v0;
	v56 =	vadd.s32 $0x1B1, v0;
	s8 =	sor.u32 $0x1C0, s7;
	s29 =	sadd.s32 s4, s1;
	[dreg:$0x4] =	wrdreg s6;
	[tilespmem:$0x1FFC0] =	vst v2;
	v2 =	vadd.s32 $0xFF, v0  }
0x22: {  	v57 =	vadd.s32 $0x1AF, v0;
	v58 =	vadd.s32 $0x1C1, v0;
	s31 =	sshrl.u32 s9, $0x2;
	s0 =	smax.u32 s23, $0x1;
	[dreg:$0x6] =	wrdreg s30;
	[tilespmem:$0x1FFD0] =	vst v2;
	v2 =	vadd.s32 $0x111, v0  }
0x23: {  	v59 =	vadd.s32 $0x1BF, v0;
	v60 =	vadd.s32 $0x1D1, v0;
	s13 =	sadd.s32 $0x8000, s29;
	[dreg:$0x5] =	wrdreg s0;
	s0 =	sadd.s32 s28, s1;
	[tilespmem:$0x1FFE0] =	vst v2;
	v2 =	vadd.s32 $0x10F, v0  }
0x24: {  	v61 =	vadd.s32 $0x1CF, v0;
	v62 =	vadd.s32 $0x1E1, v0;
	v63 =	vadd.s32 $0x1DF, v0;
	s6 =	sor.u32 $0x1C0, s6;
	[dreg:$0x7] =	wrdreg s31;
	s11 =	sadd.s32 s3, s0;
	[tilespmem:$0x1FFF0] =	vst v2  }
.LBB2_65:
0x25: {  	[sflag:s17] =	ssyncadd.s32 $0xFFFFFE00  }
.LBB2_66:
0x26: {  	s21 =	sadd.s32 $0x1, s21;
	s0 =	rddreg [dreg:$0x5]  }
0x27: {  	p0 =	sne.s32 s21, s0  }
.Ltmp1:
0x28: {  	_ = 	snop;
	(pc) =	sbr.rel @!p0 .LBB2_67-.Ltmp1, $1  }
0x29: {  	_ =	sdelay $0x3  }
.LBB2_1:
0x2a: {  	s0 =	rddreg [dreg:$0x3];
	s3 =	simm.s32 $0x18000  }
0x2b: {  	[tilespmem:s3], [sflag:$0x2] =	stream.linear.gather [hbm4b:s0+s2], $0x80, $0x38;
	[tilespmem:$0x18100] =	vst v63  }
0x2c: {  	_ =	swait.ge [sflag:s15], $0x80  }
0x2d: {  	[sflag:s15] =	ssyncset.done $0x0  }
0x2e: {  	s0 =	simm.s32 $0x0;
	s3 =	simm.s32 $0x800;
	[sflag:s15] =	ssyncadd.s32 $0xFFFFFF80  }
.LBB2_2:
0x2f: {  	p0 =	sne.s32 s3, $0x1F800;
	[tilespmem:s0+$0x101F0] =	vst v1  }
0x30: {  	[tilespmem:s0+$0x10000] =	vst v1  }
0x31: {  	[tilespmem:s0+$0x10010] =	vst v1  }
0x32: {  	[tilespmem:s0+$0x10020] =	vst v1  }
0x33: {  	[tilespmem:s0+$0x10030] =	vst v1  }
0x34: {  	[tilespmem:s0+$0x10040] =	vst v1  }
0x35: {  	[tilespmem:s0+$0x10050] =	vst v1  }
0x36: {  	[tilespmem:s0+$0x10060] =	vst v1  }
0x37: {  	[tilespmem:s0+$0x10070] =	vst v1  }
0x38: {  	[tilespmem:s0+$0x10080] =	vst v1  }
0x39: {  	[tilespmem:s0+$0x10090] =	vst v1  }
0x3a: {  	[tilespmem:s0+$0x100A0] =	vst v1  }
0x3b: {  	[tilespmem:s0+$0x100B0] =	vst v1  }
0x3c: {  	[tilespmem:s0+$0x100C0] =	vst v1  }
0x3d: {  	[tilespmem:s0+$0x100D0] =	vst v1  }
0x3e: {  	[tilespmem:s0+$0x100E0] =	vst v1  }
0x3f: {  	[tilespmem:s0+$0x100F0] =	vst v1  }
0x40: {  	[tilespmem:s0+$0x10100] =	vst v1  }
0x41: {  	[tilespmem:s0+$0x10110] =	vst v1  }
0x42: {  	[tilespmem:s0+$0x10120] =	vst v1  }
0x43: {  	[tilespmem:s0+$0x10130] =	vst v1  }
0x44: {  	[tilespmem:s0+$0x10140] =	vst v1  }
0x45: {  	[tilespmem:s0+$0x10150] =	vst v1  }
0x46: {  	[tilespmem:s0+$0x10160] =	vst v1  }
0x47: {  	[tilespmem:s0+$0x10170] =	vst v1  }
0x48: {  	[tilespmem:s0+$0x10180] =	vst v1  }
0x49: {  	[tilespmem:s0+$0x10190] =	vst v1  }
.Ltmp2:
0x4a: {  	[tilespmem:s0+$0x101A0] =	vst v1;
	(pc) =	sbr.rel @p0 .LBB2_2-.Ltmp2, $4  }
0x4b: {  	[tilespmem:s0+$0x101B0] =	vst v1  }
0x4c: {  	[tilespmem:s0+$0x101C0] =	vst v1  }
0x4d: {  	[tilespmem:s0+$0x101D0] =	vst v1  }
0x4e: {  	[tilespmem:s0+$0x101E0] =	vst v1;
	s0 =	sshra.s32 s3, $0x2;
	s3 =	sadd.s32 $0x800, s3  }
0x4f: {  	[tilespmem:s0+$0x101F0] =	vst v1  }
0x50: {  	[tilespmem:s0+$0x10000] =	vst v1  }
0x51: {  	[tilespmem:s0+$0x10010] =	vst v1  }
0x52: {  	[tilespmem:s0+$0x10020] =	vst v1  }
0x53: {  	[tilespmem:s0+$0x10030] =	vst v1  }
0x54: {  	[tilespmem:s0+$0x10040] =	vst v1  }
0x55: {  	[tilespmem:s0+$0x10050] =	vst v1  }
0x56: {  	[tilespmem:s0+$0x10060] =	vst v1  }
0x57: {  	[tilespmem:s0+$0x10070] =	vst v1  }
0x58: {  	[tilespmem:s0+$0x10080] =	vst v1  }
0x59: {  	[tilespmem:s0+$0x10090] =	vst v1  }
0x5a: {  	[tilespmem:s0+$0x100A0] =	vst v1  }
0x5b: {  	[tilespmem:s0+$0x100B0] =	vst v1  }
0x5c: {  	[tilespmem:s0+$0x100C0] =	vst v1  }
0x5d: {  	[tilespmem:s0+$0x100D0] =	vst v1  }
0x5e: {  	[tilespmem:s0+$0x100E0] =	vst v1  }
0x5f: {  	[tilespmem:s0+$0x100F0] =	vst v1  }
0x60: {  	[tilespmem:s0+$0x10100] =	vst v1  }
0x61: {  	[tilespmem:s0+$0x10110] =	vst v1  }
0x62: {  	[tilespmem:s0+$0x10120] =	vst v1  }
0x63: {  	[tilespmem:s0+$0x10130] =	vst v1  }
0x64: {  	[tilespmem:s0+$0x10140] =	vst v1  }
0x65: {  	[tilespmem:s0+$0x10150] =	vst v1  }
0x66: {  	[tilespmem:s0+$0x10160] =	vst v1  }
0x67: {  	[tilespmem:s0+$0x10170] =	vst v1  }
0x68: {  	[tilespmem:s0+$0x10180] =	vst v1  }
0x69: {  	[tilespmem:s0+$0x10190] =	vst v1  }
0x6a: {  	[tilespmem:s0+$0x101A0] =	vst v1  }
0x6b: {  	[tilespmem:s0+$0x101B0] =	vst v1  }
0x6c: {  	[tilespmem:s0+$0x101C0] =	vst v1  }
0x6d: {  	[tilespmem:s0+$0x101D0] =	vst v1  }
0x6e: {  	[tilespmem:s0+$0x101E0] =	vst v1;
	s30 =	rddreg [dreg:$0x6]  }
0x6f: {  	v3 =	vld [tilespmem:s30+$0x18000];
	_ =	sdelay $0x4  }
0x70: {  	(v2sf) =	vpush v3, $0x0;
	_ =	sdelay $0xe  }
0x71: {  	s31 =	spop (v2sf)  }
0x72: {  	s3 =	sadd.f32 $1.280000000e+02, s31  }
0x73: {  	s0 =	sadd.f32 $3.840000000e+02, s31  }
0x74: {  	s4 =	scvt.f32.s32 s3  }
0x75: {  	s5 =	scvt.f32.s32 s0  }
0x76: {  	s9 =	scvt.s32.f32 s4  }
0x77: {  	s14 =	scvt.s32.f32 s5  }
0x78: {  	v0 =	vld [tilespmem:$0x1FDE0];
	p0 =	sgt.f32 s3, s9  }
0x79: {  	p1 =	sgt.f32 s0, s14;
	s0 =	simm.s32 $0x1  }
0x7a: {  	s0 =	simm.s32 @!p0 $0x0  }
0x7b: {  	s0 =	sadd.s32 s4, s0  }
0x7c: {  	v4 =	vmov s0  }
0x7d: {  	s3 =	simm.s32 $0x1;
	vm2 =	vlt.s32 v4, v0;
	v0 =	vld [tilespmem:$0x1FDF0]  }
0x7e: {  	s3 =	simm.s32 @!p1 $0x0  }
0x7f: {  	s3 =	sadd.s32 s5, s3  }
0x80: {  	v5 =	vmov s3  }
0x81: {  	vm0 =	vlt.s32 v4, v34;
	vm1 =	vgt.s32 v5, v35  }
0x82: {  	vm0 =	vmand vm0, vm1;
	vm3 =	vgt.s32 v5, v0;
	v0 =	vimm.s32 $0x0  }
0x83: {  	v0 =	vsel vm0, $0xFFFFFFFF, v0  }
0x84: {  	vm7 =	vmand vm2, vm3;
	[tilespmem:$0x1FCD0] =	vst v0;
	v0 =	vimm.s32 $0x0  }
0x85: {  	v0 =	vsel vm7, $0xFFFFFFFF, v0  }
0x86: {  	[tilespmem:$0x1FCE0] =	vst v0;
	v0 =	vld [tilespmem:$0x1FE00];
	_ =	sdelay $0x4  }
0x87: {  	vm8 =	vlt.s32 v4, v0;
	v0 =	vld [tilespmem:$0x1FE10];
	_ =	sdelay $0x4  }
0x88: {  	vm9 =	vgt.s32 v5, v0;
	v0 =	vld [tilespmem:$0x1FE20];
	_ =	sdelay $0x4  }
0x89: {  	vm10 =	vlt.s32 v4, v0;
	v0 =	vld [tilespmem:$0x1FE30];
	_ =	sdelay $0x4  }
0x8a: {  	vm0 =	vmand vm8, vm9;
	vm11 =	vgt.s32 v5, v0;
	v0 =	vimm.s32 $0x0  }
0x8b: {  	v0 =	vsel vm0, $0xFFFFFFFF, v0  }
0x8c: {  	vm12 =	vmand vm10, vm11;
	[tilespmem:$0x1FCF0] =	vst v0;
	v0 =	vimm.s32 $0x0  }
0x8d: {  	v0 =	vsel vm12, $0xFFFFFFFF, v0  }
0x8e: {  	[tilespmem:$0x1FD00] =	vst v0;
	v0 =	vld [tilespmem:$0x1FE40];
	_ =	sdelay $0x4  }
0x8f: {  	vm13 =	vlt.s32 v4, v0;
	v0 =	vld [tilespmem:$0x1FE50];
	_ =	sdelay $0x4  }
0x90: {  	vm14 =	vgt.s32 v5, v0;
	v0 =	vld [tilespmem:$0x1FE60];
	_ =	sdelay $0x4  }
0x91: {  	vm15 =	vlt.s32 v4, v0;
	v0 =	vld [tilespmem:$0x1FE70];
	_ =	sdelay $0x4  }
0x92: {  	vm0 =	vmand vm13, vm14;
	vm6 =	vgt.s32 v5, v0;
	v0 =	vimm.s32 $0x0  }
0x93: {  	v0 =	vsel vm0, $0xFFFFFFFF, v0  }
0x94: {  	vm7 =	vmand vm15, vm6;
	[tilespmem:$0x1FD10] =	vst v0;
	v0 =	vimm.s32 $0x0  }
0x95: {  	v0 =	vsel vm7, $0xFFFFFFFF, v0  }
0x96: {  	[tilespmem:$0x1FD20] =	vst v0;
	v0 =	vld [tilespmem:$0x1FE80];
	_ =	sdelay $0x4  }
0x97: {  	vm8 =	vlt.s32 v4, v0;
	v0 =	vld [tilespmem:$0x1FE90];
	_ =	sdelay $0x4  }
0x98: {  	vm9 =	vgt.s32 v5, v0;
	v0 =	vld [tilespmem:$0x1FEA0];
	_ =	sdelay $0x4  }
0x99: {  	vm10 =	vlt.s32 v4, v0;
	v0 =	vld [tilespmem:$0x1FEB0];
	_ =	sdelay $0x4  }
0x9a: {  	vm0 =	vmand vm8, vm9;
	vm11 =	vgt.s32 v5, v0;
	v0 =	vimm.s32 $0x0  }
0x9b: {  	v0 =	vsel vm0, $0xFFFFFFFF, v0  }
0x9c: {  	vm12 =	vmand vm10, vm11;
	[tilespmem:$0x1FD30] =	vst v0;
	v0 =	vimm.s32 $0x0  }
0x9d: {  	v0 =	vsel vm12, $0xFFFFFFFF, v0  }
0x9e: {  	[tilespmem:$0x1FD40] =	vst v0;
	v0 =	vld [tilespmem:$0x1FEC0];
	_ =	sdelay $0x4  }
0x9f: {  	vm13 =	vlt.s32 v4, v0;
	v0 =	vld [tilespmem:$0x1FED0];
	_ =	sdelay $0x4  }
0xa0: {  	vm14 =	vgt.s32 v5, v0;
	v0 =	vld [tilespmem:$0x1FEE0];
	_ =	sdelay $0x4  }
0xa1: {  	vm15 =	vlt.s32 v4, v0;
	v0 =	vld [tilespmem:$0x1FEF0];
	_ =	sdelay $0x4  }
0xa2: {  	vm0 =	vmand vm13, vm14;
	vm6 =	vgt.s32 v5, v0;
	v0 =	vimm.s32 $0x0  }
0xa3: {  	v0 =	vsel vm0, $0xFFFFFFFF, v0  }
0xa4: {  	vm7 =	vmand vm15, vm6;
	[tilespmem:$0x1FD50] =	vst v0;
	v0 =	vimm.s32 $0x0  }
0xa5: {  	v0 =	vsel vm7, $0xFFFFFFFF, v0  }
0xa6: {  	[tilespmem:$0x1FD60] =	vst v0;
	v0 =	vld [tilespmem:$0x1FF00];
	_ =	sdelay $0x4  }
0xa7: {  	vm8 =	vlt.s32 v4, v0;
	v0 =	vld [tilespmem:$0x1FF10];
	_ =	sdelay $0x4  }
0xa8: {  	vm9 =	vgt.s32 v5, v0;
	v0 =	vld [tilespmem:$0x1FF20];
	_ =	sdelay $0x4  }
0xa9: {  	vm10 =	vlt.s32 v4, v0;
	v0 =	vld [tilespmem:$0x1FF30];
	_ =	sdelay $0x4  }
0xaa: {  	vm0 =	vmand vm8, vm9;
	vm11 =	vgt.s32 v5, v0;
	v0 =	vimm.s32 $0x0  }
0xab: {  	v0 =	vsel vm0, $0xFFFFFFFF, v0  }
0xac: {  	vm12 =	vmand vm10, vm11;
	[tilespmem:$0x1FD70] =	vst v0;
	v0 =	vimm.s32 $0x0  }
0xad: {  	v0 =	vsel vm12, $0xFFFFFFFF, v0  }
0xae: {  	[tilespmem:$0x1FD80] =	vst v0;
	v0 =	vld [tilespmem:$0x1FF40];
	_ =	sdelay $0x4  }
0xaf: {  	vm13 =	vlt.s32 v4, v0;
	v0 =	vld [tilespmem:$0x1FF50];
	_ =	sdelay $0x4  }
0xb0: {  	vm14 =	vgt.s32 v5, v0;
	v0 =	vld [tilespmem:$0x1FF60];
	_ =	sdelay $0x4  }
0xb1: {  	vm15 =	vlt.s32 v4, v0;
	v0 =	vld [tilespmem:$0x1FF70];
	_ =	sdelay $0x4  }
0xb2: {  	vm0 =	vmand vm13, vm14;
	vm6 =	vgt.s32 v5, v0;
	v0 =	vimm.s32 $0x0  }
0xb3: {  	v0 =	vsel vm0, $0xFFFFFFFF, v0  }
0xb4: {  	vm7 =	vmand vm15, vm6;
	[tilespmem:$0x1FD90] =	vst v0;
	v0 =	vimm.s32 $0x0  }
0xb5: {  	v0 =	vsel vm7, $0xFFFFFFFF, v0  }
0xb6: {  	[tilespmem:$0x1FDA0] =	vst v0;
	v0 =	vld [tilespmem:$0x1FF80];
	_ =	sdelay $0x4  }
0xb7: {  	vm8 =	vlt.s32 v4, v0;
	v0 =	vld [tilespmem:$0x1FF90];
	_ =	sdelay $0x4  }
0xb8: {  	vm9 =	vgt.s32 v5, v0;
	v0 =	vld [tilespmem:$0x1FFA0];
	_ =	sdelay $0x4  }
0xb9: {  	vm10 =	vlt.s32 v4, v0;
	v0 =	vld [tilespmem:$0x1FFB0];
	_ =	sdelay $0x4  }
0xba: {  	vm0 =	vmand vm8, vm9;
	vm11 =	vgt.s32 v5, v0;
	v0 =	vimm.s32 $0x0  }
0xbb: {  	v0 =	vsel vm0, $0xFFFFFFFF, v0  }
0xbc: {  	vm12 =	vmand vm10, vm11;
	[tilespmem:$0x1FDB0] =	vst v0;
	v0 =	vimm.s32 $0x0  }
0xbd: {  	v0 =	vsel vm12, $0xFFFFFFFF, v0  }
0xbe: {  	[tilespmem:$0x1FDC0] =	vst v0;
	v0 =	vld [tilespmem:$0x1FFC0];
	_ =	sdelay $0x4  }
0xbf: {  	vm13 =	vlt.s32 v4, v0;
	v0 =	vld [tilespmem:$0x1FFD0];
	_ =	sdelay $0x4  }
0xc0: {  	vm14 =	vgt.s32 v5, v0;
	v0 =	vld [tilespmem:$0x1FFE0];
	_ =	sdelay $0x1  }
0xc1: {  	v2 =	vlaneseq.u32  }
0xc2: {  	vm1 =	vgt.s32 v5, v55;
	vm2 =	vlt.s32 v4, v48;
	vm3 =	vlt.s32 v4, v58  }
0xc3: {  	vm7 =	vlt.s32 v4, v38;
	vm8 =	vgt.s32 v5, v39;
	vm9 =	vlt.s32 v4, v40  }
0xc4: {  	vm10 =	vgt.s32 v5, v41;
	vm11 =	vlt.s32 v4, v42;
	vm15 =	vlt.s32 v4, v0;
	v0 =	vld [tilespmem:$0x1FFF0]  }
0xc5: {  	vm12 =	vmand vm7, vm8;
	vm7 =	vgt.s32 v5, v45;
	vm8 =	vlt.s32 v4, v46  }
0xc6: {  	vm0 =	vmand vm13, vm14;
	vm13 =	vmand vm9, vm10;
	vm14 =	vgt.s32 v5, v43  }
0xc7: {  	vm9 =	vgt.s32 v5, v47;
	vm10 =	vmand vm11, vm14;
	vm14 =	vgt.s32 v5, v49  }
0xc8: {  	vm8 =	vmand vm8, vm9;
	vm9 =	vmand vm2, vm14;
	vm2 =	vlt.s32 v4, v52  }
0xc9: {  	vm14 =	vgt.s32 v5, v53;
	vm6 =	vgt.s32 v5, v0;
	v0 =	vimm.s32 $0x0  }
0xca: {  	v0 =	vsel vm0, $0xFFFFFFFF, v0;
	vm15 =	vmand vm15, vm6;
	vm6 =	vlt.s32 v4, v44  }
0xcb: {  	vm0 =	vlt.s32 v4, v54;
	vm11 =	vmand vm6, vm7;
	vm6 =	vlt.s32 v4, v50  }
0xcc: {  	vm7 =	vgt.s32 v5, v51;
	vm4 =	vmand vm0, vm1;
	vm1 =	vgt.s32 v5, v59  }
0xcd: {  	[tilespmem:$0x1FDD0] =	vst v0;
	v0 =	vadd.s32 $0x1F1, v2;
	vm0 =	vlt.s32 v4, v62;
	vm6 =	vmand vm6, vm7  }
0xce: {  	vm7 =	vmand vm2, vm14;
	vm2 =	vlt.s32 v4, v56;
	vm14 =	vgt.s32 v5, v57  }
0xcf: {  	vm5 =	vmand vm2, vm14;
	vm2 =	vlt.s32 v4, v60;
	vm14 =	vgt.s32 v5, v61  }
0xd0: {  	vm3 =	vmand vm3, vm1;
	vm1 =	vmand vm2, vm14;
	vm2 =	vlt.s32 v4, v0;
	v4 =	vld [tilespmem:$0x1FCD0];
	_ =	sdelay $0x2  }
0xd1: {  	v2 =	vadd.s32 $0x1EF, v2;
	vm14 =	vgt.s32 v5, v63  }
0xd2: {  	vm0 =	vmand vm0, vm14;
	vm14 =	vgt.s32 v5, v2  }
0xd3: {  	vm2 =	vmand vm2, vm14;
	vm14 =	vnez.u8 v4;
	v4 =	vld [tilespmem:$0x1FCE0];
	_ =	sdelay $0x4  }
0xd4: {  	v22 =	vsel vm14, $0x3F800000, v1;
	vm14 =	vnez.u8 v4;
	v4 =	vld [tilespmem:$0x1FCF0];
	_ =	sdelay $0x4  }
0xd5: {  	v23 =	vsel vm14, $0x3F800000, v1;
	vm14 =	vnez.u8 v4;
	v4 =	vld [tilespmem:$0x1FD00];
	_ =	sdelay $0x4  }
0xd6: {  	v24 =	vsel vm14, $0x3F800000, v1;
	vm14 =	vnez.u8 v4;
	v4 =	vld [tilespmem:$0x1FD10];
	_ =	sdelay $0x4  }
0xd7: {  	v25 =	vsel vm14, $0x3F800000, v1;
	vm14 =	vnez.u8 v4;
	v4 =	vld [tilespmem:$0x1FD20];
	_ =	sdelay $0x4  }
0xd8: {  	v26 =	vsel vm14, $0x3F800000, v1;
	vm14 =	vnez.u8 v4;
	v4 =	vld [tilespmem:$0x1FD30];
	_ =	sdelay $0x4  }
0xd9: {  	v27 =	vsel vm14, $0x3F800000, v1;
	vm14 =	vnez.u8 v4;
	v4 =	vld [tilespmem:$0x1FD40];
	_ =	sdelay $0x4  }
0xda: {  	v28 =	vsel vm14, $0x3F800000, v1;
	vm14 =	vnez.u8 v4;
	v4 =	vld [tilespmem:$0x1FD50];
	_ =	sdelay $0x4  }
0xdb: {  	v29 =	vsel vm14, $0x3F800000, v1;
	vm14 =	vnez.u8 v4;
	v4 =	vld [tilespmem:$0x1FD60];
	_ =	sdelay $0x4  }
0xdc: {  	v30 =	vsel vm14, $0x3F800000, v1;
	vm14 =	vnez.u8 v4;
	v4 =	vld [tilespmem:$0x1FD70];
	_ =	sdelay $0x4  }
0xdd: {  	v31 =	vsel vm14, $0x3F800000, v1;
	vm14 =	vnez.u8 v4;
	v4 =	vld [tilespmem:$0x1FD80];
	_ =	sdelay $0x4  }
0xde: {  	v32 =	vsel vm14, $0x3F800000, v1;
	vm14 =	vnez.u8 v4;
	v4 =	vld [tilespmem:$0x1FD90];
	_ =	sdelay $0x4  }
0xdf: {  	v33 =	vsel vm14, $0x3F800000, v1;
	vm14 =	vnez.u8 v4;
	v4 =	vld [tilespmem:$0x1FDA0];
	_ =	sdelay $0x4  }
0xe0: {  	v36 =	vmov v34;
	v34 =	vsel vm14, $0x3F800000, v1;
	vm14 =	vnez.u8 v4;
	v4 =	vld [tilespmem:$0x1FDB0];
	_ =	sdelay $0x4  }
0xe1: {  	v21 =	vsel vm14, $0x3F800000, v1;
	vm14 =	vnez.u8 v4;
	v4 =	vld [tilespmem:$0x1FDC0];
	_ =	sdelay $0x4  }
0xe2: {  	v19 =	vsel vm14, $0x3F800000, v1;
	vm14 =	vnez.u8 v4;
	v4 =	vld [tilespmem:$0x1FDD0]  }
0xe3: {  	v16 =	vsel vm12, $0x3F800000, v1;
	v14 =	vsel vm13, $0x3F800000, v1;
	v15 =	vsel vm10, $0x3F800000, v1  }
0xe4: {  	v12 =	vsel vm8, $0x3F800000, v1;
	v11 =	vsel vm9, $0x3F800000, v1;
	v18 =	vsel vm15, $0x3F800000, v1  }
0xe5: {  	v13 =	vsel vm11, $0x3F800000, v1;
	v8 =	vsel vm4, $0x3F800000, v1;
	v10 =	vsel vm6, $0x3F800000, v1  }
0xe6: {  	v9 =	vsel vm7, $0x3F800000, v1;
	v6 =	vsel vm3, $0x3F800000, v1;
	v7 =	vsel vm5, $0x3F800000, v1  }
0xe7: {  	v5 =	vsel vm1, $0x3F800000, v1;
	v20 =	vsel vm14, $0x3F800000, v1;
	vm14 =	vnez.u8 v4  }
0xe8: {  	v37 =	vmovc v35;
	s0 =	simm.s32 $0x0;
	s3 =	simm.s32 $0x800;
	v35 =	vsel vm2, $0x3F800000, v1;
	v4 =	vsel vm0, $0x3F800000, v1;
	v17 =	vsel vm14, $0x3F800000, v1  }
.LBB2_4:
0xe9: {  	p0 =	sne.s32 s3, $0x1F800;
	[tilespmem:s0+$0x1F0] =	vst v35  }
0xea: {  	[tilespmem:s0+$0x0] =	vst v22  }
0xeb: {  	[tilespmem:s0+$0x10] =	vst v23  }
0xec: {  	[tilespmem:s0+$0x20] =	vst v24  }
0xed: {  	[tilespmem:s0+$0x30] =	vst v25  }
0xee: {  	[tilespmem:s0+$0x40] =	vst v26  }
0xef: {  	[tilespmem:s0+$0x50] =	vst v27  }
0xf0: {  	[tilespmem:s0+$0x60] =	vst v28  }
0xf1: {  	[tilespmem:s0+$0x70] =	vst v29  }
0xf2: {  	[tilespmem:s0+$0x80] =	vst v30  }
0xf3: {  	[tilespmem:s0+$0x90] =	vst v31  }
0xf4: {  	[tilespmem:s0+$0xA0] =	vst v32  }
0xf5: {  	[tilespmem:s0+$0xB0] =	vst v33  }
0xf6: {  	[tilespmem:s0+$0xC0] =	vst v34  }
0xf7: {  	[tilespmem:s0+$0xD0] =	vst v21  }
0xf8: {  	[tilespmem:s0+$0xE0] =	vst v19  }
0xf9: {  	[tilespmem:s0+$0xF0] =	vst v20  }
0xfa: {  	[tilespmem:s0+$0x100] =	vst v17  }
0xfb: {  	[tilespmem:s0+$0x110] =	vst v18  }
0xfc: {  	[tilespmem:s0+$0x120] =	vst v16  }
0xfd: {  	[tilespmem:s0+$0x130] =	vst v14  }
0xfe: {  	[tilespmem:s0+$0x140] =	vst v15  }
0xff: {  	[tilespmem:s0+$0x150] =	vst v13  }
0x100: {  	[tilespmem:s0+$0x160] =	vst v12  }
0x101: {  	[tilespmem:s0+$0x170] =	vst v11  }
0x102: {  	[tilespmem:s0+$0x180] =	vst v10  }
0x103: {  	[tilespmem:s0+$0x190] =	vst v9  }
.Ltmp3:
0x104: {  	[tilespmem:s0+$0x1A0] =	vst v8;
	(pc) =	sbr.rel @p0 .LBB2_4-.Ltmp3, $4  }
0x105: {  	[tilespmem:s0+$0x1B0] =	vst v7  }
0x106: {  	[tilespmem:s0+$0x1C0] =	vst v6  }
0x107: {  	[tilespmem:s0+$0x1D0] =	vst v5  }
0x108: {  	[tilespmem:s0+$0x1E0] =	vst v4;
	s0 =	sshra.s32 s3, $0x2;
	s3 =	sadd.s32 $0x800, s3  }
0x109: {  	(v2sf) =	vpush v3, $0x1;
	_ =	sdelay $0x5  }
0x10a: {  	[tilespmem:s0+$0x1F0] =	vst v35  }
0x10b: {  	[tilespmem:s0+$0x0] =	vst v22  }
0x10c: {  	[tilespmem:s0+$0x10] =	vst v23  }
0x10d: {  	[tilespmem:s0+$0x20] =	vst v24  }
0x10e: {  	[tilespmem:s0+$0x30] =	vst v25  }
0x10f: {  	[tilespmem:s0+$0x40] =	vst v26  }
0x110: {  	[tilespmem:s0+$0x50] =	vst v27  }
0x111: {  	[tilespmem:s0+$0x60] =	vst v28  }
0x112: {  	[tilespmem:s0+$0x70] =	vst v29  }
0x113: {  	[tilespmem:s0+$0x80] =	vst v30;
	s4 =	spop (v2sf)  }
0x114: {  	[tilespmem:s0+$0x90] =	vst v31;
	s3 =	sadd.f32 $1.280000000e+02, s4  }
0x115: {  	[tilespmem:s0+$0xA0] =	vst v32  }
0x116: {  	[tilespmem:s0+$0xB0] =	vst v33;
	s5 =	scvt.f32.s32 s3  }
0x117: {  	[tilespmem:s0+$0xC0] =	vst v34  }
0x118: {  	[tilespmem:s0+$0xD0] =	vst v21;
	s9 =	scvt.s32.f32 s5  }
0x119: {  	[tilespmem:s0+$0xE0] =	vst v19  }
0x11a: {  	[tilespmem:s0+$0xF0] =	vst v20;
	p0 =	sgt.f32 s3, s9  }
0x11b: {  	[tilespmem:s0+$0x100] =	vst v17;
	s3 =	simm.s32 $0x1  }
0x11c: {  	[tilespmem:s0+$0x110] =	vst v18;
	s3 =	simm.s32 @!p0 $0x0  }
0x11d: {  	[tilespmem:s0+$0x120] =	vst v16;
	s3 =	sadd.s32 s5, s3  }
0x11e: {  	[tilespmem:s0+$0x130] =	vst v14;
	p1 =	sgt.s32 s3, $0x0  }
0x11f: {  	[tilespmem:s0+$0x140] =	vst v15;
	p0 =	sgt.s32 s3, $0x3F;
	s3 =	simm.s32 @!p1 $0x0  }
0x120: {  	[tilespmem:s0+$0x150] =	vst v13;
	s3 =	smin.u32 s3, $0x200  }
0x121: {  	[tilespmem:s0+$0x160] =	vst v12;
	s31 =	sadd.s32 $0x3F, s3  }
0x122: {  	[tilespmem:s0+$0x170] =	vst v11;
	s22 =	sshrl.u32 s31, $0x6  }
0x123: {  	[tilespmem:s0+$0x180] =	vst v10;
	s22 =	simm.s32 @!p0 $0x0  }
0x124: {  	[tilespmem:s0+$0x190] =	vst v9;
	p4 =	seq.s32 s22, $0x0  }
.Ltmp4:
0x125: {  	[tilespmem:s0+$0x1A0] =	vst v8;
	(pc) =	sbr.rel @p4 .LBB2_9-.Ltmp4, $4  }
0x126: {  	[tilespmem:s0+$0x1B0] =	vst v7  }
0x127: {  	[tilespmem:s0+$0x1C0] =	vst v6  }
0x128: {  	[tilespmem:s0+$0x1D0] =	vst v5  }
0x129: {  	[tilespmem:s0+$0x1E0] =	vst v4;
	v34 =	vmov v36;
	v35 =	vmov v37  }
0x12a: {  	s0 =	rddreg [dreg:$0x4]  }
0x12b: {  	s0 =	sor.u32 s0, s3  }
0x12c: {  	s0 =	sadd.s32 $0xFFFFFFC0, s0  }
0x12d: {  	p1 =	slt.s32 s10, s0;
	s5 =	smov.u32 s0  }
0x12e: {  	s5 =	smov.u32 @p1 s10;
	p1 =	seq.s32 s22, $0x1  }
.Ltmp5:
0x12f: {  	_ = 	snop;
	(pc) =	sbr.rel @p1 .LBB2_8-.Ltmp5, $4  }
0x130: {  	_ = 	snop  }
0x131: {  	s5 =	sshll.u32 s5, $0x6  }
0x132: {  	s5 =	sand.u32 $0x1FFFFFC0, s5  }
0x133: {  	s9 =	sadd.s32 $0xFFFFFFFF, s22;
	s14 =	sadd.s32 $0x40, s10;
	s16 =	sadd.s32 s1, s5  }
.LBB2_7:
0x134: {  	[hbm4b:s16+s2] =	stream.linear.scatter [tilespmem:s20], [sflag:$0x1], $0x8000, $0x38;
	[tilespmem:$0x18100] =	vst v63  }
0x135: {  	p2 =	seq.s32 s9, $0x1  }
.Ltmp6:
0x136: {  	p1 =	slt.s32 s14, s0;
	s5 =	smov.u32 s0;
	(pc) =	sbr.rel @!p2 .LBB2_7-.Ltmp6, $4  }
0x137: {  	s9 =	sadd.s32 $0xFFFFFFFF, s9;
	s5 =	smov.u32 @p1 s14  }
0x138: {  	s5 =	sshll.u32 s5, $0x6  }
0x139: {  	s5 =	sand.u32 $0x1FFFFFC0, s5  }
0x13a: {  	s14 =	sadd.s32 $0x40, s14;
	s16 =	sadd.s32 s1, s5  }
.LBB2_8:
0x13b: {  	[hbm4b:s16+s2] =	stream.linear.scatter [tilespmem:s20], [sflag:$0x1], $0x8000, $0x38;
	[tilespmem:$0x18100] =	vst v63  }
.LBB2_9:
0x13c: {  	s24 =	smov.u32 s3  }
0x13d: {  	s24 =	simm.s32 @p0 $0x0  }
0x13e: {  	p0 =	seq.s32 s24, $0x0  }
.Ltmp7:
0x13f: {  	_ = 	snop;
	(pc) =	sbr.rel @p0 .LBB2_12-.Ltmp7, $4  }
0x140: {  	_ = 	snop  }
0x141: {  	s0 =	simm.s32 @!p0 $0x0  }
0x142: {  	s0 =	simm.s32 @p0 $0x1  }
0x143: {  	[smem:$0x7FD] =	sst s0  }
0x144: {  	p0 =	sne.s32 s24, $0x1  }
.Ltmp8:
0x145: {  	_ = 	snop;
	(pc) =	sbr.rel @!p0 .LBB2_12-.Ltmp8, $3  }
0x146: {  	_ =	sdelay $0x1  }
0x147: {  	[hbm4b:s11+s2] =	stream.linear.scatter [tilespmem:s20], [sflag:$0x1], $0x200, $0x38;
	[tilespmem:$0x18100] =	vst v63  }
0x148: {  	s0 =	sadd.s32 $0xFFFFFFFF, s24;
	s9 =	smov.u32 s11  }
.LBB2_11:
0x149: {  	p0 =	sne.s32 s0, $0x1  }
.Ltmp9:
0x14a: {  	_ = 	snop;
	(pc) =	sbr.rel @p0 .LBB2_11-.Ltmp9, $3  }
0x14b: {  	_ = 	snop  }
0x14c: {  	s0 =	sadd.s32 $0xFFFFFFFF, s0;
	s9 =	sadd.s32 $0x40, s9;
	_ =	sdelay $0x1  }
0x14d: {  	[hbm4b:s9+s2] =	stream.linear.scatter [tilespmem:s20], [sflag:$0x1], $0x200, $0x38;
	[tilespmem:$0x18100] =	vst v63  }
.LBB2_12:
0x14e: {  	s0 =	sadd.f32 $3.840000000e+02, s4;
	_ =	sdelay $0x1  }
0x14f: {  	s4 =	scvt.f32.s32 s0;
	_ =	sdelay $0x1  }
0x150: {  	s5 =	scvt.s32.f32 s4;
	_ =	sdelay $0x1  }
0x151: {  	p0 =	sgt.f32 s0, s5  }
0x152: {  	s0 =	simm.s32 $0x1  }
0x153: {  	s0 =	simm.s32 @!p0 $0x0  }
0x154: {  	s0 =	sadd.s32 s0, s4  }
0x155: {  	s4 =	sadd.s32 $0x1, s0  }
0x156: {  	p0 =	sgt.s32 s3, s4  }
0x157: {  	s4 =	smov.u32 @p0 s3  }
0x158: {  	s0 =	smin.u32 s4, $0x200  }
0x159: {  	s23 =	ssub.s32 s0, s3  }
0x15a: {  	s30 =	sadd.s32 $0x3F, s23  }
0x15b: {  	s9 =	sand.u32 $0x3F, s30  }
0x15c: {  	p1 =	slt.s32 s23, $0xFFFFFFC2;
	s31 =	sshrl.u32 s30, $0x19;
	p6 =	sne.s32 s9, $0x0  }
0x15d: {  	s9 =	sand.u32 $0x3F, s31;
	p0 =	por !p1, !p6  }
0x15e: {  	s5 =	sadd.s32 s9, s30;
	s9 =	simm.s32 $0x1;
	p0 =	por !p0, !p0  }
0x15f: {  	s5 =	sshra.s32 s5, $0x6;
	s9 =	simm.s32 @!p0 $0x0  }
0x160: {  	p0 =	sgt.s32 s23, $0x3F;
	s25 =	ssub.s32 s5, s9  }
0x161: {  	s25 =	simm.s32 @!p0 $0x0  }
0x162: {  	p1 =	slt.s32 s25, $0x1  }
.Ltmp10:
0x163: {  	_ = 	snop;
	(pc) =	sbr.rel @p1 .LBB2_16-.Ltmp10, $2  }
0x164: {  	_ =	sdelay $0x2  }
0x165: {  	s3 =	sadd.s32 s3, s10  }
0x166: {  	s5 =	rddreg [dreg:$0x4]  }
0x167: {  	s5 =	sor.u32 s5, s0  }
0x168: {  	s14 =	sadd.s32 $0xFFFFFFC0, s5  }
0x169: {  	p1 =	slt.s32 s3, s14;
	s5 =	smov.u32 s14  }
0x16a: {  	s5 =	smov.u32 @p1 s3;
	p1 =	seq.s32 s25, $0x1  }
.Ltmp11:
0x16b: {  	_ = 	snop;
	(pc) =	sbr.rel @p1 .LBB2_15-.Ltmp11, $4  }
0x16c: {  	_ = 	snop  }
0x16d: {  	s5 =	sshll.u32 s5, $0x6  }
0x16e: {  	s5 =	sand.u32 $0x1FFFFFC0, s5  }
0x16f: {  	s9 =	sadd.s32 $0xFFFFFFFF, s25;
	s16 =	sadd.s32 $0x40, s3;
	s18 =	sadd.s32 s1, s5  }
.LBB2_14:
0x170: {  	[hbm4b:s18+s2] =	stream.linear.scatter [tilespmem:s2], [sflag:$0x1], $0x8000, $0x38;
	[tilespmem:$0x18100] =	vst v63  }
0x171: {  	p2 =	seq.s32 s9, $0x1  }
.Ltmp12:
0x172: {  	p1 =	slt.s32 s16, s14;
	s5 =	smov.u32 s14;
	(pc) =	sbr.rel @!p2 .LBB2_14-.Ltmp12, $4  }
0x173: {  	s9 =	sadd.s32 $0xFFFFFFFF, s9;
	s5 =	smov.u32 @p1 s16  }
0x174: {  	s5 =	sshll.u32 s5, $0x6  }
0x175: {  	s5 =	sand.u32 $0x1FFFFFC0, s5  }
0x176: {  	s16 =	sadd.s32 $0x40, s16;
	s18 =	sadd.s32 s1, s5  }
.LBB2_15:
0x177: {  	[hbm4b:s18+s2] =	stream.linear.scatter [tilespmem:s2], [sflag:$0x1], $0x8000, $0x38;
	[tilespmem:$0x18100] =	vst v63  }
.LBB2_16:
0x178: {  	p1 =	sgt.s32 s23, $0x0  }
0x179: {  	s23 =	simm.s32 @!p1 $0x0  }
0x17a: {  	s23 =	simm.s32 @p0 $0x0  }
0x17b: {  	p5 =	seq.s32 s23, $0x0  }
.Ltmp13:
0x17c: {  	_ = 	snop;
	(pc) =	sbr.rel @p5 .LBB2_20-.Ltmp13, $1  }
0x17d: {  	_ =	sdelay $0x3  }
0x17e: {  	p0 =	sne.s32 s23, $0x1  }
.Ltmp14:
0x17f: {  	_ = 	snop;
	(pc) =	sbr.rel @!p0 .LBB2_19-.Ltmp14, $4  }
0x180: {  	_ = 	snop  }
0x181: {  	s5 =	sshll.u32 s3, $0x6  }
0x182: {  	s9 =	sand.u32 $0x1FFFFFC0, s5  }
0x183: {  	s3 =	sadd.s32 $0xFFFFFFFF, s23;
	s14 =	sadd.s32 s1, s9;
	s9 =	sadd.s32 $0x40, s5  }
.LBB2_18:
0x184: {  	[hbm4b:s14+s2] =	stream.linear.scatter [tilespmem:s2], [sflag:$0x1], $0x200, $0x38;
	[tilespmem:$0x18100] =	vst v63  }
0x185: {  	p0 =	sne.s32 s3, $0x1  }
.Ltmp15:
0x186: {  	s3 =	sadd.s32 $0xFFFFFFFF, s3;
	(pc) =	sbr.rel @p0 .LBB2_18-.Ltmp15, $3  }
0x187: {  	_ =	sdelay $0x1  }
0x188: {  	s5 =	sand.u32 $0x1FFFFFC0, s9  }
0x189: {  	s9 =	sadd.s32 $0x40, s9;
	s14 =	sadd.s32 s1, s5  }
.LBB2_19:
0x18a: {  	[hbm4b:s14+s2] =	stream.linear.scatter [tilespmem:s2], [sflag:$0x1], $0x200, $0x38;
	[tilespmem:$0x18100] =	vst v63  }
.LBB2_20:
0x18b: {  	s3 =	ssub.s32 $0x23F, s0  }
0x18c: {  	p0 =	slt.u32 s4, $0x1C1;
	s26 =	sshrl.u32 s3, $0x6  }
0x18d: {  	s26 =	simm.s32 @!p0 $0x0  }
0x18e: {  	p6 =	seq.s32 s26, $0x0  }
.Ltmp16:
0x18f: {  	_ = 	snop;
	(pc) =	sbr.rel @p6 .LBB2_24-.Ltmp16, $1  }
0x190: {  	_ =	sdelay $0x3  }
0x191: {  	s4 =	sadd.s32 s0, s10  }
0x192: {  	s3 =	smov.u32 s6;
	p1 =	slt.s32 s4, s6  }
0x193: {  	s3 =	smov.u32 @p1 s4;
	p1 =	seq.s32 s26, $0x1  }
.Ltmp17:
0x194: {  	_ = 	snop;
	(pc) =	sbr.rel @p1 .LBB2_23-.Ltmp17, $4  }
0x195: {  	_ = 	snop  }
0x196: {  	s3 =	sshll.u32 s3, $0x6  }
0x197: {  	s5 =	sand.u32 $0x1FFFFFC0, s3  }
0x198: {  	s4 =	sadd.s32 $0x40, s4;
	s3 =	sadd.s32 $0xFFFFFFFF, s26;
	s9 =	sadd.s32 s1, s5  }
.LBB2_22:
0x199: {  	[hbm4b:s9+s2] =	stream.linear.scatter [tilespmem:s20], [sflag:$0x1], $0x8000, $0x38;
	[tilespmem:$0x18100] =	vst v63  }
0x19a: {  	p2 =	seq.s32 s3, $0x1  }
.Ltmp18:
0x19b: {  	p1 =	slt.s32 s4, s6;
	s5 =	smov.u32 s6;
	(pc) =	sbr.rel @!p2 .LBB2_22-.Ltmp18, $4  }
0x19c: {  	s3 =	sadd.s32 $0xFFFFFFFF, s3;
	s5 =	smov.u32 @p1 s4  }
0x19d: {  	s5 =	sshll.u32 s5, $0x6  }
0x19e: {  	s5 =	sand.u32 $0x1FFFFFC0, s5  }
0x19f: {  	s4 =	sadd.s32 $0x40, s4;
	s9 =	sadd.s32 s1, s5  }
.LBB2_23:
0x1a0: {  	[hbm4b:s9+s2] =	stream.linear.scatter [tilespmem:s20], [sflag:$0x1], $0x8000, $0x38;
	[tilespmem:$0x18100] =	vst v63  }
.LBB2_24:
0x1a1: {  	s28 =	ssub.s32 $0x200, s0  }
0x1a2: {  	s28 =	simm.s32 @p0 $0x0  }
0x1a3: {  	p0 =	seq.s32 s28, $0x0  }
.Ltmp19:
0x1a4: {  	_ = 	snop;
	(pc) =	sbr.rel @p0 .LBB2_27-.Ltmp19, $4  }
0x1a5: {  	_ = 	snop  }
0x1a6: {  	s3 =	simm.s32 @!p0 $0x0  }
0x1a7: {  	s3 =	simm.s32 @p0 $0x1  }
0x1a8: {  	[smem:$0x7FC] =	sst s3  }
0x1a9: {  	p0 =	sne.s32 s28, $0x1  }
.Ltmp20:
0x1aa: {  	_ = 	snop;
	(pc) =	sbr.rel @!p0 .LBB2_27-.Ltmp20, $4  }
0x1ab: {  	s0 =	sadd.s32 s0, s10  }
0x1ac: {  	s0 =	sshll.u32 s0, $0x6  }
0x1ad: {  	s3 =	sadd.s32 $0xFFFFFFFF, s28;
	s0 =	sadd.s32 s0, s1  }
0x1ae: {  	[hbm4b:s0+s2] =	stream.linear.scatter [tilespmem:s20], [sflag:$0x1], $0x200, $0x38;
	[tilespmem:$0x18100] =	vst v63  }
.LBB2_26:
0x1af: {  	p0 =	sne.s32 s3, $0x1  }
.Ltmp21:
0x1b0: {  	_ = 	snop;
	(pc) =	sbr.rel @p0 .LBB2_26-.Ltmp21, $3  }
0x1b1: {  	_ = 	snop  }
0x1b2: {  	s3 =	sadd.s32 $0xFFFFFFFF, s3;
	s0 =	sadd.s32 $0x40, s0;
	_ =	sdelay $0x1  }
0x1b3: {  	[hbm4b:s0+s2] =	stream.linear.scatter [tilespmem:s20], [sflag:$0x1], $0x200, $0x38;
	[tilespmem:$0x18100] =	vst v63  }
.LBB2_27:
0x1b4: {  	s0 =	rddreg [dreg:$0x7]  }
0x1b5: {  	v3 =	vld [tilespmem:s0+$0x18000];
	_ =	sdelay $0x4  }
0x1b6: {  	(v2sf) =	vpush v3, $0x0;
	_ =	sdelay $0xe  }
0x1b7: {  	s31 =	spop (v2sf)  }
0x1b8: {  	s3 =	sadd.f32 $1.280000000e+02, s31  }
0x1b9: {  	s0 =	sadd.f32 $3.840000000e+02, s31;
	_ =	sdelay $0x1  }
0x1ba: {  	s4 =	scvt.f32.s32 s3;
	s5 =	scvt.f32.s32 s0  }
0x1bb: {  	_ = 	snop  }
0x1bc: {  	s9 =	scvt.s32.f32 s4;
	s14 =	scvt.s32.f32 s5  }
0x1bd: {  	_ = 	snop  }
0x1be: {  	p0 =	sgt.f32 s3, s9;
	p1 =	sgt.f32 s0, s14  }
0x1bf: {  	s0 =	simm.s32 $0x1;
	s3 =	simm.s32 $0x1  }
0x1c0: {  	s0 =	simm.s32 @!p0 $0x0;
	s3 =	simm.s32 @!p1 $0x0  }
0x1c1: {  	s0 =	sadd.s32 s4, s0;
	s3 =	sadd.s32 s5, s3  }
0x1c2: {  	v4 =	vmov s0;
	v5 =	vmov s3  }
0x1c3: {  	vm0 =	vlt.s32 v4, v34;
	vm1 =	vgt.s32 v5, v35  }
0x1c4: {  	v6 =	vimm.s32 $0x0;
	vm0 =	vmand vm0, vm1  }
0x1c5: {  	v6 =	vsel vm0, $0xFFFFFFFF, v6  }
0x1c6: {  	[tilespmem:$0x1FBC0] =	vst v6;
	v6 =	vld [tilespmem:$0x1FDE0];
	_ =	sdelay $0x4  }
0x1c7: {  	vm8 =	vlt.s32 v4, v6;
	v6 =	vld [tilespmem:$0x1FDF0];
	_ =	sdelay $0x4  }
0x1c8: {  	vm9 =	vgt.s32 v5, v6  }
0x1c9: {  	v6 =	vimm.s32 $0x0;
	vm0 =	vmand vm8, vm9  }
0x1ca: {  	v6 =	vsel vm0, $0xFFFFFFFF, v6  }
0x1cb: {  	[tilespmem:$0x1FBD0] =	vst v6;
	v6 =	vld [tilespmem:$0x1FE00];
	_ =	sdelay $0x4  }
0x1cc: {  	vm10 =	vlt.s32 v4, v6;
	v6 =	vld [tilespmem:$0x1FE10];
	_ =	sdelay $0x4  }
0x1cd: {  	vm11 =	vgt.s32 v5, v6  }
0x1ce: {  	v6 =	vimm.s32 $0x0;
	vm0 =	vmand vm10, vm11  }
0x1cf: {  	v6 =	vsel vm0, $0xFFFFFFFF, v6  }
0x1d0: {  	[tilespmem:$0x1FBE0] =	vst v6;
	v6 =	vld [tilespmem:$0x1FE20];
	_ =	sdelay $0x4  }
0x1d1: {  	vm12 =	vlt.s32 v4, v6;
	v6 =	vld [tilespmem:$0x1FE30];
	_ =	sdelay $0x4  }
0x1d2: {  	vm13 =	vgt.s32 v5, v6  }
0x1d3: {  	v6 =	vimm.s32 $0x0;
	vm0 =	vmand vm12, vm13  }
0x1d4: {  	v6 =	vsel vm0, $0xFFFFFFFF, v6  }
0x1d5: {  	[tilespmem:$0x1FBF0] =	vst v6;
	v6 =	vld [tilespmem:$0x1FE40];
	_ =	sdelay $0x4  }
0x1d6: {  	vm14 =	vlt.s32 v4, v6;
	v6 =	vld [tilespmem:$0x1FE50];
	_ =	sdelay $0x4  }
0x1d7: {  	vm15 =	vgt.s32 v5, v6  }
0x1d8: {  	v6 =	vimm.s32 $0x0;
	vm0 =	vmand vm14, vm15  }
0x1d9: {  	v6 =	vsel vm0, $0xFFFFFFFF, v6  }
0x1da: {  	[tilespmem:$0x1FC00] =	vst v6;
	v6 =	vld [tilespmem:$0x1FE60];
	_ =	sdelay $0x4  }
0x1db: {  	vm4 =	vlt.s32 v4, v6;
	v6 =	vld [tilespmem:$0x1FE70];
	_ =	sdelay $0x4  }
0x1dc: {  	vm5 =	vgt.s32 v5, v6  }
0x1dd: {  	v6 =	vimm.s32 $0x0;
	vm0 =	vmand vm4, vm5  }
0x1de: {  	v6 =	vsel vm0, $0xFFFFFFFF, v6  }
0x1df: {  	[tilespmem:$0x1FC10] =	vst v6;
	v6 =	vld [tilespmem:$0x1FE80];
	_ =	sdelay $0x4  }
0x1e0: {  	vm6 =	vlt.s32 v4, v6;
	v6 =	vld [tilespmem:$0x1FE90];
	_ =	sdelay $0x4  }
0x1e1: {  	vm7 =	vgt.s32 v5, v6  }
0x1e2: {  	v6 =	vimm.s32 $0x0;
	vm0 =	vmand vm6, vm7  }
0x1e3: {  	v6 =	vsel vm0, $0xFFFFFFFF, v6  }
0x1e4: {  	[tilespmem:$0x1FC20] =	vst v6;
	v6 =	vld [tilespmem:$0x1FEA0];
	_ =	sdelay $0x4  }
0x1e5: {  	vm8 =	vlt.s32 v4, v6;
	v6 =	vld [tilespmem:$0x1FEB0];
	_ =	sdelay $0x4  }
0x1e6: {  	vm9 =	vgt.s32 v5, v6  }
0x1e7: {  	v6 =	vimm.s32 $0x0;
	vm0 =	vmand vm8, vm9  }
0x1e8: {  	v6 =	vsel vm0, $0xFFFFFFFF, v6  }
0x1e9: {  	[tilespmem:$0x1FC30] =	vst v6;
	v6 =	vld [tilespmem:$0x1FEC0];
	_ =	sdelay $0x4  }
0x1ea: {  	vm10 =	vlt.s32 v4, v6;
	v6 =	vld [tilespmem:$0x1FED0];
	_ =	sdelay $0x4  }
0x1eb: {  	vm11 =	vgt.s32 v5, v6  }
0x1ec: {  	v6 =	vimm.s32 $0x0;
	vm0 =	vmand vm10, vm11  }
0x1ed: {  	v6 =	vsel vm0, $0xFFFFFFFF, v6  }
0x1ee: {  	[tilespmem:$0x1FC40] =	vst v6;
	v6 =	vld [tilespmem:$0x1FEE0];
	_ =	sdelay $0x4  }
0x1ef: {  	vm12 =	vlt.s32 v4, v6;
	v6 =	vld [tilespmem:$0x1FEF0];
	_ =	sdelay $0x4  }
0x1f0: {  	vm13 =	vgt.s32 v5, v6  }
0x1f1: {  	v6 =	vimm.s32 $0x0;
	vm0 =	vmand vm12, vm13  }
0x1f2: {  	v6 =	vsel vm0, $0xFFFFFFFF, v6  }
0x1f3: {  	[tilespmem:$0x1FC50] =	vst v6;
	v6 =	vld [tilespmem:$0x1FF00];
	_ =	sdelay $0x4  }
0x1f4: {  	vm14 =	vlt.s32 v4, v6;
	v6 =	vld [tilespmem:$0x1FF10];
	_ =	sdelay $0x4  }
0x1f5: {  	vm15 =	vgt.s32 v5, v6  }
0x1f6: {  	v6 =	vimm.s32 $0x0;
	vm0 =	vmand vm14, vm15  }
0x1f7: {  	v6 =	vsel vm0, $0xFFFFFFFF, v6  }
0x1f8: {  	[tilespmem:$0x1FC60] =	vst v6;
	v6 =	vld [tilespmem:$0x1FF20];
	_ =	sdelay $0x4  }
0x1f9: {  	vm4 =	vlt.s32 v4, v6;
	v6 =	vld [tilespmem:$0x1FF30];
	_ =	sdelay $0x4  }
0x1fa: {  	vm5 =	vgt.s32 v5, v6  }
0x1fb: {  	v6 =	vimm.s32 $0x0;
	vm0 =	vmand vm4, vm5  }
0x1fc: {  	v6 =	vsel vm0, $0xFFFFFFFF, v6  }
0x1fd: {  	[tilespmem:$0x1FC70] =	vst v6;
	v6 =	vld [tilespmem:$0x1FF40];
	_ =	sdelay $0x4  }
0x1fe: {  	vm6 =	vlt.s32 v4, v6;
	v6 =	vld [tilespmem:$0x1FF50];
	_ =	sdelay $0x4  }
0x1ff: {  	vm7 =	vgt.s32 v5, v6  }
0x200: {  	v6 =	vimm.s32 $0x0;
	vm0 =	vmand vm6, vm7  }
0x201: {  	v6 =	vsel vm0, $0xFFFFFFFF, v6  }
0x202: {  	[tilespmem:$0x1FC80] =	vst v6;
	v6 =	vld [tilespmem:$0x1FF60];
	_ =	sdelay $0x4  }
0x203: {  	vm8 =	vlt.s32 v4, v6;
	v6 =	vld [tilespmem:$0x1FF70];
	_ =	sdelay $0x4  }
0x204: {  	vm9 =	vgt.s32 v5, v6  }
0x205: {  	v6 =	vimm.s32 $0x0;
	vm0 =	vmand vm8, vm9  }
0x206: {  	v6 =	vsel vm0, $0xFFFFFFFF, v6  }
0x207: {  	[tilespmem:$0x1FC90] =	vst v6;
	v6 =	vld [tilespmem:$0x1FF80];
	_ =	sdelay $0x4  }
0x208: {  	vm10 =	vlt.s32 v4, v6;
	v6 =	vld [tilespmem:$0x1FF90];
	_ =	sdelay $0x4  }
0x209: {  	vm11 =	vgt.s32 v5, v6  }
0x20a: {  	v6 =	vimm.s32 $0x0;
	vm0 =	vmand vm10, vm11  }
0x20b: {  	v6 =	vsel vm0, $0xFFFFFFFF, v6  }
0x20c: {  	[tilespmem:$0x1FCA0] =	vst v6;
	v6 =	vld [tilespmem:$0x1FFA0];
	_ =	sdelay $0x4  }
0x20d: {  	vm12 =	vlt.s32 v4, v6;
	v6 =	vld [tilespmem:$0x1FFB0];
	_ =	sdelay $0x4  }
0x20e: {  	vm13 =	vgt.s32 v5, v6  }
0x20f: {  	v6 =	vimm.s32 $0x0;
	vm0 =	vmand vm12, vm13  }
0x210: {  	v6 =	vsel vm0, $0xFFFFFFFF, v6  }
0x211: {  	[tilespmem:$0x1FCB0] =	vst v6;
	v6 =	vld [tilespmem:$0x1FFC0];
	_ =	sdelay $0x4  }
0x212: {  	vm14 =	vlt.s32 v4, v6;
	v6 =	vld [tilespmem:$0x1FFD0];
	_ =	sdelay $0x4  }
0x213: {  	vm15 =	vgt.s32 v5, v6  }
0x214: {  	v6 =	vimm.s32 $0x0;
	vm0 =	vmand vm14, vm15  }
0x215: {  	v6 =	vsel vm0, $0xFFFFFFFF, v6  }
0x216: {  	[tilespmem:$0x1FCC0] =	vst v6;
	v6 =	vld [tilespmem:$0x1FFE0];
	_ =	sdelay $0x4  }
0x217: {  	vm6 =	vlt.s32 v4, v38;
	vm4 =	vlt.s32 v4, v6;
	v6 =	vld [tilespmem:$0x1FFF0]  }
0x218: {  	vm7 =	vgt.s32 v5, v39;
	vm8 =	vlt.s32 v4, v40;
	vm9 =	vgt.s32 v5, v41  }
0x219: {  	vm11 =	vmand vm8, vm9;
	vm10 =	vlt.s32 v4, v42;
	vm12 =	vmand vm6, vm7  }
0x21a: {  	vm6 =	vgt.s32 v5, v47;
	vm7 =	vlt.s32 v4, v48;
	vm14 =	vgt.s32 v5, v43  }
0x21b: {  	vm15 =	vlt.s32 v4, v44;
	vm10 =	vmand vm10, vm14;
	vm14 =	vgt.s32 v5, v49  }
0x21c: {  	vm7 =	vmand vm7, vm14;
	vm14 =	vgt.s32 v5, v53;
	vm5 =	vgt.s32 v5, v6  }
0x21d: {  	vm13 =	vmand vm4, vm5;
	vm4 =	vgt.s32 v5, v45;
	vm5 =	vlt.s32 v4, v46  }
0x21e: {  	vm9 =	vmand vm15, vm4;
	vm15 =	vlt.s32 v4, v50;
	vm4 =	vgt.s32 v5, v51  }
0x21f: {  	vm8 =	vmand vm5, vm6;
	vm5 =	vlt.s32 v4, v52;
	vm6 =	vmand vm15, vm4  }
0x220: {  	vm5 =	vmand vm5, vm14;
	vm15 =	vlt.s32 v4, v54;
	vm4 =	vgt.s32 v5, v55  }
0x221: {  	vm14 =	vlt.s32 v4, v56;
	vm4 =	vmand vm15, vm4;
	vm15 =	vgt.s32 v5, v57  }
0x222: {  	vm3 =	vmand vm14, vm15;
	vm14 =	vlt.s32 v4, v58;
	vm15 =	vgt.s32 v5, v59  }
0x223: {  	vm2 =	vmand vm14, vm15;
	vm14 =	vlt.s32 v4, v60;
	vm15 =	vgt.s32 v5, v61  }
0x224: {  	vm0 =	vlt.s32 v4, v62;
	vm1 =	vmand vm14, vm15;
	vm15 =	vgt.s32 v5, v63  }
0x225: {  	vm0 =	vmand vm0, vm15;
	vm15 =	vlt.s32 v4, v0;
	v0 =	vld [tilespmem:$0x1FBC0];
	_ =	sdelay $0x3  }
0x226: {  	vm14 =	vgt.s32 v5, v2  }
0x227: {  	vm14 =	vmand vm15, vm14;
	vm15 =	vnez.u8 v0;
	v0 =	vld [tilespmem:$0x1FBD0];
	_ =	sdelay $0x4  }
0x228: {  	v20 =	vsel vm15, $0x3F800000, v1;
	vm15 =	vnez.u8 v0;
	v0 =	vld [tilespmem:$0x1FBE0];
	_ =	sdelay $0x4  }
0x229: {  	v21 =	vsel vm15, $0x3F800000, v1;
	vm15 =	vnez.u8 v0;
	v0 =	vld [tilespmem:$0x1FBF0];
	_ =	sdelay $0x4  }
0x22a: {  	v22 =	vsel vm15, $0x3F800000, v1;
	vm15 =	vnez.u8 v0;
	v0 =	vld [tilespmem:$0x1FC00];
	_ =	sdelay $0x4  }
0x22b: {  	v23 =	vsel vm15, $0x3F800000, v1;
	vm15 =	vnez.u8 v0;
	v0 =	vld [tilespmem:$0x1FC10];
	_ =	sdelay $0x4  }
0x22c: {  	v24 =	vsel vm15, $0x3F800000, v1;
	vm15 =	vnez.u8 v0;
	v0 =	vld [tilespmem:$0x1FC20];
	_ =	sdelay $0x4  }
0x22d: {  	v25 =	vsel vm15, $0x3F800000, v1;
	vm15 =	vnez.u8 v0;
	v0 =	vld [tilespmem:$0x1FC30];
	_ =	sdelay $0x4  }
0x22e: {  	v26 =	vsel vm15, $0x3F800000, v1;
	vm15 =	vnez.u8 v0;
	v0 =	vld [tilespmem:$0x1FC40];
	_ =	sdelay $0x4  }
0x22f: {  	v27 =	vsel vm15, $0x3F800000, v1;
	vm15 =	vnez.u8 v0;
	v0 =	vld [tilespmem:$0x1FC50];
	_ =	sdelay $0x4  }
0x230: {  	v28 =	vsel vm15, $0x3F800000, v1;
	vm15 =	vnez.u8 v0;
	v0 =	vld [tilespmem:$0x1FC60];
	_ =	sdelay $0x4  }
0x231: {  	v29 =	vsel vm15, $0x3F800000, v1;
	vm15 =	vnez.u8 v0;
	v0 =	vld [tilespmem:$0x1FC70];
	_ =	sdelay $0x4  }
0x232: {  	v30 =	vsel vm15, $0x3F800000, v1;
	vm15 =	vnez.u8 v0;
	v0 =	vld [tilespmem:$0x1FC80];
	_ =	sdelay $0x4  }
0x233: {  	v31 =	vsel vm15, $0x3F800000, v1;
	vm15 =	vnez.u8 v0;
	v0 =	vld [tilespmem:$0x1FC90];
	_ =	sdelay $0x4  }
0x234: {  	v32 =	vsel vm15, $0x3F800000, v1;
	vm15 =	vnez.u8 v0;
	v0 =	vld [tilespmem:$0x1FCA0];
	_ =	sdelay $0x4  }
0x235: {  	v19 =	vsel vm15, $0x3F800000, v1;
	vm15 =	vnez.u8 v0;
	v0 =	vld [tilespmem:$0x1FCB0];
	_ =	sdelay $0x4  }
0x236: {  	v17 =	vsel vm15, $0x3F800000, v1;
	vm15 =	vnez.u8 v0;
	v0 =	vld [tilespmem:$0x1FCC0]  }
0x237: {  	v12 =	vsel vm11, $0x3F800000, v1;
	v14 =	vsel vm12, $0x3F800000, v1;
	v13 =	vsel vm10, $0x3F800000, v1  }
0x238: {  	v9 =	vsel vm7, $0x3F800000, v1;
	v16 =	vsel vm13, $0x3F800000, v1;
	v11 =	vsel vm9, $0x3F800000, v1  }
0x239: {  	v10 =	vsel vm8, $0x3F800000, v1;
	v8 =	vsel vm6, $0x3F800000, v1;
	v7 =	vsel vm5, $0x3F800000, v1  }
0x23a: {  	v6 =	vsel vm4, $0x3F800000, v1;
	v5 =	vsel vm3, $0x3F800000, v1;
	v4 =	vsel vm2, $0x3F800000, v1  }
0x23b: {  	v2 =	vsel vm1, $0x3F800000, v1;
	v18 =	vsel vm15, $0x3F800000, v1;
	vm15 =	vnez.u8 v0  }
0x23c: {  	s0 =	simm.s32 $0x0;
	s3 =	simm.s32 $0x800;
	v33 =	vsel vm14, $0x3F800000, v1;
	v0 =	vsel vm0, $0x3F800000, v1;
	v15 =	vsel vm15, $0x3F800000, v1  }
.LBB2_28:
0x23d: {  	p0 =	sne.s32 s3, $0x1F800;
	[tilespmem:s0+$0x81F0] =	vst v33  }
0x23e: {  	[tilespmem:s0+$0x8000] =	vst v20  }
0x23f: {  	[tilespmem:s0+$0x8010] =	vst v21  }
0x240: {  	[tilespmem:s0+$0x8020] =	vst v22  }
0x241: {  	[tilespmem:s0+$0x8030] =	vst v23  }
0x242: {  	[tilespmem:s0+$0x8040] =	vst v24  }
0x243: {  	[tilespmem:s0+$0x8050] =	vst v25  }
0x244: {  	[tilespmem:s0+$0x8060] =	vst v26  }
0x245: {  	[tilespmem:s0+$0x8070] =	vst v27  }
0x246: {  	[tilespmem:s0+$0x8080] =	vst v28  }
0x247: {  	[tilespmem:s0+$0x8090] =	vst v29  }
0x248: {  	[tilespmem:s0+$0x80A0] =	vst v30  }
0x249: {  	[tilespmem:s0+$0x80B0] =	vst v31  }
0x24a: {  	[tilespmem:s0+$0x80C0] =	vst v32  }
0x24b: {  	[tilespmem:s0+$0x80D0] =	vst v19  }
0x24c: {  	[tilespmem:s0+$0x80E0] =	vst v17  }
0x24d: {  	[tilespmem:s0+$0x80F0] =	vst v18  }
0x24e: {  	[tilespmem:s0+$0x8100] =	vst v15  }
0x24f: {  	[tilespmem:s0+$0x8110] =	vst v16  }
0x250: {  	[tilespmem:s0+$0x8120] =	vst v14  }
0x251: {  	[tilespmem:s0+$0x8130] =	vst v12  }
0x252: {  	[tilespmem:s0+$0x8140] =	vst v13  }
0x253: {  	[tilespmem:s0+$0x8150] =	vst v11  }
0x254: {  	[tilespmem:s0+$0x8160] =	vst v10  }
0x255: {  	[tilespmem:s0+$0x8170] =	vst v9  }
0x256: {  	[tilespmem:s0+$0x8180] =	vst v8  }
0x257: {  	[tilespmem:s0+$0x8190] =	vst v7  }
.Ltmp22:
0x258: {  	[tilespmem:s0+$0x81A0] =	vst v6;
	(pc) =	sbr.rel @p0 .LBB2_28-.Ltmp22, $4  }
0x259: {  	[tilespmem:s0+$0x81B0] =	vst v5  }
0x25a: {  	[tilespmem:s0+$0x81C0] =	vst v4  }
0x25b: {  	[tilespmem:s0+$0x81D0] =	vst v2  }
0x25c: {  	[tilespmem:s0+$0x81E0] =	vst v0;
	s0 =	sshra.s32 s3, $0x2;
	s3 =	sadd.s32 $0x800, s3  }
0x25d: {  	(v2sf) =	vpush v3, $0x1;
	_ =	sdelay $0x3  }
0x25e: {  	[tilespmem:s0+$0x81F0] =	vst v33  }
0x25f: {  	[tilespmem:s0+$0x8000] =	vst v20  }
0x260: {  	[tilespmem:s0+$0x8010] =	vst v21  }
0x261: {  	[tilespmem:s0+$0x8020] =	vst v22  }
0x262: {  	[tilespmem:s0+$0x8030] =	vst v23  }
0x263: {  	[tilespmem:s0+$0x8040] =	vst v24  }
0x264: {  	[tilespmem:s0+$0x8050] =	vst v25  }
0x265: {  	[tilespmem:s0+$0x8060] =	vst v26  }
0x266: {  	[tilespmem:s0+$0x8070] =	vst v27  }
0x267: {  	[tilespmem:s0+$0x8080] =	vst v28  }
0x268: {  	[tilespmem:s0+$0x8090] =	vst v29  }
0x269: {  	[tilespmem:s0+$0x80A0] =	vst v30;
	s4 =	spop (v2sf)  }
0x26a: {  	[tilespmem:s0+$0x80B0] =	vst v31;
	s3 =	sadd.f32 $1.280000000e+02, s4  }
0x26b: {  	[tilespmem:s0+$0x80C0] =	vst v32  }
0x26c: {  	[tilespmem:s0+$0x80D0] =	vst v19;
	s5 =	scvt.f32.s32 s3  }
0x26d: {  	[tilespmem:s0+$0x80E0] =	vst v17  }
0x26e: {  	[tilespmem:s0+$0x80F0] =	vst v18;
	s9 =	scvt.s32.f32 s5  }
0x26f: {  	[tilespmem:s0+$0x8100] =	vst v15  }
0x270: {  	[tilespmem:s0+$0x8110] =	vst v16;
	p0 =	sgt.f32 s3, s9  }
0x271: {  	[tilespmem:s0+$0x8120] =	vst v14;
	s3 =	simm.s32 $0x1  }
0x272: {  	[tilespmem:s0+$0x8130] =	vst v12;
	s3 =	simm.s32 @!p0 $0x0  }
0x273: {  	[tilespmem:s0+$0x8140] =	vst v13;
	s3 =	sadd.s32 s5, s3  }
0x274: {  	[tilespmem:s0+$0x8150] =	vst v11;
	p1 =	sgt.s32 s3, $0x0  }
0x275: {  	[tilespmem:s0+$0x8160] =	vst v10;
	p0 =	sgt.s32 s3, $0x3F;
	s3 =	simm.s32 @!p1 $0x0  }
0x276: {  	[tilespmem:s0+$0x8170] =	vst v9;
	s3 =	smin.u32 s3, $0x200  }
0x277: {  	[tilespmem:s0+$0x8180] =	vst v8;
	s31 =	sadd.s32 $0x3F, s3  }
0x278: {  	[tilespmem:s0+$0x8190] =	vst v7;
	s29 =	sshrl.u32 s31, $0x6  }
0x279: {  	[tilespmem:s0+$0x81A0] =	vst v6;
	s29 =	simm.s32 @!p0 $0x0  }
0x27a: {  	[tilespmem:s0+$0x81B0] =	vst v5;
	p1 =	seq.s32 s29, $0x0  }
.Ltmp23:
0x27b: {  	[tilespmem:s0+$0x81C0] =	vst v4;
	(pc) =	sbr.rel @p1 .LBB2_33-.Ltmp23, $4  }
0x27c: {  	[tilespmem:s0+$0x81D0] =	vst v2  }
0x27d: {  	[tilespmem:s0+$0x81E0] =	vst v0;
	s0 =	simm.s32 @!p1 $0x0  }
0x27e: {  	s0 =	simm.s32 @p1 $0x1  }
0x27f: {  	[smem:$0x7FB] =	sst s0  }
0x280: {  	s0 =	sadd.s32 s7, s3  }
0x281: {  	s0 =	sadd.s32 $0xFFFFFFC0, s0  }
0x282: {  	p1 =	slt.s32 s12, s0;
	s5 =	smov.u32 s0  }
0x283: {  	s5 =	smov.u32 @p1 s12;
	p1 =	seq.s32 s29, $0x1  }
.Ltmp24:
0x284: {  	_ = 	snop;
	(pc) =	sbr.rel @p1 .LBB2_32-.Ltmp24, $4  }
0x285: {  	_ = 	snop  }
0x286: {  	s5 =	sshll.u32 s5, $0x6  }
0x287: {  	s5 =	sand.u32 $0x1FFFFFC0, s5  }
0x288: {  	s9 =	sadd.s32 $0xFFFFFFFF, s29;
	s14 =	sadd.s32 $0x40, s12;
	s16 =	sadd.s32 s1, s5  }
.LBB2_31:
0x289: {  	[hbm4b:s16+s2] =	stream.linear.scatter [tilespmem:s20], [sflag:$0x1], $0x8000, $0x38;
	[tilespmem:$0x18100] =	vst v63  }
0x28a: {  	p2 =	seq.s32 s9, $0x1  }
.Ltmp25:
0x28b: {  	p1 =	slt.s32 s14, s0;
	s5 =	smov.u32 s0;
	(pc) =	sbr.rel @!p2 .LBB2_31-.Ltmp25, $4  }
0x28c: {  	s9 =	sadd.s32 $0xFFFFFFFF, s9;
	s5 =	smov.u32 @p1 s14  }
0x28d: {  	s5 =	sshll.u32 s5, $0x6  }
0x28e: {  	s5 =	sand.u32 $0x1FFFFFC0, s5  }
0x28f: {  	s14 =	sadd.s32 $0x40, s14;
	s16 =	sadd.s32 s1, s5  }
.LBB2_32:
0x290: {  	[hbm4b:s16+s2] =	stream.linear.scatter [tilespmem:s20], [sflag:$0x1], $0x8000, $0x38;
	[tilespmem:$0x18100] =	vst v63  }
.LBB2_33:
0x291: {  	s31 =	smov.u32 s3  }
0x292: {  	s31 =	simm.s32 @p0 $0x0  }
0x293: {  	p0 =	seq.s32 s31, $0x0  }
.Ltmp26:
0x294: {  	_ = 	snop;
	(pc) =	sbr.rel @p0 .LBB2_36-.Ltmp26, $4  }
0x295: {  	_ = 	snop  }
0x296: {  	s0 =	simm.s32 @!p0 $0x0  }
0x297: {  	s0 =	simm.s32 @p0 $0x1  }
0x298: {  	[smem:$0x7FA] =	sst s0  }
0x299: {  	p0 =	sne.s32 s31, $0x1  }
.Ltmp27:
0x29a: {  	_ = 	snop;
	(pc) =	sbr.rel @!p0 .LBB2_36-.Ltmp27, $3  }
0x29b: {  	_ =	sdelay $0x1  }
0x29c: {  	[hbm4b:s13+s2] =	stream.linear.scatter [tilespmem:s20], [sflag:$0x1], $0x200, $0x38;
	[tilespmem:$0x18100] =	vst v63  }
0x29d: {  	s0 =	sadd.s32 $0xFFFFFFFF, s31;
	s9 =	smov.u32 s13  }
.LBB2_35:
0x29e: {  	p0 =	sne.s32 s0, $0x1  }
.Ltmp28:
0x29f: {  	_ = 	snop;
	(pc) =	sbr.rel @p0 .LBB2_35-.Ltmp28, $3  }
0x2a0: {  	_ = 	snop  }
0x2a1: {  	s0 =	sadd.s32 $0xFFFFFFFF, s0;
	s9 =	sadd.s32 $0x40, s9;
	_ =	sdelay $0x1  }
0x2a2: {  	[hbm4b:s9+s2] =	stream.linear.scatter [tilespmem:s20], [sflag:$0x1], $0x200, $0x38;
	[tilespmem:$0x18100] =	vst v63  }
.LBB2_36:
0x2a3: {  	s0 =	sadd.f32 $3.840000000e+02, s4;
	_ =	sdelay $0x1  }
0x2a4: {  	s4 =	scvt.f32.s32 s0;
	_ =	sdelay $0x1  }
0x2a5: {  	s5 =	scvt.s32.f32 s4;
	_ =	sdelay $0x1  }
0x2a6: {  	p0 =	sgt.f32 s0, s5  }
0x2a7: {  	s0 =	simm.s32 $0x1  }
0x2a8: {  	s0 =	simm.s32 @!p0 $0x0  }
0x2a9: {  	s0 =	sadd.s32 s0, s4  }
0x2aa: {  	s14 =	sadd.s32 $0x1, s0  }
0x2ab: {  	p0 =	sgt.s32 s3, s14  }
0x2ac: {  	s14 =	smov.u32 @p0 s3  }
0x2ad: {  	s4 =	smin.u32 s14, $0x200  }
0x2ae: {  	s30 =	ssub.s32 s4, s3  }
0x2af: {  	s9 =	sadd.s32 $0x3F, s30  }
0x2b0: {  	s16 =	sand.u32 $0x3F, s9  }
0x2b1: {  	p1 =	slt.s32 s30, $0xFFFFFFC2;
	s18 =	sshrl.u32 s9, $0x19;
	p3 =	sne.s32 s16, $0x0  }
0x2b2: {  	s5 =	sand.u32 $0x3F, s18;
	p0 =	por !p1, !p3  }
0x2b3: {  	s0 =	sadd.s32 s5, s9;
	s5 =	simm.s32 $0x1;
	p0 =	por !p0, !p0  }
0x2b4: {  	s0 =	sshra.s32 s0, $0x6;
	s5 =	simm.s32 @!p0 $0x0  }
0x2b5: {  	p0 =	sgt.s32 s30, $0x3F;
	s0 =	ssub.s32 s0, s5  }
0x2b6: {  	s0 =	simm.s32 @!p0 $0x0  }
0x2b7: {  	p1 =	slt.s32 s0, $0x1  }
.Ltmp29:
0x2b8: {  	_ = 	snop;
	(pc) =	sbr.rel @p1 .LBB2_40-.Ltmp29, $2  }
0x2b9: {  	_ =	sdelay $0x2  }
0x2ba: {  	s3 =	sadd.s32 s3, s12  }
0x2bb: {  	s5 =	sadd.s32 s7, s4  }
0x2bc: {  	s9 =	sadd.s32 $0xFFFFFFC0, s5  }
0x2bd: {  	p1 =	slt.s32 s3, s9;
	s5 =	smov.u32 s9  }
0x2be: {  	s5 =	smov.u32 @p1 s3;
	p1 =	seq.s32 s0, $0x1  }
.Ltmp30:
0x2bf: {  	_ = 	snop;
	(pc) =	sbr.rel @p1 .LBB2_39-.Ltmp30, $4  }
0x2c0: {  	_ = 	snop  }
0x2c1: {  	s5 =	sshll.u32 s5, $0x6  }
0x2c2: {  	s5 =	sand.u32 $0x1FFFFFC0, s5  }
0x2c3: {  	s16 =	sadd.s32 $0xFFFFFFFF, s0;
	s18 =	sadd.s32 $0x40, s3;
	s5 =	sadd.s32 s1, s5  }
.LBB2_38:
0x2c4: {  	[hbm4b:s5+s2] =	stream.linear.scatter [tilespmem:s19], [sflag:$0x1], $0x8000, $0x38;
	[tilespmem:$0x18100] =	vst v63  }
0x2c5: {  	p2 =	seq.s32 s16, $0x1  }
.Ltmp31:
0x2c6: {  	p1 =	slt.s32 s18, s9;
	s5 =	smov.u32 s9;
	(pc) =	sbr.rel @!p2 .LBB2_38-.Ltmp31, $4  }
0x2c7: {  	s16 =	sadd.s32 $0xFFFFFFFF, s16;
	s5 =	smov.u32 @p1 s18  }
0x2c8: {  	s5 =	sshll.u32 s5, $0x6  }
0x2c9: {  	s5 =	sand.u32 $0x1FFFFFC0, s5  }
0x2ca: {  	s18 =	sadd.s32 $0x40, s18;
	s5 =	sadd.s32 s1, s5  }
.LBB2_39:
0x2cb: {  	[hbm4b:s5+s2] =	stream.linear.scatter [tilespmem:s19], [sflag:$0x1], $0x8000, $0x38;
	[tilespmem:$0x18100] =	vst v63  }
.LBB2_40:
0x2cc: {  	p1 =	sgt.s32 s30, $0x0  }
0x2cd: {  	s30 =	simm.s32 @!p1 $0x0  }
0x2ce: {  	s30 =	simm.s32 @p0 $0x0  }
0x2cf: {  	p0 =	seq.s32 s30, $0x0  }
.Ltmp32:
0x2d0: {  	_ = 	snop;
	(pc) =	sbr.rel @p0 .LBB2_44-.Ltmp32, $4  }
0x2d1: {  	_ = 	snop  }
0x2d2: {  	s5 =	simm.s32 @!p0 $0x0  }
0x2d3: {  	s5 =	simm.s32 @p0 $0x1  }
0x2d4: {  	[smem:$0x7F9] =	sst s5  }
0x2d5: {  	p1 =	sne.s32 s30, $0x1  }
.Ltmp33:
0x2d6: {  	_ = 	snop;
	(pc) =	sbr.rel @!p1 .LBB2_43-.Ltmp33, $4  }
0x2d7: {  	_ = 	snop  }
0x2d8: {  	s9 =	sshll.u32 s3, $0x6  }
0x2d9: {  	s5 =	sand.u32 $0x1FFFFFC0, s9  }
0x2da: {  	s3 =	sadd.s32 $0xFFFFFFFF, s30;
	s9 =	sadd.s32 $0x40, s9;
	s5 =	sadd.s32 s1, s5  }
.LBB2_42:
0x2db: {  	[hbm4b:s5+s2] =	stream.linear.scatter [tilespmem:s19], [sflag:$0x1], $0x200, $0x38;
	[tilespmem:$0x18100] =	vst v63  }
0x2dc: {  	p1 =	sne.s32 s3, $0x1  }
.Ltmp34:
0x2dd: {  	s3 =	sadd.s32 $0xFFFFFFFF, s3;
	(pc) =	sbr.rel @p1 .LBB2_42-.Ltmp34, $3  }
0x2de: {  	_ =	sdelay $0x1  }
0x2df: {  	s5 =	sand.u32 $0x1FFFFFC0, s9  }
0x2e0: {  	s9 =	sadd.s32 $0x40, s9;
	s5 =	sadd.s32 s1, s5  }
.LBB2_43:
0x2e1: {  	[hbm4b:s5+s2] =	stream.linear.scatter [tilespmem:s19], [sflag:$0x1], $0x200, $0x38;
	[tilespmem:$0x18100] =	vst v63  }
.LBB2_44:
0x2e2: {  	s3 =	ssub.s32 $0x23F, s4  }
0x2e3: {  	p2 =	slt.u32 s14, $0x1C1;
	s3 =	sshrl.u32 s3, $0x6  }
0x2e4: {  	s3 =	simm.s32 @!p2 $0x0  }
0x2e5: {  	p1 =	seq.s32 s3, $0x0  }
.Ltmp35:
0x2e6: {  	_ = 	snop;
	(pc) =	sbr.rel @p1 .LBB2_48-.Ltmp35, $1  }
0x2e7: {  	_ =	sdelay $0x3  }
0x2e8: {  	s14 =	sadd.s32 s4, s12  }
0x2e9: {  	s5 =	smov.u32 s8;
	p3 =	slt.s32 s14, s8  }
0x2ea: {  	s5 =	smov.u32 @p3 s14;
	p3 =	seq.s32 s3, $0x1  }
.Ltmp36:
0x2eb: {  	_ = 	snop;
	(pc) =	sbr.rel @p3 .LBB2_47-.Ltmp36, $4  }
0x2ec: {  	_ = 	snop  }
0x2ed: {  	p0 =	por p6, p6;
	s5 =	sshll.u32 s5, $0x6  }
0x2ee: {  	p6 =	por p5, p5;
	p5 =	por p4, p4;
	s5 =	sand.u32 $0x1FFFFFC0, s5  }
0x2ef: {  	s9 =	sadd.s32 $0xFFFFFFFF, s3;
	s14 =	sadd.s32 $0x40, s14;
	s5 =	sadd.s32 s1, s5  }
.LBB2_46:
0x2f0: {  	[hbm4b:s5+s2] =	stream.linear.scatter [tilespmem:s20], [sflag:$0x1], $0x8000, $0x38;
	[tilespmem:$0x18100] =	vst v63  }
0x2f1: {  	p4 =	seq.s32 s9, $0x1  }
.Ltmp37:
0x2f2: {  	p3 =	slt.s32 s14, s8;
	s5 =	smov.u32 s8;
	(pc) =	sbr.rel @!p4 .LBB2_46-.Ltmp37, $4  }
0x2f3: {  	s9 =	sadd.s32 $0xFFFFFFFF, s9;
	s5 =	smov.u32 @p3 s14  }
0x2f4: {  	s5 =	sshll.u32 s5, $0x6  }
0x2f5: {  	s5 =	sand.u32 $0x1FFFFFC0, s5  }
0x2f6: {  	s14 =	sadd.s32 $0x40, s14;
	s5 =	sadd.s32 s1, s5  }
.LBB2_47:
0x2f7: {  	[hbm4b:s5+s2] =	stream.linear.scatter [tilespmem:s20], [sflag:$0x1], $0x8000, $0x38;
	[tilespmem:$0x18100] =	vst v63  }
0x2f8: {  	p4 =	por p5, p5;
	p5 =	por p6, p6;
	p6 =	por p0, p0  }
.LBB2_48:
0x2f9: {  	s14 =	ssub.s32 $0x200, s4  }
0x2fa: {  	s14 =	simm.s32 @p2 $0x0  }
0x2fb: {  	p2 =	seq.s32 s14, $0x0  }
.Ltmp38:
0x2fc: {  	_ = 	snop;
	(pc) =	sbr.rel @p2 .LBB2_51-.Ltmp38, $1  }
0x2fd: {  	_ =	sdelay $0x3  }
0x2fe: {  	p3 =	seq.s32 s14, $0x1  }
.Ltmp39:
0x2ff: {  	_ = 	snop;
	(pc) =	sbr.rel @p3 .LBB2_51-.Ltmp39, $4  }
0x300: {  	s4 =	sadd.s32 s4, s12  }
0x301: {  	s4 =	sshll.u32 s4, $0x6  }
0x302: {  	s9 =	sadd.s32 $0xFFFFFFFF, s14;
	s4 =	sadd.s32 s4, s1  }
0x303: {  	[hbm4b:s4+s2] =	stream.linear.scatter [tilespmem:s20], [sflag:$0x1], $0x200, $0x38;
	[tilespmem:$0x18100] =	vst v63  }
.LBB2_50:
0x304: {  	p3 =	seq.s32 s9, $0x1  }
.Ltmp40:
0x305: {  	_ = 	snop;
	(pc) =	sbr.rel @!p3 .LBB2_50-.Ltmp40, $3  }
0x306: {  	_ = 	snop  }
0x307: {  	s9 =	sadd.s32 $0xFFFFFFFF, s9;
	s4 =	sadd.s32 $0x40, s4;
	_ =	sdelay $0x1  }
0x308: {  	[hbm4b:s4+s2] =	stream.linear.scatter [tilespmem:s20], [sflag:$0x1], $0x200, $0x38;
	[tilespmem:$0x18100] =	vst v63  }
.LBB2_51:
.Ltmp41:
0x309: {  	(pc) =	sbr.rel @p4 .LBB2_52-.Ltmp41, $1  }
0x30a: {  	_ =	sdelay $0x3  }
0x30b: {  	p3 =	seq.s32 s22, $0x1  }
.Ltmp42:
0x30c: {  	_ = 	snop;
	(pc) =	sbr.rel @p3 .LBB2_70-.Ltmp42, $3  }
0x30d: {  	_ =	sdelay $0x1  }
0x30e: {  	_ =	swait.ge [sflag:s17], $0x8000  }
0x30f: {  	s4 =	sadd.s32 $0xFFFFFFFF, s22;
	[sflag:s17] =	ssyncset.done $0x0  }
.LBB2_69:
0x310: {  	p3 =	seq.s32 s4, $0x1;
	s4 =	sadd.s32 $0xFFFFFFFF, s4;
	[sflag:s17] =	ssyncadd.s32 $0xFFFF8000  }
.Ltmp43:
0x311: {  	(pc) =	sbr.rel @!p3 .LBB2_69-.Ltmp43, $3  }
0x312: {  	_ =	sdelay $0x1  }
0x313: {  	_ =	swait.ge [sflag:s17], $0x8000  }
0x314: {  	[sflag:s17] =	ssyncset.done $0x0  }
.LBB2_70:
0x315: {  	[sflag:s17] =	ssyncadd.s32 $0xFFFF8000  }
.LBB2_52:
0x316: {  	s4 =	sld [smem:$0x7FD];
	_ =	sdelay $0x2  }
0x317: {  	p3 =	seq.s32 s4, $0x1  }
.Ltmp44:
0x318: {  	_ = 	snop;
	(pc) =	sbr.rel @p3 .LBB2_53-.Ltmp44, $1  }
0x319: {  	_ =	sdelay $0x3  }
0x31a: {  	p3 =	seq.s32 s24, $0x1  }
.Ltmp45:
0x31b: {  	_ = 	snop;
	(pc) =	sbr.rel @p3 .LBB2_73-.Ltmp45, $3  }
0x31c: {  	_ =	sdelay $0x1  }
0x31d: {  	_ =	swait.ge [sflag:s17], $0x200  }
0x31e: {  	s4 =	sadd.s32 $0xFFFFFFFF, s24;
	[sflag:s17] =	ssyncset.done $0x0  }
.LBB2_72:
0x31f: {  	p3 =	seq.s32 s4, $0x1;
	s4 =	sadd.s32 $0xFFFFFFFF, s4;
	[sflag:s17] =	ssyncadd.s32 $0xFFFFFE00  }
.Ltmp46:
0x320: {  	(pc) =	sbr.rel @!p3 .LBB2_72-.Ltmp46, $3  }
0x321: {  	_ =	sdelay $0x1  }
0x322: {  	_ =	swait.ge [sflag:s17], $0x200  }
0x323: {  	[sflag:s17] =	ssyncset.done $0x0  }
.LBB2_73:
0x324: {  	[sflag:s17] =	ssyncadd.s32 $0xFFFFFE00  }
.LBB2_53:
0x325: {  	p3 =	sgt.s32 s25, $0x0  }
.Ltmp47:
0x326: {  	_ = 	snop;
	(pc) =	sbr.rel @!p3 .LBB2_54-.Ltmp47, $1  }
0x327: {  	_ =	sdelay $0x3  }
0x328: {  	p3 =	seq.s32 s25, $0x1  }
.Ltmp48:
0x329: {  	_ = 	snop;
	(pc) =	sbr.rel @p3 .LBB2_76-.Ltmp48, $3  }
0x32a: {  	_ =	sdelay $0x1  }
0x32b: {  	_ =	swait.ge [sflag:s17], $0x8000  }
0x32c: {  	s4 =	sadd.s32 $0xFFFFFFFF, s25;
	[sflag:s17] =	ssyncset.done $0x0  }
.LBB2_75:
0x32d: {  	p3 =	seq.s32 s4, $0x1;
	s4 =	sadd.s32 $0xFFFFFFFF, s4;
	[sflag:s17] =	ssyncadd.s32 $0xFFFF8000  }
.Ltmp49:
0x32e: {  	(pc) =	sbr.rel @!p3 .LBB2_75-.Ltmp49, $3  }
0x32f: {  	_ =	sdelay $0x1  }
0x330: {  	_ =	swait.ge [sflag:s17], $0x8000  }
0x331: {  	[sflag:s17] =	ssyncset.done $0x0  }
.LBB2_76:
0x332: {  	[sflag:s17] =	ssyncadd.s32 $0xFFFF8000  }
.LBB2_54:
.Ltmp50:
0x333: {  	(pc) =	sbr.rel @p5 .LBB2_55-.Ltmp50, $1  }
0x334: {  	_ =	sdelay $0x3  }
0x335: {  	p3 =	seq.s32 s23, $0x1  }
.Ltmp51:
0x336: {  	_ = 	snop;
	(pc) =	sbr.rel @p3 .LBB2_79-.Ltmp51, $3  }
0x337: {  	_ =	sdelay $0x1  }
0x338: {  	_ =	swait.ge [sflag:s17], $0x200  }
0x339: {  	s4 =	sadd.s32 $0xFFFFFFFF, s23;
	[sflag:s17] =	ssyncset.done $0x0  }
.LBB2_78:
0x33a: {  	p3 =	seq.s32 s4, $0x1;
	s4 =	sadd.s32 $0xFFFFFFFF, s4;
	[sflag:s17] =	ssyncadd.s32 $0xFFFFFE00  }
.Ltmp52:
0x33b: {  	(pc) =	sbr.rel @!p3 .LBB2_78-.Ltmp52, $3  }
0x33c: {  	_ =	sdelay $0x1  }
0x33d: {  	_ =	swait.ge [sflag:s17], $0x200  }
0x33e: {  	[sflag:s17] =	ssyncset.done $0x0  }
.LBB2_79:
0x33f: {  	[sflag:s17] =	ssyncadd.s32 $0xFFFFFE00  }
.LBB2_55:
.Ltmp53:
0x340: {  	(pc) =	sbr.rel @p6 .LBB2_56-.Ltmp53, $1  }
0x341: {  	_ =	sdelay $0x3  }
0x342: {  	p3 =	seq.s32 s26, $0x1  }
.Ltmp54:
0x343: {  	_ = 	snop;
	(pc) =	sbr.rel @p3 .LBB2_82-.Ltmp54, $3  }
0x344: {  	_ =	sdelay $0x1  }
0x345: {  	_ =	swait.ge [sflag:s17], $0x8000  }
0x346: {  	s4 =	sadd.s32 $0xFFFFFFFF, s26;
	[sflag:s17] =	ssyncset.done $0x0  }
.LBB2_81:
0x347: {  	p3 =	seq.s32 s4, $0x1;
	s4 =	sadd.s32 $0xFFFFFFFF, s4;
	[sflag:s17] =	ssyncadd.s32 $0xFFFF8000  }
.Ltmp55:
0x348: {  	(pc) =	sbr.rel @!p3 .LBB2_81-.Ltmp55, $3  }
0x349: {  	_ =	sdelay $0x1  }
0x34a: {  	_ =	swait.ge [sflag:s17], $0x8000  }
0x34b: {  	[sflag:s17] =	ssyncset.done $0x0  }
.LBB2_82:
0x34c: {  	[sflag:s17] =	ssyncadd.s32 $0xFFFF8000  }
.LBB2_56:
0x34d: {  	s4 =	sld [smem:$0x7FC];
	_ =	sdelay $0x2  }
0x34e: {  	p0 =	seq.s32 s4, $0x1  }
.Ltmp56:
0x34f: {  	_ = 	snop;
	(pc) =	sbr.rel @p0 .LBB2_57-.Ltmp56, $1  }
0x350: {  	_ =	sdelay $0x3  }
0x351: {  	p3 =	seq.s32 s28, $0x1  }
.Ltmp57:
0x352: {  	_ = 	snop;
	(pc) =	sbr.rel @p3 .LBB2_85-.Ltmp57, $3  }
0x353: {  	_ =	sdelay $0x1  }
0x354: {  	_ =	swait.ge [sflag:s17], $0x200  }
0x355: {  	s4 =	sadd.s32 $0xFFFFFFFF, s28;
	[sflag:s17] =	ssyncset.done $0x0  }
.LBB2_84:
0x356: {  	p3 =	seq.s32 s4, $0x1;
	s4 =	sadd.s32 $0xFFFFFFFF, s4;
	[sflag:s17] =	ssyncadd.s32 $0xFFFFFE00  }
.Ltmp58:
0x357: {  	(pc) =	sbr.rel @!p3 .LBB2_84-.Ltmp58, $3  }
0x358: {  	_ =	sdelay $0x1  }
0x359: {  	_ =	swait.ge [sflag:s17], $0x200  }
0x35a: {  	[sflag:s17] =	ssyncset.done $0x0  }
.LBB2_85:
0x35b: {  	[sflag:s17] =	ssyncadd.s32 $0xFFFFFE00  }
.LBB2_57:
0x35c: {  	s4 =	sld [smem:$0x7FB];
	_ =	sdelay $0x2  }
0x35d: {  	p0 =	seq.s32 s4, $0x1  }
.Ltmp59:
0x35e: {  	_ = 	snop;
	(pc) =	sbr.rel @p0 .LBB2_58-.Ltmp59, $1  }
0x35f: {  	_ =	sdelay $0x3  }
0x360: {  	p3 =	seq.s32 s29, $0x1  }
.Ltmp60:
0x361: {  	_ = 	snop;
	(pc) =	sbr.rel @p3 .LBB2_88-.Ltmp60, $3  }
0x362: {  	_ =	sdelay $0x1  }
0x363: {  	_ =	swait.ge [sflag:s17], $0x8000  }
0x364: {  	s4 =	sadd.s32 $0xFFFFFFFF, s29;
	[sflag:s17] =	ssyncset.done $0x0  }
.LBB2_87:
0x365: {  	p3 =	seq.s32 s4, $0x1;
	s4 =	sadd.s32 $0xFFFFFFFF, s4;
	[sflag:s17] =	ssyncadd.s32 $0xFFFF8000  }
.Ltmp61:
0x366: {  	(pc) =	sbr.rel @!p3 .LBB2_87-.Ltmp61, $3  }
0x367: {  	_ =	sdelay $0x1  }
0x368: {  	_ =	swait.ge [sflag:s17], $0x8000  }
0x369: {  	[sflag:s17] =	ssyncset.done $0x0  }
.LBB2_88:
0x36a: {  	[sflag:s17] =	ssyncadd.s32 $0xFFFF8000  }
.LBB2_58:
0x36b: {  	s4 =	sld [smem:$0x7FA];
	_ =	sdelay $0x2  }
0x36c: {  	p0 =	seq.s32 s4, $0x1  }
.Ltmp62:
0x36d: {  	_ = 	snop;
	(pc) =	sbr.rel @p0 .LBB2_59-.Ltmp62, $1  }
0x36e: {  	_ =	sdelay $0x3  }
0x36f: {  	p3 =	seq.s32 s31, $0x1  }
.Ltmp63:
0x370: {  	_ = 	snop;
	(pc) =	sbr.rel @p3 .LBB2_91-.Ltmp63, $3  }
0x371: {  	_ =	sdelay $0x1  }
0x372: {  	_ =	swait.ge [sflag:s17], $0x200  }
0x373: {  	s4 =	sadd.s32 $0xFFFFFFFF, s31;
	[sflag:s17] =	ssyncset.done $0x0  }
.LBB2_90:
0x374: {  	p3 =	seq.s32 s4, $0x1;
	s4 =	sadd.s32 $0xFFFFFFFF, s4;
	[sflag:s17] =	ssyncadd.s32 $0xFFFFFE00  }
.Ltmp64:
0x375: {  	(pc) =	sbr.rel @!p3 .LBB2_90-.Ltmp64, $3  }
0x376: {  	_ =	sdelay $0x1  }
0x377: {  	_ =	swait.ge [sflag:s17], $0x200  }
0x378: {  	[sflag:s17] =	ssyncset.done $0x0  }
.LBB2_91:
0x379: {  	[sflag:s17] =	ssyncadd.s32 $0xFFFFFE00  }
.LBB2_59:
0x37a: {  	p3 =	sgt.s32 s0, $0x0  }
.Ltmp65:
0x37b: {  	_ = 	snop;
	(pc) =	sbr.rel @!p3 .LBB2_60-.Ltmp65, $1  }
0x37c: {  	_ =	sdelay $0x3  }
0x37d: {  	p3 =	seq.s32 s0, $0x1  }
.Ltmp66:
0x37e: {  	_ = 	snop;
	(pc) =	sbr.rel @p3 .LBB2_94-.Ltmp66, $3  }
0x37f: {  	_ =	sdelay $0x1  }
0x380: {  	_ =	swait.ge [sflag:s17], $0x8000  }
0x381: {  	s0 =	sadd.s32 $0xFFFFFFFF, s0;
	[sflag:s17] =	ssyncset.done $0x0  }
.LBB2_93:
0x382: {  	p3 =	seq.s32 s0, $0x1;
	s0 =	sadd.s32 $0xFFFFFFFF, s0;
	[sflag:s17] =	ssyncadd.s32 $0xFFFF8000  }
.Ltmp67:
0x383: {  	(pc) =	sbr.rel @!p3 .LBB2_93-.Ltmp67, $3  }
0x384: {  	_ =	sdelay $0x1  }
0x385: {  	_ =	swait.ge [sflag:s17], $0x8000  }
0x386: {  	[sflag:s17] =	ssyncset.done $0x0  }
.LBB2_94:
0x387: {  	[sflag:s17] =	ssyncadd.s32 $0xFFFF8000  }
.LBB2_60:
0x388: {  	s0 =	sld [smem:$0x7F9];
	_ =	sdelay $0x2  }
0x389: {  	p0 =	seq.s32 s0, $0x1  }
.Ltmp68:
0x38a: {  	_ = 	snop;
	(pc) =	sbr.rel @p0 .LBB2_61-.Ltmp68, $1  }
0x38b: {  	_ =	sdelay $0x3  }
0x38c: {  	p0 =	seq.s32 s30, $0x1  }
.Ltmp69:
0x38d: {  	_ = 	snop;
	(pc) =	sbr.rel @p0 .LBB2_97-.Ltmp69, $3  }
0x38e: {  	_ =	sdelay $0x1  }
0x38f: {  	_ =	swait.ge [sflag:s17], $0x200  }
0x390: {  	s0 =	sadd.s32 $0xFFFFFFFF, s30;
	[sflag:s17] =	ssyncset.done $0x0  }
.LBB2_96:
0x391: {  	p0 =	seq.s32 s0, $0x1;
	s0 =	sadd.s32 $0xFFFFFFFF, s0;
	[sflag:s17] =	ssyncadd.s32 $0xFFFFFE00  }
.Ltmp70:
0x392: {  	(pc) =	sbr.rel @!p0 .LBB2_96-.Ltmp70, $3  }
0x393: {  	_ =	sdelay $0x1  }
0x394: {  	_ =	swait.ge [sflag:s17], $0x200  }
0x395: {  	[sflag:s17] =	ssyncset.done $0x0  }
.LBB2_97:
0x396: {  	[sflag:s17] =	ssyncadd.s32 $0xFFFFFE00  }
.LBB2_61:
.Ltmp71:
0x397: {  	(pc) =	sbr.rel @p1 .LBB2_62-.Ltmp71, $1  }
0x398: {  	_ =	sdelay $0x3  }
0x399: {  	p0 =	seq.s32 s3, $0x1  }
.Ltmp72:
0x39a: {  	_ = 	snop;
	(pc) =	sbr.rel @p0 .LBB2_100-.Ltmp72, $3  }
0x39b: {  	_ =	sdelay $0x1  }
0x39c: {  	_ =	swait.ge [sflag:s17], $0x8000  }
0x39d: {  	s0 =	sadd.s32 $0xFFFFFFFF, s3;
	[sflag:s17] =	ssyncset.done $0x0  }
.LBB2_99:
0x39e: {  	p0 =	seq.s32 s0, $0x1;
	s0 =	sadd.s32 $0xFFFFFFFF, s0;
	[sflag:s17] =	ssyncadd.s32 $0xFFFF8000  }
.Ltmp73:
0x39f: {  	(pc) =	sbr.rel @!p0 .LBB2_99-.Ltmp73, $3  }
0x3a0: {  	_ =	sdelay $0x1  }
0x3a1: {  	_ =	swait.ge [sflag:s17], $0x8000  }
0x3a2: {  	[sflag:s17] =	ssyncset.done $0x0  }
.LBB2_100:
0x3a3: {  	[sflag:s17] =	ssyncadd.s32 $0xFFFF8000  }
.LBB2_62:
.Ltmp74:
0x3a4: {  	(pc) =	sbr.rel @p2 .LBB2_66-.Ltmp74, $1  }
0x3a5: {  	_ =	sdelay $0x3  }
0x3a6: {  	p0 =	sne.s32 s14, $0x1  }
.Ltmp75:
0x3a7: {  	_ = 	snop;
	(pc) =	sbr.rel @!p0 .LBB2_65-.Ltmp75, $3  }
0x3a8: {  	_ =	sdelay $0x1  }
0x3a9: {  	_ =	swait.ge [sflag:s17], $0x200  }
0x3aa: {  	s0 =	sadd.s32 $0xFFFFFFFF, s14;
	[sflag:s17] =	ssyncset.done $0x0  }
.LBB2_64:
0x3ab: {  	p0 =	sne.s32 s0, $0x1;
	s0 =	sadd.s32 $0xFFFFFFFF, s0;
	[sflag:s17] =	ssyncadd.s32 $0xFFFFFE00  }
.Ltmp76:
0x3ac: {  	(pc) =	sbr.rel @p0 .LBB2_64-.Ltmp76, $3  }
0x3ad: {  	_ =	sdelay $0x1  }
0x3ae: {  	_ =	swait.ge [sflag:s17], $0x200  }
0x3af: {  	[sflag:s17] =	ssyncset.done $0x0  }
.Ltmp77:
0x3b0: {  	_ = 	snop;
	(pc) =	sbr.rel .LBB2_65-.Ltmp77, $1  }
0x3b1: {  	_ =	sdelay $0x3  }
.LBB2_67:
0x3b2: {  	_ =	sfence.sel $0x180000  }
0x3b3: {  	[bflag:$0x0] =	sbarrier.arrive $0xFFFF  }
0x3b4: {  	_ =	strace $0x90000047  }
0x3b5: {  	s0 =	stileid.u32;
	[bflag:$0x2] =	sbarrier.arrive $0xFFFF  }
0x3b6: {  	p0 =	sne.s32 s0, $0x0;
	s0 =	rddreg [dreg:$0x2]  }
0x3b7: {  	s0 =	sadd.s32 @!p0 $0x100000, s0  }
0x3b8: {  	[sflag:s0] =	ssyncadd.tile.s32 @!p0 $0x1;
	_ =	shalt  }
.Lfunc_end2:
_tile_overlayer_lowered:
.L_overlay_start_2:
0x3b9: {  	(tag) =	ssettag $0x2  }
0x3ba: {  	s0 =	rddreg [dreg:$0x0];
	s2 =	stileid.u32  }
0x3bb: {  	s1 =	rddreg [dreg:$0x1];
	p0 =	sne.s32 s2, $0x0  }
0x3bc: {  	s3 =	rddreg [dreg:$0x2];
	[bflag:$0x3] =	sbarrier.arrive $0xFFFF;
	s2 =	simm.s32 @!p0 $0x1C02  }
0x3bd: {  	[timem:s3], [sflag:s2] =	dma.local @!p0 [hbm:s0], s1  }
0x3be: {  	s0 =	simm.s32 @!p0 $0x2  }
0x3bf: {  	_ =	swait.ge @!p0 [sflag:s0], s1  }
0x3c0: {  	s1 =	ssub.s32 @!p0 $0x0, s1;
	[sflag:s0] =	ssyncset.done @!p0 $0x0  }
0x3c1: {  	[sflag:s0] =	ssyncadd.s32 @!p0 s1  }
0x3c2: {  	[bflag:$0x3] =	sbarrier.arrive $0xFFFF  }
0x3c3: {  	_ =	shalt  }

</sc_bundles>
